<compile_context>
chip_gen: v7x
topology: tpu7x:2x2x1
jax: 0.10.2.dev20260603
libtpu: 0.0.44.dev20260713+nightly
codegen_flags: <defaults>
</compile_context>

<pallas_src>
import functools

import jax
import jax.numpy as jnp
from jax import lax
from jax.experimental import pallas as pl
from jax.experimental.pallas import tpu as pltpu
from jax.experimental.pallas import tpu_sc as plsc

_T, _N, _C, _DO, _DI = 32, 16, 2, 512, 64
_NW = 32
_TI = 8
_TO = 128
_NCHUNK = (_DI // _TI) * (_DO // _TO)
_OT = _DO // _TO
_G = (_TI * _TO) // 16

_mesh = plsc.VectorSubcoreMesh(core_axis_name="c", subcore_axis_name="s")


def _sigmoid(v):
    y = 1.0 + jnp.exp(-v)
    bits = lax.bitcast_convert_type(y, jnp.int32)
    r = lax.bitcast_convert_type(jnp.int32(0x7EF311C3) - bits, jnp.float32)
    r = r * (2.0 - y * r)
    r = r * (2.0 - y * r)
    r = r * (2.0 - y * r)
    return r


@functools.partial(
    pl.kernel,
    mesh=_mesh,
    out_type=jax.ShapeDtypeStruct((_T, _N, _C, _DI, _DO), jnp.float32),
    scratch_types=[
        pltpu.VMEM((_T, _TI, _TO), jnp.float32),
        pltpu.VMEM((_T, _TI, _TO), jnp.float32),
        pltpu.VMEM((_TI, _TO), jnp.float32),
        pltpu.SemaphoreType.DMA,
        pltpu.SemaphoreType.DMA,
    ],
    compiler_params=pltpu.CompilerParams(
        use_tc_tiling_on_sc=True, needs_layout_passes=False
    ),
)
def _delay_sc(x_hbm, br0_hbm, out_hbm, in_sp, out_sp, br_sp, sem_in, sem_out):
    wid = lax.axis_index("s") * 2 + lax.axis_index("c")
    n0 = wid // _C
    c0 = wid % _C

    def chunk_body(ci, carry):
        i0 = (ci // _OT) * _TI
        ob = (ci % _OT) * _TO

        copies = [
            pltpu.make_async_copy(
                x_hbm.at[t, n0, c0, pl.ds(i0, _TI), pl.ds(ob, _TO)],
                in_sp.at[t],
                sem_in,
            )
            for t in range(_T)
        ]
        cbr = pltpu.make_async_copy(
            br0_hbm.at[wid, pl.ds(i0, _TI), pl.ds(ob, _TO)], br_sp, sem_in
        )
        for cp in copies:
            cp.start()
        cbr.start()
        for cp in copies:
            cp.wait()
        cbr.wait()

        @plsc.parallel_loop(0, _G, 1, unroll=2)
        def group_body(j):
            il = j >> 3
            o0 = (j & 7) << 4
            ovec = o0 + lax.iota(jnp.int32, 16)
            ivec = jnp.full((16,), il, jnp.int32)

            srows = []
            vals = []
            idxs = []
            for blk in range(4):
                sv = []
                iv = []
                for tt in range(8):
                    t = blk * 8 + tt
                    xt = in_sp[t, il, pl.ds(o0, 16)]
                    srows.append(_sigmoid(xt))
                    sv.append(xt)
                    iv.append(t)
                lvl = [
                    (sv[k], sv[k + 1], iv[k], iv[k + 1]) for k in (0, 2, 4, 6)
                ]
                sv2 = []
                iv2 = []
                for a, b, ia, ib in lvl:
                    gt = b > a
                    sv2.append(jnp.where(gt, b, a))
                    iv2.append(jnp.where(gt, ib, ia))
                gt = sv2[1] > sv2[0]
                sL = jnp.where(gt, sv2[1], sv2[0])
                iL = jnp.where(gt, iv2[1], iv2[0])
                gt = sv2[3] > sv2[2]
                sR = jnp.where(gt, sv2[3], sv2[2])
                iR = jnp.where(gt, iv2[3], iv2[2])
                gt = sR > sL
                vals.append(jnp.where(gt, sR, sL))
                idxs.append(jnp.where(gt, iR, iL))
            gt = vals[1] > vals[0]
            sA = jnp.where(gt, vals[1], vals[0])
            iA = jnp.where(gt, idxs[1], idxs[0])
            gt = vals[3] > vals[2]
            sB = jnp.where(gt, vals[3], vals[2])
            iB = jnp.where(gt, idxs[3], idxs[2])
            gt = sB > sA
            am = jnp.where(gt, iB, iA)

            brf = jnp.minimum(
                br_sp[il, pl.ds(o0, 16)], (31 - am).astype(jnp.float32)
            )
            br = brf.astype(jnp.int32)
            for t in range(_T):
                d = (t + br) & 31
                plsc.store_scatter(out_sp, [d, ivec, ovec], srows[t])

        ocopies = [
            pltpu.make_async_copy(
                out_sp.at[t],
                out_hbm.at[t, n0, c0, pl.ds(i0, _TI), pl.ds(ob, _TO)],
                sem_out,
            )
            for t in range(_T)
        ]
        for cp in ocopies:
            cp.start()
        for cp in ocopies:
            cp.wait()
        return carry

    lax.fori_loop(0, _NCHUNK, chunk_body, 0, unroll=False)


def kernel(input, delay):
    bd = jnp.broadcast_to(delay[None, None, :, :], (_N, _C, _DO, _DI))
    bf = jnp.floor(bd)
    bern = jax.random.bernoulli(jax.random.key(1), bd - bf)
    br0 = jnp.where(bern, bf + 1.0, bf)
    br0_t = jnp.swapaxes(br0, 2, 3).reshape(_N * _C, _DI, _DO)
    x_t = jnp.swapaxes(input, 3, 4)
    out_t = _delay_sc(x_t, br0_t)
    return jnp.swapaxes(out_t, 3, 4)

# --- scband reference (transcript-rebuilt; emitter-appended) ---
"""Pipeline reference for scband-trainable-delay-73452530696743 (READ-ONLY COPY).

The authoritative reference and input builder live on the scoring server;
editing this copy changes nothing except your own understanding.
"""

import jax, jax.numpy as jnp
import numpy as np

T, N, C, D_OUT, D_IN = 32, 16, 2, 512, 64
INIT_DELAY = 3.0


def _shift_vec(x, delay_r):
    # x: (T, N, C, D_out, D_in), delay_r: (N, C, D_out, D_in) int32
    t = jnp.arange(T).reshape(T, 1, 1, 1, 1)
    idx = (t - delay_r[None, ...]) % T
    return jnp.take_along_axis(x, idx, axis=0)


def _stochastic_delay(s, delay, key):
    # s: sigmoid-activated input, delay: (D_out, D_in) float
    bd = jnp.broadcast_to(delay[None, None, :, :], (N, C, D_OUT, D_IN))
    bf = jnp.floor(bd)
    p = bd - bf
    bern = jax.random.bernoulli(key, p)
    br = jnp.where(bern, bf + 1.0, bf)
    # clamp(max=T-1-argmax(s, dim=0))
    br = jnp.minimum(br, (T - 1 - jnp.argmax(s, axis=0)).astype(br.dtype))
    br = br.astype(jnp.int32)
    return _shift_vec(s, br), br


def setup_inputs(seed: int = 0) -> dict:
    key = jax.random.key(seed)
    k1, _ = jax.random.split(key)
    inp = jax.random.normal(k1, (T, N, C, D_OUT, D_IN), dtype=jnp.float32)
    # learned parameter: delay, shape (in_features, out_features) = (D_out, D_in)
    delay = jnp.full((D_OUT, D_IN), INIT_DELAY, dtype=jnp.float32)
    return {"input": inp, "delay": delay}


def reference(input, delay):
    # TrainableDelay.forward: StochasticDelay.apply(sigmoid(input), delay)
    # synapsewise=True (out_features given) -> no squeeze
    s = jax.nn.sigmoid(input)
    out, _ = _stochastic_delay(s, delay, jax.random.key(1))
    return out

if __name__ == "__main__":
    import jax
    _d = setup_inputs()
    print(jax.jit(kernel)(*tuple(_d.values())))

</pallas_src>

<mosaic_0001>
#map = affine_map<(d0, d1) -> (0, 0, 0, 0, 0)>
#map1 = affine_map<(d0, d1) -> (0, 0, 0)>
module attributes {stable_mosaic.version = 14 : i64} {
  func.func @_delay_sc(%arg0: i32, %arg1: i32, %arg2: memref<32x16x2x64x512xf32, #tpu.memory_space<hbm>>, %arg3: memref<32x64x512xf32, #tpu.memory_space<hbm>>, %arg4: memref<32x16x2x64x512xf32, #tpu.memory_space<hbm>>, %arg5: memref<32x8x128xf32, #tpu.memory_space<vmem>>, %arg6: memref<32x8x128xf32, #tpu.memory_space<vmem>>, %arg7: memref<8x128xf32, #tpu.memory_space<vmem>>, %arg8: memref<!tpu.dma_semaphore, #tpu.memory_space<semaphore_mem>>, %arg9: memref<!tpu.dma_semaphore, #tpu.memory_space<semaphore_mem>>) attributes {dimension_semantics = [#tpu.dimension_semantics<core_parallel>, #tpu.dimension_semantics<subcore_parallel>], iteration_bounds = array<i64: 2, 16>, scalar_prefetch = 0 : i64, scratch_operands = 5 : i64, tpu.core_type = #tpu.core_type<sc_vector_subcore>, window_params = [{transform_indices = #map}, {transform_indices = #map1}, {transform_indices = #map}]} {
    %mul3A = arith.constant 2 : i32
    %mul3A_0 = arith.muli %arg1, %mul3A : i32
    %add3A = arith.addi %mul3A_0, %arg0 : i32
    %jit3A = arith.constant 2 : i32
    %div3A = arith.divsi %add3A, %jit3A : i32
    %sign3A = arith.constant 0 : i32
    %sign3A_1 = arith.cmpi sgt, %add3A, %sign3A : i32
    %sign3A_2 = arith.extui %sign3A_1 : i1 to i32
    %sign3A_3 = arith.constant 0 : i32
    %sign3A_4 = arith.cmpi slt, %add3A, %sign3A_3 : i32
    %sign3A_5 = arith.extui %sign3A_4 : i1 to i32
    %sign3A_6 = arith.subi %sign3A_2, %sign3A_5 : i32
    %sign3A_7 = arith.constant 0 : i32
    %sign3A_8 = arith.cmpi sgt, %jit3A, %sign3A_7 : i32
    %sign3A_9 = arith.extui %sign3A_8 : i1 to i32
    %sign3A_10 = arith.constant 0 : i32
    %sign3A_11 = arith.cmpi slt, %jit3A, %sign3A_10 : i32
    %sign3A_12 = arith.extui %sign3A_11 : i1 to i32
    %sign3A_13 = arith.subi %sign3A_9, %sign3A_12 : i32
    %ne3A = arith.cmpi ne, %sign3A_6, %sign3A_13 : i32
    %rem3A = arith.remsi %add3A, %jit3A : i32
    %ne3A_14 = arith.constant 0 : i32
    %ne3A_15 = arith.cmpi ne, %rem3A, %ne3A_14 : i32
    %and3A = arith.andi %ne3A, %ne3A_15 : i1
    %sub3A = arith.constant 1 : i32
    %sub3A_16 = arith.subi %div3A, %sub3A : i32
    %select_n3A = arith.select %and3A, %sub3A_16, %div3A : i32
    %jit3A_17 = arith.constant 2 : i32
    %eq3A = arith.constant 0 : i32
    %eq3A_18 = arith.cmpi eq, %jit3A_17, %eq3A : i32
    %jit3A_19 = arith.constant 1 : i32
    %select_n3A_20 = arith.select %eq3A_18, %jit3A_19, %jit3A_17 : i32
    %rem3A_21 = arith.remsi %add3A, %select_n3A_20 : i32
    %ne3A_22 = arith.constant 0 : i32
    %ne3A_23 = arith.cmpi ne, %rem3A_21, %ne3A_22 : i32
    %lt3A = arith.constant 0 : i32
    %lt3A_24 = arith.cmpi slt, %rem3A_21, %lt3A : i32
    %lt3A_25 = arith.constant 0 : i32
    %lt3A_26 = arith.cmpi slt, %select_n3A_20, %lt3A_25 : i32
    %ne3A_27 = arith.xori %lt3A_24, %lt3A_26 : i1
    %and3A_28 = arith.andi %ne3A_27, %ne3A_23 : i1
    %add3A_29 = arith.addi %rem3A_21, %select_n3A_20 : i32
    %select_n3A_30 = arith.select %and3A_28, %add3A_29, %rem3A_21 : i32
    %scan3A = arith.constant 0 : i32
    %scan3A_31 = arith.constant 0 : i32
    %scan3A_32 = arith.constant 32 : i32
    %scan3A_33 = arith.addi %scan3A_31, %scan3A_32 : i32
    %scan3A_34 = arith.constant 1 : i32
    scf.for %scan3A_36 = %scan3A_31 to %scan3A_33 step %scan3A_34  : i32 {
      %jit3A_37 = arith.constant 4 : i32
      %div3A_38 = arith.divsi %scan3A_36, %jit3A_37 : i32
      %sign3A_39 = arith.constant 0 : i32
      %sign3A_40 = arith.cmpi sgt, %scan3A_36, %sign3A_39 : i32
      %sign3A_41 = arith.extui %sign3A_40 : i1 to i32
      %sign3A_42 = arith.constant 0 : i32
      %sign3A_43 = arith.cmpi slt, %scan3A_36, %sign3A_42 : i32
      %sign3A_44 = arith.extui %sign3A_43 : i1 to i32
      %sign3A_45 = arith.subi %sign3A_41, %sign3A_44 : i32
      %sign3A_46 = arith.constant 0 : i32
      %sign3A_47 = arith.cmpi sgt, %jit3A_37, %sign3A_46 : i32
      %sign3A_48 = arith.extui %sign3A_47 : i1 to i32
      %sign3A_49 = arith.constant 0 : i32
      %sign3A_50 = arith.cmpi slt, %jit3A_37, %sign3A_49 : i32
      %sign3A_51 = arith.extui %sign3A_50 : i1 to i32
      %sign3A_52 = arith.subi %sign3A_48, %sign3A_51 : i32
      %ne3A_53 = arith.cmpi ne, %sign3A_45, %sign3A_52 : i32
      %rem3A_54 = arith.remsi %scan3A_36, %jit3A_37 : i32
      %ne3A_55 = arith.constant 0 : i32
      %ne3A_56 = arith.cmpi ne, %rem3A_54, %ne3A_55 : i32
      %and3A_57 = arith.andi %ne3A_53, %ne3A_56 : i1
      %sub3A_58 = arith.constant 1 : i32
      %sub3A_59 = arith.subi %div3A_38, %sub3A_58 : i32
      %select_n3A_60 = arith.select %and3A_57, %sub3A_59, %div3A_38 : i32
      %mul3A_61 = arith.constant 8 : i32
      %mul3A_62 = arith.muli %select_n3A_60, %mul3A_61 : i32
      %jit3A_63 = arith.constant 4 : i32
      %eq3A_64 = arith.constant 0 : i32
      %eq3A_65 = arith.cmpi eq, %jit3A_63, %eq3A_64 : i32
      %jit3A_66 = arith.constant 1 : i32
      %select_n3A_67 = arith.select %eq3A_65, %jit3A_66, %jit3A_63 : i32
      %rem3A_68 = arith.remsi %scan3A_36, %select_n3A_67 : i32
      %ne3A_69 = arith.constant 0 : i32
      %ne3A_70 = arith.cmpi ne, %rem3A_68, %ne3A_69 : i32
      %lt3A_71 = arith.constant 0 : i32
      %lt3A_72 = arith.cmpi slt, %rem3A_68, %lt3A_71 : i32
      %lt3A_73 = arith.constant 0 : i32
      %lt3A_74 = arith.cmpi slt, %select_n3A_67, %lt3A_73 : i32
      %ne3A_75 = arith.xori %lt3A_72, %lt3A_74 : i1
      %and3A_76 = arith.andi %ne3A_75, %ne3A_70 : i1
      %add3A_77 = arith.addi %rem3A_68, %select_n3A_67 : i32
      %select_n3A_78 = arith.select %and3A_76, %add3A_77, %rem3A_68 : i32
      %mul3A_79 = arith.constant 128 : i32
      %mul3A_80 = arith.muli %select_n3A_78, %mul3A_79 : i32
      %dma_start3A = arith.constant 0 : i32
      %dma_start3A_81 = arith.constant 0 : i32
      %dma_start3A_82 = arith.constant 0 : i32
      %dma_start3A_83 = arith.constant 0 : i32
      %dma_start3A_84 = tpu.memref_slice %arg5[%dma_start3A_81, %dma_start3A_82, %dma_start3A_83] : memref<32x8x128xf32, #tpu.memory_space<vmem>> -> memref<1x8x128xf32, #tpu.memory_space<vmem>>
      %dma_start3A_85 = tpu.memref_squeeze %dma_start3A_84 : memref<1x8x128xf32, #tpu.memory_space<vmem>> -> memref<8x128xf32, #tpu.memory_space<vmem>>
      %dma_start3A_86 = tpu.memref_slice %arg2[%dma_start3A, %select_n3A, %select_n3A_30, %mul3A_62, %mul3A_80] : memref<32x16x2x64x512xf32, #tpu.memory_space<hbm>> -> memref<1x1x1x8x128xf32, #tpu.memory_space<hbm>>
      %dma_start3A_87 = tpu.memref_squeeze %dma_start3A_86 : memref<1x1x1x8x128xf32, #tpu.memory_space<hbm>> -> memref<8x128xf32, #tpu.memory_space<hbm>>
      %dma_start3A_88 = arith.constant 0 : i32
      %dma_start3A_89 = arith.constant 0 : i32
      %dma_start3A_90 = tpu.memref_slice %arg5[%dma_start3A_81, %dma_start3A_88, %dma_start3A_89] : memref<32x8x128xf32, #tpu.memory_space<vmem>> -> memref<1x8x128xf32, #tpu.memory_space<vmem>>
      %dma_start3A_91 = tpu.memref_squeeze %dma_start3A_90 : memref<1x8x128xf32, #tpu.memory_space<vmem>> -> memref<8x128xf32, #tpu.memory_space<vmem>>
      %dma_start3A_92 = tpu.memref_slice %arg2[%dma_start3A, %select_n3A, %select_n3A_30, %mul3A_62, %mul3A_80] : memref<32x16x2x64x512xf32, #tpu.memory_space<hbm>> -> memref<1x1x1x8x128xf32, #tpu.memory_space<hbm>>
      %dma_start3A_93 = tpu.memref_squeeze %dma_start3A_92 : memref<1x1x1x8x128xf32, #tpu.memory_space<hbm>> -> memref<8x128xf32, #tpu.memory_space<hbm>>
      tpu.enqueue_dma source(%dma_start3A_93 : memref<8x128xf32, #tpu.memory_space<hbm>>) target(%dma_start3A_91 : memref<8x128xf32, #tpu.memory_space<vmem>>) target_semaphore(%arg8 : memref<!tpu.dma_semaphore, #tpu.memory_space<semaphore_mem>>)
      %dma_start3A_94 = arith.constant 1 : i32
      %dma_start3A_95 = arith.constant 1 : i32
      %dma_start3A_96 = arith.constant 0 : i32
      %dma_start3A_97 = arith.constant 0 : i32
      %dma_start3A_98 = tpu.memref_slice %arg5[%dma_start3A_95, %dma_start3A_96, %dma_start3A_97] : memref<32x8x128xf32, #tpu.memory_space<vmem>> -> memref<1x8x128xf32, #tpu.memory_space<vmem>>
      %dma_start3A_99 = tpu.memref_squeeze %dma_start3A_98 : memref<1x8x128xf32, #tpu.memory_space<vmem>> -> memref<8x128xf32, #tpu.memory_space<vmem>>
      %dma_start3A_100 = tpu.memref_slice %arg2[%dma_start3A_94, %select_n3A, %select_n3A_30, %mul3A_62, %mul3A_80] : memref<32x16x2x64x512xf32, #tpu.memory_space<hbm>> -> memref<1x1x1x8x128xf32, #tpu.memory_space<hbm>>
      %dma_start3A_101 = tpu.memref_squeeze %dma_start3A_100 : memref<1x1x1x8x128xf32, #tpu.memory_space<hbm>> -> memref<8x128xf32, #tpu.memory_space<hbm>>
      %dma_start3A_102 = arith.constant 0 : i32
      %dma_start3A_103 = arith.constant 0 : i32
      %dma_start3A_104 = tpu.memref_slice %arg5[%dma_start3A_95, %dma_start3A_102, %dma_start3A_103] : memref<32x8x128xf32, #tpu.memory_space<vmem>> -> memref<1x8x128xf32, #tpu.memory_space<vmem>>
      %dma_start3A_105 = tpu.memref_squeeze %dma_start3A_104 : memref<1x8x128xf32, #tpu.memory_space<vmem>> -> memref<8x128xf32, #tpu.memory_space<vmem>>
      %dma_start3A_106 = tpu.memref_slice %arg2[%dma_start3A_94, %select_n3A, %select_n3A_30, %mul3A_62, %mul3A_80] : memref<32x16x2x64x512xf32, #tpu.memory_space<hbm>> -> memref<1x1x1x8x128xf32, #tpu.memory_space<hbm>>
      %dma_start3A_107 = tpu.memref_squeeze %dma_start3A_106 : memref<1x1x1x8x128xf32, #tpu.memory_space<hbm>> -> memref<8x128xf32, #tpu.memory_space<hbm>>
      tpu.enqueue_dma source(%dma_start3A_107 : memref<8x128xf32, #tpu.memory_space<hbm>>) target(%dma_start3A_105 : memref<8x128xf32, #tpu.memory_space<vmem>>) target_semaphore(%arg8 : memref<!tpu.dma_semaphore, #tpu.memory_space<semaphore_mem>>)
      %dma_start3A_108 = arith.constant 2 : i32
      %dma_start3A_109 = arith.constant 2 : i32
      %dma_start3A_110 = arith.constant 0 : i32
      %dma_start3A_111 = arith.constant 0 : i32
      %dma_start3A_112 = tpu.memref_slice %arg5[%dma_start3A_109, %dma_start3A_110, %dma_start3A_111] : memref<32x8x128xf32, #tpu.memory_space<vmem>> -> memref<1x8x128xf32, #tpu.memory_space<vmem>>
      %dma_start3A_113 = tpu.memref_squeeze %dma_start3A_112 : memref<1x8x128xf32, #tpu.memory_space<vmem>> -> memref<8x128xf32, #tpu.memory_space<vmem>>
      %dma_start3A_114 = tpu.memref_slice %arg2[%dma_start3A_108, %select_n3A, %select_n3A_30, %mul3A_62, %mul3A_80] : memref<32x16x2x64x512xf32, #tpu.memory_space<hbm>> -> memref<1x1x1x8x128xf32, #tpu.memory_space<hbm>>
      %dma_start3A_115 = tpu.memref_squeeze %dma_start3A_114 : memref<1x1x1x8x128xf32, #tpu.memory_space<hbm>> -> memref<8x128xf32, #tpu.memory_space<hbm>>
      %dma_start3A_116 = arith.constant 0 : i32
      %dma_start3A_117 = arith.constant 0 : i32
      %dma_start3A_118 = tpu.memref_slice %arg5[%dma_start3A_109, %dma_start3A_116, %dma_start3A_117] : memref<32x8x128xf32, #tpu.memory_space<vmem>> -> memref<1x8x128xf32, #tpu.memory_space<vmem>>
      %dma_start3A_119 = tpu.memref_squeeze %dma_start3A_118 : memref<1x8x128xf32, #tpu.memory_space<vmem>> -> memref<8x128xf32, #tpu.memory_space<vmem>>
      %dma_start3A_120 = tpu.memref_slice %arg2[%dma_start3A_108, %select_n3A, %select_n3A_30, %mul3A_62, %mul3A_80] : memref<32x16x2x64x512xf32, #tpu.memory_space<hbm>> -> memref<1x1x1x8x128xf32, #tpu.memory_space<hbm>>
      %dma_start3A_121 = tpu.memref_squeeze %dma_start3A_120 : memref<1x1x1x8x128xf32, #tpu.memory_space<hbm>> -> memref<8x128xf32, #tpu.memory_space<hbm>>
      tpu.enqueue_dma source(%dma_start3A_121 : memref<8x128xf32, #tpu.memory_space<hbm>>) target(%dma_start3A_119 : memref<8x128xf32, #tpu.memory_space<vmem>>) target_semaphore(%arg8 : memref<!tpu.dma_semaphore, #tpu.memory_space<semaphore_mem>>)
      %dma_start3A_122 = arith.constant 3 : i32
      %dma_start3A_123 = arith.constant 3 : i32
      %dma_start3A_124 = arith.constant 0 : i32
      %dma_start3A_125 = arith.constant 0 : i32
      %dma_start3A_126 = tpu.memref_slice %arg5[%dma_start3A_123, %dma_start3A_124, %dma_start3A_125] : memref<32x8x128xf32, #tpu.memory_space<vmem>> -> memref<1x8x128xf32, #tpu.memory_space<vmem>>
      %dma_start3A_127 = tpu.memref_squeeze %dma_start3A_126 : memref<1x8x128xf32, #tpu.memory_space<vmem>> -> memref<8x128xf32, #tpu.memory_space<vmem>>
      %dma_start3A_128 = tpu.memref_slice %arg2[%dma_start3A_122, %select_n3A, %select_n3A_30, %mul3A_62, %mul3A_80] : memref<32x16x2x64x512xf32, #tpu.memory_space<hbm>> -> memref<1x1x1x8x128xf32, #tpu.memory_space<hbm>>
      %dma_start3A_129 = tpu.memref_squeeze %dma_start3A_128 : memref<1x1x1x8x128xf32, #tpu.memory_space<hbm>> -> memref<8x128xf32, #tpu.memory_space<hbm>>
      %dma_start3A_130 = arith.constant 0 : i32
      %dma_start3A_131 = arith.constant 0 : i32
      %dma_start3A_132 = tpu.memref_slice %arg5[%dma_start3A_123, %dma_start3A_130, %dma_start3A_131] : memref<32x8x128xf32, #tpu.memory_space<vmem>> -> memref<1x8x128xf32, #tpu.memory_space<vmem>>
      %dma_start3A_133 = tpu.memref_squeeze %dma_start3A_132 : memref<1x8x128xf32, #tpu.memory_space<vmem>> -> memref<8x128xf32, #tpu.memory_space<vmem>>
      %dma_start3A_134 = tpu.memref_slice %arg2[%dma_start3A_122, %select_n3A, %select_n3A_30, %mul3A_62, %mul3A_80] : memref<32x16x2x64x512xf32, #tpu.memory_space<hbm>> -> memref<1x1x1x8x128xf32, #tpu.memory_space<hbm>>
      %dma_start3A_135 = tpu.memref_squeeze %dma_start3A_134 : memref<1x1x1x8x128xf32, #tpu.memory_space<hbm>> -> memref<8x128xf32, #tpu.memory_space<hbm>>
      tpu.enqueue_dma source(%dma_start3A_135 : memref<8x128xf32, #tpu.memory_space<hbm>>) target(%dma_start3A_133 : memref<8x128xf32, #tpu.memory_space<vmem>>) target_semaphore(%arg8 : memref<!tpu.dma_semaphore, #tpu.memory_space<semaphore_mem>>)
      %dma_start3A_136 = arith.constant 4 : i32
      %dma_start3A_137 = arith.constant 4 : i32
      %dma_start3A_138 = arith.constant 0 : i32
      %dma_start3A_139 = arith.constant 0 : i32
      %dma_start3A_140 = tpu.memref_slice %arg5[%dma_start3A_137, %dma_start3A_138, %dma_start3A_139] : memref<32x8x128xf32, #tpu.memory_space<vmem>> -> memref<1x8x128xf32, #tpu.memory_space<vmem>>
      %dma_start3A_141 = tpu.memref_squeeze %dma_start3A_140 : memref<1x8x128xf32, #tpu.memory_space<vmem>> -> memref<8x128xf32, #tpu.memory_space<vmem>>
      %dma_start3A_142 = tpu.memref_slice %arg2[%dma_start3A_136, %select_n3A, %select_n3A_30, %mul3A_62, %mul3A_80] : memref<32x16x2x64x512xf32, #tpu.memory_space<hbm>> -> memref<1x1x1x8x128xf32, #tpu.memory_space<hbm>>
      %dma_start3A_143 = tpu.memref_squeeze %dma_start3A_142 : memref<1x1x1x8x128xf32, #tpu.memory_space<hbm>> -> memref<8x128xf32, #tpu.memory_space<hbm>>
      %dma_start3A_144 = arith.constant 0 : i32
      %dma_start3A_145 = arith.constant 0 : i32
      %dma_start3A_146 = tpu.memref_slice %arg5[%dma_start3A_137, %dma_start3A_144, %dma_start3A_145] : memref<32x8x128xf32, #tpu.memory_space<vmem>> -> memref<1x8x128xf32, #tpu.memory_space<vmem>>
      %dma_start3A_147 = tpu.memref_squeeze %dma_start3A_146 : memref<1x8x128xf32, #tpu.memory_space<vmem>> -> memref<8x128xf32, #tpu.memory_space<vmem>>
      %dma_start3A_148 = tpu.memref_slice %arg2[%dma_start3A_136, %select_n3A, %select_n3A_30, %mul3A_62, %mul3A_80] : memref<32x16x2x64x512xf32, #tpu.memory_space<hbm>> -> memref<1x1x1x8x128xf32, #tpu.memory_space<hbm>>
      %dma_start3A_149 = tpu.memref_squeeze %dma_start3A_148 : memref<1x1x1x8x128xf32, #tpu.memory_space<hbm>> -> memref<8x128xf32, #tpu.memory_space<hbm>>
      tpu.enqueue_dma source(%dma_start3A_149 : memref<8x128xf32, #tpu.memory_space<hbm>>) target(%dma_start3A_147 : memref<8x128xf32, #tpu.memory_space<vmem>>) target_semaphore(%arg8 : memref<!tpu.dma_semaphore, #tpu.memory_space<semaphore_mem>>)
      %dma_start3A_150 = arith.constant 5 : i32
      %dma_start3A_151 = arith.constant 5 : i32
      %dma_start3A_152 = arith.constant 0 : i32
      %dma_start3A_153 = arith.constant 0 : i32
      %dma_start3A_154 = tpu.memref_slice %arg5[%dma_start3A_151, %dma_start3A_152, %dma_start3A_153] : memref<32x8x128xf32, #tpu.memory_space<vmem>> -> memref<1x8x128xf32, #tpu.memory_space<vmem>>
      %dma_start3A_155 = tpu.memref_squeeze %dma_start3A_154 : memref<1x8x128xf32, #tpu.memory_space<vmem>> -> memref<8x128xf32, #tpu.memory_space<vmem>>
      %dma_start3A_156 = tpu.memref_slice %arg2[%dma_start3A_150, %select_n3A, %select_n3A_30, %mul3A_62, %mul3A_80] : memref<32x16x2x64x512xf32, #tpu.memory_space<hbm>> -> memref<1x1x1x8x128xf32, #tpu.memory_space<hbm>>
      %dma_start3A_157 = tpu.memref_squeeze %dma_start3A_156 : memref<1x1x1x8x128xf32, #tpu.memory_space<hbm>> -> memref<8x128xf32, #tpu.memory_space<hbm>>
      %dma_start3A_158 = arith.constant 0 : i32
      %dma_start3A_159 = arith.constant 0 : i32
      %dma_start3A_160 = tpu.memref_slice %arg5[%dma_start3A_151, %dma_start3A_158, %dma_start3A_159] : memref<32x8x128xf32, #tpu.memory_space<vmem>> -> memref<1x8x128xf32, #tpu.memory_space<vmem>>
      %dma_start3A_161 = tpu.memref_squeeze %dma_start3A_160 : memref<1x8x128xf32, #tpu.memory_space<vmem>> -> memref<8x128xf32, #tpu.memory_space<vmem>>
      %dma_start3A_162 = tpu.memref_slice %arg2[%dma_start3A_150, %select_n3A, %select_n3A_30, %mul3A_62, %mul3A_80] : memref<32x16x2x64x512xf32, #tpu.memory_space<hbm>> -> memref<1x1x1x8x128xf32, #tpu.memory_space<hbm>>
      %dma_start3A_163 = tpu.memref_squeeze %dma_start3A_162 : memref<1x1x1x8x128xf32, #tpu.memory_space<hbm>> -> memref<8x128xf32, #tpu.memory_space<hbm>>
      tpu.enqueue_dma source(%dma_start3A_163 : memref<8x128xf32, #tpu.memory_space<hbm>>) target(%dma_start3A_161 : memref<8x128xf32, #tpu.memory_space<vmem>>) target_semaphore(%arg8 : memref<!tpu.dma_semaphore, #tpu.memory_space<semaphore_mem>>)
      %dma_start3A_164 = arith.constant 6 : i32
      %dma_start3A_165 = arith.constant 6 : i32
      %dma_start3A_166 = arith.constant 0 : i32
      %dma_start3A_167 = arith.constant 0 : i32
      %dma_start3A_168 = tpu.memref_slice %arg5[%dma_start3A_165, %dma_start3A_166, %dma_start3A_167] : memref<32x8x128xf32, #tpu.memory_space<vmem>> -> memref<1x8x128xf32, #tpu.memory_space<vmem>>
      %dma_start3A_169 = tpu.memref_squeeze %dma_start3A_168 : memref<1x8x128xf32, #tpu.memory_space<vmem>> -> memref<8x128xf32, #tpu.memory_space<vmem>>
      %dma_start3A_170 = tpu.memref_slice %arg2[%dma_start3A_164, %select_n3A, %select_n3A_30, %mul3A_62, %mul3A_80] : memref<32x16x2x64x512xf32, #tpu.memory_space<hbm>> -> memref<1x1x1x8x128xf32, #tpu.memory_space<hbm>>
      %dma_start3A_171 = tpu.memref_squeeze %dma_start3A_170 : memref<1x1x1x8x128xf32, #tpu.memory_space<hbm>> -> memref<8x128xf32, #tpu.memory_space<hbm>>
      %dma_start3A_172 = arith.constant 0 : i32
      %dma_start3A_173 = arith.constant 0 : i32
      %dma_start3A_174 = tpu.memref_slice %arg5[%dma_start3A_165, %dma_start3A_172, %dma_start3A_173] : memref<32x8x128xf32, #tpu.memory_space<vmem>> -> memref<1x8x128xf32, #tpu.memory_space<vmem>>
      %dma_start3A_175 = tpu.memref_squeeze %dma_start3A_174 : memref<1x8x128xf32, #tpu.memory_space<vmem>> -> memref<8x128xf32, #tpu.memory_space<vmem>>
      %dma_start3A_176 = tpu.memref_slice %arg2[%dma_start3A_164, %select_n3A, %select_n3A_30, %mul3A_62, %mul3A_80] : memref<32x16x2x64x512xf32, #tpu.memory_space<hbm>> -> memref<1x1x1x8x128xf32, #tpu.memory_space<hbm>>
      %dma_start3A_177 = tpu.memref_squeeze %dma_start3A_176 : memref<1x1x1x8x128xf32, #tpu.memory_space<hbm>> -> memref<8x128xf32, #tpu.memory_space<hbm>>
      tpu.enqueue_dma source(%dma_start3A_177 : memref<8x128xf32, #tpu.memory_space<hbm>>) target(%dma_start3A_175 : memref<8x128xf32, #tpu.memory_space<vmem>>) target_semaphore(%arg8 : memref<!tpu.dma_semaphore, #tpu.memory_space<semaphore_mem>>)
      %dma_start3A_178 = arith.constant 7 : i32
      %dma_start3A_179 = arith.constant 7 : i32
      %dma_start3A_180 = arith.constant 0 : i32
      %dma_start3A_181 = arith.constant 0 : i32
      %dma_start3A_182 = tpu.memref_slice %arg5[%dma_start3A_179, %dma_start3A_180, %dma_start3A_181] : memref<32x8x128xf32, #tpu.memory_space<vmem>> -> memref<1x8x128xf32, #tpu.memory_space<vmem>>
      %dma_start3A_183 = tpu.memref_squeeze %dma_start3A_182 : memref<1x8x128xf32, #tpu.memory_space<vmem>> -> memref<8x128xf32, #tpu.memory_space<vmem>>
      %dma_start3A_184 = tpu.memref_slice %arg2[%dma_start3A_178, %select_n3A, %select_n3A_30, %mul3A_62, %mul3A_80] : memref<32x16x2x64x512xf32, #tpu.memory_space<hbm>> -> memref<1x1x1x8x128xf32, #tpu.memory_space<hbm>>
      %dma_start3A_185 = tpu.memref_squeeze %dma_start3A_184 : memref<1x1x1x8x128xf32, #tpu.memory_space<hbm>> -> memref<8x128xf32, #tpu.memory_space<hbm>>
      %dma_start3A_186 = arith.constant 0 : i32
      %dma_start3A_187 = arith.constant 0 : i32
      %dma_start3A_188 = tpu.memref_slice %arg5[%dma_start3A_179, %dma_start3A_186, %dma_start3A_187] : memref<32x8x128xf32, #tpu.memory_space<vmem>> -> memref<1x8x128xf32, #tpu.memory_space<vmem>>
      %dma_start3A_189 = tpu.memref_squeeze %dma_start3A_188 : memref<1x8x128xf32, #tpu.memory_space<vmem>> -> memref<8x128xf32, #tpu.memory_space<vmem>>
      %dma_start3A_190 = tpu.memref_slice %arg2[%dma_start3A_178, %select_n3A, %select_n3A_30, %mul3A_62, %mul3A_80] : memref<32x16x2x64x512xf32, #tpu.memory_space<hbm>> -> memref<1x1x1x8x128xf32, #tpu.memory_space<hbm>>
      %dma_start3A_191 = tpu.memref_squeeze %dma_start3A_190 : memref<1x1x1x8x128xf32, #tpu.memory_space<hbm>> -> memref<8x128xf32, #tpu.memory_space<hbm>>
      tpu.enqueue_dma source(%dma_start3A_191 : memref<8x128xf32, #tpu.memory_space<hbm>>) target(%dma_start3A_189 : memref<8x128xf32, #tpu.memory_space<vmem>>) target_semaphore(%arg8 : memref<!tpu.dma_semaphore, #tpu.memory_space<semaphore_mem>>)
      %dma_start3A_192 = arith.constant 8 : i32
      %dma_start3A_193 = arith.constant 8 : i32
      %dma_start3A_194 = arith.constant 0 : i32
      %dma_start3A_195 = arith.constant 0 : i32
      %dma_start3A_196 = tpu.memref_slice %arg5[%dma_start3A_193, %dma_start3A_194, %dma_start3A_195] : memref<32x8x128xf32, #tpu.memory_space<vmem>> -> memref<1x8x128xf32, #tpu.memory_space<vmem>>
      %dma_start3A_197 = tpu.memref_squeeze %dma_start3A_196 : memref<1x8x128xf32, #tpu.memory_space<vmem>> -> memref<8x128xf32, #tpu.memory_space<vmem>>
      %dma_start3A_198 = tpu.memref_slice %arg2[%dma_start3A_192, %select_n3A, %select_n3A_30, %mul3A_62, %mul3A_80] : memref<32x16x2x64x512xf32, #tpu.memory_space<hbm>> -> memref<1x1x1x8x128xf32, #tpu.memory_space<hbm>>
      %dma_start3A_199 = tpu.memref_squeeze %dma_start3A_198 : memref<1x1x1x8x128xf32, #tpu.memory_space<hbm>> -> memref<8x128xf32, #tpu.memory_space<hbm>>
      %dma_start3A_200 = arith.constant 0 : i32
      %dma_start3A_201 = arith.constant 0 : i32
      %dma_start3A_202 = tpu.memref_slice %arg5[%dma_start3A_193, %dma_start3A_200, %dma_start3A_201] : memref<32x8x128xf32, #tpu.memory_space<vmem>> -> memref<1x8x128xf32, #tpu.memory_space<vmem>>
      %dma_start3A_203 = tpu.memref_squeeze %dma_start3A_202 : memref<1x8x128xf32, #tpu.memory_space<vmem>> -> memref<8x128xf32, #tpu.memory_space<vmem>>
      %dma_start3A_204 = tpu.memref_slice %arg2[%dma_start3A_192, %select_n3A, %select_n3A_30, %mul3A_62, %mul3A_80] : memref<32x16x2x64x512xf32, #tpu.memory_space<hbm>> -> memref<1x1x1x8x128xf32, #tpu.memory_space<hbm>>
      %dma_start3A_205 = tpu.memref_squeeze %dma_start3A_204 : memref<1x1x1x8x128xf32, #tpu.memory_space<hbm>> -> memref<8x128xf32, #tpu.memory_space<hbm>>
      tpu.enqueue_dma source(%dma_start3A_205 : memref<8x128xf32, #tpu.memory_space<hbm>>) target(%dma_start3A_203 : memref<8x128xf32, #tpu.memory_space<vmem>>) target_semaphore(%arg8 : memref<!tpu.dma_semaphore, #tpu.memory_space<semaphore_mem>>)
      %dma_start3A_206 = arith.constant 9 : i32
      %dma_start3A_207 = arith.constant 9 : i32
      %dma_start3A_208 = arith.constant 0 : i32
      %dma_start3A_209 = arith.constant 0 : i32
      %dma_start3A_210 = tpu.memref_slice %arg5[%dma_start3A_207, %dma_start3A_208, %dma_start3A_209] : memref<32x8x128xf32, #tpu.memory_space<vmem>> -> memref<1x8x128xf32, #tpu.memory_space<vmem>>
      %dma_start3A_211 = tpu.memref_squeeze %dma_start3A_210 : memref<1x8x128xf32, #tpu.memory_space<vmem>> -> memref<8x128xf32, #tpu.memory_space<vmem>>
      %dma_start3A_212 = tpu.memref_slice %arg2[%dma_start3A_206, %select_n3A, %select_n3A_30, %mul3A_62, %mul3A_80] : memref<32x16x2x64x512xf32, #tpu.memory_space<hbm>> -> memref<1x1x1x8x128xf32, #tpu.memory_space<hbm>>
      %dma_start3A_213 = tpu.memref_squeeze %dma_start3A_212 : memref<1x1x1x8x128xf32, #tpu.memory_space<hbm>> -> memref<8x128xf32, #tpu.memory_space<hbm>>
      %dma_start3A_214 = arith.constant 0 : i32
      %dma_start3A_215 = arith.constant 0 : i32
      %dma_start3A_216 = tpu.memref_slice %arg5[%dma_start3A_207, %dma_start3A_214, %dma_start3A_215] : memref<32x8x128xf32, #tpu.memory_space<vmem>> -> memref<1x8x128xf32, #tpu.memory_space<vmem>>
      %dma_start3A_217 = tpu.memref_squeeze %dma_start3A_216 : memref<1x8x128xf32, #tpu.memory_space<vmem>> -> memref<8x128xf32, #tpu.memory_space<vmem>>
      %dma_start3A_218 = tpu.memref_slice %arg2[%dma_start3A_206, %select_n3A, %select_n3A_30, %mul3A_62, %mul3A_80] : memref<32x16x2x64x512xf32, #tpu.memory_space<hbm>> -> memref<1x1x1x8x128xf32, #tpu.memory_space<hbm>>
      %dma_start3A_219 = tpu.memref_squeeze %dma_start3A_218 : memref<1x1x1x8x128xf32, #tpu.memory_space<hbm>> -> memref<8x128xf32, #tpu.memory_space<hbm>>
      tpu.enqueue_dma source(%dma_start3A_219 : memref<8x128xf32, #tpu.memory_space<hbm>>) target(%dma_start3A_217 : memref<8x128xf32, #tpu.memory_space<vmem>>) target_semaphore(%arg8 : memref<!tpu.dma_semaphore, #tpu.memory_space<semaphore_mem>>)
      %dma_start3A_220 = arith.constant 10 : i32
      %dma_start3A_221 = arith.constant 10 : i32
      %dma_start3A_222 = arith.constant 0 : i32
      %dma_start3A_223 = arith.constant 0 : i32
      %dma_start3A_224 = tpu.memref_slice %arg5[%dma_start3A_221, %dma_start3A_222, %dma_start3A_223] : memref<32x8x128xf32, #tpu.memory_space<vmem>> -> memref<1x8x128xf32, #tpu.memory_space<vmem>>
      %dma_start3A_225 = tpu.memref_squeeze %dma_start3A_224 : memref<1x8x128xf32, #tpu.memory_space<vmem>> -> memref<8x128xf32, #tpu.memory_space<vmem>>
      %dma_start3A_226 = tpu.memref_slice %arg2[%dma_start3A_220, %select_n3A, %select_n3A_30, %mul3A_62, %mul3A_80] : memref<32x16x2x64x512xf32, #tpu.memory_space<hbm>> -> memref<1x1x1x8x128xf32, #tpu.memory_space<hbm>>
      %dma_start3A_227 = tpu.memref_squeeze %dma_start3A_226 : memref<1x1x1x8x128xf32, #tpu.memory_space<hbm>> -> memref<8x128xf32, #tpu.memory_space<hbm>>
      %dma_start3A_228 = arith.constant 0 : i32
      %dma_start3A_229 = arith.constant 0 : i32
      %dma_start3A_230 = tpu.memref_slice %arg5[%dma_start3A_221, %dma_start3A_228, %dma_start3A_229] : memref<32x8x128xf32, #tpu.memory_space<vmem>> -> memref<1x8x128xf32, #tpu.memory_space<vmem>>
      %dma_start3A_231 = tpu.memref_squeeze %dma_start3A_230 : memref<1x8x128xf32, #tpu.memory_space<vmem>> -> memref<8x128xf32, #tpu.memory_space<vmem>>
      %dma_start3A_232 = tpu.memref_slice %arg2[%dma_start3A_220, %select_n3A, %select_n3A_30, %mul3A_62, %mul3A_80] : memref<32x16x2x64x512xf32, #tpu.memory_space<hbm>> -> memref<1x1x1x8x128xf32, #tpu.memory_space<hbm>>
      %dma_start3A_233 = tpu.memref_squeeze %dma_start3A_232 : memref<1x1x1x8x128xf32, #tpu.memory_space<hbm>> -> memref<8x128xf32, #tpu.memory_space<hbm>>
      tpu.enqueue_dma source(%dma_start3A_233 : memref<8x128xf32, #tpu.memory_space<hbm>>) target(%dma_start3A_231 : memref<8x128xf32, #tpu.memory_space<vmem>>) target_semaphore(%arg8 : memref<!tpu.dma_semaphore, #tpu.memory_space<semaphore_mem>>)
      %dma_start3A_234 = arith.constant 11 : i32
      %dma_start3A_235 = arith.constant 11 : i32
      %dma_start3A_236 = arith.constant 0 : i32
      %dma_start3A_237 = arith.constant 0 : i32
      %dma_start3A_238 = tpu.memref_slice %arg5[%dma_start3A_235, %dma_start3A_236, %dma_start3A_237] : memref<32x8x128xf32, #tpu.memory_space<vmem>> -> memref<1x8x128xf32, #tpu.memory_space<vmem>>
      %dma_start3A_239 = tpu.memref_squeeze %dma_start3A_238 : memref<1x8x128xf32, #tpu.memory_space<vmem>> -> memref<8x128xf32, #tpu.memory_space<vmem>>
      %dma_start3A_240 = tpu.memref_slice %arg2[%dma_start3A_234, %select_n3A, %select_n3A_30, %mul3A_62, %mul3A_80] : memref<32x16x2x64x512xf32, #tpu.memory_space<hbm>> -> memref<1x1x1x8x128xf32, #tpu.memory_space<hbm>>
      %dma_start3A_241 = tpu.memref_squeeze %dma_start3A_240 : memref<1x1x1x8x128xf32, #tpu.memory_space<hbm>> -> memref<8x128xf32, #tpu.memory_space<hbm>>
      %dma_start3A_242 = arith.constant 0 : i32
      %dma_start3A_243 = arith.constant 0 : i32
      %dma_start3A_244 = tpu.memref_slice %arg5[%dma_start3A_235, %dma_start3A_242, %dma_start3A_243] : memref<32x8x128xf32, #tpu.memory_space<vmem>> -> memref<1x8x128xf32, #tpu.memory_space<vmem>>
      %dma_start3A_245 = tpu.memref_squeeze %dma_start3A_244 : memref<1x8x128xf32, #tpu.memory_space<vmem>> -> memref<8x128xf32, #tpu.memory_space<vmem>>
      %dma_start3A_246 = tpu.memref_slice %arg2[%dma_start3A_234, %select_n3A, %select_n3A_30, %mul3A_62, %mul3A_80] : memref<32x16x2x64x512xf32, #tpu.memory_space<hbm>> -> memref<1x1x1x8x128xf32, #tpu.memory_space<hbm>>
      %dma_start3A_247 = tpu.memref_squeeze %dma_start3A_246 : memref<1x1x1x8x128xf32, #tpu.memory_space<hbm>> -> memref<8x128xf32, #tpu.memory_space<hbm>>
      tpu.enqueue_dma source(%dma_start3A_247 : memref<8x128xf32, #tpu.memory_space<hbm>>) target(%dma_start3A_245 : memref<8x128xf32, #tpu.memory_space<vmem>>) target_semaphore(%arg8 : memref<!tpu.dma_semaphore, #tpu.memory_space<semaphore_mem>>)
      %dma_start3A_248 = arith.constant 12 : i32
      %dma_start3A_249 = arith.constant 12 : i32
      %dma_start3A_250 = arith.constant 0 : i32
      %dma_start3A_251 = arith.constant 0 : i32
      %dma_start3A_252 = tpu.memref_slice %arg5[%dma_start3A_249, %dma_start3A_250, %dma_start3A_251] : memref<32x8x128xf32, #tpu.memory_space<vmem>> -> memref<1x8x128xf32, #tpu.memory_space<vmem>>
      %dma_start3A_253 = tpu.memref_squeeze %dma_start3A_252 : memref<1x8x128xf32, #tpu.memory_space<vmem>> -> memref<8x128xf32, #tpu.memory_space<vmem>>
      %dma_start3A_254 = tpu.memref_slice %arg2[%dma_start3A_248, %select_n3A, %select_n3A_30, %mul3A_62, %mul3A_80] : memref<32x16x2x64x512xf32, #tpu.memory_space<hbm>> -> memref<1x1x1x8x128xf32, #tpu.memory_space<hbm>>
      %dma_start3A_255 = tpu.memref_squeeze %dma_start3A_254 : memref<1x1x1x8x128xf32, #tpu.memory_space<hbm>> -> memref<8x128xf32, #tpu.memory_space<hbm>>
      %dma_start3A_256 = arith.constant 0 : i32
      %dma_start3A_257 = arith.constant 0 : i32
      %dma_start3A_258 = tpu.memref_slice %arg5[%dma_start3A_249, %dma_start3A_256, %dma_start3A_257] : memref<32x8x128xf32, #tpu.memory_space<vmem>> -> memref<1x8x128xf32, #tpu.memory_space<vmem>>
      %dma_start3A_259 = tpu.memref_squeeze %dma_start3A_258 : memref<1x8x128xf32, #tpu.memory_space<vmem>> -> memref<8x128xf32, #tpu.memory_space<vmem>>
      %dma_start3A_260 = tpu.memref_slice %arg2[%dma_start3A_248, %select_n3A, %select_n3A_30, %mul3A_62, %mul3A_80] : memref<32x16x2x64x512xf32, #tpu.memory_space<hbm>> -> memref<1x1x1x8x128xf32, #tpu.memory_space<hbm>>
      %dma_start3A_261 = tpu.memref_squeeze %dma_start3A_260 : memref<1x1x1x8x128xf32, #tpu.memory_space<hbm>> -> memref<8x128xf32, #tpu.memory_space<hbm>>
      tpu.enqueue_dma source(%dma_start3A_261 : memref<8x128xf32, #tpu.memory_space<hbm>>) target(%dma_start3A_259 : memref<8x128xf32, #tpu.memory_space<vmem>>) target_semaphore(%arg8 : memref<!tpu.dma_semaphore, #tpu.memory_space<semaphore_mem>>)
      %dma_start3A_262 = arith.constant 13 : i32
      %dma_start3A_263 = arith.constant 13 : i32
      %dma_start3A_264 = arith.constant 0 : i32
      %dma_start3A_265 = arith.constant 0 : i32
      %dma_start3A_266 = tpu.memref_slice %arg5[%dma_start3A_263, %dma_start3A_264, %dma_start3A_265] : memref<32x8x128xf32, #tpu.memory_space<vmem>> -> memref<1x8x128xf32, #tpu.memory_space<vmem>>
      %dma_start3A_267 = tpu.memref_squeeze %dma_start3A_266 : memref<1x8x128xf32, #tpu.memory_space<vmem>> -> memref<8x128xf32, #tpu.memory_space<vmem>>
      %dma_start3A_268 = tpu.memref_slice %arg2[%dma_start3A_262, %select_n3A, %select_n3A_30, %mul3A_62, %mul3A_80] : memref<32x16x2x64x512xf32, #tpu.memory_space<hbm>> -> memref<1x1x1x8x128xf32, #tpu.memory_space<hbm>>
      %dma_start3A_269 = tpu.memref_squeeze %dma_start3A_268 : memref<1x1x1x8x128xf32, #tpu.memory_space<hbm>> -> memref<8x128xf32, #tpu.memory_space<hbm>>
      %dma_start3A_270 = arith.constant 0 : i32
      %dma_start3A_271 = arith.constant 0 : i32
      %dma_start3A_272 = tpu.memref_slice %arg5[%dma_start3A_263, %dma_start3A_270, %dma_start3A_271] : memref<32x8x128xf32, #tpu.memory_space<vmem>> -> memref<1x8x128xf32, #tpu.memory_space<vmem>>
      %dma_start3A_273 = tpu.memref_squeeze %dma_start3A_272 : memref<1x8x128xf32, #tpu.memory_space<vmem>> -> memref<8x128xf32, #tpu.memory_space<vmem>>
      %dma_start3A_274 = tpu.memref_slice %arg2[%dma_start3A_262, %select_n3A, %select_n3A_30, %mul3A_62, %mul3A_80] : memref<32x16x2x64x512xf32, #tpu.memory_space<hbm>> -> memref<1x1x1x8x128xf32, #tpu.memory_space<hbm>>
      %dma_start3A_275 = tpu.memref_squeeze %dma_start3A_274 : memref<1x1x1x8x128xf32, #tpu.memory_space<hbm>> -> memref<8x128xf32, #tpu.memory_space<hbm>>
      tpu.enqueue_dma source(%dma_start3A_275 : memref<8x128xf32, #tpu.memory_space<hbm>>) target(%dma_start3A_273 : memref<8x128xf32, #tpu.memory_space<vmem>>) target_semaphore(%arg8 : memref<!tpu.dma_semaphore, #tpu.memory_space<semaphore_mem>>)
      %dma_start3A_276 = arith.constant 14 : i32
      %dma_start3A_277 = arith.constant 14 : i32
      %dma_start3A_278 = arith.constant 0 : i32
      %dma_start3A_279 = arith.constant 0 : i32
      %dma_start3A_280 = tpu.memref_slice %arg5[%dma_start3A_277, %dma_start3A_278, %dma_start3A_279] : memref<32x8x128xf32, #tpu.memory_space<vmem>> -> memref<1x8x128xf32, #tpu.memory_space<vmem>>
      %dma_start3A_281 = tpu.memref_squeeze %dma_start3A_280 : memref<1x8x128xf32, #tpu.memory_space<vmem>> -> memref<8x128xf32, #tpu.memory_space<vmem>>
      %dma_start3A_282 = tpu.memref_slice %arg2[%dma_start3A_276, %select_n3A, %select_n3A_30, %mul3A_62, %mul3A_80] : memref<32x16x2x64x512xf32, #tpu.memory_space<hbm>> -> memref<1x1x1x8x128xf32, #tpu.memory_space<hbm>>
      %dma_start3A_283 = tpu.memref_squeeze %dma_start3A_282 : memref<1x1x1x8x128xf32, #tpu.memory_space<hbm>> -> memref<8x128xf32, #tpu.memory_space<hbm>>
      %dma_start3A_284 = arith.constant 0 : i32
      %dma_start3A_285 = arith.constant 0 : i32
      %dma_start3A_286 = tpu.memref_slice %arg5[%dma_start3A_277, %dma_start3A_284, %dma_start3A_285] : memref<32x8x128xf32, #tpu.memory_space<vmem>> -> memref<1x8x128xf32, #tpu.memory_space<vmem>>
      %dma_start3A_287 = tpu.memref_squeeze %dma_start3A_286 : memref<1x8x128xf32, #tpu.memory_space<vmem>> -> memref<8x128xf32, #tpu.memory_space<vmem>>
      %dma_start3A_288 = tpu.memref_slice %arg2[%dma_start3A_276, %select_n3A, %select_n3A_30, %mul3A_62, %mul3A_80] : memref<32x16x2x64x512xf32, #tpu.memory_space<hbm>> -> memref<1x1x1x8x128xf32, #tpu.memory_space<hbm>>
      %dma_start3A_289 = tpu.memref_squeeze %dma_start3A_288 : memref<1x1x1x8x128xf32, #tpu.memory_space<hbm>> -> memref<8x128xf32, #tpu.memory_space<hbm>>
      tpu.enqueue_dma source(%dma_start3A_289 : memref<8x128xf32, #tpu.memory_space<hbm>>) target(%dma_start3A_287 : memref<8x128xf32, #tpu.memory_space<vmem>>) target_semaphore(%arg8 : memref<!tpu.dma_semaphore, #tpu.memory_space<semaphore_mem>>)
      %dma_start3A_290 = arith.constant 15 : i32
      %dma_start3A_291 = arith.constant 15 : i32
      %dma_start3A_292 = arith.constant 0 : i32
      %dma_start3A_293 = arith.constant 0 : i32
      %dma_start3A_294 = tpu.memref_slice %arg5[%dma_start3A_291, %dma_start3A_292, %dma_start3A_293] : memref<32x8x128xf32, #tpu.memory_space<vmem>> -> memref<1x8x128xf32, #tpu.memory_space<vmem>>
      %dma_start3A_295 = tpu.memref_squeeze %dma_start3A_294 : memref<1x8x128xf32, #tpu.memory_space<vmem>> -> memref<8x128xf32, #tpu.memory_space<vmem>>
      %dma_start3A_296 = tpu.memref_slice %arg2[%dma_start3A_290, %select_n3A, %select_n3A_30, %mul3A_62, %mul3A_80] : memref<32x16x2x64x512xf32, #tpu.memory_space<hbm>> -> memref<1x1x1x8x128xf32, #tpu.memory_space<hbm>>
      %dma_start3A_297 = tpu.memref_squeeze %dma_start3A_296 : memref<1x1x1x8x128xf32, #tpu.memory_space<hbm>> -> memref<8x128xf32, #tpu.memory_space<hbm>>
      %dma_start3A_298 = arith.constant 0 : i32
      %dma_start3A_299 = arith.constant 0 : i32
      %dma_start3A_300 = tpu.memref_slice %arg5[%dma_start3A_291, %dma_start3A_298, %dma_start3A_299] : memref<32x8x128xf32, #tpu.memory_space<vmem>> -> memref<1x8x128xf32, #tpu.memory_space<vmem>>
      %dma_start3A_301 = tpu.memref_squeeze %dma_start3A_300 : memref<1x8x128xf32, #tpu.memory_space<vmem>> -> memref<8x128xf32, #tpu.memory_space<vmem>>
      %dma_start3A_302 = tpu.memref_slice %arg2[%dma_start3A_290, %select_n3A, %select_n3A_30, %mul3A_62, %mul3A_80] : memref<32x16x2x64x512xf32, #tpu.memory_space<hbm>> -> memref<1x1x1x8x128xf32, #tpu.memory_space<hbm>>
      %dma_start3A_303 = tpu.memref_squeeze %dma_start3A_302 : memref<1x1x1x8x128xf32, #tpu.memory_space<hbm>> -> memref<8x128xf32, #tpu.memory_space<hbm>>
      tpu.enqueue_dma source(%dma_start3A_303 : memref<8x128xf32, #tpu.memory_space<hbm>>) target(%dma_start3A_301 : memref<8x128xf32, #tpu.memory_space<vmem>>) target_semaphore(%arg8 : memref<!tpu.dma_semaphore, #tpu.memory_space<semaphore_mem>>)
      %dma_start3A_304 = arith.constant 16 : i32
      %dma_start3A_305 = arith.constant 16 : i32
      %dma_start3A_306 = arith.constant 0 : i32
      %dma_start3A_307 = arith.constant 0 : i32
      %dma_start3A_308 = tpu.memref_slice %arg5[%dma_start3A_305, %dma_start3A_306, %dma_start3A_307] : memref<32x8x128xf32, #tpu.memory_space<vmem>> -> memref<1x8x128xf32, #tpu.memory_space<vmem>>
      %dma_start3A_309 = tpu.memref_squeeze %dma_start3A_308 : memref<1x8x128xf32, #tpu.memory_space<vmem>> -> memref<8x128xf32, #tpu.memory_space<vmem>>
      %dma_start3A_310 = tpu.memref_slice %arg2[%dma_start3A_304, %select_n3A, %select_n3A_30, %mul3A_62, %mul3A_80] : memref<32x16x2x64x512xf32, #tpu.memory_space<hbm>> -> memref<1x1x1x8x128xf32, #tpu.memory_space<hbm>>
      %dma_start3A_311 = tpu.memref_squeeze %dma_start3A_310 : memref<1x1x1x8x128xf32, #tpu.memory_space<hbm>> -> memref<8x128xf32, #tpu.memory_space<hbm>>
      %dma_start3A_312 = arith.constant 0 : i32
      %dma_start3A_313 = arith.constant 0 : i32
      %dma_start3A_314 = tpu.memref_slice %arg5[%dma_start3A_305, %dma_start3A_312, %dma_start3A_313] : memref<32x8x128xf32, #tpu.memory_space<vmem>> -> memref<1x8x128xf32, #tpu.memory_space<vmem>>
      %dma_start3A_315 = tpu.memref_squeeze %dma_start3A_314 : memref<1x8x128xf32, #tpu.memory_space<vmem>> -> memref<8x128xf32, #tpu.memory_space<vmem>>
      %dma_start3A_316 = tpu.memref_slice %arg2[%dma_start3A_304, %select_n3A, %select_n3A_30, %mul3A_62, %mul3A_80] : memref<32x16x2x64x512xf32, #tpu.memory_space<hbm>> -> memref<1x1x1x8x128xf32, #tpu.memory_space<hbm>>
      %dma_start3A_317 = tpu.memref_squeeze %dma_start3A_316 : memref<1x1x1x8x128xf32, #tpu.memory_space<hbm>> -> memref<8x128xf32, #tpu.memory_space<hbm>>
      tpu.enqueue_dma source(%dma_start3A_317 : memref<8x128xf32, #tpu.memory_space<hbm>>) target(%dma_start3A_315 : memref<8x128xf32, #tpu.memory_space<vmem>>) target_semaphore(%arg8 : memref<!tpu.dma_semaphore, #tpu.memory_space<semaphore_mem>>)
      %dma_start3A_318 = arith.constant 17 : i32
      %dma_start3A_319 = arith.constant 17 : i32
      %dma_start3A_320 = arith.constant 0 : i32
      %dma_start3A_321 = arith.constant 0 : i32
      %dma_start3A_322 = tpu.memref_slice %arg5[%dma_start3A_319, %dma_start3A_320, %dma_start3A_321] : memref<32x8x128xf32, #tpu.memory_space<vmem>> -> memref<1x8x128xf32, #tpu.memory_space<vmem>>
      %dma_start3A_323 = tpu.memref_squeeze %dma_start3A_322 : memref<1x8x128xf32, #tpu.memory_space<vmem>> -> memref<8x128xf32, #tpu.memory_space<vmem>>
      %dma_start3A_324 = tpu.memref_slice %arg2[%dma_start3A_318, %select_n3A, %select_n3A_30, %mul3A_62, %mul3A_80] : memref<32x16x2x64x512xf32, #tpu.memory_space<hbm>> -> memref<1x1x1x8x128xf32, #tpu.memory_space<hbm>>
      %dma_start3A_325 = tpu.memref_squeeze %dma_start3A_324 : memref<1x1x1x8x128xf32, #tpu.memory_space<hbm>> -> memref<8x128xf32, #tpu.memory_space<hbm>>
      %dma_start3A_326 = arith.constant 0 : i32
      %dma_start3A_327 = arith.constant 0 : i32
      %dma_start3A_328 = tpu.memref_slice %arg5[%dma_start3A_319, %dma_start3A_326, %dma_start3A_327] : memref<32x8x128xf32, #tpu.memory_space<vmem>> -> memref<1x8x128xf32, #tpu.memory_space<vmem>>
      %dma_start3A_329 = tpu.memref_squeeze %dma_start3A_328 : memref<1x8x128xf32, #tpu.memory_space<vmem>> -> memref<8x128xf32, #tpu.memory_space<vmem>>
      %dma_start3A_330 = tpu.memref_slice %arg2[%dma_start3A_318, %select_n3A, %select_n3A_30, %mul3A_62, %mul3A_80] : memref<32x16x2x64x512xf32, #tpu.memory_space<hbm>> -> memref<1x1x1x8x128xf32, #tpu.memory_space<hbm>>
      %dma_start3A_331 = tpu.memref_squeeze %dma_start3A_330 : memref<1x1x1x8x128xf32, #tpu.memory_space<hbm>> -> memref<8x128xf32, #tpu.memory_space<hbm>>
      tpu.enqueue_dma source(%dma_start3A_331 : memref<8x128xf32, #tpu.memory_space<hbm>>) target(%dma_start3A_329 : memref<8x128xf32, #tpu.memory_space<vmem>>) target_semaphore(%arg8 : memref<!tpu.dma_semaphore, #tpu.memory_space<semaphore_mem>>)
      %dma_start3A_332 = arith.constant 18 : i32
      %dma_start3A_333 = arith.constant 18 : i32
      %dma_start3A_334 = arith.constant 0 : i32
      %dma_start3A_335 = arith.constant 0 : i32
      %dma_start3A_336 = tpu.memref_slice %arg5[%dma_start3A_333, %dma_start3A_334, %dma_start3A_335] : memref<32x8x128xf32, #tpu.memory_space<vmem>> -> memref<1x8x128xf32, #tpu.memory_space<vmem>>
      %dma_start3A_337 = tpu.memref_squeeze %dma_start3A_336 : memref<1x8x128xf32, #tpu.memory_space<vmem>> -> memref<8x128xf32, #tpu.memory_space<vmem>>
      %dma_start3A_338 = tpu.memref_slice %arg2[%dma_start3A_332, %select_n3A, %select_n3A_30, %mul3A_62, %mul3A_80] : memref<32x16x2x64x512xf32, #tpu.memory_space<hbm>> -> memref<1x1x1x8x128xf32, #tpu.memory_space<hbm>>
      %dma_start3A_339 = tpu.memref_squeeze %dma_start3A_338 : memref<1x1x1x8x128xf32, #tpu.memory_space<hbm>> -> memref<8x128xf32, #tpu.memory_space<hbm>>
      %dma_start3A_340 = arith.constant 0 : i32
      %dma_start3A_341 = arith.constant 0 : i32
      %dma_start3A_342 = tpu.memref_slice %arg5[%dma_start3A_333, %dma_start3A_340, %dma_start3A_341] : memref<32x8x128xf32, #tpu.memory_space<vmem>> -> memref<1x8x128xf32, #tpu.memory_space<vmem>>
      %dma_start3A_343 = tpu.memref_squeeze %dma_start3A_342 : memref<1x8x128xf32, #tpu.memory_space<vmem>> -> memref<8x128xf32, #tpu.memory_space<vmem>>
      %dma_start3A_344 = tpu.memref_slice %arg2[%dma_start3A_332, %select_n3A, %select_n3A_30, %mul3A_62, %mul3A_80] : memref<32x16x2x64x512xf32, #tpu.memory_space<hbm>> -> memref<1x1x1x8x128xf32, #tpu.memory_space<hbm>>
      %dma_start3A_345 = tpu.memref_squeeze %dma_start3A_344 : memref<1x1x1x8x128xf32, #tpu.memory_space<hbm>> -> memref<8x128xf32, #tpu.memory_space<hbm>>
      tpu.enqueue_dma source(%dma_start3A_345 : memref<8x128xf32, #tpu.memory_space<hbm>>) target(%dma_start3A_343 : memref<8x128xf32, #tpu.memory_space<vmem>>) target_semaphore(%arg8 : memref<!tpu.dma_semaphore, #tpu.memory_space<semaphore_mem>>)
      %dma_start3A_346 = arith.constant 19 : i32
      %dma_start3A_347 = arith.constant 19 : i32
      %dma_start3A_348 = arith.constant 0 : i32
      %dma_start3A_349 = arith.constant 0 : i32
      %dma_start3A_350 = tpu.memref_slice %arg5[%dma_start3A_347, %dma_start3A_348, %dma_start3A_349] : memref<32x8x128xf32, #tpu.memory_space<vmem>> -> memref<1x8x128xf32, #tpu.memory_space<vmem>>
      %dma_start3A_351 = tpu.memref_squeeze %dma_start3A_350 : memref<1x8x128xf32, #tpu.memory_space<vmem>> -> memref<8x128xf32, #tpu.memory_space<vmem>>
      %dma_start3A_352 = tpu.memref_slice %arg2[%dma_start3A_346, %select_n3A, %select_n3A_30, %mul3A_62, %mul3A_80] : memref<32x16x2x64x512xf32, #tpu.memory_space<hbm>> -> memref<1x1x1x8x128xf32, #tpu.memory_space<hbm>>
      %dma_start3A_353 = tpu.memref_squeeze %dma_start3A_352 : memref<1x1x1x8x128xf32, #tpu.memory_space<hbm>> -> memref<8x128xf32, #tpu.memory_space<hbm>>
      %dma_start3A_354 = arith.constant 0 : i32
      %dma_start3A_355 = arith.constant 0 : i32
      %dma_start3A_356 = tpu.memref_slice %arg5[%dma_start3A_347, %dma_start3A_354, %dma_start3A_355] : memref<32x8x128xf32, #tpu.memory_space<vmem>> -> memref<1x8x128xf32, #tpu.memory_space<vmem>>
      %dma_start3A_357 = tpu.memref_squeeze %dma_start3A_356 : memref<1x8x128xf32, #tpu.memory_space<vmem>> -> memref<8x128xf32, #tpu.memory_space<vmem>>
      %dma_start3A_358 = tpu.memref_slice %arg2[%dma_start3A_346, %select_n3A, %select_n3A_30, %mul3A_62, %mul3A_80] : memref<32x16x2x64x512xf32, #tpu.memory_space<hbm>> -> memref<1x1x1x8x128xf32, #tpu.memory_space<hbm>>
      %dma_start3A_359 = tpu.memref_squeeze %dma_start3A_358 : memref<1x1x1x8x128xf32, #tpu.memory_space<hbm>> -> memref<8x128xf32, #tpu.memory_space<hbm>>
      tpu.enqueue_dma source(%dma_start3A_359 : memref<8x128xf32, #tpu.memory_space<hbm>>) target(%dma_start3A_357 : memref<8x128xf32, #tpu.memory_space<vmem>>) target_semaphore(%arg8 : memref<!tpu.dma_semaphore, #tpu.memory_space<semaphore_mem>>)
      %dma_start3A_360 = arith.constant 20 : i32
      %dma_start3A_361 = arith.constant 20 : i32
      %dma_start3A_362 = arith.constant 0 : i32
      %dma_start3A_363 = arith.constant 0 : i32
      %dma_start3A_364 = tpu.memref_slice %arg5[%dma_start3A_361, %dma_start3A_362, %dma_start3A_363] : memref<32x8x128xf32, #tpu.memory_space<vmem>> -> memref<1x8x128xf32, #tpu.memory_space<vmem>>
      %dma_start3A_365 = tpu.memref_squeeze %dma_start3A_364 : memref<1x8x128xf32, #tpu.memory_space<vmem>> -> memref<8x128xf32, #tpu.memory_space<vmem>>
      %dma_start3A_366 = tpu.memref_slice %arg2[%dma_start3A_360, %select_n3A, %select_n3A_30, %mul3A_62, %mul3A_80] : memref<32x16x2x64x512xf32, #tpu.memory_space<hbm>> -> memref<1x1x1x8x128xf32, #tpu.memory_space<hbm>>
      %dma_start3A_367 = tpu.memref_squeeze %dma_start3A_366 : memref<1x1x1x8x128xf32, #tpu.memory_space<hbm>> -> memref<8x128xf32, #tpu.memory_space<hbm>>
      %dma_start3A_368 = arith.constant 0 : i32
      %dma_start3A_369 = arith.constant 0 : i32
      %dma_start3A_370 = tpu.memref_slice %arg5[%dma_start3A_361, %dma_start3A_368, %dma_start3A_369] : memref<32x8x128xf32, #tpu.memory_space<vmem>> -> memref<1x8x128xf32, #tpu.memory_space<vmem>>
      %dma_start3A_371 = tpu.memref_squeeze %dma_start3A_370 : memref<1x8x128xf32, #tpu.memory_space<vmem>> -> memref<8x128xf32, #tpu.memory_space<vmem>>
      %dma_start3A_372 = tpu.memref_slice %arg2[%dma_start3A_360, %select_n3A, %select_n3A_30, %mul3A_62, %mul3A_80] : memref<32x16x2x64x512xf32, #tpu.memory_space<hbm>> -> memref<1x1x1x8x128xf32, #tpu.memory_space<hbm>>
      %dma_start3A_373 = tpu.memref_squeeze %dma_start3A_372 : memref<1x1x1x8x128xf32, #tpu.memory_space<hbm>> -> memref<8x128xf32, #tpu.memory_space<hbm>>
      tpu.enqueue_dma source(%dma_start3A_373 : memref<8x128xf32, #tpu.memory_space<hbm>>) target(%dma_start3A_371 : memref<8x128xf32, #tpu.memory_space<vmem>>) target_semaphore(%arg8 : memref<!tpu.dma_semaphore, #tpu.memory_space<semaphore_mem>>)
      %dma_start3A_374 = arith.constant 21 : i32
      %dma_start3A_375 = arith.constant 21 : i32
      %dma_start3A_376 = arith.constant 0 : i32
      %dma_start3A_377 = arith.constant 0 : i32
      %dma_start3A_378 = tpu.memref_slice %arg5[%dma_start3A_375, %dma_start3A_376, %dma_start3A_377] : memref<32x8x128xf32, #tpu.memory_space<vmem>> -> memref<1x8x128xf32, #tpu.memory_space<vmem>>
      %dma_start3A_379 = tpu.memref_squeeze %dma_start3A_378 : memref<1x8x128xf32, #tpu.memory_space<vmem>> -> memref<8x128xf32, #tpu.memory_space<vmem>>
      %dma_start3A_380 = tpu.memref_slice %arg2[%dma_start3A_374, %select_n3A, %select_n3A_30, %mul3A_62, %mul3A_80] : memref<32x16x2x64x512xf32, #tpu.memory_space<hbm>> -> memref<1x1x1x8x128xf32, #tpu.memory_space<hbm>>
      %dma_start3A_381 = tpu.memref_squeeze %dma_start3A_380 : memref<1x1x1x8x128xf32, #tpu.memory_space<hbm>> -> memref<8x128xf32, #tpu.memory_space<hbm>>
      %dma_start3A_382 = arith.constant 0 : i32
      %dma_start3A_383 = arith.constant 0 : i32
      %dma_start3A_384 = tpu.memref_slice %arg5[%dma_start3A_375, %dma_start3A_382, %dma_start3A_383] : memref<32x8x128xf32, #tpu.memory_space<vmem>> -> memref<1x8x128xf32, #tpu.memory_space<vmem>>
      %dma_start3A_385 = tpu.memref_squeeze %dma_start3A_384 : memref<1x8x128xf32, #tpu.memory_space<vmem>> -> memref<8x128xf32, #tpu.memory_space<vmem>>
      %dma_start3A_386 = tpu.memref_slice %arg2[%dma_start3A_374, %select_n3A, %select_n3A_30, %mul3A_62, %mul3A_80] : memref<32x16x2x64x512xf32, #tpu.memory_space<hbm>> -> memref<1x1x1x8x128xf32, #tpu.memory_space<hbm>>
      %dma_start3A_387 = tpu.memref_squeeze %dma_start3A_386 : memref<1x1x1x8x128xf32, #tpu.memory_space<hbm>> -> memref<8x128xf32, #tpu.memory_space<hbm>>
      tpu.enqueue_dma source(%dma_start3A_387 : memref<8x128xf32, #tpu.memory_space<hbm>>) target(%dma_start3A_385 : memref<8x128xf32, #tpu.memory_space<vmem>>) target_semaphore(%arg8 : memref<!tpu.dma_semaphore, #tpu.memory_space<semaphore_mem>>)
      %dma_start3A_388 = arith.constant 22 : i32
      %dma_start3A_389 = arith.constant 22 : i32
      %dma_start3A_390 = arith.constant 0 : i32
      %dma_start3A_391 = arith.constant 0 : i32
      %dma_start3A_392 = tpu.memref_slice %arg5[%dma_start3A_389, %dma_start3A_390, %dma_start3A_391] : memref<32x8x128xf32, #tpu.memory_space<vmem>> -> memref<1x8x128xf32, #tpu.memory_space<vmem>>
      %dma_start3A_393 = tpu.memref_squeeze %dma_start3A_392 : memref<1x8x128xf32, #tpu.memory_space<vmem>> -> memref<8x128xf32, #tpu.memory_space<vmem>>
      %dma_start3A_394 = tpu.memref_slice %arg2[%dma_start3A_388, %select_n3A, %select_n3A_30, %mul3A_62, %mul3A_80] : memref<32x16x2x64x512xf32, #tpu.memory_space<hbm>> -> memref<1x1x1x8x128xf32, #tpu.memory_space<hbm>>
      %dma_start3A_395 = tpu.memref_squeeze %dma_start3A_394 : memref<1x1x1x8x128xf32, #tpu.memory_space<hbm>> -> memref<8x128xf32, #tpu.memory_space<hbm>>
      %dma_start3A_396 = arith.constant 0 : i32
      %dma_start3A_397 = arith.constant 0 : i32
      %dma_start3A_398 = tpu.memref_slice %arg5[%dma_start3A_389, %dma_start3A_396, %dma_start3A_397] : memref<32x8x128xf32, #tpu.memory_space<vmem>> -> memref<1x8x128xf32, #tpu.memory_space<vmem>>
      %dma_start3A_399 = tpu.memref_squeeze %dma_start3A_398 : memref<1x8x128xf32, #tpu.memory_space<vmem>> -> memref<8x128xf32, #tpu.memory_space<vmem>>
      %dma_start3A_400 = tpu.memref_slice %arg2[%dma_start3A_388, %select_n3A, %select_n3A_30, %mul3A_62, %mul3A_80] : memref<32x16x2x64x512xf32, #tpu.memory_space<hbm>> -> memref<1x1x1x8x128xf32, #tpu.memory_space<hbm>>
      %dma_start3A_401 = tpu.memref_squeeze %dma_start3A_400 : memref<1x1x1x8x128xf32, #tpu.memory_space<hbm>> -> memref<8x128xf32, #tpu.memory_space<hbm>>
      tpu.enqueue_dma source(%dma_start3A_401 : memref<8x128xf32, #tpu.memory_space<hbm>>) target(%dma_start3A_399 : memref<8x128xf32, #tpu.memory_space<vmem>>) target_semaphore(%arg8 : memref<!tpu.dma_semaphore, #tpu.memory_space<semaphore_mem>>)
      %dma_start3A_402 = arith.constant 23 : i32
      %dma_start3A_403 = arith.constant 23 : i32
      %dma_start3A_404 = arith.constant 0 : i32
      %dma_start3A_405 = arith.constant 0 : i32
      %dma_start3A_406 = tpu.memref_slice %arg5[%dma_start3A_403, %dma_start3A_404, %dma_start3A_405] : memref<32x8x128xf32, #tpu.memory_space<vmem>> -> memref<1x8x128xf32, #tpu.memory_space<vmem>>
      %dma_start3A_407 = tpu.memref_squeeze %dma_start3A_406 : memref<1x8x128xf32, #tpu.memory_space<vmem>> -> memref<8x128xf32, #tpu.memory_space<vmem>>
      %dma_start3A_408 = tpu.memref_slice %arg2[%dma_start3A_402, %select_n3A, %select_n3A_30, %mul3A_62, %mul3A_80] : memref<32x16x2x64x512xf32, #tpu.memory_space<hbm>> -> memref<1x1x1x8x128xf32, #tpu.memory_space<hbm>>
      %dma_start3A_409 = tpu.memref_squeeze %dma_start3A_408 : memref<1x1x1x8x128xf32, #tpu.memory_space<hbm>> -> memref<8x128xf32, #tpu.memory_space<hbm>>
      %dma_start3A_410 = arith.constant 0 : i32
      %dma_start3A_411 = arith.constant 0 : i32
      %dma_start3A_412 = tpu.memref_slice %arg5[%dma_start3A_403, %dma_start3A_410, %dma_start3A_411] : memref<32x8x128xf32, #tpu.memory_space<vmem>> -> memref<1x8x128xf32, #tpu.memory_space<vmem>>
      %dma_start3A_413 = tpu.memref_squeeze %dma_start3A_412 : memref<1x8x128xf32, #tpu.memory_space<vmem>> -> memref<8x128xf32, #tpu.memory_space<vmem>>
      %dma_start3A_414 = tpu.memref_slice %arg2[%dma_start3A_402, %select_n3A, %select_n3A_30, %mul3A_62, %mul3A_80] : memref<32x16x2x64x512xf32, #tpu.memory_space<hbm>> -> memref<1x1x1x8x128xf32, #tpu.memory_space<hbm>>
      %dma_start3A_415 = tpu.memref_squeeze %dma_start3A_414 : memref<1x1x1x8x128xf32, #tpu.memory_space<hbm>> -> memref<8x128xf32, #tpu.memory_space<hbm>>
      tpu.enqueue_dma source(%dma_start3A_415 : memref<8x128xf32, #tpu.memory_space<hbm>>) target(%dma_start3A_413 : memref<8x128xf32, #tpu.memory_space<vmem>>) target_semaphore(%arg8 : memref<!tpu.dma_semaphore, #tpu.memory_space<semaphore_mem>>)
      %dma_start3A_416 = arith.constant 24 : i32
      %dma_start3A_417 = arith.constant 24 : i32
      %dma_start3A_418 = arith.constant 0 : i32
      %dma_start3A_419 = arith.constant 0 : i32
      %dma_start3A_420 = tpu.memref_slice %arg5[%dma_start3A_417, %dma_start3A_418, %dma_start3A_419] : memref<32x8x128xf32, #tpu.memory_space<vmem>> -> memref<1x8x128xf32, #tpu.memory_space<vmem>>
      %dma_start3A_421 = tpu.memref_squeeze %dma_start3A_420 : memref<1x8x128xf32, #tpu.memory_space<vmem>> -> memref<8x128xf32, #tpu.memory_space<vmem>>
      %dma_start3A_422 = tpu.memref_slice %arg2[%dma_start3A_416, %select_n3A, %select_n3A_30, %mul3A_62, %mul3A_80] : memref<32x16x2x64x512xf32, #tpu.memory_space<hbm>> -> memref<1x1x1x8x128xf32, #tpu.memory_space<hbm>>
      %dma_start3A_423 = tpu.memref_squeeze %dma_start3A_422 : memref<1x1x1x8x128xf32, #tpu.memory_space<hbm>> -> memref<8x128xf32, #tpu.memory_space<hbm>>
      %dma_start3A_424 = arith.constant 0 : i32
      %dma_start3A_425 = arith.constant 0 : i32
      %dma_start3A_426 = tpu.memref_slice %arg5[%dma_start3A_417, %dma_start3A_424, %dma_start3A_425] : memref<32x8x128xf32, #tpu.memory_space<vmem>> -> memref<1x8x128xf32, #tpu.memory_space<vmem>>
      %dma_start3A_427 = tpu.memref_squeeze %dma_start3A_426 : memref<1x8x128xf32, #tpu.memory_space<vmem>> -> memref<8x128xf32, #tpu.memory_space<vmem>>
      %dma_start3A_428 = tpu.memref_slice %arg2[%dma_start3A_416, %select_n3A, %select_n3A_30, %mul3A_62, %mul3A_80] : memref<32x16x2x64x512xf32, #tpu.memory_space<hbm>> -> memref<1x1x1x8x128xf32, #tpu.memory_space<hbm>>
      %dma_start3A_429 = tpu.memref_squeeze %dma_start3A_428 : memref<1x1x1x8x128xf32, #tpu.memory_space<hbm>> -> memref<8x128xf32, #tpu.memory_space<hbm>>
      tpu.enqueue_dma source(%dma_start3A_429 : memref<8x128xf32, #tpu.memory_space<hbm>>) target(%dma_start3A_427 : memref<8x128xf32, #tpu.memory_space<vmem>>) target_semaphore(%arg8 : memref<!tpu.dma_semaphore, #tpu.memory_space<semaphore_mem>>)
      %dma_start3A_430 = arith.constant 25 : i32
      %dma_start3A_431 = arith.constant 25 : i32
      %dma_start3A_432 = arith.constant 0 : i32
      %dma_start3A_433 = arith.constant 0 : i32
      %dma_start3A_434 = tpu.memref_slice %arg5[%dma_start3A_431, %dma_start3A_432, %dma_start3A_433] : memref<32x8x128xf32, #tpu.memory_space<vmem>> -> memref<1x8x128xf32, #tpu.memory_space<vmem>>
      %dma_start3A_435 = tpu.memref_squeeze %dma_start3A_434 : memref<1x8x128xf32, #tpu.memory_space<vmem>> -> memref<8x128xf32, #tpu.memory_space<vmem>>
      %dma_start3A_436 = tpu.memref_slice %arg2[%dma_start3A_430, %select_n3A, %select_n3A_30, %mul3A_62, %mul3A_80] : memref<32x16x2x64x512xf32, #tpu.memory_space<hbm>> -> memref<1x1x1x8x128xf32, #tpu.memory_space<hbm>>
      %dma_start3A_437 = tpu.memref_squeeze %dma_start3A_436 : memref<1x1x1x8x128xf32, #tpu.memory_space<hbm>> -> memref<8x128xf32, #tpu.memory_space<hbm>>
      %dma_start3A_438 = arith.constant 0 : i32
      %dma_start3A_439 = arith.constant 0 : i32
      %dma_start3A_440 = tpu.memref_slice %arg5[%dma_start3A_431, %dma_start3A_438, %dma_start3A_439] : memref<32x8x128xf32, #tpu.memory_space<vmem>> -> memref<1x8x128xf32, #tpu.memory_space<vmem>>
      %dma_start3A_441 = tpu.memref_squeeze %dma_start3A_440 : memref<1x8x128xf32, #tpu.memory_space<vmem>> -> memref<8x128xf32, #tpu.memory_space<vmem>>
      %dma_start3A_442 = tpu.memref_slice %arg2[%dma_start3A_430, %select_n3A, %select_n3A_30, %mul3A_62, %mul3A_80] : memref<32x16x2x64x512xf32, #tpu.memory_space<hbm>> -> memref<1x1x1x8x128xf32, #tpu.memory_space<hbm>>
      %dma_start3A_443 = tpu.memref_squeeze %dma_start3A_442 : memref<1x1x1x8x128xf32, #tpu.memory_space<hbm>> -> memref<8x128xf32, #tpu.memory_space<hbm>>
      tpu.enqueue_dma source(%dma_start3A_443 : memref<8x128xf32, #tpu.memory_space<hbm>>) target(%dma_start3A_441 : memref<8x128xf32, #tpu.memory_space<vmem>>) target_semaphore(%arg8 : memref<!tpu.dma_semaphore, #tpu.memory_space<semaphore_mem>>)
      %dma_start3A_444 = arith.constant 26 : i32
      %dma_start3A_445 = arith.constant 26 : i32
      %dma_start3A_446 = arith.constant 0 : i32
      %dma_start3A_447 = arith.constant 0 : i32
      %dma_start3A_448 = tpu.memref_slice %arg5[%dma_start3A_445, %dma_start3A_446, %dma_start3A_447] : memref<32x8x128xf32, #tpu.memory_space<vmem>> -> memref<1x8x128xf32, #tpu.memory_space<vmem>>
      %dma_start3A_449 = tpu.memref_squeeze %dma_start3A_448 : memref<1x8x128xf32, #tpu.memory_space<vmem>> -> memref<8x128xf32, #tpu.memory_space<vmem>>
      %dma_start3A_450 = tpu.memref_slice %arg2[%dma_start3A_444, %select_n3A, %select_n3A_30, %mul3A_62, %mul3A_80] : memref<32x16x2x64x512xf32, #tpu.memory_space<hbm>> -> memref<1x1x1x8x128xf32, #tpu.memory_space<hbm>>
      %dma_start3A_451 = tpu.memref_squeeze %dma_start3A_450 : memref<1x1x1x8x128xf32, #tpu.memory_space<hbm>> -> memref<8x128xf32, #tpu.memory_space<hbm>>
      %dma_start3A_452 = arith.constant 0 : i32
      %dma_start3A_453 = arith.constant 0 : i32
      %dma_start3A_454 = tpu.memref_slice %arg5[%dma_start3A_445, %dma_start3A_452, %dma_start3A_453] : memref<32x8x128xf32, #tpu.memory_space<vmem>> -> memref<1x8x128xf32, #tpu.memory_space<vmem>>
      %dma_start3A_455 = tpu.memref_squeeze %dma_start3A_454 : memref<1x8x128xf32, #tpu.memory_space<vmem>> -> memref<8x128xf32, #tpu.memory_space<vmem>>
      %dma_start3A_456 = tpu.memref_slice %arg2[%dma_start3A_444, %select_n3A, %select_n3A_30, %mul3A_62, %mul3A_80] : memref<32x16x2x64x512xf32, #tpu.memory_space<hbm>> -> memref<1x1x1x8x128xf32, #tpu.memory_space<hbm>>
      %dma_start3A_457 = tpu.memref_squeeze %dma_start3A_456 : memref<1x1x1x8x128xf32, #tpu.memory_space<hbm>> -> memref<8x128xf32, #tpu.memory_space<hbm>>
      tpu.enqueue_dma source(%dma_start3A_457 : memref<8x128xf32, #tpu.memory_space<hbm>>) target(%dma_start3A_455 : memref<8x128xf32, #tpu.memory_space<vmem>>) target_semaphore(%arg8 : memref<!tpu.dma_semaphore, #tpu.memory_space<semaphore_mem>>)
      %dma_start3A_458 = arith.constant 27 : i32
      %dma_start3A_459 = arith.constant 27 : i32
      %dma_start3A_460 = arith.constant 0 : i32
      %dma_start3A_461 = arith.constant 0 : i32
      %dma_start3A_462 = tpu.memref_slice %arg5[%dma_start3A_459, %dma_start3A_460, %dma_start3A_461] : memref<32x8x128xf32, #tpu.memory_space<vmem>> -> memref<1x8x128xf32, #tpu.memory_space<vmem>>
      %dma_start3A_463 = tpu.memref_squeeze %dma_start3A_462 : memref<1x8x128xf32, #tpu.memory_space<vmem>> -> memref<8x128xf32, #tpu.memory_space<vmem>>
      %dma_start3A_464 = tpu.memref_slice %arg2[%dma_start3A_458, %select_n3A, %select_n3A_30, %mul3A_62, %mul3A_80] : memref<32x16x2x64x512xf32, #tpu.memory_space<hbm>> -> memref<1x1x1x8x128xf32, #tpu.memory_space<hbm>>
      %dma_start3A_465 = tpu.memref_squeeze %dma_start3A_464 : memref<1x1x1x8x128xf32, #tpu.memory_space<hbm>> -> memref<8x128xf32, #tpu.memory_space<hbm>>
      %dma_start3A_466 = arith.constant 0 : i32
      %dma_start3A_467 = arith.constant 0 : i32
      %dma_start3A_468 = tpu.memref_slice %arg5[%dma_start3A_459, %dma_start3A_466, %dma_start3A_467] : memref<32x8x128xf32, #tpu.memory_space<vmem>> -> memref<1x8x128xf32, #tpu.memory_space<vmem>>
      %dma_start3A_469 = tpu.memref_squeeze %dma_start3A_468 : memref<1x8x128xf32, #tpu.memory_space<vmem>> -> memref<8x128xf32, #tpu.memory_space<vmem>>
      %dma_start3A_470 = tpu.memref_slice %arg2[%dma_start3A_458, %select_n3A, %select_n3A_30, %mul3A_62, %mul3A_80] : memref<32x16x2x64x512xf32, #tpu.memory_space<hbm>> -> memref<1x1x1x8x128xf32, #tpu.memory_space<hbm>>
      %dma_start3A_471 = tpu.memref_squeeze %dma_start3A_470 : memref<1x1x1x8x128xf32, #tpu.memory_space<hbm>> -> memref<8x128xf32, #tpu.memory_space<hbm>>
      tpu.enqueue_dma source(%dma_start3A_471 : memref<8x128xf32, #tpu.memory_space<hbm>>) target(%dma_start3A_469 : memref<8x128xf32, #tpu.memory_space<vmem>>) target_semaphore(%arg8 : memref<!tpu.dma_semaphore, #tpu.memory_space<semaphore_mem>>)
      %dma_start3A_472 = arith.constant 28 : i32
      %dma_start3A_473 = arith.constant 28 : i32
      %dma_start3A_474 = arith.constant 0 : i32
      %dma_start3A_475 = arith.constant 0 : i32
      %dma_start3A_476 = tpu.memref_slice %arg5[%dma_start3A_473, %dma_start3A_474, %dma_start3A_475] : memref<32x8x128xf32, #tpu.memory_space<vmem>> -> memref<1x8x128xf32, #tpu.memory_space<vmem>>
      %dma_start3A_477 = tpu.memref_squeeze %dma_start3A_476 : memref<1x8x128xf32, #tpu.memory_space<vmem>> -> memref<8x128xf32, #tpu.memory_space<vmem>>
      %dma_start3A_478 = tpu.memref_slice %arg2[%dma_start3A_472, %select_n3A, %select_n3A_30, %mul3A_62, %mul3A_80] : memref<32x16x2x64x512xf32, #tpu.memory_space<hbm>> -> memref<1x1x1x8x128xf32, #tpu.memory_space<hbm>>
      %dma_start3A_479 = tpu.memref_squeeze %dma_start3A_478 : memref<1x1x1x8x128xf32, #tpu.memory_space<hbm>> -> memref<8x128xf32, #tpu.memory_space<hbm>>
      %dma_start3A_480 = arith.constant 0 : i32
      %dma_start3A_481 = arith.constant 0 : i32
      %dma_start3A_482 = tpu.memref_slice %arg5[%dma_start3A_473, %dma_start3A_480, %dma_start3A_481] : memref<32x8x128xf32, #tpu.memory_space<vmem>> -> memref<1x8x128xf32, #tpu.memory_space<vmem>>
      %dma_start3A_483 = tpu.memref_squeeze %dma_start3A_482 : memref<1x8x128xf32, #tpu.memory_space<vmem>> -> memref<8x128xf32, #tpu.memory_space<vmem>>
      %dma_start3A_484 = tpu.memref_slice %arg2[%dma_start3A_472, %select_n3A, %select_n3A_30, %mul3A_62, %mul3A_80] : memref<32x16x2x64x512xf32, #tpu.memory_space<hbm>> -> memref<1x1x1x8x128xf32, #tpu.memory_space<hbm>>
      %dma_start3A_485 = tpu.memref_squeeze %dma_start3A_484 : memref<1x1x1x8x128xf32, #tpu.memory_space<hbm>> -> memref<8x128xf32, #tpu.memory_space<hbm>>
      tpu.enqueue_dma source(%dma_start3A_485 : memref<8x128xf32, #tpu.memory_space<hbm>>) target(%dma_start3A_483 : memref<8x128xf32, #tpu.memory_space<vmem>>) target_semaphore(%arg8 : memref<!tpu.dma_semaphore, #tpu.memory_space<semaphore_mem>>)
      %dma_start3A_486 = arith.constant 29 : i32
      %dma_start3A_487 = arith.constant 29 : i32
      %dma_start3A_488 = arith.constant 0 : i32
      %dma_start3A_489 = arith.constant 0 : i32
      %dma_start3A_490 = tpu.memref_slice %arg5[%dma_start3A_487, %dma_start3A_488, %dma_start3A_489] : memref<32x8x128xf32, #tpu.memory_space<vmem>> -> memref<1x8x128xf32, #tpu.memory_space<vmem>>
      %dma_start3A_491 = tpu.memref_squeeze %dma_start3A_490 : memref<1x8x128xf32, #tpu.memory_space<vmem>> -> memref<8x128xf32, #tpu.memory_space<vmem>>
      %dma_start3A_492 = tpu.memref_slice %arg2[%dma_start3A_486, %select_n3A, %select_n3A_30, %mul3A_62, %mul3A_80] : memref<32x16x2x64x512xf32, #tpu.memory_space<hbm>> -> memref<1x1x1x8x128xf32, #tpu.memory_space<hbm>>
      %dma_start3A_493 = tpu.memref_squeeze %dma_start3A_492 : memref<1x1x1x8x128xf32, #tpu.memory_space<hbm>> -> memref<8x128xf32, #tpu.memory_space<hbm>>
      %dma_start3A_494 = arith.constant 0 : i32
      %dma_start3A_495 = arith.constant 0 : i32
      %dma_start3A_496 = tpu.memref_slice %arg5[%dma_start3A_487, %dma_start3A_494, %dma_start3A_495] : memref<32x8x128xf32, #tpu.memory_space<vmem>> -> memref<1x8x128xf32, #tpu.memory_space<vmem>>
      %dma_start3A_497 = tpu.memref_squeeze %dma_start3A_496 : memref<1x8x128xf32, #tpu.memory_space<vmem>> -> memref<8x128xf32, #tpu.memory_space<vmem>>
      %dma_start3A_498 = tpu.memref_slice %arg2[%dma_start3A_486, %select_n3A, %select_n3A_30, %mul3A_62, %mul3A_80] : memref<32x16x2x64x512xf32, #tpu.memory_space<hbm>> -> memref<1x1x1x8x128xf32, #tpu.memory_space<hbm>>
      %dma_start3A_499 = tpu.memref_squeeze %dma_start3A_498 : memref<1x1x1x8x128xf32, #tpu.memory_space<hbm>> -> memref<8x128xf32, #tpu.memory_space<hbm>>
      tpu.enqueue_dma source(%dma_start3A_499 : memref<8x128xf32, #tpu.memory_space<hbm>>) target(%dma_start3A_497 : memref<8x128xf32, #tpu.memory_space<vmem>>) target_semaphore(%arg8 : memref<!tpu.dma_semaphore, #tpu.memory_space<semaphore_mem>>)
      %dma_start3A_500 = arith.constant 30 : i32
      %dma_start3A_501 = arith.constant 30 : i32
      %dma_start3A_502 = arith.constant 0 : i32
      %dma_start3A_503 = arith.constant 0 : i32
      %dma_start3A_504 = tpu.memref_slice %arg5[%dma_start3A_501, %dma_start3A_502, %dma_start3A_503] : memref<32x8x128xf32, #tpu.memory_space<vmem>> -> memref<1x8x128xf32, #tpu.memory_space<vmem>>
      %dma_start3A_505 = tpu.memref_squeeze %dma_start3A_504 : memref<1x8x128xf32, #tpu.memory_space<vmem>> -> memref<8x128xf32, #tpu.memory_space<vmem>>
      %dma_start3A_506 = tpu.memref_slice %arg2[%dma_start3A_500, %select_n3A, %select_n3A_30, %mul3A_62, %mul3A_80] : memref<32x16x2x64x512xf32, #tpu.memory_space<hbm>> -> memref<1x1x1x8x128xf32, #tpu.memory_space<hbm>>
      %dma_start3A_507 = tpu.memref_squeeze %dma_start3A_506 : memref<1x1x1x8x128xf32, #tpu.memory_space<hbm>> -> memref<8x128xf32, #tpu.memory_space<hbm>>
      %dma_start3A_508 = arith.constant 0 : i32
      %dma_start3A_509 = arith.constant 0 : i32
      %dma_start3A_510 = tpu.memref_slice %arg5[%dma_start3A_501, %dma_start3A_508, %dma_start3A_509] : memref<32x8x128xf32, #tpu.memory_space<vmem>> -> memref<1x8x128xf32, #tpu.memory_space<vmem>>
      %dma_start3A_511 = tpu.memref_squeeze %dma_start3A_510 : memref<1x8x128xf32, #tpu.memory_space<vmem>> -> memref<8x128xf32, #tpu.memory_space<vmem>>
      %dma_start3A_512 = tpu.memref_slice %arg2[%dma_start3A_500, %select_n3A, %select_n3A_30, %mul3A_62, %mul3A_80] : memref<32x16x2x64x512xf32, #tpu.memory_space<hbm>> -> memref<1x1x1x8x128xf32, #tpu.memory_space<hbm>>
      %dma_start3A_513 = tpu.memref_squeeze %dma_start3A_512 : memref<1x1x1x8x128xf32, #tpu.memory_space<hbm>> -> memref<8x128xf32, #tpu.memory_space<hbm>>
      tpu.enqueue_dma source(%dma_start3A_513 : memref<8x128xf32, #tpu.memory_space<hbm>>) target(%dma_start3A_511 : memref<8x128xf32, #tpu.memory_space<vmem>>) target_semaphore(%arg8 : memref<!tpu.dma_semaphore, #tpu.memory_space<semaphore_mem>>)
      %dma_start3A_514 = arith.constant 31 : i32
      %dma_start3A_515 = arith.constant 31 : i32
      %dma_start3A_516 = arith.constant 0 : i32
      %dma_start3A_517 = arith.constant 0 : i32
      %dma_start3A_518 = tpu.memref_slice %arg5[%dma_start3A_515, %dma_start3A_516, %dma_start3A_517] : memref<32x8x128xf32, #tpu.memory_space<vmem>> -> memref<1x8x128xf32, #tpu.memory_space<vmem>>
      %dma_start3A_519 = tpu.memref_squeeze %dma_start3A_518 : memref<1x8x128xf32, #tpu.memory_space<vmem>> -> memref<8x128xf32, #tpu.memory_space<vmem>>
      %dma_start3A_520 = tpu.memref_slice %arg2[%dma_start3A_514, %select_n3A, %select_n3A_30, %mul3A_62, %mul3A_80] : memref<32x16x2x64x512xf32, #tpu.memory_space<hbm>> -> memref<1x1x1x8x128xf32, #tpu.memory_space<hbm>>
      %dma_start3A_521 = tpu.memref_squeeze %dma_start3A_520 : memref<1x1x1x8x128xf32, #tpu.memory_space<hbm>> -> memref<8x128xf32, #tpu.memory_space<hbm>>
      %dma_start3A_522 = arith.constant 0 : i32
      %dma_start3A_523 = arith.constant 0 : i32
      %dma_start3A_524 = tpu.memref_slice %arg5[%dma_start3A_515, %dma_start3A_522, %dma_start3A_523] : memref<32x8x128xf32, #tpu.memory_space<vmem>> -> memref<1x8x128xf32, #tpu.memory_space<vmem>>
      %dma_start3A_525 = tpu.memref_squeeze %dma_start3A_524 : memref<1x8x128xf32, #tpu.memory_space<vmem>> -> memref<8x128xf32, #tpu.memory_space<vmem>>
      %dma_start3A_526 = tpu.memref_slice %arg2[%dma_start3A_514, %select_n3A, %select_n3A_30, %mul3A_62, %mul3A_80] : memref<32x16x2x64x512xf32, #tpu.memory_space<hbm>> -> memref<1x1x1x8x128xf32, #tpu.memory_space<hbm>>
      %dma_start3A_527 = tpu.memref_squeeze %dma_start3A_526 : memref<1x1x1x8x128xf32, #tpu.memory_space<hbm>> -> memref<8x128xf32, #tpu.memory_space<hbm>>
      tpu.enqueue_dma source(%dma_start3A_527 : memref<8x128xf32, #tpu.memory_space<hbm>>) target(%dma_start3A_525 : memref<8x128xf32, #tpu.memory_space<vmem>>) target_semaphore(%arg8 : memref<!tpu.dma_semaphore, #tpu.memory_space<semaphore_mem>>)
      %dma_start3A_528 = tpu.memref_slice %arg3[%add3A, %mul3A_62, %mul3A_80] : memref<32x64x512xf32, #tpu.memory_space<hbm>> -> memref<1x8x128xf32, #tpu.memory_space<hbm>>
      %dma_start3A_529 = tpu.memref_squeeze %dma_start3A_528 : memref<1x8x128xf32, #tpu.memory_space<hbm>> -> memref<8x128xf32, #tpu.memory_space<hbm>>
      %dma_start3A_530 = tpu.memref_slice %arg3[%add3A, %mul3A_62, %mul3A_80] : memref<32x64x512xf32, #tpu.memory_space<hbm>> -> memref<1x8x128xf32, #tpu.memory_space<hbm>>
      %dma_start3A_531 = tpu.memref_squeeze %dma_start3A_530 : memref<1x8x128xf32, #tpu.memory_space<hbm>> -> memref<8x128xf32, #tpu.memory_space<hbm>>
      tpu.enqueue_dma source(%dma_start3A_531 : memref<8x128xf32, #tpu.memory_space<hbm>>) target(%arg7 : memref<8x128xf32, #tpu.memory_space<vmem>>) target_semaphore(%arg8 : memref<!tpu.dma_semaphore, #tpu.memory_space<semaphore_mem>>)
      %dma_wait3A = arith.constant 0 : i32
      %dma_wait3A_532 = arith.constant 0 : i32
      %dma_wait3A_533 = arith.constant 0 : i32
      %dma_wait3A_534 = arith.constant 0 : i32
      %dma_wait3A_535 = tpu.memref_slice %arg5[%dma_wait3A_532, %dma_wait3A_533, %dma_wait3A_534] : memref<32x8x128xf32, #tpu.memory_space<vmem>> -> memref<1x8x128xf32, #tpu.memory_space<vmem>>
      %dma_wait3A_536 = tpu.memref_squeeze %dma_wait3A_535 : memref<1x8x128xf32, #tpu.memory_space<vmem>> -> memref<8x128xf32, #tpu.memory_space<vmem>>
      %dma_wait3A_537 = tpu.memref_slice %arg2[%dma_wait3A, %select_n3A, %select_n3A_30, %mul3A_62, %mul3A_80] : memref<32x16x2x64x512xf32, #tpu.memory_space<hbm>> -> memref<1x1x1x8x128xf32, #tpu.memory_space<hbm>>
      %dma_wait3A_538 = tpu.memref_squeeze %dma_wait3A_537 : memref<1x1x1x8x128xf32, #tpu.memory_space<hbm>> -> memref<8x128xf32, #tpu.memory_space<hbm>>
      %dma_wait3A_539 = arith.constant 0 : i32
      %dma_wait3A_540 = arith.constant 0 : i32
      %dma_wait3A_541 = tpu.memref_slice %arg5[%dma_wait3A_532, %dma_wait3A_539, %dma_wait3A_540] : memref<32x8x128xf32, #tpu.memory_space<vmem>> -> memref<1x8x128xf32, #tpu.memory_space<vmem>>
      %dma_wait3A_542 = tpu.memref_squeeze %dma_wait3A_541 : memref<1x8x128xf32, #tpu.memory_space<vmem>> -> memref<8x128xf32, #tpu.memory_space<vmem>>
      %dma_wait3A_543 = tpu.memref_slice %arg2[%dma_wait3A, %select_n3A, %select_n3A_30, %mul3A_62, %mul3A_80] : memref<32x16x2x64x512xf32, #tpu.memory_space<hbm>> -> memref<1x1x1x8x128xf32, #tpu.memory_space<hbm>>
      %dma_wait3A_544 = tpu.memref_squeeze %dma_wait3A_543 : memref<1x1x1x8x128xf32, #tpu.memory_space<hbm>> -> memref<8x128xf32, #tpu.memory_space<hbm>>
      tpu.wait_dma2 semaphore(%arg8 : memref<!tpu.dma_semaphore, #tpu.memory_space<semaphore_mem>>) src(%dma_wait3A_544 : memref<8x128xf32, #tpu.memory_space<hbm>>) dst(%dma_wait3A_542 : memref<8x128xf32, #tpu.memory_space<vmem>>)
      %dma_wait3A_545 = arith.constant 1 : i32
      %dma_wait3A_546 = arith.constant 1 : i32
      %dma_wait3A_547 = arith.constant 0 : i32
      %dma_wait3A_548 = arith.constant 0 : i32
      %dma_wait3A_549 = tpu.memref_slice %arg5[%dma_wait3A_546, %dma_wait3A_547, %dma_wait3A_548] : memref<32x8x128xf32, #tpu.memory_space<vmem>> -> memref<1x8x128xf32, #tpu.memory_space<vmem>>
      %dma_wait3A_550 = tpu.memref_squeeze %dma_wait3A_549 : memref<1x8x128xf32, #tpu.memory_space<vmem>> -> memref<8x128xf32, #tpu.memory_space<vmem>>
      %dma_wait3A_551 = tpu.memref_slice %arg2[%dma_wait3A_545, %select_n3A, %select_n3A_30, %mul3A_62, %mul3A_80] : memref<32x16x2x64x512xf32, #tpu.memory_space<hbm>> -> memref<1x1x1x8x128xf32, #tpu.memory_space<hbm>>
      %dma_wait3A_552 = tpu.memref_squeeze %dma_wait3A_551 : memref<1x1x1x8x128xf32, #tpu.memory_space<hbm>> -> memref<8x128xf32, #tpu.memory_space<hbm>>
      %dma_wait3A_553 = arith.constant 0 : i32
      %dma_wait3A_554 = arith.constant 0 : i32
      %dma_wait3A_555 = tpu.memref_slice %arg5[%dma_wait3A_546, %dma_wait3A_553, %dma_wait3A_554] : memref<32x8x128xf32, #tpu.memory_space<vmem>> -> memref<1x8x128xf32, #tpu.memory_space<vmem>>
      %dma_wait3A_556 = tpu.memref_squeeze %dma_wait3A_555 : memref<1x8x128xf32, #tpu.memory_space<vmem>> -> memref<8x128xf32, #tpu.memory_space<vmem>>
      %dma_wait3A_557 = tpu.memref_slice %arg2[%dma_wait3A_545, %select_n3A, %select_n3A_30, %mul3A_62, %mul3A_80] : memref<32x16x2x64x512xf32, #tpu.memory_space<hbm>> -> memref<1x1x1x8x128xf32, #tpu.memory_space<hbm>>
      %dma_wait3A_558 = tpu.memref_squeeze %dma_wait3A_557 : memref<1x1x1x8x128xf32, #tpu.memory_space<hbm>> -> memref<8x128xf32, #tpu.memory_space<hbm>>
      tpu.wait_dma2 semaphore(%arg8 : memref<!tpu.dma_semaphore, #tpu.memory_space<semaphore_mem>>) src(%dma_wait3A_558 : memref<8x128xf32, #tpu.memory_space<hbm>>) dst(%dma_wait3A_556 : memref<8x128xf32, #tpu.memory_space<vmem>>)
      %dma_wait3A_559 = arith.constant 2 : i32
      %dma_wait3A_560 = arith.constant 2 : i32
      %dma_wait3A_561 = arith.constant 0 : i32
      %dma_wait3A_562 = arith.constant 0 : i32
      %dma_wait3A_563 = tpu.memref_slice %arg5[%dma_wait3A_560, %dma_wait3A_561, %dma_wait3A_562] : memref<32x8x128xf32, #tpu.memory_space<vmem>> -> memref<1x8x128xf32, #tpu.memory_space<vmem>>
      %dma_wait3A_564 = tpu.memref_squeeze %dma_wait3A_563 : memref<1x8x128xf32, #tpu.memory_space<vmem>> -> memref<8x128xf32, #tpu.memory_space<vmem>>
      %dma_wait3A_565 = tpu.memref_slice %arg2[%dma_wait3A_559, %select_n3A, %select_n3A_30, %mul3A_62, %mul3A_80] : memref<32x16x2x64x512xf32, #tpu.memory_space<hbm>> -> memref<1x1x1x8x128xf32, #tpu.memory_space<hbm>>
      %dma_wait3A_566 = tpu.memref_squeeze %dma_wait3A_565 : memref<1x1x1x8x128xf32, #tpu.memory_space<hbm>> -> memref<8x128xf32, #tpu.memory_space<hbm>>
      %dma_wait3A_567 = arith.constant 0 : i32
      %dma_wait3A_568 = arith.constant 0 : i32
      %dma_wait3A_569 = tpu.memref_slice %arg5[%dma_wait3A_560, %dma_wait3A_567, %dma_wait3A_568] : memref<32x8x128xf32, #tpu.memory_space<vmem>> -> memref<1x8x128xf32, #tpu.memory_space<vmem>>
      %dma_wait3A_570 = tpu.memref_squeeze %dma_wait3A_569 : memref<1x8x128xf32, #tpu.memory_space<vmem>> -> memref<8x128xf32, #tpu.memory_space<vmem>>
      %dma_wait3A_571 = tpu.memref_slice %arg2[%dma_wait3A_559, %select_n3A, %select_n3A_30, %mul3A_62, %mul3A_80] : memref<32x16x2x64x512xf32, #tpu.memory_space<hbm>> -> memref<1x1x1x8x128xf32, #tpu.memory_space<hbm>>
      %dma_wait3A_572 = tpu.memref_squeeze %dma_wait3A_571 : memref<1x1x1x8x128xf32, #tpu.memory_space<hbm>> -> memref<8x128xf32, #tpu.memory_space<hbm>>
      tpu.wait_dma2 semaphore(%arg8 : memref<!tpu.dma_semaphore, #tpu.memory_space<semaphore_mem>>) src(%dma_wait3A_572 : memref<8x128xf32, #tpu.memory_space<hbm>>) dst(%dma_wait3A_570 : memref<8x128xf32, #tpu.memory_space<vmem>>)
      %dma_wait3A_573 = arith.constant 3 : i32
      %dma_wait3A_574 = arith.constant 3 : i32
      %dma_wait3A_575 = arith.constant 0 : i32
      %dma_wait3A_576 = arith.constant 0 : i32
      %dma_wait3A_577 = tpu.memref_slice %arg5[%dma_wait3A_574, %dma_wait3A_575, %dma_wait3A_576] : memref<32x8x128xf32, #tpu.memory_space<vmem>> -> memref<1x8x128xf32, #tpu.memory_space<vmem>>
      %dma_wait3A_578 = tpu.memref_squeeze %dma_wait3A_577 : memref<1x8x128xf32, #tpu.memory_space<vmem>> -> memref<8x128xf32, #tpu.memory_space<vmem>>
      %dma_wait3A_579 = tpu.memref_slice %arg2[%dma_wait3A_573, %select_n3A, %select_n3A_30, %mul3A_62, %mul3A_80] : memref<32x16x2x64x512xf32, #tpu.memory_space<hbm>> -> memref<1x1x1x8x128xf32, #tpu.memory_space<hbm>>
      %dma_wait3A_580 = tpu.memref_squeeze %dma_wait3A_579 : memref<1x1x1x8x128xf32, #tpu.memory_space<hbm>> -> memref<8x128xf32, #tpu.memory_space<hbm>>
      %dma_wait3A_581 = arith.constant 0 : i32
      %dma_wait3A_582 = arith.constant 0 : i32
      %dma_wait3A_583 = tpu.memref_slice %arg5[%dma_wait3A_574, %dma_wait3A_581, %dma_wait3A_582] : memref<32x8x128xf32, #tpu.memory_space<vmem>> -> memref<1x8x128xf32, #tpu.memory_space<vmem>>
      %dma_wait3A_584 = tpu.memref_squeeze %dma_wait3A_583 : memref<1x8x128xf32, #tpu.memory_space<vmem>> -> memref<8x128xf32, #tpu.memory_space<vmem>>
      %dma_wait3A_585 = tpu.memref_slice %arg2[%dma_wait3A_573, %select_n3A, %select_n3A_30, %mul3A_62, %mul3A_80] : memref<32x16x2x64x512xf32, #tpu.memory_space<hbm>> -> memref<1x1x1x8x128xf32, #tpu.memory_space<hbm>>
      %dma_wait3A_586 = tpu.memref_squeeze %dma_wait3A_585 : memref<1x1x1x8x128xf32, #tpu.memory_space<hbm>> -> memref<8x128xf32, #tpu.memory_space<hbm>>
      tpu.wait_dma2 semaphore(%arg8 : memref<!tpu.dma_semaphore, #tpu.memory_space<semaphore_mem>>) src(%dma_wait3A_586 : memref<8x128xf32, #tpu.memory_space<hbm>>) dst(%dma_wait3A_584 : memref<8x128xf32, #tpu.memory_space<vmem>>)
      %dma_wait3A_587 = arith.constant 4 : i32
      %dma_wait3A_588 = arith.constant 4 : i32
      %dma_wait3A_589 = arith.constant 0 : i32
      %dma_wait3A_590 = arith.constant 0 : i32
      %dma_wait3A_591 = tpu.memref_slice %arg5[%dma_wait3A_588, %dma_wait3A_589, %dma_wait3A_590] : memref<32x8x128xf32, #tpu.memory_space<vmem>> -> memref<1x8x128xf32, #tpu.memory_space<vmem>>
      %dma_wait3A_592 = tpu.memref_squeeze %dma_wait3A_591 : memref<1x8x128xf32, #tpu.memory_space<vmem>> -> memref<8x128xf32, #tpu.memory_space<vmem>>
      %dma_wait3A_593 = tpu.memref_slice %arg2[%dma_wait3A_587, %select_n3A, %select_n3A_30, %mul3A_62, %mul3A_80] : memref<32x16x2x64x512xf32, #tpu.memory_space<hbm>> -> memref<1x1x1x8x128xf32, #tpu.memory_space<hbm>>
      %dma_wait3A_594 = tpu.memref_squeeze %dma_wait3A_593 : memref<1x1x1x8x128xf32, #tpu.memory_space<hbm>> -> memref<8x128xf32, #tpu.memory_space<hbm>>
      %dma_wait3A_595 = arith.constant 0 : i32
      %dma_wait3A_596 = arith.constant 0 : i32
      %dma_wait3A_597 = tpu.memref_slice %arg5[%dma_wait3A_588, %dma_wait3A_595, %dma_wait3A_596] : memref<32x8x128xf32, #tpu.memory_space<vmem>> -> memref<1x8x128xf32, #tpu.memory_space<vmem>>
      %dma_wait3A_598 = tpu.memref_squeeze %dma_wait3A_597 : memref<1x8x128xf32, #tpu.memory_space<vmem>> -> memref<8x128xf32, #tpu.memory_space<vmem>>
      %dma_wait3A_599 = tpu.memref_slice %arg2[%dma_wait3A_587, %select_n3A, %select_n3A_30, %mul3A_62, %mul3A_80] : memref<32x16x2x64x512xf32, #tpu.memory_space<hbm>> -> memref<1x1x1x8x128xf32, #tpu.memory_space<hbm>>
      %dma_wait3A_600 = tpu.memref_squeeze %dma_wait3A_599 : memref<1x1x1x8x128xf32, #tpu.memory_space<hbm>> -> memref<8x128xf32, #tpu.memory_space<hbm>>
      tpu.wait_dma2 semaphore(%arg8 : memref<!tpu.dma_semaphore, #tpu.memory_space<semaphore_mem>>) src(%dma_wait3A_600 : memref<8x128xf32, #tpu.memory_space<hbm>>) dst(%dma_wait3A_598 : memref<8x128xf32, #tpu.memory_space<vmem>>)
      %dma_wait3A_601 = arith.constant 5 : i32
      %dma_wait3A_602 = arith.constant 5 : i32
      %dma_wait3A_603 = arith.constant 0 : i32
      %dma_wait3A_604 = arith.constant 0 : i32
      %dma_wait3A_605 = tpu.memref_slice %arg5[%dma_wait3A_602, %dma_wait3A_603, %dma_wait3A_604] : memref<32x8x128xf32, #tpu.memory_space<vmem>> -> memref<1x8x128xf32, #tpu.memory_space<vmem>>
      %dma_wait3A_606 = tpu.memref_squeeze %dma_wait3A_605 : memref<1x8x128xf32, #tpu.memory_space<vmem>> -> memref<8x128xf32, #tpu.memory_space<vmem>>
      %dma_wait3A_607 = tpu.memref_slice %arg2[%dma_wait3A_601, %select_n3A, %select_n3A_30, %mul3A_62, %mul3A_80] : memref<32x16x2x64x512xf32, #tpu.memory_space<hbm>> -> memref<1x1x1x8x128xf32, #tpu.memory_space<hbm>>
      %dma_wait3A_608 = tpu.memref_squeeze %dma_wait3A_607 : memref<1x1x1x8x128xf32, #tpu.memory_space<hbm>> -> memref<8x128xf32, #tpu.memory_space<hbm>>
      %dma_wait3A_609 = arith.constant 0 : i32
      %dma_wait3A_610 = arith.constant 0 : i32
      %dma_wait3A_611 = tpu.memref_slice %arg5[%dma_wait3A_602, %dma_wait3A_609, %dma_wait3A_610] : memref<32x8x128xf32, #tpu.memory_space<vmem>> -> memref<1x8x128xf32, #tpu.memory_space<vmem>>
      %dma_wait3A_612 = tpu.memref_squeeze %dma_wait3A_611 : memref<1x8x128xf32, #tpu.memory_space<vmem>> -> memref<8x128xf32, #tpu.memory_space<vmem>>
      %dma_wait3A_613 = tpu.memref_slice %arg2[%dma_wait3A_601, %select_n3A, %select_n3A_30, %mul3A_62, %mul3A_80] : memref<32x16x2x64x512xf32, #tpu.memory_space<hbm>> -> memref<1x1x1x8x128xf32, #tpu.memory_space<hbm>>
      %dma_wait3A_614 = tpu.memref_squeeze %dma_wait3A_613 : memref<1x1x1x8x128xf32, #tpu.memory_space<hbm>> -> memref<8x128xf32, #tpu.memory_space<hbm>>
      tpu.wait_dma2 semaphore(%arg8 : memref<!tpu.dma_semaphore, #tpu.memory_space<semaphore_mem>>) src(%dma_wait3A_614 : memref<8x128xf32, #tpu.memory_space<hbm>>) dst(%dma_wait3A_612 : memref<8x128xf32, #tpu.memory_space<vmem>>)
      %dma_wait3A_615 = arith.constant 6 : i32
      %dma_wait3A_616 = arith.constant 6 : i32
      %dma_wait3A_617 = arith.constant 0 : i32
      %dma_wait3A_618 = arith.constant 0 : i32
      %dma_wait3A_619 = tpu.memref_slice %arg5[%dma_wait3A_616, %dma_wait3A_617, %dma_wait3A_618] : memref<32x8x128xf32, #tpu.memory_space<vmem>> -> memref<1x8x128xf32, #tpu.memory_space<vmem>>
      %dma_wait3A_620 = tpu.memref_squeeze %dma_wait3A_619 : memref<1x8x128xf32, #tpu.memory_space<vmem>> -> memref<8x128xf32, #tpu.memory_space<vmem>>
      %dma_wait3A_621 = tpu.memref_slice %arg2[%dma_wait3A_615, %select_n3A, %select_n3A_30, %mul3A_62, %mul3A_80] : memref<32x16x2x64x512xf32, #tpu.memory_space<hbm>> -> memref<1x1x1x8x128xf32, #tpu.memory_space<hbm>>
      %dma_wait3A_622 = tpu.memref_squeeze %dma_wait3A_621 : memref<1x1x1x8x128xf32, #tpu.memory_space<hbm>> -> memref<8x128xf32, #tpu.memory_space<hbm>>
      %dma_wait3A_623 = arith.constant 0 : i32
      %dma_wait3A_624 = arith.constant 0 : i32
      %dma_wait3A_625 = tpu.memref_slice %arg5[%dma_wait3A_616, %dma_wait3A_623, %dma_wait3A_624] : memref<32x8x128xf32, #tpu.memory_space<vmem>> -> memref<1x8x128xf32, #tpu.memory_space<vmem>>
      %dma_wait3A_626 = tpu.memref_squeeze %dma_wait3A_625 : memref<1x8x128xf32, #tpu.memory_space<vmem>> -> memref<8x128xf32, #tpu.memory_space<vmem>>
      %dma_wait3A_627 = tpu.memref_slice %arg2[%dma_wait3A_615, %select_n3A, %select_n3A_30, %mul3A_62, %mul3A_80] : memref<32x16x2x64x512xf32, #tpu.memory_space<hbm>> -> memref<1x1x1x8x128xf32, #tpu.memory_space<hbm>>
      %dma_wait3A_628 = tpu.memref_squeeze %dma_wait3A_627 : memref<1x1x1x8x128xf32, #tpu.memory_space<hbm>> -> memref<8x128xf32, #tpu.memory_space<hbm>>
      tpu.wait_dma2 semaphore(%arg8 : memref<!tpu.dma_semaphore, #tpu.memory_space<semaphore_mem>>) src(%dma_wait3A_628 : memref<8x128xf32, #tpu.memory_space<hbm>>) dst(%dma_wait3A_626 : memref<8x128xf32, #tpu.memory_space<vmem>>)
      %dma_wait3A_629 = arith.constant 7 : i32
      %dma_wait3A_630 = arith.constant 7 : i32
      %dma_wait3A_631 = arith.constant 0 : i32
      %dma_wait3A_632 = arith.constant 0 : i32
      %dma_wait3A_633 = tpu.memref_slice %arg5[%dma_wait3A_630, %dma_wait3A_631, %dma_wait3A_632] : memref<32x8x128xf32, #tpu.memory_space<vmem>> -> memref<1x8x128xf32, #tpu.memory_space<vmem>>
      %dma_wait3A_634 = tpu.memref_squeeze %dma_wait3A_633 : memref<1x8x128xf32, #tpu.memory_space<vmem>> -> memref<8x128xf32, #tpu.memory_space<vmem>>
      %dma_wait3A_635 = tpu.memref_slice %arg2[%dma_wait3A_629, %select_n3A, %select_n3A_30, %mul3A_62, %mul3A_80] : memref<32x16x2x64x512xf32, #tpu.memory_space<hbm>> -> memref<1x1x1x8x128xf32, #tpu.memory_space<hbm>>
      %dma_wait3A_636 = tpu.memref_squeeze %dma_wait3A_635 : memref<1x1x1x8x128xf32, #tpu.memory_space<hbm>> -> memref<8x128xf32, #tpu.memory_space<hbm>>
      %dma_wait3A_637 = arith.constant 0 : i32
      %dma_wait3A_638 = arith.constant 0 : i32
      %dma_wait3A_639 = tpu.memref_slice %arg5[%dma_wait3A_630, %dma_wait3A_637, %dma_wait3A_638] : memref<32x8x128xf32, #tpu.memory_space<vmem>> -> memref<1x8x128xf32, #tpu.memory_space<vmem>>
      %dma_wait3A_640 = tpu.memref_squeeze %dma_wait3A_639 : memref<1x8x128xf32, #tpu.memory_space<vmem>> -> memref<8x128xf32, #tpu.memory_space<vmem>>
      %dma_wait3A_641 = tpu.memref_slice %arg2[%dma_wait3A_629, %select_n3A, %select_n3A_30, %mul3A_62, %mul3A_80] : memref<32x16x2x64x512xf32, #tpu.memory_space<hbm>> -> memref<1x1x1x8x128xf32, #tpu.memory_space<hbm>>
      %dma_wait3A_642 = tpu.memref_squeeze %dma_wait3A_641 : memref<1x1x1x8x128xf32, #tpu.memory_space<hbm>> -> memref<8x128xf32, #tpu.memory_space<hbm>>
      tpu.wait_dma2 semaphore(%arg8 : memref<!tpu.dma_semaphore, #tpu.memory_space<semaphore_mem>>) src(%dma_wait3A_642 : memref<8x128xf32, #tpu.memory_space<hbm>>) dst(%dma_wait3A_640 : memref<8x128xf32, #tpu.memory_space<vmem>>)
      %dma_wait3A_643 = arith.constant 8 : i32
      %dma_wait3A_644 = arith.constant 8 : i32
      %dma_wait3A_645 = arith.constant 0 : i32
      %dma_wait3A_646 = arith.constant 0 : i32
      %dma_wait3A_647 = tpu.memref_slice %arg5[%dma_wait3A_644, %dma_wait3A_645, %dma_wait3A_646] : memref<32x8x128xf32, #tpu.memory_space<vmem>> -> memref<1x8x128xf32, #tpu.memory_space<vmem>>
      %dma_wait3A_648 = tpu.memref_squeeze %dma_wait3A_647 : memref<1x8x128xf32, #tpu.memory_space<vmem>> -> memref<8x128xf32, #tpu.memory_space<vmem>>
      %dma_wait3A_649 = tpu.memref_slice %arg2[%dma_wait3A_643, %select_n3A, %select_n3A_30, %mul3A_62, %mul3A_80] : memref<32x16x2x64x512xf32, #tpu.memory_space<hbm>> -> memref<1x1x1x8x128xf32, #tpu.memory_space<hbm>>
      %dma_wait3A_650 = tpu.memref_squeeze %dma_wait3A_649 : memref<1x1x1x8x128xf32, #tpu.memory_space<hbm>> -> memref<8x128xf32, #tpu.memory_space<hbm>>
      %dma_wait3A_651 = arith.constant 0 : i32
      %dma_wait3A_652 = arith.constant 0 : i32
      %dma_wait3A_653 = tpu.memref_slice %arg5[%dma_wait3A_644, %dma_wait3A_651, %dma_wait3A_652] : memref<32x8x128xf32, #tpu.memory_space<vmem>> -> memref<1x8x128xf32, #tpu.memory_space<vmem>>
      %dma_wait3A_654 = tpu.memref_squeeze %dma_wait3A_653 : memref<1x8x128xf32, #tpu.memory_space<vmem>> -> memref<8x128xf32, #tpu.memory_space<vmem>>
      %dma_wait3A_655 = tpu.memref_slice %arg2[%dma_wait3A_643, %select_n3A, %select_n3A_30, %mul3A_62, %mul3A_80] : memref<32x16x2x64x512xf32, #tpu.memory_space<hbm>> -> memref<1x1x1x8x128xf32, #tpu.memory_space<hbm>>
      %dma_wait3A_656 = tpu.memref_squeeze %dma_wait3A_655 : memref<1x1x1x8x128xf32, #tpu.memory_space<hbm>> -> memref<8x128xf32, #tpu.memory_space<hbm>>
      tpu.wait_dma2 semaphore(%arg8 : memref<!tpu.dma_semaphore, #tpu.memory_space<semaphore_mem>>) src(%dma_wait3A_656 : memref<8x128xf32, #tpu.memory_space<hbm>>) dst(%dma_wait3A_654 : memref<8x128xf32, #tpu.memory_space<vmem>>)
      %dma_wait3A_657 = arith.constant 9 : i32
      %dma_wait3A_658 = arith.constant 9 : i32
      %dma_wait3A_659 = arith.constant 0 : i32
      %dma_wait3A_660 = arith.constant 0 : i32
      %dma_wait3A_661 = tpu.memref_slice %arg5[%dma_wait3A_658, %dma_wait3A_659, %dma_wait3A_660] : memref<32x8x128xf32, #tpu.memory_space<vmem>> -> memref<1x8x128xf32, #tpu.memory_space<vmem>>
      %dma_wait3A_662 = tpu.memref_squeeze %dma_wait3A_661 : memref<1x8x128xf32, #tpu.memory_space<vmem>> -> memref<8x128xf32, #tpu.memory_space<vmem>>
      %dma_wait3A_663 = tpu.memref_slice %arg2[%dma_wait3A_657, %select_n3A, %select_n3A_30, %mul3A_62, %mul3A_80] : memref<32x16x2x64x512xf32, #tpu.memory_space<hbm>> -> memref<1x1x1x8x128xf32, #tpu.memory_space<hbm>>
      %dma_wait3A_664 = tpu.memref_squeeze %dma_wait3A_663 : memref<1x1x1x8x128xf32, #tpu.memory_space<hbm>> -> memref<8x128xf32, #tpu.memory_space<hbm>>
      %dma_wait3A_665 = arith.constant 0 : i32
      %dma_wait3A_666 = arith.constant 0 : i32
      %dma_wait3A_667 = tpu.memref_slice %arg5[%dma_wait3A_658, %dma_wait3A_665, %dma_wait3A_666] : memref<32x8x128xf32, #tpu.memory_space<vmem>> -> memref<1x8x128xf32, #tpu.memory_space<vmem>>
      %dma_wait3A_668 = tpu.memref_squeeze %dma_wait3A_667 : memref<1x8x128xf32, #tpu.memory_space<vmem>> -> memref<8x128xf32, #tpu.memory_space<vmem>>
      %dma_wait3A_669 = tpu.memref_slice %arg2[%dma_wait3A_657, %select_n3A, %select_n3A_30, %mul3A_62, %mul3A_80] : memref<32x16x2x64x512xf32, #tpu.memory_space<hbm>> -> memref<1x1x1x8x128xf32, #tpu.memory_space<hbm>>
      %dma_wait3A_670 = tpu.memref_squeeze %dma_wait3A_669 : memref<1x1x1x8x128xf32, #tpu.memory_space<hbm>> -> memref<8x128xf32, #tpu.memory_space<hbm>>
      tpu.wait_dma2 semaphore(%arg8 : memref<!tpu.dma_semaphore, #tpu.memory_space<semaphore_mem>>) src(%dma_wait3A_670 : memref<8x128xf32, #tpu.memory_space<hbm>>) dst(%dma_wait3A_668 : memref<8x128xf32, #tpu.memory_space<vmem>>)
      %dma_wait3A_671 = arith.constant 10 : i32
      %dma_wait3A_672 = arith.constant 10 : i32
      %dma_wait3A_673 = arith.constant 0 : i32
      %dma_wait3A_674 = arith.constant 0 : i32
      %dma_wait3A_675 = tpu.memref_slice %arg5[%dma_wait3A_672, %dma_wait3A_673, %dma_wait3A_674] : memref<32x8x128xf32, #tpu.memory_space<vmem>> -> memref<1x8x128xf32, #tpu.memory_space<vmem>>
      %dma_wait3A_676 = tpu.memref_squeeze %dma_wait3A_675 : memref<1x8x128xf32, #tpu.memory_space<vmem>> -> memref<8x128xf32, #tpu.memory_space<vmem>>
      %dma_wait3A_677 = tpu.memref_slice %arg2[%dma_wait3A_671, %select_n3A, %select_n3A_30, %mul3A_62, %mul3A_80] : memref<32x16x2x64x512xf32, #tpu.memory_space<hbm>> -> memref<1x1x1x8x128xf32, #tpu.memory_space<hbm>>
      %dma_wait3A_678 = tpu.memref_squeeze %dma_wait3A_677 : memref<1x1x1x8x128xf32, #tpu.memory_space<hbm>> -> memref<8x128xf32, #tpu.memory_space<hbm>>
      %dma_wait3A_679 = arith.constant 0 : i32
      %dma_wait3A_680 = arith.constant 0 : i32
      %dma_wait3A_681 = tpu.memref_slice %arg5[%dma_wait3A_672, %dma_wait3A_679, %dma_wait3A_680] : memref<32x8x128xf32, #tpu.memory_space<vmem>> -> memref<1x8x128xf32, #tpu.memory_space<vmem>>
      %dma_wait3A_682 = tpu.memref_squeeze %dma_wait3A_681 : memref<1x8x128xf32, #tpu.memory_space<vmem>> -> memref<8x128xf32, #tpu.memory_space<vmem>>
      %dma_wait3A_683 = tpu.memref_slice %arg2[%dma_wait3A_671, %select_n3A, %select_n3A_30, %mul3A_62, %mul3A_80] : memref<32x16x2x64x512xf32, #tpu.memory_space<hbm>> -> memref<1x1x1x8x128xf32, #tpu.memory_space<hbm>>
      %dma_wait3A_684 = tpu.memref_squeeze %dma_wait3A_683 : memref<1x1x1x8x128xf32, #tpu.memory_space<hbm>> -> memref<8x128xf32, #tpu.memory_space<hbm>>
      tpu.wait_dma2 semaphore(%arg8 : memref<!tpu.dma_semaphore, #tpu.memory_space<semaphore_mem>>) src(%dma_wait3A_684 : memref<8x128xf32, #tpu.memory_space<hbm>>) dst(%dma_wait3A_682 : memref<8x128xf32, #tpu.memory_space<vmem>>)
      %dma_wait3A_685 = arith.constant 11 : i32
      %dma_wait3A_686 = arith.constant 11 : i32
      %dma_wait3A_687 = arith.constant 0 : i32
      %dma_wait3A_688 = arith.constant 0 : i32
      %dma_wait3A_689 = tpu.memref_slice %arg5[%dma_wait3A_686, %dma_wait3A_687, %dma_wait3A_688] : memref<32x8x128xf32, #tpu.memory_space<vmem>> -> memref<1x8x128xf32, #tpu.memory_space<vmem>>
      %dma_wait3A_690 = tpu.memref_squeeze %dma_wait3A_689 : memref<1x8x128xf32, #tpu.memory_space<vmem>> -> memref<8x128xf32, #tpu.memory_space<vmem>>
      %dma_wait3A_691 = tpu.memref_slice %arg2[%dma_wait3A_685, %select_n3A, %select_n3A_30, %mul3A_62, %mul3A_80] : memref<32x16x2x64x512xf32, #tpu.memory_space<hbm>> -> memref<1x1x1x8x128xf32, #tpu.memory_space<hbm>>
      %dma_wait3A_692 = tpu.memref_squeeze %dma_wait3A_691 : memref<1x1x1x8x128xf32, #tpu.memory_space<hbm>> -> memref<8x128xf32, #tpu.memory_space<hbm>>
      %dma_wait3A_693 = arith.constant 0 : i32
      %dma_wait3A_694 = arith.constant 0 : i32
      %dma_wait3A_695 = tpu.memref_slice %arg5[%dma_wait3A_686, %dma_wait3A_693, %dma_wait3A_694] : memref<32x8x128xf32, #tpu.memory_space<vmem>> -> memref<1x8x128xf32, #tpu.memory_space<vmem>>
      %dma_wait3A_696 = tpu.memref_squeeze %dma_wait3A_695 : memref<1x8x128xf32, #tpu.memory_space<vmem>> -> memref<8x128xf32, #tpu.memory_space<vmem>>
      %dma_wait3A_697 = tpu.memref_slice %arg2[%dma_wait3A_685, %select_n3A, %select_n3A_30, %mul3A_62, %mul3A_80] : memref<32x16x2x64x512xf32, #tpu.memory_space<hbm>> -> memref<1x1x1x8x128xf32, #tpu.memory_space<hbm>>
      %dma_wait3A_698 = tpu.memref_squeeze %dma_wait3A_697 : memref<1x1x1x8x128xf32, #tpu.memory_space<hbm>> -> memref<8x128xf32, #tpu.memory_space<hbm>>
      tpu.wait_dma2 semaphore(%arg8 : memref<!tpu.dma_semaphore, #tpu.memory_space<semaphore_mem>>) src(%dma_wait3A_698 : memref<8x128xf32, #tpu.memory_space<hbm>>) dst(%dma_wait3A_696 : memref<8x128xf32, #tpu.memory_space<vmem>>)
      %dma_wait3A_699 = arith.constant 12 : i32
      %dma_wait3A_700 = arith.constant 12 : i32
      %dma_wait3A_701 = arith.constant 0 : i32
      %dma_wait3A_702 = arith.constant 0 : i32
      %dma_wait3A_703 = tpu.memref_slice %arg5[%dma_wait3A_700, %dma_wait3A_701, %dma_wait3A_702] : memref<32x8x128xf32, #tpu.memory_space<vmem>> -> memref<1x8x128xf32, #tpu.memory_space<vmem>>
      %dma_wait3A_704 = tpu.memref_squeeze %dma_wait3A_703 : memref<1x8x128xf32, #tpu.memory_space<vmem>> -> memref<8x128xf32, #tpu.memory_space<vmem>>
      %dma_wait3A_705 = tpu.memref_slice %arg2[%dma_wait3A_699, %select_n3A, %select_n3A_30, %mul3A_62, %mul3A_80] : memref<32x16x2x64x512xf32, #tpu.memory_space<hbm>> -> memref<1x1x1x8x128xf32, #tpu.memory_space<hbm>>
      %dma_wait3A_706 = tpu.memref_squeeze %dma_wait3A_705 : memref<1x1x1x8x128xf32, #tpu.memory_space<hbm>> -> memref<8x128xf32, #tpu.memory_space<hbm>>
      %dma_wait3A_707 = arith.constant 0 : i32
      %dma_wait3A_708 = arith.constant 0 : i32
      %dma_wait3A_709 = tpu.memref_slice %arg5[%dma_wait3A_700, %dma_wait3A_707, %dma_wait3A_708] : memref<32x8x128xf32, #tpu.memory_space<vmem>> -> memref<1x8x128xf32, #tpu.memory_space<vmem>>
      %dma_wait3A_710 = tpu.memref_squeeze %dma_wait3A_709 : memref<1x8x128xf32, #tpu.memory_space<vmem>> -> memref<8x128xf32, #tpu.memory_space<vmem>>
      %dma_wait3A_711 = tpu.memref_slice %arg2[%dma_wait3A_699, %select_n3A, %select_n3A_30, %mul3A_62, %mul3A_80] : memref<32x16x2x64x512xf32, #tpu.memory_space<hbm>> -> memref<1x1x1x8x128xf32, #tpu.memory_space<hbm>>
      %dma_wait3A_712 = tpu.memref_squeeze %dma_wait3A_711 : memref<1x1x1x8x128xf32, #tpu.memory_space<hbm>> -> memref<8x128xf32, #tpu.memory_space<hbm>>
      tpu.wait_dma2 semaphore(%arg8 : memref<!tpu.dma_semaphore, #tpu.memory_space<semaphore_mem>>) src(%dma_wait3A_712 : memref<8x128xf32, #tpu.memory_space<hbm>>) dst(%dma_wait3A_710 : memref<8x128xf32, #tpu.memory_space<vmem>>)
      %dma_wait3A_713 = arith.constant 13 : i32
      %dma_wait3A_714 = arith.constant 13 : i32
      %dma_wait3A_715 = arith.constant 0 : i32
      %dma_wait3A_716 = arith.constant 0 : i32
      %dma_wait3A_717 = tpu.memref_slice %arg5[%dma_wait3A_714, %dma_wait3A_715, %dma_wait3A_716] : memref<32x8x128xf32, #tpu.memory_space<vmem>> -> memref<1x8x128xf32, #tpu.memory_space<vmem>>
      %dma_wait3A_718 = tpu.memref_squeeze %dma_wait3A_717 : memref<1x8x128xf32, #tpu.memory_space<vmem>> -> memref<8x128xf32, #tpu.memory_space<vmem>>
      %dma_wait3A_719 = tpu.memref_slice %arg2[%dma_wait3A_713, %select_n3A, %select_n3A_30, %mul3A_62, %mul3A_80] : memref<32x16x2x64x512xf32, #tpu.memory_space<hbm>> -> memref<1x1x1x8x128xf32, #tpu.memory_space<hbm>>
      %dma_wait3A_720 = tpu.memref_squeeze %dma_wait3A_719 : memref<1x1x1x8x128xf32, #tpu.memory_space<hbm>> -> memref<8x128xf32, #tpu.memory_space<hbm>>
      %dma_wait3A_721 = arith.constant 0 : i32
      %dma_wait3A_722 = arith.constant 0 : i32
      %dma_wait3A_723 = tpu.memref_slice %arg5[%dma_wait3A_714, %dma_wait3A_721, %dma_wait3A_722] : memref<32x8x128xf32, #tpu.memory_space<vmem>> -> memref<1x8x128xf32, #tpu.memory_space<vmem>>
      %dma_wait3A_724 = tpu.memref_squeeze %dma_wait3A_723 : memref<1x8x128xf32, #tpu.memory_space<vmem>> -> memref<8x128xf32, #tpu.memory_space<vmem>>
      %dma_wait3A_725 = tpu.memref_slice %arg2[%dma_wait3A_713, %select_n3A, %select_n3A_30, %mul3A_62, %mul3A_80] : memref<32x16x2x64x512xf32, #tpu.memory_space<hbm>> -> memref<1x1x1x8x128xf32, #tpu.memory_space<hbm>>
      %dma_wait3A_726 = tpu.memref_squeeze %dma_wait3A_725 : memref<1x1x1x8x128xf32, #tpu.memory_space<hbm>> -> memref<8x128xf32, #tpu.memory_space<hbm>>
      tpu.wait_dma2 semaphore(%arg8 : memref<!tpu.dma_semaphore, #tpu.memory_space<semaphore_mem>>) src(%dma_wait3A_726 : memref<8x128xf32, #tpu.memory_space<hbm>>) dst(%dma_wait3A_724 : memref<8x128xf32, #tpu.memory_space<vmem>>)
      %dma_wait3A_727 = arith.constant 14 : i32
      %dma_wait3A_728 = arith.constant 14 : i32
      %dma_wait3A_729 = arith.constant 0 : i32
      %dma_wait3A_730 = arith.constant 0 : i32
      %dma_wait3A_731 = tpu.memref_slice %arg5[%dma_wait3A_728, %dma_wait3A_729, %dma_wait3A_730] : memref<32x8x128xf32, #tpu.memory_space<vmem>> -> memref<1x8x128xf32, #tpu.memory_space<vmem>>
      %dma_wait3A_732 = tpu.memref_squeeze %dma_wait3A_731 : memref<1x8x128xf32, #tpu.memory_space<vmem>> -> memref<8x128xf32, #tpu.memory_space<vmem>>
      %dma_wait3A_733 = tpu.memref_slice %arg2[%dma_wait3A_727, %select_n3A, %select_n3A_30, %mul3A_62, %mul3A_80] : memref<32x16x2x64x512xf32, #tpu.memory_space<hbm>> -> memref<1x1x1x8x128xf32, #tpu.memory_space<hbm>>
      %dma_wait3A_734 = tpu.memref_squeeze %dma_wait3A_733 : memref<1x1x1x8x128xf32, #tpu.memory_space<hbm>> -> memref<8x128xf32, #tpu.memory_space<hbm>>
      %dma_wait3A_735 = arith.constant 0 : i32
      %dma_wait3A_736 = arith.constant 0 : i32
      %dma_wait3A_737 = tpu.memref_slice %arg5[%dma_wait3A_728, %dma_wait3A_735, %dma_wait3A_736] : memref<32x8x128xf32, #tpu.memory_space<vmem>> -> memref<1x8x128xf32, #tpu.memory_space<vmem>>
      %dma_wait3A_738 = tpu.memref_squeeze %dma_wait3A_737 : memref<1x8x128xf32, #tpu.memory_space<vmem>> -> memref<8x128xf32, #tpu.memory_space<vmem>>
      %dma_wait3A_739 = tpu.memref_slice %arg2[%dma_wait3A_727, %select_n3A, %select_n3A_30, %mul3A_62, %mul3A_80] : memref<32x16x2x64x512xf32, #tpu.memory_space<hbm>> -> memref<1x1x1x8x128xf32, #tpu.memory_space<hbm>>
      %dma_wait3A_740 = tpu.memref_squeeze %dma_wait3A_739 : memref<1x1x1x8x128xf32, #tpu.memory_space<hbm>> -> memref<8x128xf32, #tpu.memory_space<hbm>>
      tpu.wait_dma2 semaphore(%arg8 : memref<!tpu.dma_semaphore, #tpu.memory_space<semaphore_mem>>) src(%dma_wait3A_740 : memref<8x128xf32, #tpu.memory_space<hbm>>) dst(%dma_wait3A_738 : memref<8x128xf32, #tpu.memory_space<vmem>>)
      %dma_wait3A_741 = arith.constant 15 : i32
      %dma_wait3A_742 = arith.constant 15 : i32
      %dma_wait3A_743 = arith.constant 0 : i32
      %dma_wait3A_744 = arith.constant 0 : i32
      %dma_wait3A_745 = tpu.memref_slice %arg5[%dma_wait3A_742, %dma_wait3A_743, %dma_wait3A_744] : memref<32x8x128xf32, #tpu.memory_space<vmem>> -> memref<1x8x128xf32, #tpu.memory_space<vmem>>
      %dma_wait3A_746 = tpu.memref_squeeze %dma_wait3A_745 : memref<1x8x128xf32, #tpu.memory_space<vmem>> -> memref<8x128xf32, #tpu.memory_space<vmem>>
      %dma_wait3A_747 = tpu.memref_slice %arg2[%dma_wait3A_741, %select_n3A, %select_n3A_30, %mul3A_62, %mul3A_80] : memref<32x16x2x64x512xf32, #tpu.memory_space<hbm>> -> memref<1x1x1x8x128xf32, #tpu.memory_space<hbm>>
      %dma_wait3A_748 = tpu.memref_squeeze %dma_wait3A_747 : memref<1x1x1x8x128xf32, #tpu.memory_space<hbm>> -> memref<8x128xf32, #tpu.memory_space<hbm>>
      %dma_wait3A_749 = arith.constant 0 : i32
      %dma_wait3A_750 = arith.constant 0 : i32
      %dma_wait3A_751 = tpu.memref_slice %arg5[%dma_wait3A_742, %dma_wait3A_749, %dma_wait3A_750] : memref<32x8x128xf32, #tpu.memory_space<vmem>> -> memref<1x8x128xf32, #tpu.memory_space<vmem>>
      %dma_wait3A_752 = tpu.memref_squeeze %dma_wait3A_751 : memref<1x8x128xf32, #tpu.memory_space<vmem>> -> memref<8x128xf32, #tpu.memory_space<vmem>>
      %dma_wait3A_753 = tpu.memref_slice %arg2[%dma_wait3A_741, %select_n3A, %select_n3A_30, %mul3A_62, %mul3A_80] : memref<32x16x2x64x512xf32, #tpu.memory_space<hbm>> -> memref<1x1x1x8x128xf32, #tpu.memory_space<hbm>>
      %dma_wait3A_754 = tpu.memref_squeeze %dma_wait3A_753 : memref<1x1x1x8x128xf32, #tpu.memory_space<hbm>> -> memref<8x128xf32, #tpu.memory_space<hbm>>
      tpu.wait_dma2 semaphore(%arg8 : memref<!tpu.dma_semaphore, #tpu.memory_space<semaphore_mem>>) src(%dma_wait3A_754 : memref<8x128xf32, #tpu.memory_space<hbm>>) dst(%dma_wait3A_752 : memref<8x128xf32, #tpu.memory_space<vmem>>)
      %dma_wait3A_755 = arith.constant 16 : i32
      %dma_wait3A_756 = arith.constant 16 : i32
      %dma_wait3A_757 = arith.constant 0 : i32
      %dma_wait3A_758 = arith.constant 0 : i32
      %dma_wait3A_759 = tpu.memref_slice %arg5[%dma_wait3A_756, %dma_wait3A_757, %dma_wait3A_758] : memref<32x8x128xf32, #tpu.memory_space<vmem>> -> memref<1x8x128xf32, #tpu.memory_space<vmem>>
      %dma_wait3A_760 = tpu.memref_squeeze %dma_wait3A_759 : memref<1x8x128xf32, #tpu.memory_space<vmem>> -> memref<8x128xf32, #tpu.memory_space<vmem>>
      %dma_wait3A_761 = tpu.memref_slice %arg2[%dma_wait3A_755, %select_n3A, %select_n3A_30, %mul3A_62, %mul3A_80] : memref<32x16x2x64x512xf32, #tpu.memory_space<hbm>> -> memref<1x1x1x8x128xf32, #tpu.memory_space<hbm>>
      %dma_wait3A_762 = tpu.memref_squeeze %dma_wait3A_761 : memref<1x1x1x8x128xf32, #tpu.memory_space<hbm>> -> memref<8x128xf32, #tpu.memory_space<hbm>>
      %dma_wait3A_763 = arith.constant 0 : i32
      %dma_wait3A_764 = arith.constant 0 : i32
      %dma_wait3A_765 = tpu.memref_slice %arg5[%dma_wait3A_756, %dma_wait3A_763, %dma_wait3A_764] : memref<32x8x128xf32, #tpu.memory_space<vmem>> -> memref<1x8x128xf32, #tpu.memory_space<vmem>>
      %dma_wait3A_766 = tpu.memref_squeeze %dma_wait3A_765 : memref<1x8x128xf32, #tpu.memory_space<vmem>> -> memref<8x128xf32, #tpu.memory_space<vmem>>
      %dma_wait3A_767 = tpu.memref_slice %arg2[%dma_wait3A_755, %select_n3A, %select_n3A_30, %mul3A_62, %mul3A_80] : memref<32x16x2x64x512xf32, #tpu.memory_space<hbm>> -> memref<1x1x1x8x128xf32, #tpu.memory_space<hbm>>
      %dma_wait3A_768 = tpu.memref_squeeze %dma_wait3A_767 : memref<1x1x1x8x128xf32, #tpu.memory_space<hbm>> -> memref<8x128xf32, #tpu.memory_space<hbm>>
      tpu.wait_dma2 semaphore(%arg8 : memref<!tpu.dma_semaphore, #tpu.memory_space<semaphore_mem>>) src(%dma_wait3A_768 : memref<8x128xf32, #tpu.memory_space<hbm>>) dst(%dma_wait3A_766 : memref<8x128xf32, #tpu.memory_space<vmem>>)
      %dma_wait3A_769 = arith.constant 17 : i32
      %dma_wait3A_770 = arith.constant 17 : i32
      %dma_wait3A_771 = arith.constant 0 : i32
      %dma_wait3A_772 = arith.constant 0 : i32
      %dma_wait3A_773 = tpu.memref_slice %arg5[%dma_wait3A_770, %dma_wait3A_771, %dma_wait3A_772] : memref<32x8x128xf32, #tpu.memory_space<vmem>> -> memref<1x8x128xf32, #tpu.memory_space<vmem>>
      %dma_wait3A_774 = tpu.memref_squeeze %dma_wait3A_773 : memref<1x8x128xf32, #tpu.memory_space<vmem>> -> memref<8x128xf32, #tpu.memory_space<vmem>>
      %dma_wait3A_775 = tpu.memref_slice %arg2[%dma_wait3A_769, %select_n3A, %select_n3A_30, %mul3A_62, %mul3A_80] : memref<32x16x2x64x512xf32, #tpu.memory_space<hbm>> -> memref<1x1x1x8x128xf32, #tpu.memory_space<hbm>>
      %dma_wait3A_776 = tpu.memref_squeeze %dma_wait3A_775 : memref<1x1x1x8x128xf32, #tpu.memory_space<hbm>> -> memref<8x128xf32, #tpu.memory_space<hbm>>
      %dma_wait3A_777 = arith.constant 0 : i32
      %dma_wait3A_778 = arith.constant 0 : i32
      %dma_wait3A_779 = tpu.memref_slice %arg5[%dma_wait3A_770, %dma_wait3A_777, %dma_wait3A_778] : memref<32x8x128xf32, #tpu.memory_space<vmem>> -> memref<1x8x128xf32, #tpu.memory_space<vmem>>
      %dma_wait3A_780 = tpu.memref_squeeze %dma_wait3A_779 : memref<1x8x128xf32, #tpu.memory_space<vmem>> -> memref<8x128xf32, #tpu.memory_space<vmem>>
      %dma_wait3A_781 = tpu.memref_slice %arg2[%dma_wait3A_769, %select_n3A, %select_n3A_30, %mul3A_62, %mul3A_80] : memref<32x16x2x64x512xf32, #tpu.memory_space<hbm>> -> memref<1x1x1x8x128xf32, #tpu.memory_space<hbm>>
      %dma_wait3A_782 = tpu.memref_squeeze %dma_wait3A_781 : memref<1x1x1x8x128xf32, #tpu.memory_space<hbm>> -> memref<8x128xf32, #tpu.memory_space<hbm>>
      tpu.wait_dma2 semaphore(%arg8 : memref<!tpu.dma_semaphore, #tpu.memory_space<semaphore_mem>>) src(%dma_wait3A_782 : memref<8x128xf32, #tpu.memory_space<hbm>>) dst(%dma_wait3A_780 : memref<8x128xf32, #tpu.memory_space<vmem>>)
      %dma_wait3A_783 = arith.constant 18 : i32
      %dma_wait3A_784 = arith.constant 18 : i32
      %dma_wait3A_785 = arith.constant 0 : i32
      %dma_wait3A_786 = arith.constant 0 : i32
      %dma_wait3A_787 = tpu.memref_slice %arg5[%dma_wait3A_784, %dma_wait3A_785, %dma_wait3A_786] : memref<32x8x128xf32, #tpu.memory_space<vmem>> -> memref<1x8x128xf32, #tpu.memory_space<vmem>>
      %dma_wait3A_788 = tpu.memref_squeeze %dma_wait3A_787 : memref<1x8x128xf32, #tpu.memory_space<vmem>> -> memref<8x128xf32, #tpu.memory_space<vmem>>
      %dma_wait3A_789 = tpu.memref_slice %arg2[%dma_wait3A_783, %select_n3A, %select_n3A_30, %mul3A_62, %mul3A_80] : memref<32x16x2x64x512xf32, #tpu.memory_space<hbm>> -> memref<1x1x1x8x128xf32, #tpu.memory_space<hbm>>
      %dma_wait3A_790 = tpu.memref_squeeze %dma_wait3A_789 : memref<1x1x1x8x128xf32, #tpu.memory_space<hbm>> -> memref<8x128xf32, #tpu.memory_space<hbm>>
      %dma_wait3A_791 = arith.constant 0 : i32
      %dma_wait3A_792 = arith.constant 0 : i32
      %dma_wait3A_793 = tpu.memref_slice %arg5[%dma_wait3A_784, %dma_wait3A_791, %dma_wait3A_792] : memref<32x8x128xf32, #tpu.memory_space<vmem>> -> memref<1x8x128xf32, #tpu.memory_space<vmem>>
      %dma_wait3A_794 = tpu.memref_squeeze %dma_wait3A_793 : memref<1x8x128xf32, #tpu.memory_space<vmem>> -> memref<8x128xf32, #tpu.memory_space<vmem>>
      %dma_wait3A_795 = tpu.memref_slice %arg2[%dma_wait3A_783, %select_n3A, %select_n3A_30, %mul3A_62, %mul3A_80] : memref<32x16x2x64x512xf32, #tpu.memory_space<hbm>> -> memref<1x1x1x8x128xf32, #tpu.memory_space<hbm>>
      %dma_wait3A_796 = tpu.memref_squeeze %dma_wait3A_795 : memref<1x1x1x8x128xf32, #tpu.memory_space<hbm>> -> memref<8x128xf32, #tpu.memory_space<hbm>>
      tpu.wait_dma2 semaphore(%arg8 : memref<!tpu.dma_semaphore, #tpu.memory_space<semaphore_mem>>) src(%dma_wait3A_796 : memref<8x128xf32, #tpu.memory_space<hbm>>) dst(%dma_wait3A_794 : memref<8x128xf32, #tpu.memory_space<vmem>>)
      %dma_wait3A_797 = arith.constant 19 : i32
      %dma_wait3A_798 = arith.constant 19 : i32
      %dma_wait3A_799 = arith.constant 0 : i32
      %dma_wait3A_800 = arith.constant 0 : i32
      %dma_wait3A_801 = tpu.memref_slice %arg5[%dma_wait3A_798, %dma_wait3A_799, %dma_wait3A_800] : memref<32x8x128xf32, #tpu.memory_space<vmem>> -> memref<1x8x128xf32, #tpu.memory_space<vmem>>
      %dma_wait3A_802 = tpu.memref_squeeze %dma_wait3A_801 : memref<1x8x128xf32, #tpu.memory_space<vmem>> -> memref<8x128xf32, #tpu.memory_space<vmem>>
      %dma_wait3A_803 = tpu.memref_slice %arg2[%dma_wait3A_797, %select_n3A, %select_n3A_30, %mul3A_62, %mul3A_80] : memref<32x16x2x64x512xf32, #tpu.memory_space<hbm>> -> memref<1x1x1x8x128xf32, #tpu.memory_space<hbm>>
      %dma_wait3A_804 = tpu.memref_squeeze %dma_wait3A_803 : memref<1x1x1x8x128xf32, #tpu.memory_space<hbm>> -> memref<8x128xf32, #tpu.memory_space<hbm>>
      %dma_wait3A_805 = arith.constant 0 : i32
      %dma_wait3A_806 = arith.constant 0 : i32
      %dma_wait3A_807 = tpu.memref_slice %arg5[%dma_wait3A_798, %dma_wait3A_805, %dma_wait3A_806] : memref<32x8x128xf32, #tpu.memory_space<vmem>> -> memref<1x8x128xf32, #tpu.memory_space<vmem>>
      %dma_wait3A_808 = tpu.memref_squeeze %dma_wait3A_807 : memref<1x8x128xf32, #tpu.memory_space<vmem>> -> memref<8x128xf32, #tpu.memory_space<vmem>>
      %dma_wait3A_809 = tpu.memref_slice %arg2[%dma_wait3A_797, %select_n3A, %select_n3A_30, %mul3A_62, %mul3A_80] : memref<32x16x2x64x512xf32, #tpu.memory_space<hbm>> -> memref<1x1x1x8x128xf32, #tpu.memory_space<hbm>>
      %dma_wait3A_810 = tpu.memref_squeeze %dma_wait3A_809 : memref<1x1x1x8x128xf32, #tpu.memory_space<hbm>> -> memref<8x128xf32, #tpu.memory_space<hbm>>
      tpu.wait_dma2 semaphore(%arg8 : memref<!tpu.dma_semaphore, #tpu.memory_space<semaphore_mem>>) src(%dma_wait3A_810 : memref<8x128xf32, #tpu.memory_space<hbm>>) dst(%dma_wait3A_808 : memref<8x128xf32, #tpu.memory_space<vmem>>)
      %dma_wait3A_811 = arith.constant 20 : i32
      %dma_wait3A_812 = arith.constant 20 : i32
      %dma_wait3A_813 = arith.constant 0 : i32
      %dma_wait3A_814 = arith.constant 0 : i32
      %dma_wait3A_815 = tpu.memref_slice %arg5[%dma_wait3A_812, %dma_wait3A_813, %dma_wait3A_814] : memref<32x8x128xf32, #tpu.memory_space<vmem>> -> memref<1x8x128xf32, #tpu.memory_space<vmem>>
      %dma_wait3A_816 = tpu.memref_squeeze %dma_wait3A_815 : memref<1x8x128xf32, #tpu.memory_space<vmem>> -> memref<8x128xf32, #tpu.memory_space<vmem>>
      %dma_wait3A_817 = tpu.memref_slice %arg2[%dma_wait3A_811, %select_n3A, %select_n3A_30, %mul3A_62, %mul3A_80] : memref<32x16x2x64x512xf32, #tpu.memory_space<hbm>> -> memref<1x1x1x8x128xf32, #tpu.memory_space<hbm>>
      %dma_wait3A_818 = tpu.memref_squeeze %dma_wait3A_817 : memref<1x1x1x8x128xf32, #tpu.memory_space<hbm>> -> memref<8x128xf32, #tpu.memory_space<hbm>>
      %dma_wait3A_819 = arith.constant 0 : i32
      %dma_wait3A_820 = arith.constant 0 : i32
      %dma_wait3A_821 = tpu.memref_slice %arg5[%dma_wait3A_812, %dma_wait3A_819, %dma_wait3A_820] : memref<32x8x128xf32, #tpu.memory_space<vmem>> -> memref<1x8x128xf32, #tpu.memory_space<vmem>>
      %dma_wait3A_822 = tpu.memref_squeeze %dma_wait3A_821 : memref<1x8x128xf32, #tpu.memory_space<vmem>> -> memref<8x128xf32, #tpu.memory_space<vmem>>
      %dma_wait3A_823 = tpu.memref_slice %arg2[%dma_wait3A_811, %select_n3A, %select_n3A_30, %mul3A_62, %mul3A_80] : memref<32x16x2x64x512xf32, #tpu.memory_space<hbm>> -> memref<1x1x1x8x128xf32, #tpu.memory_space<hbm>>
      %dma_wait3A_824 = tpu.memref_squeeze %dma_wait3A_823 : memref<1x1x1x8x128xf32, #tpu.memory_space<hbm>> -> memref<8x128xf32, #tpu.memory_space<hbm>>
      tpu.wait_dma2 semaphore(%arg8 : memref<!tpu.dma_semaphore, #tpu.memory_space<semaphore_mem>>) src(%dma_wait3A_824 : memref<8x128xf32, #tpu.memory_space<hbm>>) dst(%dma_wait3A_822 : memref<8x128xf32, #tpu.memory_space<vmem>>)
      %dma_wait3A_825 = arith.constant 21 : i32
      %dma_wait3A_826 = arith.constant 21 : i32
      %dma_wait3A_827 = arith.constant 0 : i32
      %dma_wait3A_828 = arith.constant 0 : i32
      %dma_wait3A_829 = tpu.memref_slice %arg5[%dma_wait3A_826, %dma_wait3A_827, %dma_wait3A_828] : memref<32x8x128xf32, #tpu.memory_space<vmem>> -> memref<1x8x128xf32, #tpu.memory_space<vmem>>
      %dma_wait3A_830 = tpu.memref_squeeze %dma_wait3A_829 : memref<1x8x128xf32, #tpu.memory_space<vmem>> -> memref<8x128xf32, #tpu.memory_space<vmem>>
      %dma_wait3A_831 = tpu.memref_slice %arg2[%dma_wait3A_825, %select_n3A, %select_n3A_30, %mul3A_62, %mul3A_80] : memref<32x16x2x64x512xf32, #tpu.memory_space<hbm>> -> memref<1x1x1x8x128xf32, #tpu.memory_space<hbm>>
      %dma_wait3A_832 = tpu.memref_squeeze %dma_wait3A_831 : memref<1x1x1x8x128xf32, #tpu.memory_space<hbm>> -> memref<8x128xf32, #tpu.memory_space<hbm>>
      %dma_wait3A_833 = arith.constant 0 : i32
      %dma_wait3A_834 = arith.constant 0 : i32
      %dma_wait3A_835 = tpu.memref_slice %arg5[%dma_wait3A_826, %dma_wait3A_833, %dma_wait3A_834] : memref<32x8x128xf32, #tpu.memory_space<vmem>> -> memref<1x8x128xf32, #tpu.memory_space<vmem>>
      %dma_wait3A_836 = tpu.memref_squeeze %dma_wait3A_835 : memref<1x8x128xf32, #tpu.memory_space<vmem>> -> memref<8x128xf32, #tpu.memory_space<vmem>>
      %dma_wait3A_837 = tpu.memref_slice %arg2[%dma_wait3A_825, %select_n3A, %select_n3A_30, %mul3A_62, %mul3A_80] : memref<32x16x2x64x512xf32, #tpu.memory_space<hbm>> -> memref<1x1x1x8x128xf32, #tpu.memory_space<hbm>>
      %dma_wait3A_838 = tpu.memref_squeeze %dma_wait3A_837 : memref<1x1x1x8x128xf32, #tpu.memory_space<hbm>> -> memref<8x128xf32, #tpu.memory_space<hbm>>
      tpu.wait_dma2 semaphore(%arg8 : memref<!tpu.dma_semaphore, #tpu.memory_space<semaphore_mem>>) src(%dma_wait3A_838 : memref<8x128xf32, #tpu.memory_space<hbm>>) dst(%dma_wait3A_836 : memref<8x128xf32, #tpu.memory_space<vmem>>)
      %dma_wait3A_839 = arith.constant 22 : i32
      %dma_wait3A_840 = arith.constant 22 : i32
      %dma_wait3A_841 = arith.constant 0 : i32
      %dma_wait3A_842 = arith.constant 0 : i32
      %dma_wait3A_843 = tpu.memref_slice %arg5[%dma_wait3A_840, %dma_wait3A_841, %dma_wait3A_842] : memref<32x8x128xf32, #tpu.memory_space<vmem>> -> memref<1x8x128xf32, #tpu.memory_space<vmem>>
      %dma_wait3A_844 = tpu.memref_squeeze %dma_wait3A_843 : memref<1x8x128xf32, #tpu.memory_space<vmem>> -> memref<8x128xf32, #tpu.memory_space<vmem>>
      %dma_wait3A_845 = tpu.memref_slice %arg2[%dma_wait3A_839, %select_n3A, %select_n3A_30, %mul3A_62, %mul3A_80] : memref<32x16x2x64x512xf32, #tpu.memory_space<hbm>> -> memref<1x1x1x8x128xf32, #tpu.memory_space<hbm>>
      %dma_wait3A_846 = tpu.memref_squeeze %dma_wait3A_845 : memref<1x1x1x8x128xf32, #tpu.memory_space<hbm>> -> memref<8x128xf32, #tpu.memory_space<hbm>>
      %dma_wait3A_847 = arith.constant 0 : i32
      %dma_wait3A_848 = arith.constant 0 : i32
      %dma_wait3A_849 = tpu.memref_slice %arg5[%dma_wait3A_840, %dma_wait3A_847, %dma_wait3A_848] : memref<32x8x128xf32, #tpu.memory_space<vmem>> -> memref<1x8x128xf32, #tpu.memory_space<vmem>>
      %dma_wait3A_850 = tpu.memref_squeeze %dma_wait3A_849 : memref<1x8x128xf32, #tpu.memory_space<vmem>> -> memref<8x128xf32, #tpu.memory_space<vmem>>
      %dma_wait3A_851 = tpu.memref_slice %arg2[%dma_wait3A_839, %select_n3A, %select_n3A_30, %mul3A_62, %mul3A_80] : memref<32x16x2x64x512xf32, #tpu.memory_space<hbm>> -> memref<1x1x1x8x128xf32, #tpu.memory_space<hbm>>
      %dma_wait3A_852 = tpu.memref_squeeze %dma_wait3A_851 : memref<1x1x1x8x128xf32, #tpu.memory_space<hbm>> -> memref<8x128xf32, #tpu.memory_space<hbm>>
      tpu.wait_dma2 semaphore(%arg8 : memref<!tpu.dma_semaphore, #tpu.memory_space<semaphore_mem>>) src(%dma_wait3A_852 : memref<8x128xf32, #tpu.memory_space<hbm>>) dst(%dma_wait3A_850 : memref<8x128xf32, #tpu.memory_space<vmem>>)
      %dma_wait3A_853 = arith.constant 23 : i32
      %dma_wait3A_854 = arith.constant 23 : i32
      %dma_wait3A_855 = arith.constant 0 : i32
      %dma_wait3A_856 = arith.constant 0 : i32
      %dma_wait3A_857 = tpu.memref_slice %arg5[%dma_wait3A_854, %dma_wait3A_855, %dma_wait3A_856] : memref<32x8x128xf32, #tpu.memory_space<vmem>> -> memref<1x8x128xf32, #tpu.memory_space<vmem>>
      %dma_wait3A_858 = tpu.memref_squeeze %dma_wait3A_857 : memref<1x8x128xf32, #tpu.memory_space<vmem>> -> memref<8x128xf32, #tpu.memory_space<vmem>>
      %dma_wait3A_859 = tpu.memref_slice %arg2[%dma_wait3A_853, %select_n3A, %select_n3A_30, %mul3A_62, %mul3A_80] : memref<32x16x2x64x512xf32, #tpu.memory_space<hbm>> -> memref<1x1x1x8x128xf32, #tpu.memory_space<hbm>>
      %dma_wait3A_860 = tpu.memref_squeeze %dma_wait3A_859 : memref<1x1x1x8x128xf32, #tpu.memory_space<hbm>> -> memref<8x128xf32, #tpu.memory_space<hbm>>
      %dma_wait3A_861 = arith.constant 0 : i32
      %dma_wait3A_862 = arith.constant 0 : i32
      %dma_wait3A_863 = tpu.memref_slice %arg5[%dma_wait3A_854, %dma_wait3A_861, %dma_wait3A_862] : memref<32x8x128xf32, #tpu.memory_space<vmem>> -> memref<1x8x128xf32, #tpu.memory_space<vmem>>
      %dma_wait3A_864 = tpu.memref_squeeze %dma_wait3A_863 : memref<1x8x128xf32, #tpu.memory_space<vmem>> -> memref<8x128xf32, #tpu.memory_space<vmem>>
      %dma_wait3A_865 = tpu.memref_slice %arg2[%dma_wait3A_853, %select_n3A, %select_n3A_30, %mul3A_62, %mul3A_80] : memref<32x16x2x64x512xf32, #tpu.memory_space<hbm>> -> memref<1x1x1x8x128xf32, #tpu.memory_space<hbm>>
      %dma_wait3A_866 = tpu.memref_squeeze %dma_wait3A_865 : memref<1x1x1x8x128xf32, #tpu.memory_space<hbm>> -> memref<8x128xf32, #tpu.memory_space<hbm>>
      tpu.wait_dma2 semaphore(%arg8 : memref<!tpu.dma_semaphore, #tpu.memory_space<semaphore_mem>>) src(%dma_wait3A_866 : memref<8x128xf32, #tpu.memory_space<hbm>>) dst(%dma_wait3A_864 : memref<8x128xf32, #tpu.memory_space<vmem>>)
      %dma_wait3A_867 = arith.constant 24 : i32
      %dma_wait3A_868 = arith.constant 24 : i32
      %dma_wait3A_869 = arith.constant 0 : i32
      %dma_wait3A_870 = arith.constant 0 : i32
      %dma_wait3A_871 = tpu.memref_slice %arg5[%dma_wait3A_868, %dma_wait3A_869, %dma_wait3A_870] : memref<32x8x128xf32, #tpu.memory_space<vmem>> -> memref<1x8x128xf32, #tpu.memory_space<vmem>>
      %dma_wait3A_872 = tpu.memref_squeeze %dma_wait3A_871 : memref<1x8x128xf32, #tpu.memory_space<vmem>> -> memref<8x128xf32, #tpu.memory_space<vmem>>
      %dma_wait3A_873 = tpu.memref_slice %arg2[%dma_wait3A_867, %select_n3A, %select_n3A_30, %mul3A_62, %mul3A_80] : memref<32x16x2x64x512xf32, #tpu.memory_space<hbm>> -> memref<1x1x1x8x128xf32, #tpu.memory_space<hbm>>
      %dma_wait3A_874 = tpu.memref_squeeze %dma_wait3A_873 : memref<1x1x1x8x128xf32, #tpu.memory_space<hbm>> -> memref<8x128xf32, #tpu.memory_space<hbm>>
      %dma_wait3A_875 = arith.constant 0 : i32
      %dma_wait3A_876 = arith.constant 0 : i32
      %dma_wait3A_877 = tpu.memref_slice %arg5[%dma_wait3A_868, %dma_wait3A_875, %dma_wait3A_876] : memref<32x8x128xf32, #tpu.memory_space<vmem>> -> memref<1x8x128xf32, #tpu.memory_space<vmem>>
      %dma_wait3A_878 = tpu.memref_squeeze %dma_wait3A_877 : memref<1x8x128xf32, #tpu.memory_space<vmem>> -> memref<8x128xf32, #tpu.memory_space<vmem>>
      %dma_wait3A_879 = tpu.memref_slice %arg2[%dma_wait3A_867, %select_n3A, %select_n3A_30, %mul3A_62, %mul3A_80] : memref<32x16x2x64x512xf32, #tpu.memory_space<hbm>> -> memref<1x1x1x8x128xf32, #tpu.memory_space<hbm>>
      %dma_wait3A_880 = tpu.memref_squeeze %dma_wait3A_879 : memref<1x1x1x8x128xf32, #tpu.memory_space<hbm>> -> memref<8x128xf32, #tpu.memory_space<hbm>>
      tpu.wait_dma2 semaphore(%arg8 : memref<!tpu.dma_semaphore, #tpu.memory_space<semaphore_mem>>) src(%dma_wait3A_880 : memref<8x128xf32, #tpu.memory_space<hbm>>) dst(%dma_wait3A_878 : memref<8x128xf32, #tpu.memory_space<vmem>>)
      %dma_wait3A_881 = arith.constant 25 : i32
      %dma_wait3A_882 = arith.constant 25 : i32
      %dma_wait3A_883 = arith.constant 0 : i32
      %dma_wait3A_884 = arith.constant 0 : i32
      %dma_wait3A_885 = tpu.memref_slice %arg5[%dma_wait3A_882, %dma_wait3A_883, %dma_wait3A_884] : memref<32x8x128xf32, #tpu.memory_space<vmem>> -> memref<1x8x128xf32, #tpu.memory_space<vmem>>
      %dma_wait3A_886 = tpu.memref_squeeze %dma_wait3A_885 : memref<1x8x128xf32, #tpu.memory_space<vmem>> -> memref<8x128xf32, #tpu.memory_space<vmem>>
      %dma_wait3A_887 = tpu.memref_slice %arg2[%dma_wait3A_881, %select_n3A, %select_n3A_30, %mul3A_62, %mul3A_80] : memref<32x16x2x64x512xf32, #tpu.memory_space<hbm>> -> memref<1x1x1x8x128xf32, #tpu.memory_space<hbm>>
      %dma_wait3A_888 = tpu.memref_squeeze %dma_wait3A_887 : memref<1x1x1x8x128xf32, #tpu.memory_space<hbm>> -> memref<8x128xf32, #tpu.memory_space<hbm>>
      %dma_wait3A_889 = arith.constant 0 : i32
      %dma_wait3A_890 = arith.constant 0 : i32
      %dma_wait3A_891 = tpu.memref_slice %arg5[%dma_wait3A_882, %dma_wait3A_889, %dma_wait3A_890] : memref<32x8x128xf32, #tpu.memory_space<vmem>> -> memref<1x8x128xf32, #tpu.memory_space<vmem>>
      %dma_wait3A_892 = tpu.memref_squeeze %dma_wait3A_891 : memref<1x8x128xf32, #tpu.memory_space<vmem>> -> memref<8x128xf32, #tpu.memory_space<vmem>>
      %dma_wait3A_893 = tpu.memref_slice %arg2[%dma_wait3A_881, %select_n3A, %select_n3A_30, %mul3A_62, %mul3A_80] : memref<32x16x2x64x512xf32, #tpu.memory_space<hbm>> -> memref<1x1x1x8x128xf32, #tpu.memory_space<hbm>>
      %dma_wait3A_894 = tpu.memref_squeeze %dma_wait3A_893 : memref<1x1x1x8x128xf32, #tpu.memory_space<hbm>> -> memref<8x128xf32, #tpu.memory_space<hbm>>
      tpu.wait_dma2 semaphore(%arg8 : memref<!tpu.dma_semaphore, #tpu.memory_space<semaphore_mem>>) src(%dma_wait3A_894 : memref<8x128xf32, #tpu.memory_space<hbm>>) dst(%dma_wait3A_892 : memref<8x128xf32, #tpu.memory_space<vmem>>)
      %dma_wait3A_895 = arith.constant 26 : i32
      %dma_wait3A_896 = arith.constant 26 : i32
      %dma_wait3A_897 = arith.constant 0 : i32
      %dma_wait3A_898 = arith.constant 0 : i32
      %dma_wait3A_899 = tpu.memref_slice %arg5[%dma_wait3A_896, %dma_wait3A_897, %dma_wait3A_898] : memref<32x8x128xf32, #tpu.memory_space<vmem>> -> memref<1x8x128xf32, #tpu.memory_space<vmem>>
      %dma_wait3A_900 = tpu.memref_squeeze %dma_wait3A_899 : memref<1x8x128xf32, #tpu.memory_space<vmem>> -> memref<8x128xf32, #tpu.memory_space<vmem>>
      %dma_wait3A_901 = tpu.memref_slice %arg2[%dma_wait3A_895, %select_n3A, %select_n3A_30, %mul3A_62, %mul3A_80] : memref<32x16x2x64x512xf32, #tpu.memory_space<hbm>> -> memref<1x1x1x8x128xf32, #tpu.memory_space<hbm>>
      %dma_wait3A_902 = tpu.memref_squeeze %dma_wait3A_901 : memref<1x1x1x8x128xf32, #tpu.memory_space<hbm>> -> memref<8x128xf32, #tpu.memory_space<hbm>>
      %dma_wait3A_903 = arith.constant 0 : i32
      %dma_wait3A_904 = arith.constant 0 : i32
      %dma_wait3A_905 = tpu.memref_slice %arg5[%dma_wait3A_896, %dma_wait3A_903, %dma_wait3A_904] : memref<32x8x128xf32, #tpu.memory_space<vmem>> -> memref<1x8x128xf32, #tpu.memory_space<vmem>>
      %dma_wait3A_906 = tpu.memref_squeeze %dma_wait3A_905 : memref<1x8x128xf32, #tpu.memory_space<vmem>> -> memref<8x128xf32, #tpu.memory_space<vmem>>
      %dma_wait3A_907 = tpu.memref_slice %arg2[%dma_wait3A_895, %select_n3A, %select_n3A_30, %mul3A_62, %mul3A_80] : memref<32x16x2x64x512xf32, #tpu.memory_space<hbm>> -> memref<1x1x1x8x128xf32, #tpu.memory_space<hbm>>
      %dma_wait3A_908 = tpu.memref_squeeze %dma_wait3A_907 : memref<1x1x1x8x128xf32, #tpu.memory_space<hbm>> -> memref<8x128xf32, #tpu.memory_space<hbm>>
      tpu.wait_dma2 semaphore(%arg8 : memref<!tpu.dma_semaphore, #tpu.memory_space<semaphore_mem>>) src(%dma_wait3A_908 : memref<8x128xf32, #tpu.memory_space<hbm>>) dst(%dma_wait3A_906 : memref<8x128xf32, #tpu.memory_space<vmem>>)
      %dma_wait3A_909 = arith.constant 27 : i32
      %dma_wait3A_910 = arith.constant 27 : i32
      %dma_wait3A_911 = arith.constant 0 : i32
      %dma_wait3A_912 = arith.constant 0 : i32
      %dma_wait3A_913 = tpu.memref_slice %arg5[%dma_wait3A_910, %dma_wait3A_911, %dma_wait3A_912] : memref<32x8x128xf32, #tpu.memory_space<vmem>> -> memref<1x8x128xf32, #tpu.memory_space<vmem>>
      %dma_wait3A_914 = tpu.memref_squeeze %dma_wait3A_913 : memref<1x8x128xf32, #tpu.memory_space<vmem>> -> memref<8x128xf32, #tpu.memory_space<vmem>>
      %dma_wait3A_915 = tpu.memref_slice %arg2[%dma_wait3A_909, %select_n3A, %select_n3A_30, %mul3A_62, %mul3A_80] : memref<32x16x2x64x512xf32, #tpu.memory_space<hbm>> -> memref<1x1x1x8x128xf32, #tpu.memory_space<hbm>>
      %dma_wait3A_916 = tpu.memref_squeeze %dma_wait3A_915 : memref<1x1x1x8x128xf32, #tpu.memory_space<hbm>> -> memref<8x128xf32, #tpu.memory_space<hbm>>
      %dma_wait3A_917 = arith.constant 0 : i32
      %dma_wait3A_918 = arith.constant 0 : i32
      %dma_wait3A_919 = tpu.memref_slice %arg5[%dma_wait3A_910, %dma_wait3A_917, %dma_wait3A_918] : memref<32x8x128xf32, #tpu.memory_space<vmem>> -> memref<1x8x128xf32, #tpu.memory_space<vmem>>
      %dma_wait3A_920 = tpu.memref_squeeze %dma_wait3A_919 : memref<1x8x128xf32, #tpu.memory_space<vmem>> -> memref<8x128xf32, #tpu.memory_space<vmem>>
      %dma_wait3A_921 = tpu.memref_slice %arg2[%dma_wait3A_909, %select_n3A, %select_n3A_30, %mul3A_62, %mul3A_80] : memref<32x16x2x64x512xf32, #tpu.memory_space<hbm>> -> memref<1x1x1x8x128xf32, #tpu.memory_space<hbm>>
      %dma_wait3A_922 = tpu.memref_squeeze %dma_wait3A_921 : memref<1x1x1x8x128xf32, #tpu.memory_space<hbm>> -> memref<8x128xf32, #tpu.memory_space<hbm>>
      tpu.wait_dma2 semaphore(%arg8 : memref<!tpu.dma_semaphore, #tpu.memory_space<semaphore_mem>>) src(%dma_wait3A_922 : memref<8x128xf32, #tpu.memory_space<hbm>>) dst(%dma_wait3A_920 : memref<8x128xf32, #tpu.memory_space<vmem>>)
      %dma_wait3A_923 = arith.constant 28 : i32
      %dma_wait3A_924 = arith.constant 28 : i32
      %dma_wait3A_925 = arith.constant 0 : i32
      %dma_wait3A_926 = arith.constant 0 : i32
      %dma_wait3A_927 = tpu.memref_slice %arg5[%dma_wait3A_924, %dma_wait3A_925, %dma_wait3A_926] : memref<32x8x128xf32, #tpu.memory_space<vmem>> -> memref<1x8x128xf32, #tpu.memory_space<vmem>>
      %dma_wait3A_928 = tpu.memref_squeeze %dma_wait3A_927 : memref<1x8x128xf32, #tpu.memory_space<vmem>> -> memref<8x128xf32, #tpu.memory_space<vmem>>
      %dma_wait3A_929 = tpu.memref_slice %arg2[%dma_wait3A_923, %select_n3A, %select_n3A_30, %mul3A_62, %mul3A_80] : memref<32x16x2x64x512xf32, #tpu.memory_space<hbm>> -> memref<1x1x1x8x128xf32, #tpu.memory_space<hbm>>
      %dma_wait3A_930 = tpu.memref_squeeze %dma_wait3A_929 : memref<1x1x1x8x128xf32, #tpu.memory_space<hbm>> -> memref<8x128xf32, #tpu.memory_space<hbm>>
      %dma_wait3A_931 = arith.constant 0 : i32
      %dma_wait3A_932 = arith.constant 0 : i32
      %dma_wait3A_933 = tpu.memref_slice %arg5[%dma_wait3A_924, %dma_wait3A_931, %dma_wait3A_932] : memref<32x8x128xf32, #tpu.memory_space<vmem>> -> memref<1x8x128xf32, #tpu.memory_space<vmem>>
      %dma_wait3A_934 = tpu.memref_squeeze %dma_wait3A_933 : memref<1x8x128xf32, #tpu.memory_space<vmem>> -> memref<8x128xf32, #tpu.memory_space<vmem>>
      %dma_wait3A_935 = tpu.memref_slice %arg2[%dma_wait3A_923, %select_n3A, %select_n3A_30, %mul3A_62, %mul3A_80] : memref<32x16x2x64x512xf32, #tpu.memory_space<hbm>> -> memref<1x1x1x8x128xf32, #tpu.memory_space<hbm>>
      %dma_wait3A_936 = tpu.memref_squeeze %dma_wait3A_935 : memref<1x1x1x8x128xf32, #tpu.memory_space<hbm>> -> memref<8x128xf32, #tpu.memory_space<hbm>>
      tpu.wait_dma2 semaphore(%arg8 : memref<!tpu.dma_semaphore, #tpu.memory_space<semaphore_mem>>) src(%dma_wait3A_936 : memref<8x128xf32, #tpu.memory_space<hbm>>) dst(%dma_wait3A_934 : memref<8x128xf32, #tpu.memory_space<vmem>>)
      %dma_wait3A_937 = arith.constant 29 : i32
      %dma_wait3A_938 = arith.constant 29 : i32
      %dma_wait3A_939 = arith.constant 0 : i32
      %dma_wait3A_940 = arith.constant 0 : i32
      %dma_wait3A_941 = tpu.memref_slice %arg5[%dma_wait3A_938, %dma_wait3A_939, %dma_wait3A_940] : memref<32x8x128xf32, #tpu.memory_space<vmem>> -> memref<1x8x128xf32, #tpu.memory_space<vmem>>
      %dma_wait3A_942 = tpu.memref_squeeze %dma_wait3A_941 : memref<1x8x128xf32, #tpu.memory_space<vmem>> -> memref<8x128xf32, #tpu.memory_space<vmem>>
      %dma_wait3A_943 = tpu.memref_slice %arg2[%dma_wait3A_937, %select_n3A, %select_n3A_30, %mul3A_62, %mul3A_80] : memref<32x16x2x64x512xf32, #tpu.memory_space<hbm>> -> memref<1x1x1x8x128xf32, #tpu.memory_space<hbm>>
      %dma_wait3A_944 = tpu.memref_squeeze %dma_wait3A_943 : memref<1x1x1x8x128xf32, #tpu.memory_space<hbm>> -> memref<8x128xf32, #tpu.memory_space<hbm>>
      %dma_wait3A_945 = arith.constant 0 : i32
      %dma_wait3A_946 = arith.constant 0 : i32
      %dma_wait3A_947 = tpu.memref_slice %arg5[%dma_wait3A_938, %dma_wait3A_945, %dma_wait3A_946] : memref<32x8x128xf32, #tpu.memory_space<vmem>> -> memref<1x8x128xf32, #tpu.memory_space<vmem>>
      %dma_wait3A_948 = tpu.memref_squeeze %dma_wait3A_947 : memref<1x8x128xf32, #tpu.memory_space<vmem>> -> memref<8x128xf32, #tpu.memory_space<vmem>>
      %dma_wait3A_949 = tpu.memref_slice %arg2[%dma_wait3A_937, %select_n3A, %select_n3A_30, %mul3A_62, %mul3A_80] : memref<32x16x2x64x512xf32, #tpu.memory_space<hbm>> -> memref<1x1x1x8x128xf32, #tpu.memory_space<hbm>>
      %dma_wait3A_950 = tpu.memref_squeeze %dma_wait3A_949 : memref<1x1x1x8x128xf32, #tpu.memory_space<hbm>> -> memref<8x128xf32, #tpu.memory_space<hbm>>
      tpu.wait_dma2 semaphore(%arg8 : memref<!tpu.dma_semaphore, #tpu.memory_space<semaphore_mem>>) src(%dma_wait3A_950 : memref<8x128xf32, #tpu.memory_space<hbm>>) dst(%dma_wait3A_948 : memref<8x128xf32, #tpu.memory_space<vmem>>)
      %dma_wait3A_951 = arith.constant 30 : i32
      %dma_wait3A_952 = arith.constant 30 : i32
      %dma_wait3A_953 = arith.constant 0 : i32
      %dma_wait3A_954 = arith.constant 0 : i32
      %dma_wait3A_955 = tpu.memref_slice %arg5[%dma_wait3A_952, %dma_wait3A_953, %dma_wait3A_954] : memref<32x8x128xf32, #tpu.memory_space<vmem>> -> memref<1x8x128xf32, #tpu.memory_space<vmem>>
      %dma_wait3A_956 = tpu.memref_squeeze %dma_wait3A_955 : memref<1x8x128xf32, #tpu.memory_space<vmem>> -> memref<8x128xf32, #tpu.memory_space<vmem>>
      %dma_wait3A_957 = tpu.memref_slice %arg2[%dma_wait3A_951, %select_n3A, %select_n3A_30, %mul3A_62, %mul3A_80] : memref<32x16x2x64x512xf32, #tpu.memory_space<hbm>> -> memref<1x1x1x8x128xf32, #tpu.memory_space<hbm>>
      %dma_wait3A_958 = tpu.memref_squeeze %dma_wait3A_957 : memref<1x1x1x8x128xf32, #tpu.memory_space<hbm>> -> memref<8x128xf32, #tpu.memory_space<hbm>>
      %dma_wait3A_959 = arith.constant 0 : i32
      %dma_wait3A_960 = arith.constant 0 : i32
      %dma_wait3A_961 = tpu.memref_slice %arg5[%dma_wait3A_952, %dma_wait3A_959, %dma_wait3A_960] : memref<32x8x128xf32, #tpu.memory_space<vmem>> -> memref<1x8x128xf32, #tpu.memory_space<vmem>>
      %dma_wait3A_962 = tpu.memref_squeeze %dma_wait3A_961 : memref<1x8x128xf32, #tpu.memory_space<vmem>> -> memref<8x128xf32, #tpu.memory_space<vmem>>
      %dma_wait3A_963 = tpu.memref_slice %arg2[%dma_wait3A_951, %select_n3A, %select_n3A_30, %mul3A_62, %mul3A_80] : memref<32x16x2x64x512xf32, #tpu.memory_space<hbm>> -> memref<1x1x1x8x128xf32, #tpu.memory_space<hbm>>
      %dma_wait3A_964 = tpu.memref_squeeze %dma_wait3A_963 : memref<1x1x1x8x128xf32, #tpu.memory_space<hbm>> -> memref<8x128xf32, #tpu.memory_space<hbm>>
      tpu.wait_dma2 semaphore(%arg8 : memref<!tpu.dma_semaphore, #tpu.memory_space<semaphore_mem>>) src(%dma_wait3A_964 : memref<8x128xf32, #tpu.memory_space<hbm>>) dst(%dma_wait3A_962 : memref<8x128xf32, #tpu.memory_space<vmem>>)
      %dma_wait3A_965 = arith.constant 31 : i32
      %dma_wait3A_966 = arith.constant 31 : i32
      %dma_wait3A_967 = arith.constant 0 : i32
      %dma_wait3A_968 = arith.constant 0 : i32
      %dma_wait3A_969 = tpu.memref_slice %arg5[%dma_wait3A_966, %dma_wait3A_967, %dma_wait3A_968] : memref<32x8x128xf32, #tpu.memory_space<vmem>> -> memref<1x8x128xf32, #tpu.memory_space<vmem>>
      %dma_wait3A_970 = tpu.memref_squeeze %dma_wait3A_969 : memref<1x8x128xf32, #tpu.memory_space<vmem>> -> memref<8x128xf32, #tpu.memory_space<vmem>>
      %dma_wait3A_971 = tpu.memref_slice %arg2[%dma_wait3A_965, %select_n3A, %select_n3A_30, %mul3A_62, %mul3A_80] : memref<32x16x2x64x512xf32, #tpu.memory_space<hbm>> -> memref<1x1x1x8x128xf32, #tpu.memory_space<hbm>>
      %dma_wait3A_972 = tpu.memref_squeeze %dma_wait3A_971 : memref<1x1x1x8x128xf32, #tpu.memory_space<hbm>> -> memref<8x128xf32, #tpu.memory_space<hbm>>
      %dma_wait3A_973 = arith.constant 0 : i32
      %dma_wait3A_974 = arith.constant 0 : i32
      %dma_wait3A_975 = tpu.memref_slice %arg5[%dma_wait3A_966, %dma_wait3A_973, %dma_wait3A_974] : memref<32x8x128xf32, #tpu.memory_space<vmem>> -> memref<1x8x128xf32, #tpu.memory_space<vmem>>
      %dma_wait3A_976 = tpu.memref_squeeze %dma_wait3A_975 : memref<1x8x128xf32, #tpu.memory_space<vmem>> -> memref<8x128xf32, #tpu.memory_space<vmem>>
      %dma_wait3A_977 = tpu.memref_slice %arg2[%dma_wait3A_965, %select_n3A, %select_n3A_30, %mul3A_62, %mul3A_80] : memref<32x16x2x64x512xf32, #tpu.memory_space<hbm>> -> memref<1x1x1x8x128xf32, #tpu.memory_space<hbm>>
      %dma_wait3A_978 = tpu.memref_squeeze %dma_wait3A_977 : memref<1x1x1x8x128xf32, #tpu.memory_space<hbm>> -> memref<8x128xf32, #tpu.memory_space<hbm>>
      tpu.wait_dma2 semaphore(%arg8 : memref<!tpu.dma_semaphore, #tpu.memory_space<semaphore_mem>>) src(%dma_wait3A_978 : memref<8x128xf32, #tpu.memory_space<hbm>>) dst(%dma_wait3A_976 : memref<8x128xf32, #tpu.memory_space<vmem>>)
      %dma_wait3A_979 = tpu.memref_slice %arg3[%add3A, %mul3A_62, %mul3A_80] : memref<32x64x512xf32, #tpu.memory_space<hbm>> -> memref<1x8x128xf32, #tpu.memory_space<hbm>>
      %dma_wait3A_980 = tpu.memref_squeeze %dma_wait3A_979 : memref<1x8x128xf32, #tpu.memory_space<hbm>> -> memref<8x128xf32, #tpu.memory_space<hbm>>
      %dma_wait3A_981 = tpu.memref_slice %arg3[%add3A, %mul3A_62, %mul3A_80] : memref<32x64x512xf32, #tpu.memory_space<hbm>> -> memref<1x8x128xf32, #tpu.memory_space<hbm>>
      %dma_wait3A_982 = tpu.memref_squeeze %dma_wait3A_981 : memref<1x8x128xf32, #tpu.memory_space<hbm>> -> memref<8x128xf32, #tpu.memory_space<hbm>>
      tpu.wait_dma2 semaphore(%arg8 : memref<!tpu.dma_semaphore, #tpu.memory_space<semaphore_mem>>) src(%dma_wait3A_982 : memref<8x128xf32, #tpu.memory_space<hbm>>) dst(%arg7 : memref<8x128xf32, #tpu.memory_space<vmem>>)
      %parallel_loop3A = arith.constant 0 : i32
      %parallel_loop3A_983 = arith.constant 64 : i32
      %parallel_loop3A_984 = arith.constant 1 : i32
      scf.for %parallel_loop3A_1881 = %parallel_loop3A to %parallel_loop3A_983 step %parallel_loop3A_984  : i32 {
        %parallel_loop3A_1882 = arith.constant 3 : i32
        %parallel_loop3A_1883 = arith.shrsi %parallel_loop3A_1881, %parallel_loop3A_1882 : i32
        %parallel_loop3A_1884 = arith.constant 7 : i32
        %parallel_loop3A_1885 = arith.andi %parallel_loop3A_1881, %parallel_loop3A_1884 : i32
        %parallel_loop3A_1886 = arith.constant 4 : i32
        %parallel_loop3A_1887 = arith.shli %parallel_loop3A_1885, %parallel_loop3A_1886 : i32
        %parallel_loop3A_1888 = tpu.iota {dimensions = array<i32: 0>} : vector<16xi32>
        %parallel_loop3A_1889 = vector.broadcast %parallel_loop3A_1887 : i32 to vector<16xi32>
        %parallel_loop3A_1890 = arith.addi %parallel_loop3A_1889, %parallel_loop3A_1888 : vector<16xi32>
        %parallel_loop3A_1891 = vector.broadcast %parallel_loop3A_1883 : i32 to vector<16xi32>
        %parallel_loop3A_1892 = arith.constant 0 : i32
        %parallel_loop3A_1893 = arith.index_cast %parallel_loop3A_1892 : i32 to index
        %parallel_loop3A_1894 = arith.index_cast %parallel_loop3A_1883 : i32 to index
        %parallel_loop3A_1895 = arith.index_cast %parallel_loop3A_1887 : i32 to index
        %parallel_loop3A_1896 = tpu.vector_load %arg5[%parallel_loop3A_1893, %parallel_loop3A_1894, %parallel_loop3A_1895] {strides = array<i32>} : memref<32x8x128xf32, #tpu.memory_space<vmem>>, vector<16xf32>,
        %parallel_loop3A_1897 = arith.constant 0.000000e+00 : f32
        %parallel_loop3A_1898 = vector.broadcast %parallel_loop3A_1897 : f32 to vector<16xf32>
        %parallel_loop3A_1899 = arith.subf %parallel_loop3A_1898, %parallel_loop3A_1896 : vector<16xf32>
        %parallel_loop3A_1900 = math.exp %parallel_loop3A_1899 : vector<16xf32>
        %parallel_loop3A_1901 = arith.constant 1.000000e+00 : f32
        %parallel_loop3A_1902 = vector.broadcast %parallel_loop3A_1901 : f32 to vector<16xf32>
        %parallel_loop3A_1903 = arith.addf %parallel_loop3A_1902, %parallel_loop3A_1900 : vector<16xf32>
        %parallel_loop3A_1904 = tpu.bitcast %parallel_loop3A_1903 : vector<16xf32> -> vector<16xi32>
        %parallel_loop3A_1905 = arith.constant 2129859011 : i32
        %parallel_loop3A_1906 = vector.broadcast %parallel_loop3A_1905 : i32 to vector<16xi32>
        %parallel_loop3A_1907 = arith.subi %parallel_loop3A_1906, %parallel_loop3A_1904 : vector<16xi32>
        %parallel_loop3A_1908 = tpu.bitcast %parallel_loop3A_1907 : vector<16xi32> -> vector<16xf32>
        %parallel_loop3A_1909 = arith.mulf %parallel_loop3A_1903, %parallel_loop3A_1908 : vector<16xf32>
        %parallel_loop3A_1910 = arith.constant 2.000000e+00 : f32
        %parallel_loop3A_1911 = vector.broadcast %parallel_loop3A_1910 : f32 to vector<16xf32>
        %parallel_loop3A_1912 = arith.subf %parallel_loop3A_1911, %parallel_loop3A_1909 : vector<16xf32>
        %parallel_loop3A_1913 = arith.mulf %parallel_loop3A_1908, %parallel_loop3A_1912 : vector<16xf32>
        %parallel_loop3A_1914 = arith.mulf %parallel_loop3A_1903, %parallel_loop3A_1913 : vector<16xf32>
        %parallel_loop3A_1915 = arith.constant 2.000000e+00 : f32
        %parallel_loop3A_1916 = vector.broadcast %parallel_loop3A_1915 : f32 to vector<16xf32>
        %parallel_loop3A_1917 = arith.subf %parallel_loop3A_1916, %parallel_loop3A_1914 : vector<16xf32>
        %parallel_loop3A_1918 = arith.mulf %parallel_loop3A_1913, %parallel_loop3A_1917 : vector<16xf32>
        %parallel_loop3A_1919 = arith.mulf %parallel_loop3A_1903, %parallel_loop3A_1918 : vector<16xf32>
        %parallel_loop3A_1920 = arith.constant 2.000000e+00 : f32
        %parallel_loop3A_1921 = vector.broadcast %parallel_loop3A_1920 : f32 to vector<16xf32>
        %parallel_loop3A_1922 = arith.subf %parallel_loop3A_1921, %parallel_loop3A_1919 : vector<16xf32>
        %parallel_loop3A_1923 = arith.mulf %parallel_loop3A_1918, %parallel_loop3A_1922 : vector<16xf32>
        %parallel_loop3A_1924 = arith.constant 1 : i32
        %parallel_loop3A_1925 = arith.index_cast %parallel_loop3A_1924 : i32 to index
        %parallel_loop3A_1926 = arith.index_cast %parallel_loop3A_1883 : i32 to index
        %parallel_loop3A_1927 = arith.index_cast %parallel_loop3A_1887 : i32 to index
        %parallel_loop3A_1928 = tpu.vector_load %arg5[%parallel_loop3A_1925, %parallel_loop3A_1926, %parallel_loop3A_1927] {strides = array<i32>} : memref<32x8x128xf32, #tpu.memory_space<vmem>>, vector<16xf32>,
        %parallel_loop3A_1929 = arith.constant 0.000000e+00 : f32
        %parallel_loop3A_1930 = vector.broadcast %parallel_loop3A_1929 : f32 to vector<16xf32>
        %parallel_loop3A_1931 = arith.subf %parallel_loop3A_1930, %parallel_loop3A_1928 : vector<16xf32>
        %parallel_loop3A_1932 = math.exp %parallel_loop3A_1931 : vector<16xf32>
        %parallel_loop3A_1933 = arith.constant 1.000000e+00 : f32
        %parallel_loop3A_1934 = vector.broadcast %parallel_loop3A_1933 : f32 to vector<16xf32>
        %parallel_loop3A_1935 = arith.addf %parallel_loop3A_1934, %parallel_loop3A_1932 : vector<16xf32>
        %parallel_loop3A_1936 = tpu.bitcast %parallel_loop3A_1935 : vector<16xf32> -> vector<16xi32>
        %parallel_loop3A_1937 = arith.constant 2129859011 : i32
        %parallel_loop3A_1938 = vector.broadcast %parallel_loop3A_1937 : i32 to vector<16xi32>
        %parallel_loop3A_1939 = arith.subi %parallel_loop3A_1938, %parallel_loop3A_1936 : vector<16xi32>
        %parallel_loop3A_1940 = tpu.bitcast %parallel_loop3A_1939 : vector<16xi32> -> vector<16xf32>
        %parallel_loop3A_1941 = arith.mulf %parallel_loop3A_1935, %parallel_loop3A_1940 : vector<16xf32>
        %parallel_loop3A_1942 = arith.constant 2.000000e+00 : f32
        %parallel_loop3A_1943 = vector.broadcast %parallel_loop3A_1942 : f32 to vector<16xf32>
        %parallel_loop3A_1944 = arith.subf %parallel_loop3A_1943, %parallel_loop3A_1941 : vector<16xf32>
        %parallel_loop3A_1945 = arith.mulf %parallel_loop3A_1940, %parallel_loop3A_1944 : vector<16xf32>
        %parallel_loop3A_1946 = arith.mulf %parallel_loop3A_1935, %parallel_loop3A_1945 : vector<16xf32>
        %parallel_loop3A_1947 = arith.constant 2.000000e+00 : f32
        %parallel_loop3A_1948 = vector.broadcast %parallel_loop3A_1947 : f32 to vector<16xf32>
        %parallel_loop3A_1949 = arith.subf %parallel_loop3A_1948, %parallel_loop3A_1946 : vector<16xf32>
        %parallel_loop3A_1950 = arith.mulf %parallel_loop3A_1945, %parallel_loop3A_1949 : vector<16xf32>
        %parallel_loop3A_1951 = arith.mulf %parallel_loop3A_1935, %parallel_loop3A_1950 : vector<16xf32>
        %parallel_loop3A_1952 = arith.constant 2.000000e+00 : f32
        %parallel_loop3A_1953 = vector.broadcast %parallel_loop3A_1952 : f32 to vector<16xf32>
        %parallel_loop3A_1954 = arith.subf %parallel_loop3A_1953, %parallel_loop3A_1951 : vector<16xf32>
        %parallel_loop3A_1955 = arith.mulf %parallel_loop3A_1950, %parallel_loop3A_1954 : vector<16xf32>
        %parallel_loop3A_1956 = arith.constant 2 : i32
        %parallel_loop3A_1957 = arith.index_cast %parallel_loop3A_1956 : i32 to index
        %parallel_loop3A_1958 = arith.index_cast %parallel_loop3A_1883 : i32 to index
        %parallel_loop3A_1959 = arith.index_cast %parallel_loop3A_1887 : i32 to index
        %parallel_loop3A_1960 = tpu.vector_load %arg5[%parallel_loop3A_1957, %parallel_loop3A_1958, %parallel_loop3A_1959] {strides = array<i32>} : memref<32x8x128xf32, #tpu.memory_space<vmem>>, vector<16xf32>,
        %parallel_loop3A_1961 = arith.constant 0.000000e+00 : f32
        %parallel_loop3A_1962 = vector.broadcast %parallel_loop3A_1961 : f32 to vector<16xf32>
        %parallel_loop3A_1963 = arith.subf %parallel_loop3A_1962, %parallel_loop3A_1960 : vector<16xf32>
        %parallel_loop3A_1964 = math.exp %parallel_loop3A_1963 : vector<16xf32>
        %parallel_loop3A_1965 = arith.constant 1.000000e+00 : f32
        %parallel_loop3A_1966 = vector.broadcast %parallel_loop3A_1965 : f32 to vector<16xf32>
        %parallel_loop3A_1967 = arith.addf %parallel_loop3A_1966, %parallel_loop3A_1964 : vector<16xf32>
        %parallel_loop3A_1968 = tpu.bitcast %parallel_loop3A_1967 : vector<16xf32> -> vector<16xi32>
        %parallel_loop3A_1969 = arith.constant 2129859011 : i32
        %parallel_loop3A_1970 = vector.broadcast %parallel_loop3A_1969 : i32 to vector<16xi32>
        %parallel_loop3A_1971 = arith.subi %parallel_loop3A_1970, %parallel_loop3A_1968 : vector<16xi32>
        %parallel_loop3A_1972 = tpu.bitcast %parallel_loop3A_1971 : vector<16xi32> -> vector<16xf32>
        %parallel_loop3A_1973 = arith.mulf %parallel_loop3A_1967, %parallel_loop3A_1972 : vector<16xf32>
        %parallel_loop3A_1974 = arith.constant 2.000000e+00 : f32
        %parallel_loop3A_1975 = vector.broadcast %parallel_loop3A_1974 : f32 to vector<16xf32>
        %parallel_loop3A_1976 = arith.subf %parallel_loop3A_1975, %parallel_loop3A_1973 : vector<16xf32>
        %parallel_loop3A_1977 = arith.mulf %parallel_loop3A_1972, %parallel_loop3A_1976 : vector<16xf32>
        %parallel_loop3A_1978 = arith.mulf %parallel_loop3A_1967, %parallel_loop3A_1977 : vector<16xf32>
        %parallel_loop3A_1979 = arith.constant 2.000000e+00 : f32
        %parallel_loop3A_1980 = vector.broadcast %parallel_loop3A_1979 : f32 to vector<16xf32>
        %parallel_loop3A_1981 = arith.subf %parallel_loop3A_1980, %parallel_loop3A_1978 : vector<16xf32>
        %parallel_loop3A_1982 = arith.mulf %parallel_loop3A_1977, %parallel_loop3A_1981 : vector<16xf32>
        %parallel_loop3A_1983 = arith.mulf %parallel_loop3A_1967, %parallel_loop3A_1982 : vector<16xf32>
        %parallel_loop3A_1984 = arith.constant 2.000000e+00 : f32
        %parallel_loop3A_1985 = vector.broadcast %parallel_loop3A_1984 : f32 to vector<16xf32>
        %parallel_loop3A_1986 = arith.subf %parallel_loop3A_1985, %parallel_loop3A_1983 : vector<16xf32>
        %parallel_loop3A_1987 = arith.mulf %parallel_loop3A_1982, %parallel_loop3A_1986 : vector<16xf32>
        %parallel_loop3A_1988 = arith.constant 3 : i32
        %parallel_loop3A_1989 = arith.index_cast %parallel_loop3A_1988 : i32 to index
        %parallel_loop3A_1990 = arith.index_cast %parallel_loop3A_1883 : i32 to index
        %parallel_loop3A_1991 = arith.index_cast %parallel_loop3A_1887 : i32 to index
        %parallel_loop3A_1992 = tpu.vector_load %arg5[%parallel_loop3A_1989, %parallel_loop3A_1990, %parallel_loop3A_1991] {strides = array<i32>} : memref<32x8x128xf32, #tpu.memory_space<vmem>>, vector<16xf32>,
        %parallel_loop3A_1993 = arith.constant 0.000000e+00 : f32
        %parallel_loop3A_1994 = vector.broadcast %parallel_loop3A_1993 : f32 to vector<16xf32>
        %parallel_loop3A_1995 = arith.subf %parallel_loop3A_1994, %parallel_loop3A_1992 : vector<16xf32>
        %parallel_loop3A_1996 = math.exp %parallel_loop3A_1995 : vector<16xf32>
        %parallel_loop3A_1997 = arith.constant 1.000000e+00 : f32
        %parallel_loop3A_1998 = vector.broadcast %parallel_loop3A_1997 : f32 to vector<16xf32>
        %parallel_loop3A_1999 = arith.addf %parallel_loop3A_1998, %parallel_loop3A_1996 : vector<16xf32>
        %parallel_loop3A_2000 = tpu.bitcast %parallel_loop3A_1999 : vector<16xf32> -> vector<16xi32>
        %parallel_loop3A_2001 = arith.constant 2129859011 : i32
        %parallel_loop3A_2002 = vector.broadcast %parallel_loop3A_2001 : i32 to vector<16xi32>
        %parallel_loop3A_2003 = arith.subi %parallel_loop3A_2002, %parallel_loop3A_2000 : vector<16xi32>
        %parallel_loop3A_2004 = tpu.bitcast %parallel_loop3A_2003 : vector<16xi32> -> vector<16xf32>
        %parallel_loop3A_2005 = arith.mulf %parallel_loop3A_1999, %parallel_loop3A_2004 : vector<16xf32>
        %parallel_loop3A_2006 = arith.constant 2.000000e+00 : f32
        %parallel_loop3A_2007 = vector.broadcast %parallel_loop3A_2006 : f32 to vector<16xf32>
        %parallel_loop3A_2008 = arith.subf %parallel_loop3A_2007, %parallel_loop3A_2005 : vector<16xf32>
        %parallel_loop3A_2009 = arith.mulf %parallel_loop3A_2004, %parallel_loop3A_2008 : vector<16xf32>
        %parallel_loop3A_2010 = arith.mulf %parallel_loop3A_1999, %parallel_loop3A_2009 : vector<16xf32>
        %parallel_loop3A_2011 = arith.constant 2.000000e+00 : f32
        %parallel_loop3A_2012 = vector.broadcast %parallel_loop3A_2011 : f32 to vector<16xf32>
        %parallel_loop3A_2013 = arith.subf %parallel_loop3A_2012, %parallel_loop3A_2010 : vector<16xf32>
        %parallel_loop3A_2014 = arith.mulf %parallel_loop3A_2009, %parallel_loop3A_2013 : vector<16xf32>
        %parallel_loop3A_2015 = arith.mulf %parallel_loop3A_1999, %parallel_loop3A_2014 : vector<16xf32>
        %parallel_loop3A_2016 = arith.constant 2.000000e+00 : f32
        %parallel_loop3A_2017 = vector.broadcast %parallel_loop3A_2016 : f32 to vector<16xf32>
        %parallel_loop3A_2018 = arith.subf %parallel_loop3A_2017, %parallel_loop3A_2015 : vector<16xf32>
        %parallel_loop3A_2019 = arith.mulf %parallel_loop3A_2014, %parallel_loop3A_2018 : vector<16xf32>
        %parallel_loop3A_2020 = arith.constant 4 : i32
        %parallel_loop3A_2021 = arith.index_cast %parallel_loop3A_2020 : i32 to index
        %parallel_loop3A_2022 = arith.index_cast %parallel_loop3A_1883 : i32 to index
        %parallel_loop3A_2023 = arith.index_cast %parallel_loop3A_1887 : i32 to index
        %parallel_loop3A_2024 = tpu.vector_load %arg5[%parallel_loop3A_2021, %parallel_loop3A_2022, %parallel_loop3A_2023] {strides = array<i32>} : memref<32x8x128xf32, #tpu.memory_space<vmem>>, vector<16xf32>,
        %parallel_loop3A_2025 = arith.constant 0.000000e+00 : f32
        %parallel_loop3A_2026 = vector.broadcast %parallel_loop3A_2025 : f32 to vector<16xf32>
        %parallel_loop3A_2027 = arith.subf %parallel_loop3A_2026, %parallel_loop3A_2024 : vector<16xf32>
        %parallel_loop3A_2028 = math.exp %parallel_loop3A_2027 : vector<16xf32>
        %parallel_loop3A_2029 = arith.constant 1.000000e+00 : f32
        %parallel_loop3A_2030 = vector.broadcast %parallel_loop3A_2029 : f32 to vector<16xf32>
        %parallel_loop3A_2031 = arith.addf %parallel_loop3A_2030, %parallel_loop3A_2028 : vector<16xf32>
        %parallel_loop3A_2032 = tpu.bitcast %parallel_loop3A_2031 : vector<16xf32> -> vector<16xi32>
        %parallel_loop3A_2033 = arith.constant 2129859011 : i32
        %parallel_loop3A_2034 = vector.broadcast %parallel_loop3A_2033 : i32 to vector<16xi32>
        %parallel_loop3A_2035 = arith.subi %parallel_loop3A_2034, %parallel_loop3A_2032 : vector<16xi32>
        %parallel_loop3A_2036 = tpu.bitcast %parallel_loop3A_2035 : vector<16xi32> -> vector<16xf32>
        %parallel_loop3A_2037 = arith.mulf %parallel_loop3A_2031, %parallel_loop3A_2036 : vector<16xf32>
        %parallel_loop3A_2038 = arith.constant 2.000000e+00 : f32
        %parallel_loop3A_2039 = vector.broadcast %parallel_loop3A_2038 : f32 to vector<16xf32>
        %parallel_loop3A_2040 = arith.subf %parallel_loop3A_2039, %parallel_loop3A_2037 : vector<16xf32>
        %parallel_loop3A_2041 = arith.mulf %parallel_loop3A_2036, %parallel_loop3A_2040 : vector<16xf32>
        %parallel_loop3A_2042 = arith.mulf %parallel_loop3A_2031, %parallel_loop3A_2041 : vector<16xf32>
        %parallel_loop3A_2043 = arith.constant 2.000000e+00 : f32
        %parallel_loop3A_2044 = vector.broadcast %parallel_loop3A_2043 : f32 to vector<16xf32>
        %parallel_loop3A_2045 = arith.subf %parallel_loop3A_2044, %parallel_loop3A_2042 : vector<16xf32>
        %parallel_loop3A_2046 = arith.mulf %parallel_loop3A_2041, %parallel_loop3A_2045 : vector<16xf32>
        %parallel_loop3A_2047 = arith.mulf %parallel_loop3A_2031, %parallel_loop3A_2046 : vector<16xf32>
        %parallel_loop3A_2048 = arith.constant 2.000000e+00 : f32
        %parallel_loop3A_2049 = vector.broadcast %parallel_loop3A_2048 : f32 to vector<16xf32>
        %parallel_loop3A_2050 = arith.subf %parallel_loop3A_2049, %parallel_loop3A_2047 : vector<16xf32>
        %parallel_loop3A_2051 = arith.mulf %parallel_loop3A_2046, %parallel_loop3A_2050 : vector<16xf32>
        %parallel_loop3A_2052 = arith.constant 5 : i32
        %parallel_loop3A_2053 = arith.index_cast %parallel_loop3A_2052 : i32 to index
        %parallel_loop3A_2054 = arith.index_cast %parallel_loop3A_1883 : i32 to index
        %parallel_loop3A_2055 = arith.index_cast %parallel_loop3A_1887 : i32 to index
        %parallel_loop3A_2056 = tpu.vector_load %arg5[%parallel_loop3A_2053, %parallel_loop3A_2054, %parallel_loop3A_2055] {strides = array<i32>} : memref<32x8x128xf32, #tpu.memory_space<vmem>>, vector<16xf32>,
        %parallel_loop3A_2057 = arith.constant 0.000000e+00 : f32
        %parallel_loop3A_2058 = vector.broadcast %parallel_loop3A_2057 : f32 to vector<16xf32>
        %parallel_loop3A_2059 = arith.subf %parallel_loop3A_2058, %parallel_loop3A_2056 : vector<16xf32>
        %parallel_loop3A_2060 = math.exp %parallel_loop3A_2059 : vector<16xf32>
        %parallel_loop3A_2061 = arith.constant 1.000000e+00 : f32
        %parallel_loop3A_2062 = vector.broadcast %parallel_loop3A_2061 : f32 to vector<16xf32>
        %parallel_loop3A_2063 = arith.addf %parallel_loop3A_2062, %parallel_loop3A_2060 : vector<16xf32>
        %parallel_loop3A_2064 = tpu.bitcast %parallel_loop3A_2063 : vector<16xf32> -> vector<16xi32>
        %parallel_loop3A_2065 = arith.constant 2129859011 : i32
        %parallel_loop3A_2066 = vector.broadcast %parallel_loop3A_2065 : i32 to vector<16xi32>
        %parallel_loop3A_2067 = arith.subi %parallel_loop3A_2066, %parallel_loop3A_2064 : vector<16xi32>
        %parallel_loop3A_2068 = tpu.bitcast %parallel_loop3A_2067 : vector<16xi32> -> vector<16xf32>
        %parallel_loop3A_2069 = arith.mulf %parallel_loop3A_2063, %parallel_loop3A_2068 : vector<16xf32>
        %parallel_loop3A_2070 = arith.constant 2.000000e+00 : f32
        %parallel_loop3A_2071 = vector.broadcast %parallel_loop3A_2070 : f32 to vector<16xf32>
        %parallel_loop3A_2072 = arith.subf %parallel_loop3A_2071, %parallel_loop3A_2069 : vector<16xf32>
        %parallel_loop3A_2073 = arith.mulf %parallel_loop3A_2068, %parallel_loop3A_2072 : vector<16xf32>
        %parallel_loop3A_2074 = arith.mulf %parallel_loop3A_2063, %parallel_loop3A_2073 : vector<16xf32>
        %parallel_loop3A_2075 = arith.constant 2.000000e+00 : f32
        %parallel_loop3A_2076 = vector.broadcast %parallel_loop3A_2075 : f32 to vector<16xf32>
        %parallel_loop3A_2077 = arith.subf %parallel_loop3A_2076, %parallel_loop3A_2074 : vector<16xf32>
        %parallel_loop3A_2078 = arith.mulf %parallel_loop3A_2073, %parallel_loop3A_2077 : vector<16xf32>
        %parallel_loop3A_2079 = arith.mulf %parallel_loop3A_2063, %parallel_loop3A_2078 : vector<16xf32>
        %parallel_loop3A_2080 = arith.constant 2.000000e+00 : f32
        %parallel_loop3A_2081 = vector.broadcast %parallel_loop3A_2080 : f32 to vector<16xf32>
        %parallel_loop3A_2082 = arith.subf %parallel_loop3A_2081, %parallel_loop3A_2079 : vector<16xf32>
        %parallel_loop3A_2083 = arith.mulf %parallel_loop3A_2078, %parallel_loop3A_2082 : vector<16xf32>
        %parallel_loop3A_2084 = arith.constant 6 : i32
        %parallel_loop3A_2085 = arith.index_cast %parallel_loop3A_2084 : i32 to index
        %parallel_loop3A_2086 = arith.index_cast %parallel_loop3A_1883 : i32 to index
        %parallel_loop3A_2087 = arith.index_cast %parallel_loop3A_1887 : i32 to index
        %parallel_loop3A_2088 = tpu.vector_load %arg5[%parallel_loop3A_2085, %parallel_loop3A_2086, %parallel_loop3A_2087] {strides = array<i32>} : memref<32x8x128xf32, #tpu.memory_space<vmem>>, vector<16xf32>,
        %parallel_loop3A_2089 = arith.constant 0.000000e+00 : f32
        %parallel_loop3A_2090 = vector.broadcast %parallel_loop3A_2089 : f32 to vector<16xf32>
        %parallel_loop3A_2091 = arith.subf %parallel_loop3A_2090, %parallel_loop3A_2088 : vector<16xf32>
        %parallel_loop3A_2092 = math.exp %parallel_loop3A_2091 : vector<16xf32>
        %parallel_loop3A_2093 = arith.constant 1.000000e+00 : f32
        %parallel_loop3A_2094 = vector.broadcast %parallel_loop3A_2093 : f32 to vector<16xf32>
        %parallel_loop3A_2095 = arith.addf %parallel_loop3A_2094, %parallel_loop3A_2092 : vector<16xf32>
        %parallel_loop3A_2096 = tpu.bitcast %parallel_loop3A_2095 : vector<16xf32> -> vector<16xi32>
        %parallel_loop3A_2097 = arith.constant 2129859011 : i32
        %parallel_loop3A_2098 = vector.broadcast %parallel_loop3A_2097 : i32 to vector<16xi32>
        %parallel_loop3A_2099 = arith.subi %parallel_loop3A_2098, %parallel_loop3A_2096 : vector<16xi32>
        %parallel_loop3A_2100 = tpu.bitcast %parallel_loop3A_2099 : vector<16xi32> -> vector<16xf32>
        %parallel_loop3A_2101 = arith.mulf %parallel_loop3A_2095, %parallel_loop3A_2100 : vector<16xf32>
        %parallel_loop3A_2102 = arith.constant 2.000000e+00 : f32
        %parallel_loop3A_2103 = vector.broadcast %parallel_loop3A_2102 : f32 to vector<16xf32>
        %parallel_loop3A_2104 = arith.subf %parallel_loop3A_2103, %parallel_loop3A_2101 : vector<16xf32>
        %parallel_loop3A_2105 = arith.mulf %parallel_loop3A_2100, %parallel_loop3A_2104 : vector<16xf32>
        %parallel_loop3A_2106 = arith.mulf %parallel_loop3A_2095, %parallel_loop3A_2105 : vector<16xf32>
        %parallel_loop3A_2107 = arith.constant 2.000000e+00 : f32
        %parallel_loop3A_2108 = vector.broadcast %parallel_loop3A_2107 : f32 to vector<16xf32>
        %parallel_loop3A_2109 = arith.subf %parallel_loop3A_2108, %parallel_loop3A_2106 : vector<16xf32>
        %parallel_loop3A_2110 = arith.mulf %parallel_loop3A_2105, %parallel_loop3A_2109 : vector<16xf32>
        %parallel_loop3A_2111 = arith.mulf %parallel_loop3A_2095, %parallel_loop3A_2110 : vector<16xf32>
        %parallel_loop3A_2112 = arith.constant 2.000000e+00 : f32
        %parallel_loop3A_2113 = vector.broadcast %parallel_loop3A_2112 : f32 to vector<16xf32>
        %parallel_loop3A_2114 = arith.subf %parallel_loop3A_2113, %parallel_loop3A_2111 : vector<16xf32>
        %parallel_loop3A_2115 = arith.mulf %parallel_loop3A_2110, %parallel_loop3A_2114 : vector<16xf32>
        %parallel_loop3A_2116 = arith.constant 7 : i32
        %parallel_loop3A_2117 = arith.index_cast %parallel_loop3A_2116 : i32 to index
        %parallel_loop3A_2118 = arith.index_cast %parallel_loop3A_1883 : i32 to index
        %parallel_loop3A_2119 = arith.index_cast %parallel_loop3A_1887 : i32 to index
        %parallel_loop3A_2120 = tpu.vector_load %arg5[%parallel_loop3A_2117, %parallel_loop3A_2118, %parallel_loop3A_2119] {strides = array<i32>} : memref<32x8x128xf32, #tpu.memory_space<vmem>>, vector<16xf32>,
        %parallel_loop3A_2121 = arith.constant 0.000000e+00 : f32
        %parallel_loop3A_2122 = vector.broadcast %parallel_loop3A_2121 : f32 to vector<16xf32>
        %parallel_loop3A_2123 = arith.subf %parallel_loop3A_2122, %parallel_loop3A_2120 : vector<16xf32>
        %parallel_loop3A_2124 = math.exp %parallel_loop3A_2123 : vector<16xf32>
        %parallel_loop3A_2125 = arith.constant 1.000000e+00 : f32
        %parallel_loop3A_2126 = vector.broadcast %parallel_loop3A_2125 : f32 to vector<16xf32>
        %parallel_loop3A_2127 = arith.addf %parallel_loop3A_2126, %parallel_loop3A_2124 : vector<16xf32>
        %parallel_loop3A_2128 = tpu.bitcast %parallel_loop3A_2127 : vector<16xf32> -> vector<16xi32>
        %parallel_loop3A_2129 = arith.constant 2129859011 : i32
        %parallel_loop3A_2130 = vector.broadcast %parallel_loop3A_2129 : i32 to vector<16xi32>
        %parallel_loop3A_2131 = arith.subi %parallel_loop3A_2130, %parallel_loop3A_2128 : vector<16xi32>
        %parallel_loop3A_2132 = tpu.bitcast %parallel_loop3A_2131 : vector<16xi32> -> vector<16xf32>
        %parallel_loop3A_2133 = arith.mulf %parallel_loop3A_2127, %parallel_loop3A_2132 : vector<16xf32>
        %parallel_loop3A_2134 = arith.constant 2.000000e+00 : f32
        %parallel_loop3A_2135 = vector.broadcast %parallel_loop3A_2134 : f32 to vector<16xf32>
        %parallel_loop3A_2136 = arith.subf %parallel_loop3A_2135, %parallel_loop3A_2133 : vector<16xf32>
        %parallel_loop3A_2137 = arith.mulf %parallel_loop3A_2132, %parallel_loop3A_2136 : vector<16xf32>
        %parallel_loop3A_2138 = arith.mulf %parallel_loop3A_2127, %parallel_loop3A_2137 : vector<16xf32>
        %parallel_loop3A_2139 = arith.constant 2.000000e+00 : f32
        %parallel_loop3A_2140 = vector.broadcast %parallel_loop3A_2139 : f32 to vector<16xf32>
        %parallel_loop3A_2141 = arith.subf %parallel_loop3A_2140, %parallel_loop3A_2138 : vector<16xf32>
        %parallel_loop3A_2142 = arith.mulf %parallel_loop3A_2137, %parallel_loop3A_2141 : vector<16xf32>
        %parallel_loop3A_2143 = arith.mulf %parallel_loop3A_2127, %parallel_loop3A_2142 : vector<16xf32>
        %parallel_loop3A_2144 = arith.constant 2.000000e+00 : f32
        %parallel_loop3A_2145 = vector.broadcast %parallel_loop3A_2144 : f32 to vector<16xf32>
        %parallel_loop3A_2146 = arith.subf %parallel_loop3A_2145, %parallel_loop3A_2143 : vector<16xf32>
        %parallel_loop3A_2147 = arith.mulf %parallel_loop3A_2142, %parallel_loop3A_2146 : vector<16xf32>
        %parallel_loop3A_2148 = arith.cmpf ogt, %parallel_loop3A_1928, %parallel_loop3A_1896 : vector<16xf32>
        %parallel_loop3A_2149 = arith.select %parallel_loop3A_2148, %parallel_loop3A_1928, %parallel_loop3A_1896 : vector<16xi1>, vector<16xf32>
        %parallel_loop3A_2150 = arith.constant 1 : i32
        %parallel_loop3A_2151 = arith.constant 0 : i32
        %parallel_loop3A_2152 = vector.broadcast %parallel_loop3A_2150 : i32 to vector<16xi32>
        %parallel_loop3A_2153 = vector.broadcast %parallel_loop3A_2151 : i32 to vector<16xi32>
        %parallel_loop3A_2154 = arith.select %parallel_loop3A_2148, %parallel_loop3A_2152, %parallel_loop3A_2153 : vector<16xi1>, vector<16xi32>
        %parallel_loop3A_2155 = arith.cmpf ogt, %parallel_loop3A_1992, %parallel_loop3A_1960 : vector<16xf32>
        %parallel_loop3A_2156 = arith.select %parallel_loop3A_2155, %parallel_loop3A_1992, %parallel_loop3A_1960 : vector<16xi1>, vector<16xf32>
        %parallel_loop3A_2157 = arith.constant 3 : i32
        %parallel_loop3A_2158 = arith.constant 2 : i32
        %parallel_loop3A_2159 = vector.broadcast %parallel_loop3A_2157 : i32 to vector<16xi32>
        %parallel_loop3A_2160 = vector.broadcast %parallel_loop3A_2158 : i32 to vector<16xi32>
        %parallel_loop3A_2161 = arith.select %parallel_loop3A_2155, %parallel_loop3A_2159, %parallel_loop3A_2160 : vector<16xi1>, vector<16xi32>
        %parallel_loop3A_2162 = arith.cmpf ogt, %parallel_loop3A_2056, %parallel_loop3A_2024 : vector<16xf32>
        %parallel_loop3A_2163 = arith.select %parallel_loop3A_2162, %parallel_loop3A_2056, %parallel_loop3A_2024 : vector<16xi1>, vector<16xf32>
        %parallel_loop3A_2164 = arith.constant 5 : i32
        %parallel_loop3A_2165 = arith.constant 4 : i32
        %parallel_loop3A_2166 = vector.broadcast %parallel_loop3A_2164 : i32 to vector<16xi32>
        %parallel_loop3A_2167 = vector.broadcast %parallel_loop3A_2165 : i32 to vector<16xi32>
        %parallel_loop3A_2168 = arith.select %parallel_loop3A_2162, %parallel_loop3A_2166, %parallel_loop3A_2167 : vector<16xi1>, vector<16xi32>
        %parallel_loop3A_2169 = arith.cmpf ogt, %parallel_loop3A_2120, %parallel_loop3A_2088 : vector<16xf32>
        %parallel_loop3A_2170 = arith.select %parallel_loop3A_2169, %parallel_loop3A_2120, %parallel_loop3A_2088 : vector<16xi1>, vector<16xf32>
        %parallel_loop3A_2171 = arith.constant 7 : i32
        %parallel_loop3A_2172 = arith.constant 6 : i32
        %parallel_loop3A_2173 = vector.broadcast %parallel_loop3A_2171 : i32 to vector<16xi32>
        %parallel_loop3A_2174 = vector.broadcast %parallel_loop3A_2172 : i32 to vector<16xi32>
        %parallel_loop3A_2175 = arith.select %parallel_loop3A_2169, %parallel_loop3A_2173, %parallel_loop3A_2174 : vector<16xi1>, vector<16xi32>
        %parallel_loop3A_2176 = arith.cmpf ogt, %parallel_loop3A_2156, %parallel_loop3A_2149 : vector<16xf32>
        %parallel_loop3A_2177 = arith.select %parallel_loop3A_2176, %parallel_loop3A_2156, %parallel_loop3A_2149 : vector<16xi1>, vector<16xf32>
        %parallel_loop3A_2178 = arith.select %parallel_loop3A_2176, %parallel_loop3A_2161, %parallel_loop3A_2154 : vector<16xi1>, vector<16xi32>
        %parallel_loop3A_2179 = arith.cmpf ogt, %parallel_loop3A_2170, %parallel_loop3A_2163 : vector<16xf32>
        %parallel_loop3A_2180 = arith.select %parallel_loop3A_2179, %parallel_loop3A_2170, %parallel_loop3A_2163 : vector<16xi1>, vector<16xf32>
        %parallel_loop3A_2181 = arith.select %parallel_loop3A_2179, %parallel_loop3A_2175, %parallel_loop3A_2168 : vector<16xi1>, vector<16xi32>
        %parallel_loop3A_2182 = arith.cmpf ogt, %parallel_loop3A_2180, %parallel_loop3A_2177 : vector<16xf32>
        %parallel_loop3A_2183 = arith.select %parallel_loop3A_2182, %parallel_loop3A_2180, %parallel_loop3A_2177 : vector<16xi1>, vector<16xf32>
        %parallel_loop3A_2184 = arith.select %parallel_loop3A_2182, %parallel_loop3A_2181, %parallel_loop3A_2178 : vector<16xi1>, vector<16xi32>
        %parallel_loop3A_2185 = arith.constant 8 : i32
        %parallel_loop3A_2186 = arith.index_cast %parallel_loop3A_2185 : i32 to index
        %parallel_loop3A_2187 = arith.index_cast %parallel_loop3A_1883 : i32 to index
        %parallel_loop3A_2188 = arith.index_cast %parallel_loop3A_1887 : i32 to index
        %parallel_loop3A_2189 = tpu.vector_load %arg5[%parallel_loop3A_2186, %parallel_loop3A_2187, %parallel_loop3A_2188] {strides = array<i32>} : memref<32x8x128xf32, #tpu.memory_space<vmem>>, vector<16xf32>,
        %parallel_loop3A_2190 = arith.constant 0.000000e+00 : f32
        %parallel_loop3A_2191 = vector.broadcast %parallel_loop3A_2190 : f32 to vector<16xf32>
        %parallel_loop3A_2192 = arith.subf %parallel_loop3A_2191, %parallel_loop3A_2189 : vector<16xf32>
        %parallel_loop3A_2193 = math.exp %parallel_loop3A_2192 : vector<16xf32>
        %parallel_loop3A_2194 = arith.constant 1.000000e+00 : f32
        %parallel_loop3A_2195 = vector.broadcast %parallel_loop3A_2194 : f32 to vector<16xf32>
        %parallel_loop3A_2196 = arith.addf %parallel_loop3A_2195, %parallel_loop3A_2193 : vector<16xf32>
        %parallel_loop3A_2197 = tpu.bitcast %parallel_loop3A_2196 : vector<16xf32> -> vector<16xi32>
        %parallel_loop3A_2198 = arith.constant 2129859011 : i32
        %parallel_loop3A_2199 = vector.broadcast %parallel_loop3A_2198 : i32 to vector<16xi32>
        %parallel_loop3A_2200 = arith.subi %parallel_loop3A_2199, %parallel_loop3A_2197 : vector<16xi32>
        %parallel_loop3A_2201 = tpu.bitcast %parallel_loop3A_2200 : vector<16xi32> -> vector<16xf32>
        %parallel_loop3A_2202 = arith.mulf %parallel_loop3A_2196, %parallel_loop3A_2201 : vector<16xf32>
        %parallel_loop3A_2203 = arith.constant 2.000000e+00 : f32
        %parallel_loop3A_2204 = vector.broadcast %parallel_loop3A_2203 : f32 to vector<16xf32>
        %parallel_loop3A_2205 = arith.subf %parallel_loop3A_2204, %parallel_loop3A_2202 : vector<16xf32>
        %parallel_loop3A_2206 = arith.mulf %parallel_loop3A_2201, %parallel_loop3A_2205 : vector<16xf32>
        %parallel_loop3A_2207 = arith.mulf %parallel_loop3A_2196, %parallel_loop3A_2206 : vector<16xf32>
        %parallel_loop3A_2208 = arith.constant 2.000000e+00 : f32
        %parallel_loop3A_2209 = vector.broadcast %parallel_loop3A_2208 : f32 to vector<16xf32>
        %parallel_loop3A_2210 = arith.subf %parallel_loop3A_2209, %parallel_loop3A_2207 : vector<16xf32>
        %parallel_loop3A_2211 = arith.mulf %parallel_loop3A_2206, %parallel_loop3A_2210 : vector<16xf32>
        %parallel_loop3A_2212 = arith.mulf %parallel_loop3A_2196, %parallel_loop3A_2211 : vector<16xf32>
        %parallel_loop3A_2213 = arith.constant 2.000000e+00 : f32
        %parallel_loop3A_2214 = vector.broadcast %parallel_loop3A_2213 : f32 to vector<16xf32>
        %parallel_loop3A_2215 = arith.subf %parallel_loop3A_2214, %parallel_loop3A_2212 : vector<16xf32>
        %parallel_loop3A_2216 = arith.mulf %parallel_loop3A_2211, %parallel_loop3A_2215 : vector<16xf32>
        %parallel_loop3A_2217 = arith.constant 9 : i32
        %parallel_loop3A_2218 = arith.index_cast %parallel_loop3A_2217 : i32 to index
        %parallel_loop3A_2219 = arith.index_cast %parallel_loop3A_1883 : i32 to index
        %parallel_loop3A_2220 = arith.index_cast %parallel_loop3A_1887 : i32 to index
        %parallel_loop3A_2221 = tpu.vector_load %arg5[%parallel_loop3A_2218, %parallel_loop3A_2219, %parallel_loop3A_2220] {strides = array<i32>} : memref<32x8x128xf32, #tpu.memory_space<vmem>>, vector<16xf32>,
        %parallel_loop3A_2222 = arith.constant 0.000000e+00 : f32
        %parallel_loop3A_2223 = vector.broadcast %parallel_loop3A_2222 : f32 to vector<16xf32>
        %parallel_loop3A_2224 = arith.subf %parallel_loop3A_2223, %parallel_loop3A_2221 : vector<16xf32>
        %parallel_loop3A_2225 = math.exp %parallel_loop3A_2224 : vector<16xf32>
        %parallel_loop3A_2226 = arith.constant 1.000000e+00 : f32
        %parallel_loop3A_2227 = vector.broadcast %parallel_loop3A_2226 : f32 to vector<16xf32>
        %parallel_loop3A_2228 = arith.addf %parallel_loop3A_2227, %parallel_loop3A_2225 : vector<16xf32>
        %parallel_loop3A_2229 = tpu.bitcast %parallel_loop3A_2228 : vector<16xf32> -> vector<16xi32>
        %parallel_loop3A_2230 = arith.constant 2129859011 : i32
        %parallel_loop3A_2231 = vector.broadcast %parallel_loop3A_2230 : i32 to vector<16xi32>
        %parallel_loop3A_2232 = arith.subi %parallel_loop3A_2231, %parallel_loop3A_2229 : vector<16xi32>
        %parallel_loop3A_2233 = tpu.bitcast %parallel_loop3A_2232 : vector<16xi32> -> vector<16xf32>
        %parallel_loop3A_2234 = arith.mulf %parallel_loop3A_2228, %parallel_loop3A_2233 : vector<16xf32>
        %parallel_loop3A_2235 = arith.constant 2.000000e+00 : f32
        %parallel_loop3A_2236 = vector.broadcast %parallel_loop3A_2235 : f32 to vector<16xf32>
        %parallel_loop3A_2237 = arith.subf %parallel_loop3A_2236, %parallel_loop3A_2234 : vector<16xf32>
        %parallel_loop3A_2238 = arith.mulf %parallel_loop3A_2233, %parallel_loop3A_2237 : vector<16xf32>
        %parallel_loop3A_2239 = arith.mulf %parallel_loop3A_2228, %parallel_loop3A_2238 : vector<16xf32>
        %parallel_loop3A_2240 = arith.constant 2.000000e+00 : f32
        %parallel_loop3A_2241 = vector.broadcast %parallel_loop3A_2240 : f32 to vector<16xf32>
        %parallel_loop3A_2242 = arith.subf %parallel_loop3A_2241, %parallel_loop3A_2239 : vector<16xf32>
        %parallel_loop3A_2243 = arith.mulf %parallel_loop3A_2238, %parallel_loop3A_2242 : vector<16xf32>
        %parallel_loop3A_2244 = arith.mulf %parallel_loop3A_2228, %parallel_loop3A_2243 : vector<16xf32>
        %parallel_loop3A_2245 = arith.constant 2.000000e+00 : f32
        %parallel_loop3A_2246 = vector.broadcast %parallel_loop3A_2245 : f32 to vector<16xf32>
        %parallel_loop3A_2247 = arith.subf %parallel_loop3A_2246, %parallel_loop3A_2244 : vector<16xf32>
        %parallel_loop3A_2248 = arith.mulf %parallel_loop3A_2243, %parallel_loop3A_2247 : vector<16xf32>
        %parallel_loop3A_2249 = arith.constant 10 : i32
        %parallel_loop3A_2250 = arith.index_cast %parallel_loop3A_2249 : i32 to index
        %parallel_loop3A_2251 = arith.index_cast %parallel_loop3A_1883 : i32 to index
        %parallel_loop3A_2252 = arith.index_cast %parallel_loop3A_1887 : i32 to index
        %parallel_loop3A_2253 = tpu.vector_load %arg5[%parallel_loop3A_2250, %parallel_loop3A_2251, %parallel_loop3A_2252] {strides = array<i32>} : memref<32x8x128xf32, #tpu.memory_space<vmem>>, vector<16xf32>,
        %parallel_loop3A_2254 = arith.constant 0.000000e+00 : f32
        %parallel_loop3A_2255 = vector.broadcast %parallel_loop3A_2254 : f32 to vector<16xf32>
        %parallel_loop3A_2256 = arith.subf %parallel_loop3A_2255, %parallel_loop3A_2253 : vector<16xf32>
        %parallel_loop3A_2257 = math.exp %parallel_loop3A_2256 : vector<16xf32>
        %parallel_loop3A_2258 = arith.constant 1.000000e+00 : f32
        %parallel_loop3A_2259 = vector.broadcast %parallel_loop3A_2258 : f32 to vector<16xf32>
        %parallel_loop3A_2260 = arith.addf %parallel_loop3A_2259, %parallel_loop3A_2257 : vector<16xf32>
        %parallel_loop3A_2261 = tpu.bitcast %parallel_loop3A_2260 : vector<16xf32> -> vector<16xi32>
        %parallel_loop3A_2262 = arith.constant 2129859011 : i32
        %parallel_loop3A_2263 = vector.broadcast %parallel_loop3A_2262 : i32 to vector<16xi32>
        %parallel_loop3A_2264 = arith.subi %parallel_loop3A_2263, %parallel_loop3A_2261 : vector<16xi32>
        %parallel_loop3A_2265 = tpu.bitcast %parallel_loop3A_2264 : vector<16xi32> -> vector<16xf32>
        %parallel_loop3A_2266 = arith.mulf %parallel_loop3A_2260, %parallel_loop3A_2265 : vector<16xf32>
        %parallel_loop3A_2267 = arith.constant 2.000000e+00 : f32
        %parallel_loop3A_2268 = vector.broadcast %parallel_loop3A_2267 : f32 to vector<16xf32>
        %parallel_loop3A_2269 = arith.subf %parallel_loop3A_2268, %parallel_loop3A_2266 : vector<16xf32>
        %parallel_loop3A_2270 = arith.mulf %parallel_loop3A_2265, %parallel_loop3A_2269 : vector<16xf32>
        %parallel_loop3A_2271 = arith.mulf %parallel_loop3A_2260, %parallel_loop3A_2270 : vector<16xf32>
        %parallel_loop3A_2272 = arith.constant 2.000000e+00 : f32
        %parallel_loop3A_2273 = vector.broadcast %parallel_loop3A_2272 : f32 to vector<16xf32>
        %parallel_loop3A_2274 = arith.subf %parallel_loop3A_2273, %parallel_loop3A_2271 : vector<16xf32>
        %parallel_loop3A_2275 = arith.mulf %parallel_loop3A_2270, %parallel_loop3A_2274 : vector<16xf32>
        %parallel_loop3A_2276 = arith.mulf %parallel_loop3A_2260, %parallel_loop3A_2275 : vector<16xf32>
        %parallel_loop3A_2277 = arith.constant 2.000000e+00 : f32
        %parallel_loop3A_2278 = vector.broadcast %parallel_loop3A_2277 : f32 to vector<16xf32>
        %parallel_loop3A_2279 = arith.subf %parallel_loop3A_2278, %parallel_loop3A_2276 : vector<16xf32>
        %parallel_loop3A_2280 = arith.mulf %parallel_loop3A_2275, %parallel_loop3A_2279 : vector<16xf32>
        %parallel_loop3A_2281 = arith.constant 11 : i32
        %parallel_loop3A_2282 = arith.index_cast %parallel_loop3A_2281 : i32 to index
        %parallel_loop3A_2283 = arith.index_cast %parallel_loop3A_1883 : i32 to index
        %parallel_loop3A_2284 = arith.index_cast %parallel_loop3A_1887 : i32 to index
        %parallel_loop3A_2285 = tpu.vector_load %arg5[%parallel_loop3A_2282, %parallel_loop3A_2283, %parallel_loop3A_2284] {strides = array<i32>} : memref<32x8x128xf32, #tpu.memory_space<vmem>>, vector<16xf32>,
        %parallel_loop3A_2286 = arith.constant 0.000000e+00 : f32
        %parallel_loop3A_2287 = vector.broadcast %parallel_loop3A_2286 : f32 to vector<16xf32>
        %parallel_loop3A_2288 = arith.subf %parallel_loop3A_2287, %parallel_loop3A_2285 : vector<16xf32>
        %parallel_loop3A_2289 = math.exp %parallel_loop3A_2288 : vector<16xf32>
        %parallel_loop3A_2290 = arith.constant 1.000000e+00 : f32
        %parallel_loop3A_2291 = vector.broadcast %parallel_loop3A_2290 : f32 to vector<16xf32>
        %parallel_loop3A_2292 = arith.addf %parallel_loop3A_2291, %parallel_loop3A_2289 : vector<16xf32>
        %parallel_loop3A_2293 = tpu.bitcast %parallel_loop3A_2292 : vector<16xf32> -> vector<16xi32>
        %parallel_loop3A_2294 = arith.constant 2129859011 : i32
        %parallel_loop3A_2295 = vector.broadcast %parallel_loop3A_2294 : i32 to vector<16xi32>
        %parallel_loop3A_2296 = arith.subi %parallel_loop3A_2295, %parallel_loop3A_2293 : vector<16xi32>
        %parallel_loop3A_2297 = tpu.bitcast %parallel_loop3A_2296 : vector<16xi32> -> vector<16xf32>
        %parallel_loop3A_2298 = arith.mulf %parallel_loop3A_2292, %parallel_loop3A_2297 : vector<16xf32>
        %parallel_loop3A_2299 = arith.constant 2.000000e+00 : f32
        %parallel_loop3A_2300 = vector.broadcast %parallel_loop3A_2299 : f32 to vector<16xf32>
        %parallel_loop3A_2301 = arith.subf %parallel_loop3A_2300, %parallel_loop3A_2298 : vector<16xf32>
        %parallel_loop3A_2302 = arith.mulf %parallel_loop3A_2297, %parallel_loop3A_2301 : vector<16xf32>
        %parallel_loop3A_2303 = arith.mulf %parallel_loop3A_2292, %parallel_loop3A_2302 : vector<16xf32>
        %parallel_loop3A_2304 = arith.constant 2.000000e+00 : f32
        %parallel_loop3A_2305 = vector.broadcast %parallel_loop3A_2304 : f32 to vector<16xf32>
        %parallel_loop3A_2306 = arith.subf %parallel_loop3A_2305, %parallel_loop3A_2303 : vector<16xf32>
        %parallel_loop3A_2307 = arith.mulf %parallel_loop3A_2302, %parallel_loop3A_2306 : vector<16xf32>
        %parallel_loop3A_2308 = arith.mulf %parallel_loop3A_2292, %parallel_loop3A_2307 : vector<16xf32>
        %parallel_loop3A_2309 = arith.constant 2.000000e+00 : f32
        %parallel_loop3A_2310 = vector.broadcast %parallel_loop3A_2309 : f32 to vector<16xf32>
        %parallel_loop3A_2311 = arith.subf %parallel_loop3A_2310, %parallel_loop3A_2308 : vector<16xf32>
        %parallel_loop3A_2312 = arith.mulf %parallel_loop3A_2307, %parallel_loop3A_2311 : vector<16xf32>
        %parallel_loop3A_2313 = arith.constant 12 : i32
        %parallel_loop3A_2314 = arith.index_cast %parallel_loop3A_2313 : i32 to index
        %parallel_loop3A_2315 = arith.index_cast %parallel_loop3A_1883 : i32 to index
        %parallel_loop3A_2316 = arith.index_cast %parallel_loop3A_1887 : i32 to index
        %parallel_loop3A_2317 = tpu.vector_load %arg5[%parallel_loop3A_2314, %parallel_loop3A_2315, %parallel_loop3A_2316] {strides = array<i32>} : memref<32x8x128xf32, #tpu.memory_space<vmem>>, vector<16xf32>,
        %parallel_loop3A_2318 = arith.constant 0.000000e+00 : f32
        %parallel_loop3A_2319 = vector.broadcast %parallel_loop3A_2318 : f32 to vector<16xf32>
        %parallel_loop3A_2320 = arith.subf %parallel_loop3A_2319, %parallel_loop3A_2317 : vector<16xf32>
        %parallel_loop3A_2321 = math.exp %parallel_loop3A_2320 : vector<16xf32>
        %parallel_loop3A_2322 = arith.constant 1.000000e+00 : f32
        %parallel_loop3A_2323 = vector.broadcast %parallel_loop3A_2322 : f32 to vector<16xf32>
        %parallel_loop3A_2324 = arith.addf %parallel_loop3A_2323, %parallel_loop3A_2321 : vector<16xf32>
        %parallel_loop3A_2325 = tpu.bitcast %parallel_loop3A_2324 : vector<16xf32> -> vector<16xi32>
        %parallel_loop3A_2326 = arith.constant 2129859011 : i32
        %parallel_loop3A_2327 = vector.broadcast %parallel_loop3A_2326 : i32 to vector<16xi32>
        %parallel_loop3A_2328 = arith.subi %parallel_loop3A_2327, %parallel_loop3A_2325 : vector<16xi32>
        %parallel_loop3A_2329 = tpu.bitcast %parallel_loop3A_2328 : vector<16xi32> -> vector<16xf32>
        %parallel_loop3A_2330 = arith.mulf %parallel_loop3A_2324, %parallel_loop3A_2329 : vector<16xf32>
        %parallel_loop3A_2331 = arith.constant 2.000000e+00 : f32
        %parallel_loop3A_2332 = vector.broadcast %parallel_loop3A_2331 : f32 to vector<16xf32>
        %parallel_loop3A_2333 = arith.subf %parallel_loop3A_2332, %parallel_loop3A_2330 : vector<16xf32>
        %parallel_loop3A_2334 = arith.mulf %parallel_loop3A_2329, %parallel_loop3A_2333 : vector<16xf32>
        %parallel_loop3A_2335 = arith.mulf %parallel_loop3A_2324, %parallel_loop3A_2334 : vector<16xf32>
        %parallel_loop3A_2336 = arith.constant 2.000000e+00 : f32
        %parallel_loop3A_2337 = vector.broadcast %parallel_loop3A_2336 : f32 to vector<16xf32>
        %parallel_loop3A_2338 = arith.subf %parallel_loop3A_2337, %parallel_loop3A_2335 : vector<16xf32>
        %parallel_loop3A_2339 = arith.mulf %parallel_loop3A_2334, %parallel_loop3A_2338 : vector<16xf32>
        %parallel_loop3A_2340 = arith.mulf %parallel_loop3A_2324, %parallel_loop3A_2339 : vector<16xf32>
        %parallel_loop3A_2341 = arith.constant 2.000000e+00 : f32
        %parallel_loop3A_2342 = vector.broadcast %parallel_loop3A_2341 : f32 to vector<16xf32>
        %parallel_loop3A_2343 = arith.subf %parallel_loop3A_2342, %parallel_loop3A_2340 : vector<16xf32>
        %parallel_loop3A_2344 = arith.mulf %parallel_loop3A_2339, %parallel_loop3A_2343 : vector<16xf32>
        %parallel_loop3A_2345 = arith.constant 13 : i32
        %parallel_loop3A_2346 = arith.index_cast %parallel_loop3A_2345 : i32 to index
        %parallel_loop3A_2347 = arith.index_cast %parallel_loop3A_1883 : i32 to index
        %parallel_loop3A_2348 = arith.index_cast %parallel_loop3A_1887 : i32 to index
        %parallel_loop3A_2349 = tpu.vector_load %arg5[%parallel_loop3A_2346, %parallel_loop3A_2347, %parallel_loop3A_2348] {strides = array<i32>} : memref<32x8x128xf32, #tpu.memory_space<vmem>>, vector<16xf32>,
        %parallel_loop3A_2350 = arith.constant 0.000000e+00 : f32
        %parallel_loop3A_2351 = vector.broadcast %parallel_loop3A_2350 : f32 to vector<16xf32>
        %parallel_loop3A_2352 = arith.subf %parallel_loop3A_2351, %parallel_loop3A_2349 : vector<16xf32>
        %parallel_loop3A_2353 = math.exp %parallel_loop3A_2352 : vector<16xf32>
        %parallel_loop3A_2354 = arith.constant 1.000000e+00 : f32
        %parallel_loop3A_2355 = vector.broadcast %parallel_loop3A_2354 : f32 to vector<16xf32>
        %parallel_loop3A_2356 = arith.addf %parallel_loop3A_2355, %parallel_loop3A_2353 : vector<16xf32>
        %parallel_loop3A_2357 = tpu.bitcast %parallel_loop3A_2356 : vector<16xf32> -> vector<16xi32>
        %parallel_loop3A_2358 = arith.constant 2129859011 : i32
        %parallel_loop3A_2359 = vector.broadcast %parallel_loop3A_2358 : i32 to vector<16xi32>
        %parallel_loop3A_2360 = arith.subi %parallel_loop3A_2359, %parallel_loop3A_2357 : vector<16xi32>
        %parallel_loop3A_2361 = tpu.bitcast %parallel_loop3A_2360 : vector<16xi32> -> vector<16xf32>
        %parallel_loop3A_2362 = arith.mulf %parallel_loop3A_2356, %parallel_loop3A_2361 : vector<16xf32>
        %parallel_loop3A_2363 = arith.constant 2.000000e+00 : f32
        %parallel_loop3A_2364 = vector.broadcast %parallel_loop3A_2363 : f32 to vector<16xf32>
        %parallel_loop3A_2365 = arith.subf %parallel_loop3A_2364, %parallel_loop3A_2362 : vector<16xf32>
        %parallel_loop3A_2366 = arith.mulf %parallel_loop3A_2361, %parallel_loop3A_2365 : vector<16xf32>
        %parallel_loop3A_2367 = arith.mulf %parallel_loop3A_2356, %parallel_loop3A_2366 : vector<16xf32>
        %parallel_loop3A_2368 = arith.constant 2.000000e+00 : f32
        %parallel_loop3A_2369 = vector.broadcast %parallel_loop3A_2368 : f32 to vector<16xf32>
        %parallel_loop3A_2370 = arith.subf %parallel_loop3A_2369, %parallel_loop3A_2367 : vector<16xf32>
        %parallel_loop3A_2371 = arith.mulf %parallel_loop3A_2366, %parallel_loop3A_2370 : vector<16xf32>
        %parallel_loop3A_2372 = arith.mulf %parallel_loop3A_2356, %parallel_loop3A_2371 : vector<16xf32>
        %parallel_loop3A_2373 = arith.constant 2.000000e+00 : f32
        %parallel_loop3A_2374 = vector.broadcast %parallel_loop3A_2373 : f32 to vector<16xf32>
        %parallel_loop3A_2375 = arith.subf %parallel_loop3A_2374, %parallel_loop3A_2372 : vector<16xf32>
        %parallel_loop3A_2376 = arith.mulf %parallel_loop3A_2371, %parallel_loop3A_2375 : vector<16xf32>
        %parallel_loop3A_2377 = arith.constant 14 : i32
        %parallel_loop3A_2378 = arith.index_cast %parallel_loop3A_2377 : i32 to index
        %parallel_loop3A_2379 = arith.index_cast %parallel_loop3A_1883 : i32 to index
        %parallel_loop3A_2380 = arith.index_cast %parallel_loop3A_1887 : i32 to index
        %parallel_loop3A_2381 = tpu.vector_load %arg5[%parallel_loop3A_2378, %parallel_loop3A_2379, %parallel_loop3A_2380] {strides = array<i32>} : memref<32x8x128xf32, #tpu.memory_space<vmem>>, vector<16xf32>,
        %parallel_loop3A_2382 = arith.constant 0.000000e+00 : f32
        %parallel_loop3A_2383 = vector.broadcast %parallel_loop3A_2382 : f32 to vector<16xf32>
        %parallel_loop3A_2384 = arith.subf %parallel_loop3A_2383, %parallel_loop3A_2381 : vector<16xf32>
        %parallel_loop3A_2385 = math.exp %parallel_loop3A_2384 : vector<16xf32>
        %parallel_loop3A_2386 = arith.constant 1.000000e+00 : f32
        %parallel_loop3A_2387 = vector.broadcast %parallel_loop3A_2386 : f32 to vector<16xf32>
        %parallel_loop3A_2388 = arith.addf %parallel_loop3A_2387, %parallel_loop3A_2385 : vector<16xf32>
        %parallel_loop3A_2389 = tpu.bitcast %parallel_loop3A_2388 : vector<16xf32> -> vector<16xi32>
        %parallel_loop3A_2390 = arith.constant 2129859011 : i32
        %parallel_loop3A_2391 = vector.broadcast %parallel_loop3A_2390 : i32 to vector<16xi32>
        %parallel_loop3A_2392 = arith.subi %parallel_loop3A_2391, %parallel_loop3A_2389 : vector<16xi32>
        %parallel_loop3A_2393 = tpu.bitcast %parallel_loop3A_2392 : vector<16xi32> -> vector<16xf32>
        %parallel_loop3A_2394 = arith.mulf %parallel_loop3A_2388, %parallel_loop3A_2393 : vector<16xf32>
        %parallel_loop3A_2395 = arith.constant 2.000000e+00 : f32
        %parallel_loop3A_2396 = vector.broadcast %parallel_loop3A_2395 : f32 to vector<16xf32>
        %parallel_loop3A_2397 = arith.subf %parallel_loop3A_2396, %parallel_loop3A_2394 : vector<16xf32>
        %parallel_loop3A_2398 = arith.mulf %parallel_loop3A_2393, %parallel_loop3A_2397 : vector<16xf32>
        %parallel_loop3A_2399 = arith.mulf %parallel_loop3A_2388, %parallel_loop3A_2398 : vector<16xf32>
        %parallel_loop3A_2400 = arith.constant 2.000000e+00 : f32
        %parallel_loop3A_2401 = vector.broadcast %parallel_loop3A_2400 : f32 to vector<16xf32>
        %parallel_loop3A_2402 = arith.subf %parallel_loop3A_2401, %parallel_loop3A_2399 : vector<16xf32>
        %parallel_loop3A_2403 = arith.mulf %parallel_loop3A_2398, %parallel_loop3A_2402 : vector<16xf32>
        %parallel_loop3A_2404 = arith.mulf %parallel_loop3A_2388, %parallel_loop3A_2403 : vector<16xf32>
        %parallel_loop3A_2405 = arith.constant 2.000000e+00 : f32
        %parallel_loop3A_2406 = vector.broadcast %parallel_loop3A_2405 : f32 to vector<16xf32>
        %parallel_loop3A_2407 = arith.subf %parallel_loop3A_2406, %parallel_loop3A_2404 : vector<16xf32>
        %parallel_loop3A_2408 = arith.mulf %parallel_loop3A_2403, %parallel_loop3A_2407 : vector<16xf32>
        %parallel_loop3A_2409 = arith.constant 15 : i32
        %parallel_loop3A_2410 = arith.index_cast %parallel_loop3A_2409 : i32 to index
        %parallel_loop3A_2411 = arith.index_cast %parallel_loop3A_1883 : i32 to index
        %parallel_loop3A_2412 = arith.index_cast %parallel_loop3A_1887 : i32 to index
        %parallel_loop3A_2413 = tpu.vector_load %arg5[%parallel_loop3A_2410, %parallel_loop3A_2411, %parallel_loop3A_2412] {strides = array<i32>} : memref<32x8x128xf32, #tpu.memory_space<vmem>>, vector<16xf32>,
        %parallel_loop3A_2414 = arith.constant 0.000000e+00 : f32
        %parallel_loop3A_2415 = vector.broadcast %parallel_loop3A_2414 : f32 to vector<16xf32>
        %parallel_loop3A_2416 = arith.subf %parallel_loop3A_2415, %parallel_loop3A_2413 : vector<16xf32>
        %parallel_loop3A_2417 = math.exp %parallel_loop3A_2416 : vector<16xf32>
        %parallel_loop3A_2418 = arith.constant 1.000000e+00 : f32
        %parallel_loop3A_2419 = vector.broadcast %parallel_loop3A_2418 : f32 to vector<16xf32>
        %parallel_loop3A_2420 = arith.addf %parallel_loop3A_2419, %parallel_loop3A_2417 : vector<16xf32>
        %parallel_loop3A_2421 = tpu.bitcast %parallel_loop3A_2420 : vector<16xf32> -> vector<16xi32>
        %parallel_loop3A_2422 = arith.constant 2129859011 : i32
        %parallel_loop3A_2423 = vector.broadcast %parallel_loop3A_2422 : i32 to vector<16xi32>
        %parallel_loop3A_2424 = arith.subi %parallel_loop3A_2423, %parallel_loop3A_2421 : vector<16xi32>
        %parallel_loop3A_2425 = tpu.bitcast %parallel_loop3A_2424 : vector<16xi32> -> vector<16xf32>
        %parallel_loop3A_2426 = arith.mulf %parallel_loop3A_2420, %parallel_loop3A_2425 : vector<16xf32>
        %parallel_loop3A_2427 = arith.constant 2.000000e+00 : f32
        %parallel_loop3A_2428 = vector.broadcast %parallel_loop3A_2427 : f32 to vector<16xf32>
        %parallel_loop3A_2429 = arith.subf %parallel_loop3A_2428, %parallel_loop3A_2426 : vector<16xf32>
        %parallel_loop3A_2430 = arith.mulf %parallel_loop3A_2425, %parallel_loop3A_2429 : vector<16xf32>
        %parallel_loop3A_2431 = arith.mulf %parallel_loop3A_2420, %parallel_loop3A_2430 : vector<16xf32>
        %parallel_loop3A_2432 = arith.constant 2.000000e+00 : f32
        %parallel_loop3A_2433 = vector.broadcast %parallel_loop3A_2432 : f32 to vector<16xf32>
        %parallel_loop3A_2434 = arith.subf %parallel_loop3A_2433, %parallel_loop3A_2431 : vector<16xf32>
        %parallel_loop3A_2435 = arith.mulf %parallel_loop3A_2430, %parallel_loop3A_2434 : vector<16xf32>
        %parallel_loop3A_2436 = arith.mulf %parallel_loop3A_2420, %parallel_loop3A_2435 : vector<16xf32>
        %parallel_loop3A_2437 = arith.constant 2.000000e+00 : f32
        %parallel_loop3A_2438 = vector.broadcast %parallel_loop3A_2437 : f32 to vector<16xf32>
        %parallel_loop3A_2439 = arith.subf %parallel_loop3A_2438, %parallel_loop3A_2436 : vector<16xf32>
        %parallel_loop3A_2440 = arith.mulf %parallel_loop3A_2435, %parallel_loop3A_2439 : vector<16xf32>
        %parallel_loop3A_2441 = arith.cmpf ogt, %parallel_loop3A_2221, %parallel_loop3A_2189 : vector<16xf32>
        %parallel_loop3A_2442 = arith.select %parallel_loop3A_2441, %parallel_loop3A_2221, %parallel_loop3A_2189 : vector<16xi1>, vector<16xf32>
        %parallel_loop3A_2443 = arith.constant 9 : i32
        %parallel_loop3A_2444 = arith.constant 8 : i32
        %parallel_loop3A_2445 = vector.broadcast %parallel_loop3A_2443 : i32 to vector<16xi32>
        %parallel_loop3A_2446 = vector.broadcast %parallel_loop3A_2444 : i32 to vector<16xi32>
        %parallel_loop3A_2447 = arith.select %parallel_loop3A_2441, %parallel_loop3A_2445, %parallel_loop3A_2446 : vector<16xi1>, vector<16xi32>
        %parallel_loop3A_2448 = arith.cmpf ogt, %parallel_loop3A_2285, %parallel_loop3A_2253 : vector<16xf32>
        %parallel_loop3A_2449 = arith.select %parallel_loop3A_2448, %parallel_loop3A_2285, %parallel_loop3A_2253 : vector<16xi1>, vector<16xf32>
        %parallel_loop3A_2450 = arith.constant 11 : i32
        %parallel_loop3A_2451 = arith.constant 10 : i32
        %parallel_loop3A_2452 = vector.broadcast %parallel_loop3A_2450 : i32 to vector<16xi32>
        %parallel_loop3A_2453 = vector.broadcast %parallel_loop3A_2451 : i32 to vector<16xi32>
        %parallel_loop3A_2454 = arith.select %parallel_loop3A_2448, %parallel_loop3A_2452, %parallel_loop3A_2453 : vector<16xi1>, vector<16xi32>
        %parallel_loop3A_2455 = arith.cmpf ogt, %parallel_loop3A_2349, %parallel_loop3A_2317 : vector<16xf32>
        %parallel_loop3A_2456 = arith.select %parallel_loop3A_2455, %parallel_loop3A_2349, %parallel_loop3A_2317 : vector<16xi1>, vector<16xf32>
        %parallel_loop3A_2457 = arith.constant 13 : i32
        %parallel_loop3A_2458 = arith.constant 12 : i32
        %parallel_loop3A_2459 = vector.broadcast %parallel_loop3A_2457 : i32 to vector<16xi32>
        %parallel_loop3A_2460 = vector.broadcast %parallel_loop3A_2458 : i32 to vector<16xi32>
        %parallel_loop3A_2461 = arith.select %parallel_loop3A_2455, %parallel_loop3A_2459, %parallel_loop3A_2460 : vector<16xi1>, vector<16xi32>
        %parallel_loop3A_2462 = arith.cmpf ogt, %parallel_loop3A_2413, %parallel_loop3A_2381 : vector<16xf32>
        %parallel_loop3A_2463 = arith.select %parallel_loop3A_2462, %parallel_loop3A_2413, %parallel_loop3A_2381 : vector<16xi1>, vector<16xf32>
        %parallel_loop3A_2464 = arith.constant 15 : i32
        %parallel_loop3A_2465 = arith.constant 14 : i32
        %parallel_loop3A_2466 = vector.broadcast %parallel_loop3A_2464 : i32 to vector<16xi32>
        %parallel_loop3A_2467 = vector.broadcast %parallel_loop3A_2465 : i32 to vector<16xi32>
        %parallel_loop3A_2468 = arith.select %parallel_loop3A_2462, %parallel_loop3A_2466, %parallel_loop3A_2467 : vector<16xi1>, vector<16xi32>
        %parallel_loop3A_2469 = arith.cmpf ogt, %parallel_loop3A_2449, %parallel_loop3A_2442 : vector<16xf32>
        %parallel_loop3A_2470 = arith.select %parallel_loop3A_2469, %parallel_loop3A_2449, %parallel_loop3A_2442 : vector<16xi1>, vector<16xf32>
        %parallel_loop3A_2471 = arith.select %parallel_loop3A_2469, %parallel_loop3A_2454, %parallel_loop3A_2447 : vector<16xi1>, vector<16xi32>
        %parallel_loop3A_2472 = arith.cmpf ogt, %parallel_loop3A_2463, %parallel_loop3A_2456 : vector<16xf32>
        %parallel_loop3A_2473 = arith.select %parallel_loop3A_2472, %parallel_loop3A_2463, %parallel_loop3A_2456 : vector<16xi1>, vector<16xf32>
        %parallel_loop3A_2474 = arith.select %parallel_loop3A_2472, %parallel_loop3A_2468, %parallel_loop3A_2461 : vector<16xi1>, vector<16xi32>
        %parallel_loop3A_2475 = arith.cmpf ogt, %parallel_loop3A_2473, %parallel_loop3A_2470 : vector<16xf32>
        %parallel_loop3A_2476 = arith.select %parallel_loop3A_2475, %parallel_loop3A_2473, %parallel_loop3A_2470 : vector<16xi1>, vector<16xf32>
        %parallel_loop3A_2477 = arith.select %parallel_loop3A_2475, %parallel_loop3A_2474, %parallel_loop3A_2471 : vector<16xi1>, vector<16xi32>
        %parallel_loop3A_2478 = arith.constant 16 : i32
        %parallel_loop3A_2479 = arith.index_cast %parallel_loop3A_2478 : i32 to index
        %parallel_loop3A_2480 = arith.index_cast %parallel_loop3A_1883 : i32 to index
        %parallel_loop3A_2481 = arith.index_cast %parallel_loop3A_1887 : i32 to index
        %parallel_loop3A_2482 = tpu.vector_load %arg5[%parallel_loop3A_2479, %parallel_loop3A_2480, %parallel_loop3A_2481] {strides = array<i32>} : memref<32x8x128xf32, #tpu.memory_space<vmem>>, vector<16xf32>,
        %parallel_loop3A_2483 = arith.constant 0.000000e+00 : f32
        %parallel_loop3A_2484 = vector.broadcast %parallel_loop3A_2483 : f32 to vector<16xf32>
        %parallel_loop3A_2485 = arith.subf %parallel_loop3A_2484, %parallel_loop3A_2482 : vector<16xf32>
        %parallel_loop3A_2486 = math.exp %parallel_loop3A_2485 : vector<16xf32>
        %parallel_loop3A_2487 = arith.constant 1.000000e+00 : f32
        %parallel_loop3A_2488 = vector.broadcast %parallel_loop3A_2487 : f32 to vector<16xf32>
        %parallel_loop3A_2489 = arith.addf %parallel_loop3A_2488, %parallel_loop3A_2486 : vector<16xf32>
        %parallel_loop3A_2490 = tpu.bitcast %parallel_loop3A_2489 : vector<16xf32> -> vector<16xi32>
        %parallel_loop3A_2491 = arith.constant 2129859011 : i32
        %parallel_loop3A_2492 = vector.broadcast %parallel_loop3A_2491 : i32 to vector<16xi32>
        %parallel_loop3A_2493 = arith.subi %parallel_loop3A_2492, %parallel_loop3A_2490 : vector<16xi32>
        %parallel_loop3A_2494 = tpu.bitcast %parallel_loop3A_2493 : vector<16xi32> -> vector<16xf32>
        %parallel_loop3A_2495 = arith.mulf %parallel_loop3A_2489, %parallel_loop3A_2494 : vector<16xf32>
        %parallel_loop3A_2496 = arith.constant 2.000000e+00 : f32
        %parallel_loop3A_2497 = vector.broadcast %parallel_loop3A_2496 : f32 to vector<16xf32>
        %parallel_loop3A_2498 = arith.subf %parallel_loop3A_2497, %parallel_loop3A_2495 : vector<16xf32>
        %parallel_loop3A_2499 = arith.mulf %parallel_loop3A_2494, %parallel_loop3A_2498 : vector<16xf32>
        %parallel_loop3A_2500 = arith.mulf %parallel_loop3A_2489, %parallel_loop3A_2499 : vector<16xf32>
        %parallel_loop3A_2501 = arith.constant 2.000000e+00 : f32
        %parallel_loop3A_2502 = vector.broadcast %parallel_loop3A_2501 : f32 to vector<16xf32>
        %parallel_loop3A_2503 = arith.subf %parallel_loop3A_2502, %parallel_loop3A_2500 : vector<16xf32>
        %parallel_loop3A_2504 = arith.mulf %parallel_loop3A_2499, %parallel_loop3A_2503 : vector<16xf32>
        %parallel_loop3A_2505 = arith.mulf %parallel_loop3A_2489, %parallel_loop3A_2504 : vector<16xf32>
        %parallel_loop3A_2506 = arith.constant 2.000000e+00 : f32
        %parallel_loop3A_2507 = vector.broadcast %parallel_loop3A_2506 : f32 to vector<16xf32>
        %parallel_loop3A_2508 = arith.subf %parallel_loop3A_2507, %parallel_loop3A_2505 : vector<16xf32>
        %parallel_loop3A_2509 = arith.mulf %parallel_loop3A_2504, %parallel_loop3A_2508 : vector<16xf32>
        %parallel_loop3A_2510 = arith.constant 17 : i32
        %parallel_loop3A_2511 = arith.index_cast %parallel_loop3A_2510 : i32 to index
        %parallel_loop3A_2512 = arith.index_cast %parallel_loop3A_1883 : i32 to index
        %parallel_loop3A_2513 = arith.index_cast %parallel_loop3A_1887 : i32 to index
        %parallel_loop3A_2514 = tpu.vector_load %arg5[%parallel_loop3A_2511, %parallel_loop3A_2512, %parallel_loop3A_2513] {strides = array<i32>} : memref<32x8x128xf32, #tpu.memory_space<vmem>>, vector<16xf32>,
        %parallel_loop3A_2515 = arith.constant 0.000000e+00 : f32
        %parallel_loop3A_2516 = vector.broadcast %parallel_loop3A_2515 : f32 to vector<16xf32>
        %parallel_loop3A_2517 = arith.subf %parallel_loop3A_2516, %parallel_loop3A_2514 : vector<16xf32>
        %parallel_loop3A_2518 = math.exp %parallel_loop3A_2517 : vector<16xf32>
        %parallel_loop3A_2519 = arith.constant 1.000000e+00 : f32
        %parallel_loop3A_2520 = vector.broadcast %parallel_loop3A_2519 : f32 to vector<16xf32>
        %parallel_loop3A_2521 = arith.addf %parallel_loop3A_2520, %parallel_loop3A_2518 : vector<16xf32>
        %parallel_loop3A_2522 = tpu.bitcast %parallel_loop3A_2521 : vector<16xf32> -> vector<16xi32>
        %parallel_loop3A_2523 = arith.constant 2129859011 : i32
        %parallel_loop3A_2524 = vector.broadcast %parallel_loop3A_2523 : i32 to vector<16xi32>
        %parallel_loop3A_2525 = arith.subi %parallel_loop3A_2524, %parallel_loop3A_2522 : vector<16xi32>
        %parallel_loop3A_2526 = tpu.bitcast %parallel_loop3A_2525 : vector<16xi32> -> vector<16xf32>
        %parallel_loop3A_2527 = arith.mulf %parallel_loop3A_2521, %parallel_loop3A_2526 : vector<16xf32>
        %parallel_loop3A_2528 = arith.constant 2.000000e+00 : f32
        %parallel_loop3A_2529 = vector.broadcast %parallel_loop3A_2528 : f32 to vector<16xf32>
        %parallel_loop3A_2530 = arith.subf %parallel_loop3A_2529, %parallel_loop3A_2527 : vector<16xf32>
        %parallel_loop3A_2531 = arith.mulf %parallel_loop3A_2526, %parallel_loop3A_2530 : vector<16xf32>
        %parallel_loop3A_2532 = arith.mulf %parallel_loop3A_2521, %parallel_loop3A_2531 : vector<16xf32>
        %parallel_loop3A_2533 = arith.constant 2.000000e+00 : f32
        %parallel_loop3A_2534 = vector.broadcast %parallel_loop3A_2533 : f32 to vector<16xf32>
        %parallel_loop3A_2535 = arith.subf %parallel_loop3A_2534, %parallel_loop3A_2532 : vector<16xf32>
        %parallel_loop3A_2536 = arith.mulf %parallel_loop3A_2531, %parallel_loop3A_2535 : vector<16xf32>
        %parallel_loop3A_2537 = arith.mulf %parallel_loop3A_2521, %parallel_loop3A_2536 : vector<16xf32>
        %parallel_loop3A_2538 = arith.constant 2.000000e+00 : f32
        %parallel_loop3A_2539 = vector.broadcast %parallel_loop3A_2538 : f32 to vector<16xf32>
        %parallel_loop3A_2540 = arith.subf %parallel_loop3A_2539, %parallel_loop3A_2537 : vector<16xf32>
        %parallel_loop3A_2541 = arith.mulf %parallel_loop3A_2536, %parallel_loop3A_2540 : vector<16xf32>
        %parallel_loop3A_2542 = arith.constant 18 : i32
        %parallel_loop3A_2543 = arith.index_cast %parallel_loop3A_2542 : i32 to index
        %parallel_loop3A_2544 = arith.index_cast %parallel_loop3A_1883 : i32 to index
        %parallel_loop3A_2545 = arith.index_cast %parallel_loop3A_1887 : i32 to index
        %parallel_loop3A_2546 = tpu.vector_load %arg5[%parallel_loop3A_2543, %parallel_loop3A_2544, %parallel_loop3A_2545] {strides = array<i32>} : memref<32x8x128xf32, #tpu.memory_space<vmem>>, vector<16xf32>,
        %parallel_loop3A_2547 = arith.constant 0.000000e+00 : f32
        %parallel_loop3A_2548 = vector.broadcast %parallel_loop3A_2547 : f32 to vector<16xf32>
        %parallel_loop3A_2549 = arith.subf %parallel_loop3A_2548, %parallel_loop3A_2546 : vector<16xf32>
        %parallel_loop3A_2550 = math.exp %parallel_loop3A_2549 : vector<16xf32>
        %parallel_loop3A_2551 = arith.constant 1.000000e+00 : f32
        %parallel_loop3A_2552 = vector.broadcast %parallel_loop3A_2551 : f32 to vector<16xf32>
        %parallel_loop3A_2553 = arith.addf %parallel_loop3A_2552, %parallel_loop3A_2550 : vector<16xf32>
        %parallel_loop3A_2554 = tpu.bitcast %parallel_loop3A_2553 : vector<16xf32> -> vector<16xi32>
        %parallel_loop3A_2555 = arith.constant 2129859011 : i32
        %parallel_loop3A_2556 = vector.broadcast %parallel_loop3A_2555 : i32 to vector<16xi32>
        %parallel_loop3A_2557 = arith.subi %parallel_loop3A_2556, %parallel_loop3A_2554 : vector<16xi32>
        %parallel_loop3A_2558 = tpu.bitcast %parallel_loop3A_2557 : vector<16xi32> -> vector<16xf32>
        %parallel_loop3A_2559 = arith.mulf %parallel_loop3A_2553, %parallel_loop3A_2558 : vector<16xf32>
        %parallel_loop3A_2560 = arith.constant 2.000000e+00 : f32
        %parallel_loop3A_2561 = vector.broadcast %parallel_loop3A_2560 : f32 to vector<16xf32>
        %parallel_loop3A_2562 = arith.subf %parallel_loop3A_2561, %parallel_loop3A_2559 : vector<16xf32>
        %parallel_loop3A_2563 = arith.mulf %parallel_loop3A_2558, %parallel_loop3A_2562 : vector<16xf32>
        %parallel_loop3A_2564 = arith.mulf %parallel_loop3A_2553, %parallel_loop3A_2563 : vector<16xf32>
        %parallel_loop3A_2565 = arith.constant 2.000000e+00 : f32
        %parallel_loop3A_2566 = vector.broadcast %parallel_loop3A_2565 : f32 to vector<16xf32>
        %parallel_loop3A_2567 = arith.subf %parallel_loop3A_2566, %parallel_loop3A_2564 : vector<16xf32>
        %parallel_loop3A_2568 = arith.mulf %parallel_loop3A_2563, %parallel_loop3A_2567 : vector<16xf32>
        %parallel_loop3A_2569 = arith.mulf %parallel_loop3A_2553, %parallel_loop3A_2568 : vector<16xf32>
        %parallel_loop3A_2570 = arith.constant 2.000000e+00 : f32
        %parallel_loop3A_2571 = vector.broadcast %parallel_loop3A_2570 : f32 to vector<16xf32>
        %parallel_loop3A_2572 = arith.subf %parallel_loop3A_2571, %parallel_loop3A_2569 : vector<16xf32>
        %parallel_loop3A_2573 = arith.mulf %parallel_loop3A_2568, %parallel_loop3A_2572 : vector<16xf32>
        %parallel_loop3A_2574 = arith.constant 19 : i32
        %parallel_loop3A_2575 = arith.index_cast %parallel_loop3A_2574 : i32 to index
        %parallel_loop3A_2576 = arith.index_cast %parallel_loop3A_1883 : i32 to index
        %parallel_loop3A_2577 = arith.index_cast %parallel_loop3A_1887 : i32 to index
        %parallel_loop3A_2578 = tpu.vector_load %arg5[%parallel_loop3A_2575, %parallel_loop3A_2576, %parallel_loop3A_2577] {strides = array<i32>} : memref<32x8x128xf32, #tpu.memory_space<vmem>>, vector<16xf32>,
        %parallel_loop3A_2579 = arith.constant 0.000000e+00 : f32
        %parallel_loop3A_2580 = vector.broadcast %parallel_loop3A_2579 : f32 to vector<16xf32>
        %parallel_loop3A_2581 = arith.subf %parallel_loop3A_2580, %parallel_loop3A_2578 : vector<16xf32>
        %parallel_loop3A_2582 = math.exp %parallel_loop3A_2581 : vector<16xf32>
        %parallel_loop3A_2583 = arith.constant 1.000000e+00 : f32
        %parallel_loop3A_2584 = vector.broadcast %parallel_loop3A_2583 : f32 to vector<16xf32>
        %parallel_loop3A_2585 = arith.addf %parallel_loop3A_2584, %parallel_loop3A_2582 : vector<16xf32>
        %parallel_loop3A_2586 = tpu.bitcast %parallel_loop3A_2585 : vector<16xf32> -> vector<16xi32>
        %parallel_loop3A_2587 = arith.constant 2129859011 : i32
        %parallel_loop3A_2588 = vector.broadcast %parallel_loop3A_2587 : i32 to vector<16xi32>
        %parallel_loop3A_2589 = arith.subi %parallel_loop3A_2588, %parallel_loop3A_2586 : vector<16xi32>
        %parallel_loop3A_2590 = tpu.bitcast %parallel_loop3A_2589 : vector<16xi32> -> vector<16xf32>
        %parallel_loop3A_2591 = arith.mulf %parallel_loop3A_2585, %parallel_loop3A_2590 : vector<16xf32>
        %parallel_loop3A_2592 = arith.constant 2.000000e+00 : f32
        %parallel_loop3A_2593 = vector.broadcast %parallel_loop3A_2592 : f32 to vector<16xf32>
        %parallel_loop3A_2594 = arith.subf %parallel_loop3A_2593, %parallel_loop3A_2591 : vector<16xf32>
        %parallel_loop3A_2595 = arith.mulf %parallel_loop3A_2590, %parallel_loop3A_2594 : vector<16xf32>
        %parallel_loop3A_2596 = arith.mulf %parallel_loop3A_2585, %parallel_loop3A_2595 : vector<16xf32>
        %parallel_loop3A_2597 = arith.constant 2.000000e+00 : f32
        %parallel_loop3A_2598 = vector.broadcast %parallel_loop3A_2597 : f32 to vector<16xf32>
        %parallel_loop3A_2599 = arith.subf %parallel_loop3A_2598, %parallel_loop3A_2596 : vector<16xf32>
        %parallel_loop3A_2600 = arith.mulf %parallel_loop3A_2595, %parallel_loop3A_2599 : vector<16xf32>
        %parallel_loop3A_2601 = arith.mulf %parallel_loop3A_2585, %parallel_loop3A_2600 : vector<16xf32>
        %parallel_loop3A_2602 = arith.constant 2.000000e+00 : f32
        %parallel_loop3A_2603 = vector.broadcast %parallel_loop3A_2602 : f32 to vector<16xf32>
        %parallel_loop3A_2604 = arith.subf %parallel_loop3A_2603, %parallel_loop3A_2601 : vector<16xf32>
        %parallel_loop3A_2605 = arith.mulf %parallel_loop3A_2600, %parallel_loop3A_2604 : vector<16xf32>
        %parallel_loop3A_2606 = arith.constant 20 : i32
        %parallel_loop3A_2607 = arith.index_cast %parallel_loop3A_2606 : i32 to index
        %parallel_loop3A_2608 = arith.index_cast %parallel_loop3A_1883 : i32 to index
        %parallel_loop3A_2609 = arith.index_cast %parallel_loop3A_1887 : i32 to index
        %parallel_loop3A_2610 = tpu.vector_load %arg5[%parallel_loop3A_2607, %parallel_loop3A_2608, %parallel_loop3A_2609] {strides = array<i32>} : memref<32x8x128xf32, #tpu.memory_space<vmem>>, vector<16xf32>,
        %parallel_loop3A_2611 = arith.constant 0.000000e+00 : f32
        %parallel_loop3A_2612 = vector.broadcast %parallel_loop3A_2611 : f32 to vector<16xf32>
        %parallel_loop3A_2613 = arith.subf %parallel_loop3A_2612, %parallel_loop3A_2610 : vector<16xf32>
        %parallel_loop3A_2614 = math.exp %parallel_loop3A_2613 : vector<16xf32>
        %parallel_loop3A_2615 = arith.constant 1.000000e+00 : f32
        %parallel_loop3A_2616 = vector.broadcast %parallel_loop3A_2615 : f32 to vector<16xf32>
        %parallel_loop3A_2617 = arith.addf %parallel_loop3A_2616, %parallel_loop3A_2614 : vector<16xf32>
        %parallel_loop3A_2618 = tpu.bitcast %parallel_loop3A_2617 : vector<16xf32> -> vector<16xi32>
        %parallel_loop3A_2619 = arith.constant 2129859011 : i32
        %parallel_loop3A_2620 = vector.broadcast %parallel_loop3A_2619 : i32 to vector<16xi32>
        %parallel_loop3A_2621 = arith.subi %parallel_loop3A_2620, %parallel_loop3A_2618 : vector<16xi32>
        %parallel_loop3A_2622 = tpu.bitcast %parallel_loop3A_2621 : vector<16xi32> -> vector<16xf32>
        %parallel_loop3A_2623 = arith.mulf %parallel_loop3A_2617, %parallel_loop3A_2622 : vector<16xf32>
        %parallel_loop3A_2624 = arith.constant 2.000000e+00 : f32
        %parallel_loop3A_2625 = vector.broadcast %parallel_loop3A_2624 : f32 to vector<16xf32>
        %parallel_loop3A_2626 = arith.subf %parallel_loop3A_2625, %parallel_loop3A_2623 : vector<16xf32>
        %parallel_loop3A_2627 = arith.mulf %parallel_loop3A_2622, %parallel_loop3A_2626 : vector<16xf32>
        %parallel_loop3A_2628 = arith.mulf %parallel_loop3A_2617, %parallel_loop3A_2627 : vector<16xf32>
        %parallel_loop3A_2629 = arith.constant 2.000000e+00 : f32
        %parallel_loop3A_2630 = vector.broadcast %parallel_loop3A_2629 : f32 to vector<16xf32>
        %parallel_loop3A_2631 = arith.subf %parallel_loop3A_2630, %parallel_loop3A_2628 : vector<16xf32>
        %parallel_loop3A_2632 = arith.mulf %parallel_loop3A_2627, %parallel_loop3A_2631 : vector<16xf32>
        %parallel_loop3A_2633 = arith.mulf %parallel_loop3A_2617, %parallel_loop3A_2632 : vector<16xf32>
        %parallel_loop3A_2634 = arith.constant 2.000000e+00 : f32
        %parallel_loop3A_2635 = vector.broadcast %parallel_loop3A_2634 : f32 to vector<16xf32>
        %parallel_loop3A_2636 = arith.subf %parallel_loop3A_2635, %parallel_loop3A_2633 : vector<16xf32>
        %parallel_loop3A_2637 = arith.mulf %parallel_loop3A_2632, %parallel_loop3A_2636 : vector<16xf32>
        %parallel_loop3A_2638 = arith.constant 21 : i32
        %parallel_loop3A_2639 = arith.index_cast %parallel_loop3A_2638 : i32 to index
        %parallel_loop3A_2640 = arith.index_cast %parallel_loop3A_1883 : i32 to index
        %parallel_loop3A_2641 = arith.index_cast %parallel_loop3A_1887 : i32 to index
        %parallel_loop3A_2642 = tpu.vector_load %arg5[%parallel_loop3A_2639, %parallel_loop3A_2640, %parallel_loop3A_2641] {strides = array<i32>} : memref<32x8x128xf32, #tpu.memory_space<vmem>>, vector<16xf32>,
        %parallel_loop3A_2643 = arith.constant 0.000000e+00 : f32
        %parallel_loop3A_2644 = vector.broadcast %parallel_loop3A_2643 : f32 to vector<16xf32>
        %parallel_loop3A_2645 = arith.subf %parallel_loop3A_2644, %parallel_loop3A_2642 : vector<16xf32>
        %parallel_loop3A_2646 = math.exp %parallel_loop3A_2645 : vector<16xf32>
        %parallel_loop3A_2647 = arith.constant 1.000000e+00 : f32
        %parallel_loop3A_2648 = vector.broadcast %parallel_loop3A_2647 : f32 to vector<16xf32>
        %parallel_loop3A_2649 = arith.addf %parallel_loop3A_2648, %parallel_loop3A_2646 : vector<16xf32>
        %parallel_loop3A_2650 = tpu.bitcast %parallel_loop3A_2649 : vector<16xf32> -> vector<16xi32>
        %parallel_loop3A_2651 = arith.constant 2129859011 : i32
        %parallel_loop3A_2652 = vector.broadcast %parallel_loop3A_2651 : i32 to vector<16xi32>
        %parallel_loop3A_2653 = arith.subi %parallel_loop3A_2652, %parallel_loop3A_2650 : vector<16xi32>
        %parallel_loop3A_2654 = tpu.bitcast %parallel_loop3A_2653 : vector<16xi32> -> vector<16xf32>
        %parallel_loop3A_2655 = arith.mulf %parallel_loop3A_2649, %parallel_loop3A_2654 : vector<16xf32>
        %parallel_loop3A_2656 = arith.constant 2.000000e+00 : f32
        %parallel_loop3A_2657 = vector.broadcast %parallel_loop3A_2656 : f32 to vector<16xf32>
        %parallel_loop3A_2658 = arith.subf %parallel_loop3A_2657, %parallel_loop3A_2655 : vector<16xf32>
        %parallel_loop3A_2659 = arith.mulf %parallel_loop3A_2654, %parallel_loop3A_2658 : vector<16xf32>
        %parallel_loop3A_2660 = arith.mulf %parallel_loop3A_2649, %parallel_loop3A_2659 : vector<16xf32>
        %parallel_loop3A_2661 = arith.constant 2.000000e+00 : f32
        %parallel_loop3A_2662 = vector.broadcast %parallel_loop3A_2661 : f32 to vector<16xf32>
        %parallel_loop3A_2663 = arith.subf %parallel_loop3A_2662, %parallel_loop3A_2660 : vector<16xf32>
        %parallel_loop3A_2664 = arith.mulf %parallel_loop3A_2659, %parallel_loop3A_2663 : vector<16xf32>
        %parallel_loop3A_2665 = arith.mulf %parallel_loop3A_2649, %parallel_loop3A_2664 : vector<16xf32>
        %parallel_loop3A_2666 = arith.constant 2.000000e+00 : f32
        %parallel_loop3A_2667 = vector.broadcast %parallel_loop3A_2666 : f32 to vector<16xf32>
        %parallel_loop3A_2668 = arith.subf %parallel_loop3A_2667, %parallel_loop3A_2665 : vector<16xf32>
        %parallel_loop3A_2669 = arith.mulf %parallel_loop3A_2664, %parallel_loop3A_2668 : vector<16xf32>
        %parallel_loop3A_2670 = arith.constant 22 : i32
        %parallel_loop3A_2671 = arith.index_cast %parallel_loop3A_2670 : i32 to index
        %parallel_loop3A_2672 = arith.index_cast %parallel_loop3A_1883 : i32 to index
        %parallel_loop3A_2673 = arith.index_cast %parallel_loop3A_1887 : i32 to index
        %parallel_loop3A_2674 = tpu.vector_load %arg5[%parallel_loop3A_2671, %parallel_loop3A_2672, %parallel_loop3A_2673] {strides = array<i32>} : memref<32x8x128xf32, #tpu.memory_space<vmem>>, vector<16xf32>,
        %parallel_loop3A_2675 = arith.constant 0.000000e+00 : f32
        %parallel_loop3A_2676 = vector.broadcast %parallel_loop3A_2675 : f32 to vector<16xf32>
        %parallel_loop3A_2677 = arith.subf %parallel_loop3A_2676, %parallel_loop3A_2674 : vector<16xf32>
        %parallel_loop3A_2678 = math.exp %parallel_loop3A_2677 : vector<16xf32>
        %parallel_loop3A_2679 = arith.constant 1.000000e+00 : f32
        %parallel_loop3A_2680 = vector.broadcast %parallel_loop3A_2679 : f32 to vector<16xf32>
        %parallel_loop3A_2681 = arith.addf %parallel_loop3A_2680, %parallel_loop3A_2678 : vector<16xf32>
        %parallel_loop3A_2682 = tpu.bitcast %parallel_loop3A_2681 : vector<16xf32> -> vector<16xi32>
        %parallel_loop3A_2683 = arith.constant 2129859011 : i32
        %parallel_loop3A_2684 = vector.broadcast %parallel_loop3A_2683 : i32 to vector<16xi32>
        %parallel_loop3A_2685 = arith.subi %parallel_loop3A_2684, %parallel_loop3A_2682 : vector<16xi32>
        %parallel_loop3A_2686 = tpu.bitcast %parallel_loop3A_2685 : vector<16xi32> -> vector<16xf32>
        %parallel_loop3A_2687 = arith.mulf %parallel_loop3A_2681, %parallel_loop3A_2686 : vector<16xf32>
        %parallel_loop3A_2688 = arith.constant 2.000000e+00 : f32
        %parallel_loop3A_2689 = vector.broadcast %parallel_loop3A_2688 : f32 to vector<16xf32>
        %parallel_loop3A_2690 = arith.subf %parallel_loop3A_2689, %parallel_loop3A_2687 : vector<16xf32>
        %parallel_loop3A_2691 = arith.mulf %parallel_loop3A_2686, %parallel_loop3A_2690 : vector<16xf32>
        %parallel_loop3A_2692 = arith.mulf %parallel_loop3A_2681, %parallel_loop3A_2691 : vector<16xf32>
        %parallel_loop3A_2693 = arith.constant 2.000000e+00 : f32
        %parallel_loop3A_2694 = vector.broadcast %parallel_loop3A_2693 : f32 to vector<16xf32>
        %parallel_loop3A_2695 = arith.subf %parallel_loop3A_2694, %parallel_loop3A_2692 : vector<16xf32>
        %parallel_loop3A_2696 = arith.mulf %parallel_loop3A_2691, %parallel_loop3A_2695 : vector<16xf32>
        %parallel_loop3A_2697 = arith.mulf %parallel_loop3A_2681, %parallel_loop3A_2696 : vector<16xf32>
        %parallel_loop3A_2698 = arith.constant 2.000000e+00 : f32
        %parallel_loop3A_2699 = vector.broadcast %parallel_loop3A_2698 : f32 to vector<16xf32>
        %parallel_loop3A_2700 = arith.subf %parallel_loop3A_2699, %parallel_loop3A_2697 : vector<16xf32>
        %parallel_loop3A_2701 = arith.mulf %parallel_loop3A_2696, %parallel_loop3A_2700 : vector<16xf32>
        %parallel_loop3A_2702 = arith.constant 23 : i32
        %parallel_loop3A_2703 = arith.index_cast %parallel_loop3A_2702 : i32 to index
        %parallel_loop3A_2704 = arith.index_cast %parallel_loop3A_1883 : i32 to index
        %parallel_loop3A_2705 = arith.index_cast %parallel_loop3A_1887 : i32 to index
        %parallel_loop3A_2706 = tpu.vector_load %arg5[%parallel_loop3A_2703, %parallel_loop3A_2704, %parallel_loop3A_2705] {strides = array<i32>} : memref<32x8x128xf32, #tpu.memory_space<vmem>>, vector<16xf32>,
        %parallel_loop3A_2707 = arith.constant 0.000000e+00 : f32
        %parallel_loop3A_2708 = vector.broadcast %parallel_loop3A_2707 : f32 to vector<16xf32>
        %parallel_loop3A_2709 = arith.subf %parallel_loop3A_2708, %parallel_loop3A_2706 : vector<16xf32>
        %parallel_loop3A_2710 = math.exp %parallel_loop3A_2709 : vector<16xf32>
        %parallel_loop3A_2711 = arith.constant 1.000000e+00 : f32
        %parallel_loop3A_2712 = vector.broadcast %parallel_loop3A_2711 : f32 to vector<16xf32>
        %parallel_loop3A_2713 = arith.addf %parallel_loop3A_2712, %parallel_loop3A_2710 : vector<16xf32>
        %parallel_loop3A_2714 = tpu.bitcast %parallel_loop3A_2713 : vector<16xf32> -> vector<16xi32>
        %parallel_loop3A_2715 = arith.constant 2129859011 : i32
        %parallel_loop3A_2716 = vector.broadcast %parallel_loop3A_2715 : i32 to vector<16xi32>
        %parallel_loop3A_2717 = arith.subi %parallel_loop3A_2716, %parallel_loop3A_2714 : vector<16xi32>
        %parallel_loop3A_2718 = tpu.bitcast %parallel_loop3A_2717 : vector<16xi32> -> vector<16xf32>
        %parallel_loop3A_2719 = arith.mulf %parallel_loop3A_2713, %parallel_loop3A_2718 : vector<16xf32>
        %parallel_loop3A_2720 = arith.constant 2.000000e+00 : f32
        %parallel_loop3A_2721 = vector.broadcast %parallel_loop3A_2720 : f32 to vector<16xf32>
        %parallel_loop3A_2722 = arith.subf %parallel_loop3A_2721, %parallel_loop3A_2719 : vector<16xf32>
        %parallel_loop3A_2723 = arith.mulf %parallel_loop3A_2718, %parallel_loop3A_2722 : vector<16xf32>
        %parallel_loop3A_2724 = arith.mulf %parallel_loop3A_2713, %parallel_loop3A_2723 : vector<16xf32>
        %parallel_loop3A_2725 = arith.constant 2.000000e+00 : f32
        %parallel_loop3A_2726 = vector.broadcast %parallel_loop3A_2725 : f32 to vector<16xf32>
        %parallel_loop3A_2727 = arith.subf %parallel_loop3A_2726, %parallel_loop3A_2724 : vector<16xf32>
        %parallel_loop3A_2728 = arith.mulf %parallel_loop3A_2723, %parallel_loop3A_2727 : vector<16xf32>
        %parallel_loop3A_2729 = arith.mulf %parallel_loop3A_2713, %parallel_loop3A_2728 : vector<16xf32>
        %parallel_loop3A_2730 = arith.constant 2.000000e+00 : f32
        %parallel_loop3A_2731 = vector.broadcast %parallel_loop3A_2730 : f32 to vector<16xf32>
        %parallel_loop3A_2732 = arith.subf %parallel_loop3A_2731, %parallel_loop3A_2729 : vector<16xf32>
        %parallel_loop3A_2733 = arith.mulf %parallel_loop3A_2728, %parallel_loop3A_2732 : vector<16xf32>
        %parallel_loop3A_2734 = arith.cmpf ogt, %parallel_loop3A_2514, %parallel_loop3A_2482 : vector<16xf32>
        %parallel_loop3A_2735 = arith.select %parallel_loop3A_2734, %parallel_loop3A_2514, %parallel_loop3A_2482 : vector<16xi1>, vector<16xf32>
        %parallel_loop3A_2736 = arith.constant 17 : i32
        %parallel_loop3A_2737 = arith.constant 16 : i32
        %parallel_loop3A_2738 = vector.broadcast %parallel_loop3A_2736 : i32 to vector<16xi32>
        %parallel_loop3A_2739 = vector.broadcast %parallel_loop3A_2737 : i32 to vector<16xi32>
        %parallel_loop3A_2740 = arith.select %parallel_loop3A_2734, %parallel_loop3A_2738, %parallel_loop3A_2739 : vector<16xi1>, vector<16xi32>
        %parallel_loop3A_2741 = arith.cmpf ogt, %parallel_loop3A_2578, %parallel_loop3A_2546 : vector<16xf32>
        %parallel_loop3A_2742 = arith.select %parallel_loop3A_2741, %parallel_loop3A_2578, %parallel_loop3A_2546 : vector<16xi1>, vector<16xf32>
        %parallel_loop3A_2743 = arith.constant 19 : i32
        %parallel_loop3A_2744 = arith.constant 18 : i32
        %parallel_loop3A_2745 = vector.broadcast %parallel_loop3A_2743 : i32 to vector<16xi32>
        %parallel_loop3A_2746 = vector.broadcast %parallel_loop3A_2744 : i32 to vector<16xi32>
        %parallel_loop3A_2747 = arith.select %parallel_loop3A_2741, %parallel_loop3A_2745, %parallel_loop3A_2746 : vector<16xi1>, vector<16xi32>
        %parallel_loop3A_2748 = arith.cmpf ogt, %parallel_loop3A_2642, %parallel_loop3A_2610 : vector<16xf32>
        %parallel_loop3A_2749 = arith.select %parallel_loop3A_2748, %parallel_loop3A_2642, %parallel_loop3A_2610 : vector<16xi1>, vector<16xf32>
        %parallel_loop3A_2750 = arith.constant 21 : i32
        %parallel_loop3A_2751 = arith.constant 20 : i32
        %parallel_loop3A_2752 = vector.broadcast %parallel_loop3A_2750 : i32 to vector<16xi32>
        %parallel_loop3A_2753 = vector.broadcast %parallel_loop3A_2751 : i32 to vector<16xi32>
        %parallel_loop3A_2754 = arith.select %parallel_loop3A_2748, %parallel_loop3A_2752, %parallel_loop3A_2753 : vector<16xi1>, vector<16xi32>
        %parallel_loop3A_2755 = arith.cmpf ogt, %parallel_loop3A_2706, %parallel_loop3A_2674 : vector<16xf32>
        %parallel_loop3A_2756 = arith.select %parallel_loop3A_2755, %parallel_loop3A_2706, %parallel_loop3A_2674 : vector<16xi1>, vector<16xf32>
        %parallel_loop3A_2757 = arith.constant 23 : i32
        %parallel_loop3A_2758 = arith.constant 22 : i32
        %parallel_loop3A_2759 = vector.broadcast %parallel_loop3A_2757 : i32 to vector<16xi32>
        %parallel_loop3A_2760 = vector.broadcast %parallel_loop3A_2758 : i32 to vector<16xi32>
        %parallel_loop3A_2761 = arith.select %parallel_loop3A_2755, %parallel_loop3A_2759, %parallel_loop3A_2760 : vector<16xi1>, vector<16xi32>
        %parallel_loop3A_2762 = arith.cmpf ogt, %parallel_loop3A_2742, %parallel_loop3A_2735 : vector<16xf32>
        %parallel_loop3A_2763 = arith.select %parallel_loop3A_2762, %parallel_loop3A_2742, %parallel_loop3A_2735 : vector<16xi1>, vector<16xf32>
        %parallel_loop3A_2764 = arith.select %parallel_loop3A_2762, %parallel_loop3A_2747, %parallel_loop3A_2740 : vector<16xi1>, vector<16xi32>
        %parallel_loop3A_2765 = arith.cmpf ogt, %parallel_loop3A_2756, %parallel_loop3A_2749 : vector<16xf32>
        %parallel_loop3A_2766 = arith.select %parallel_loop3A_2765, %parallel_loop3A_2756, %parallel_loop3A_2749 : vector<16xi1>, vector<16xf32>
        %parallel_loop3A_2767 = arith.select %parallel_loop3A_2765, %parallel_loop3A_2761, %parallel_loop3A_2754 : vector<16xi1>, vector<16xi32>
        %parallel_loop3A_2768 = arith.cmpf ogt, %parallel_loop3A_2766, %parallel_loop3A_2763 : vector<16xf32>
        %parallel_loop3A_2769 = arith.select %parallel_loop3A_2768, %parallel_loop3A_2766, %parallel_loop3A_2763 : vector<16xi1>, vector<16xf32>
        %parallel_loop3A_2770 = arith.select %parallel_loop3A_2768, %parallel_loop3A_2767, %parallel_loop3A_2764 : vector<16xi1>, vector<16xi32>
        %parallel_loop3A_2771 = arith.constant 24 : i32
        %parallel_loop3A_2772 = arith.index_cast %parallel_loop3A_2771 : i32 to index
        %parallel_loop3A_2773 = arith.index_cast %parallel_loop3A_1883 : i32 to index
        %parallel_loop3A_2774 = arith.index_cast %parallel_loop3A_1887 : i32 to index
        %parallel_loop3A_2775 = tpu.vector_load %arg5[%parallel_loop3A_2772, %parallel_loop3A_2773, %parallel_loop3A_2774] {strides = array<i32>} : memref<32x8x128xf32, #tpu.memory_space<vmem>>, vector<16xf32>,
        %parallel_loop3A_2776 = arith.constant 0.000000e+00 : f32
        %parallel_loop3A_2777 = vector.broadcast %parallel_loop3A_2776 : f32 to vector<16xf32>
        %parallel_loop3A_2778 = arith.subf %parallel_loop3A_2777, %parallel_loop3A_2775 : vector<16xf32>
        %parallel_loop3A_2779 = math.exp %parallel_loop3A_2778 : vector<16xf32>
        %parallel_loop3A_2780 = arith.constant 1.000000e+00 : f32
        %parallel_loop3A_2781 = vector.broadcast %parallel_loop3A_2780 : f32 to vector<16xf32>
        %parallel_loop3A_2782 = arith.addf %parallel_loop3A_2781, %parallel_loop3A_2779 : vector<16xf32>
        %parallel_loop3A_2783 = tpu.bitcast %parallel_loop3A_2782 : vector<16xf32> -> vector<16xi32>
        %parallel_loop3A_2784 = arith.constant 2129859011 : i32
        %parallel_loop3A_2785 = vector.broadcast %parallel_loop3A_2784 : i32 to vector<16xi32>
        %parallel_loop3A_2786 = arith.subi %parallel_loop3A_2785, %parallel_loop3A_2783 : vector<16xi32>
        %parallel_loop3A_2787 = tpu.bitcast %parallel_loop3A_2786 : vector<16xi32> -> vector<16xf32>
        %parallel_loop3A_2788 = arith.mulf %parallel_loop3A_2782, %parallel_loop3A_2787 : vector<16xf32>
        %parallel_loop3A_2789 = arith.constant 2.000000e+00 : f32
        %parallel_loop3A_2790 = vector.broadcast %parallel_loop3A_2789 : f32 to vector<16xf32>
        %parallel_loop3A_2791 = arith.subf %parallel_loop3A_2790, %parallel_loop3A_2788 : vector<16xf32>
        %parallel_loop3A_2792 = arith.mulf %parallel_loop3A_2787, %parallel_loop3A_2791 : vector<16xf32>
        %parallel_loop3A_2793 = arith.mulf %parallel_loop3A_2782, %parallel_loop3A_2792 : vector<16xf32>
        %parallel_loop3A_2794 = arith.constant 2.000000e+00 : f32
        %parallel_loop3A_2795 = vector.broadcast %parallel_loop3A_2794 : f32 to vector<16xf32>
        %parallel_loop3A_2796 = arith.subf %parallel_loop3A_2795, %parallel_loop3A_2793 : vector<16xf32>
        %parallel_loop3A_2797 = arith.mulf %parallel_loop3A_2792, %parallel_loop3A_2796 : vector<16xf32>
        %parallel_loop3A_2798 = arith.mulf %parallel_loop3A_2782, %parallel_loop3A_2797 : vector<16xf32>
        %parallel_loop3A_2799 = arith.constant 2.000000e+00 : f32
        %parallel_loop3A_2800 = vector.broadcast %parallel_loop3A_2799 : f32 to vector<16xf32>
        %parallel_loop3A_2801 = arith.subf %parallel_loop3A_2800, %parallel_loop3A_2798 : vector<16xf32>
        %parallel_loop3A_2802 = arith.mulf %parallel_loop3A_2797, %parallel_loop3A_2801 : vector<16xf32>
        %parallel_loop3A_2803 = arith.constant 25 : i32
        %parallel_loop3A_2804 = arith.index_cast %parallel_loop3A_2803 : i32 to index
        %parallel_loop3A_2805 = arith.index_cast %parallel_loop3A_1883 : i32 to index
        %parallel_loop3A_2806 = arith.index_cast %parallel_loop3A_1887 : i32 to index
        %parallel_loop3A_2807 = tpu.vector_load %arg5[%parallel_loop3A_2804, %parallel_loop3A_2805, %parallel_loop3A_2806] {strides = array<i32>} : memref<32x8x128xf32, #tpu.memory_space<vmem>>, vector<16xf32>,
        %parallel_loop3A_2808 = arith.constant 0.000000e+00 : f32
        %parallel_loop3A_2809 = vector.broadcast %parallel_loop3A_2808 : f32 to vector<16xf32>
        %parallel_loop3A_2810 = arith.subf %parallel_loop3A_2809, %parallel_loop3A_2807 : vector<16xf32>
        %parallel_loop3A_2811 = math.exp %parallel_loop3A_2810 : vector<16xf32>
        %parallel_loop3A_2812 = arith.constant 1.000000e+00 : f32
        %parallel_loop3A_2813 = vector.broadcast %parallel_loop3A_2812 : f32 to vector<16xf32>
        %parallel_loop3A_2814 = arith.addf %parallel_loop3A_2813, %parallel_loop3A_2811 : vector<16xf32>
        %parallel_loop3A_2815 = tpu.bitcast %parallel_loop3A_2814 : vector<16xf32> -> vector<16xi32>
        %parallel_loop3A_2816 = arith.constant 2129859011 : i32
        %parallel_loop3A_2817 = vector.broadcast %parallel_loop3A_2816 : i32 to vector<16xi32>
        %parallel_loop3A_2818 = arith.subi %parallel_loop3A_2817, %parallel_loop3A_2815 : vector<16xi32>
        %parallel_loop3A_2819 = tpu.bitcast %parallel_loop3A_2818 : vector<16xi32> -> vector<16xf32>
        %parallel_loop3A_2820 = arith.mulf %parallel_loop3A_2814, %parallel_loop3A_2819 : vector<16xf32>
        %parallel_loop3A_2821 = arith.constant 2.000000e+00 : f32
        %parallel_loop3A_2822 = vector.broadcast %parallel_loop3A_2821 : f32 to vector<16xf32>
        %parallel_loop3A_2823 = arith.subf %parallel_loop3A_2822, %parallel_loop3A_2820 : vector<16xf32>
        %parallel_loop3A_2824 = arith.mulf %parallel_loop3A_2819, %parallel_loop3A_2823 : vector<16xf32>
        %parallel_loop3A_2825 = arith.mulf %parallel_loop3A_2814, %parallel_loop3A_2824 : vector<16xf32>
        %parallel_loop3A_2826 = arith.constant 2.000000e+00 : f32
        %parallel_loop3A_2827 = vector.broadcast %parallel_loop3A_2826 : f32 to vector<16xf32>
        %parallel_loop3A_2828 = arith.subf %parallel_loop3A_2827, %parallel_loop3A_2825 : vector<16xf32>
        %parallel_loop3A_2829 = arith.mulf %parallel_loop3A_2824, %parallel_loop3A_2828 : vector<16xf32>
        %parallel_loop3A_2830 = arith.mulf %parallel_loop3A_2814, %parallel_loop3A_2829 : vector<16xf32>
        %parallel_loop3A_2831 = arith.constant 2.000000e+00 : f32
        %parallel_loop3A_2832 = vector.broadcast %parallel_loop3A_2831 : f32 to vector<16xf32>
        %parallel_loop3A_2833 = arith.subf %parallel_loop3A_2832, %parallel_loop3A_2830 : vector<16xf32>
        %parallel_loop3A_2834 = arith.mulf %parallel_loop3A_2829, %parallel_loop3A_2833 : vector<16xf32>
        %parallel_loop3A_2835 = arith.constant 26 : i32
        %parallel_loop3A_2836 = arith.index_cast %parallel_loop3A_2835 : i32 to index
        %parallel_loop3A_2837 = arith.index_cast %parallel_loop3A_1883 : i32 to index
        %parallel_loop3A_2838 = arith.index_cast %parallel_loop3A_1887 : i32 to index
        %parallel_loop3A_2839 = tpu.vector_load %arg5[%parallel_loop3A_2836, %parallel_loop3A_2837, %parallel_loop3A_2838] {strides = array<i32>} : memref<32x8x128xf32, #tpu.memory_space<vmem>>, vector<16xf32>,
        %parallel_loop3A_2840 = arith.constant 0.000000e+00 : f32
        %parallel_loop3A_2841 = vector.broadcast %parallel_loop3A_2840 : f32 to vector<16xf32>
        %parallel_loop3A_2842 = arith.subf %parallel_loop3A_2841, %parallel_loop3A_2839 : vector<16xf32>
        %parallel_loop3A_2843 = math.exp %parallel_loop3A_2842 : vector<16xf32>
        %parallel_loop3A_2844 = arith.constant 1.000000e+00 : f32
        %parallel_loop3A_2845 = vector.broadcast %parallel_loop3A_2844 : f32 to vector<16xf32>
        %parallel_loop3A_2846 = arith.addf %parallel_loop3A_2845, %parallel_loop3A_2843 : vector<16xf32>
        %parallel_loop3A_2847 = tpu.bitcast %parallel_loop3A_2846 : vector<16xf32> -> vector<16xi32>
        %parallel_loop3A_2848 = arith.constant 2129859011 : i32
        %parallel_loop3A_2849 = vector.broadcast %parallel_loop3A_2848 : i32 to vector<16xi32>
        %parallel_loop3A_2850 = arith.subi %parallel_loop3A_2849, %parallel_loop3A_2847 : vector<16xi32>
        %parallel_loop3A_2851 = tpu.bitcast %parallel_loop3A_2850 : vector<16xi32> -> vector<16xf32>
        %parallel_loop3A_2852 = arith.mulf %parallel_loop3A_2846, %parallel_loop3A_2851 : vector<16xf32>
        %parallel_loop3A_2853 = arith.constant 2.000000e+00 : f32
        %parallel_loop3A_2854 = vector.broadcast %parallel_loop3A_2853 : f32 to vector<16xf32>
        %parallel_loop3A_2855 = arith.subf %parallel_loop3A_2854, %parallel_loop3A_2852 : vector<16xf32>
        %parallel_loop3A_2856 = arith.mulf %parallel_loop3A_2851, %parallel_loop3A_2855 : vector<16xf32>
        %parallel_loop3A_2857 = arith.mulf %parallel_loop3A_2846, %parallel_loop3A_2856 : vector<16xf32>
        %parallel_loop3A_2858 = arith.constant 2.000000e+00 : f32
        %parallel_loop3A_2859 = vector.broadcast %parallel_loop3A_2858 : f32 to vector<16xf32>
        %parallel_loop3A_2860 = arith.subf %parallel_loop3A_2859, %parallel_loop3A_2857 : vector<16xf32>
        %parallel_loop3A_2861 = arith.mulf %parallel_loop3A_2856, %parallel_loop3A_2860 : vector<16xf32>
        %parallel_loop3A_2862 = arith.mulf %parallel_loop3A_2846, %parallel_loop3A_2861 : vector<16xf32>
        %parallel_loop3A_2863 = arith.constant 2.000000e+00 : f32
        %parallel_loop3A_2864 = vector.broadcast %parallel_loop3A_2863 : f32 to vector<16xf32>
        %parallel_loop3A_2865 = arith.subf %parallel_loop3A_2864, %parallel_loop3A_2862 : vector<16xf32>
        %parallel_loop3A_2866 = arith.mulf %parallel_loop3A_2861, %parallel_loop3A_2865 : vector<16xf32>
        %parallel_loop3A_2867 = arith.constant 27 : i32
        %parallel_loop3A_2868 = arith.index_cast %parallel_loop3A_2867 : i32 to index
        %parallel_loop3A_2869 = arith.index_cast %parallel_loop3A_1883 : i32 to index
        %parallel_loop3A_2870 = arith.index_cast %parallel_loop3A_1887 : i32 to index
        %parallel_loop3A_2871 = tpu.vector_load %arg5[%parallel_loop3A_2868, %parallel_loop3A_2869, %parallel_loop3A_2870] {strides = array<i32>} : memref<32x8x128xf32, #tpu.memory_space<vmem>>, vector<16xf32>,
        %parallel_loop3A_2872 = arith.constant 0.000000e+00 : f32
        %parallel_loop3A_2873 = vector.broadcast %parallel_loop3A_2872 : f32 to vector<16xf32>
        %parallel_loop3A_2874 = arith.subf %parallel_loop3A_2873, %parallel_loop3A_2871 : vector<16xf32>
        %parallel_loop3A_2875 = math.exp %parallel_loop3A_2874 : vector<16xf32>
        %parallel_loop3A_2876 = arith.constant 1.000000e+00 : f32
        %parallel_loop3A_2877 = vector.broadcast %parallel_loop3A_2876 : f32 to vector<16xf32>
        %parallel_loop3A_2878 = arith.addf %parallel_loop3A_2877, %parallel_loop3A_2875 : vector<16xf32>
        %parallel_loop3A_2879 = tpu.bitcast %parallel_loop3A_2878 : vector<16xf32> -> vector<16xi32>
        %parallel_loop3A_2880 = arith.constant 2129859011 : i32
        %parallel_loop3A_2881 = vector.broadcast %parallel_loop3A_2880 : i32 to vector<16xi32>
        %parallel_loop3A_2882 = arith.subi %parallel_loop3A_2881, %parallel_loop3A_2879 : vector<16xi32>
        %parallel_loop3A_2883 = tpu.bitcast %parallel_loop3A_2882 : vector<16xi32> -> vector<16xf32>
        %parallel_loop3A_2884 = arith.mulf %parallel_loop3A_2878, %parallel_loop3A_2883 : vector<16xf32>
        %parallel_loop3A_2885 = arith.constant 2.000000e+00 : f32
        %parallel_loop3A_2886 = vector.broadcast %parallel_loop3A_2885 : f32 to vector<16xf32>
        %parallel_loop3A_2887 = arith.subf %parallel_loop3A_2886, %parallel_loop3A_2884 : vector<16xf32>
        %parallel_loop3A_2888 = arith.mulf %parallel_loop3A_2883, %parallel_loop3A_2887 : vector<16xf32>
        %parallel_loop3A_2889 = arith.mulf %parallel_loop3A_2878, %parallel_loop3A_2888 : vector<16xf32>
        %parallel_loop3A_2890 = arith.constant 2.000000e+00 : f32
        %parallel_loop3A_2891 = vector.broadcast %parallel_loop3A_2890 : f32 to vector<16xf32>
        %parallel_loop3A_2892 = arith.subf %parallel_loop3A_2891, %parallel_loop3A_2889 : vector<16xf32>
        %parallel_loop3A_2893 = arith.mulf %parallel_loop3A_2888, %parallel_loop3A_2892 : vector<16xf32>
        %parallel_loop3A_2894 = arith.mulf %parallel_loop3A_2878, %parallel_loop3A_2893 : vector<16xf32>
        %parallel_loop3A_2895 = arith.constant 2.000000e+00 : f32
        %parallel_loop3A_2896 = vector.broadcast %parallel_loop3A_2895 : f32 to vector<16xf32>
        %parallel_loop3A_2897 = arith.subf %parallel_loop3A_2896, %parallel_loop3A_2894 : vector<16xf32>
        %parallel_loop3A_2898 = arith.mulf %parallel_loop3A_2893, %parallel_loop3A_2897 : vector<16xf32>
        %parallel_loop3A_2899 = arith.constant 28 : i32
        %parallel_loop3A_2900 = arith.index_cast %parallel_loop3A_2899 : i32 to index
        %parallel_loop3A_2901 = arith.index_cast %parallel_loop3A_1883 : i32 to index
        %parallel_loop3A_2902 = arith.index_cast %parallel_loop3A_1887 : i32 to index
        %parallel_loop3A_2903 = tpu.vector_load %arg5[%parallel_loop3A_2900, %parallel_loop3A_2901, %parallel_loop3A_2902] {strides = array<i32>} : memref<32x8x128xf32, #tpu.memory_space<vmem>>, vector<16xf32>,
        %parallel_loop3A_2904 = arith.constant 0.000000e+00 : f32
        %parallel_loop3A_2905 = vector.broadcast %parallel_loop3A_2904 : f32 to vector<16xf32>
        %parallel_loop3A_2906 = arith.subf %parallel_loop3A_2905, %parallel_loop3A_2903 : vector<16xf32>
        %parallel_loop3A_2907 = math.exp %parallel_loop3A_2906 : vector<16xf32>
        %parallel_loop3A_2908 = arith.constant 1.000000e+00 : f32
        %parallel_loop3A_2909 = vector.broadcast %parallel_loop3A_2908 : f32 to vector<16xf32>
        %parallel_loop3A_2910 = arith.addf %parallel_loop3A_2909, %parallel_loop3A_2907 : vector<16xf32>
        %parallel_loop3A_2911 = tpu.bitcast %parallel_loop3A_2910 : vector<16xf32> -> vector<16xi32>
        %parallel_loop3A_2912 = arith.constant 2129859011 : i32
        %parallel_loop3A_2913 = vector.broadcast %parallel_loop3A_2912 : i32 to vector<16xi32>
        %parallel_loop3A_2914 = arith.subi %parallel_loop3A_2913, %parallel_loop3A_2911 : vector<16xi32>
        %parallel_loop3A_2915 = tpu.bitcast %parallel_loop3A_2914 : vector<16xi32> -> vector<16xf32>
        %parallel_loop3A_2916 = arith.mulf %parallel_loop3A_2910, %parallel_loop3A_2915 : vector<16xf32>
        %parallel_loop3A_2917 = arith.constant 2.000000e+00 : f32
        %parallel_loop3A_2918 = vector.broadcast %parallel_loop3A_2917 : f32 to vector<16xf32>
        %parallel_loop3A_2919 = arith.subf %parallel_loop3A_2918, %parallel_loop3A_2916 : vector<16xf32>
        %parallel_loop3A_2920 = arith.mulf %parallel_loop3A_2915, %parallel_loop3A_2919 : vector<16xf32>
        %parallel_loop3A_2921 = arith.mulf %parallel_loop3A_2910, %parallel_loop3A_2920 : vector<16xf32>
        %parallel_loop3A_2922 = arith.constant 2.000000e+00 : f32
        %parallel_loop3A_2923 = vector.broadcast %parallel_loop3A_2922 : f32 to vector<16xf32>
        %parallel_loop3A_2924 = arith.subf %parallel_loop3A_2923, %parallel_loop3A_2921 : vector<16xf32>
        %parallel_loop3A_2925 = arith.mulf %parallel_loop3A_2920, %parallel_loop3A_2924 : vector<16xf32>
        %parallel_loop3A_2926 = arith.mulf %parallel_loop3A_2910, %parallel_loop3A_2925 : vector<16xf32>
        %parallel_loop3A_2927 = arith.constant 2.000000e+00 : f32
        %parallel_loop3A_2928 = vector.broadcast %parallel_loop3A_2927 : f32 to vector<16xf32>
        %parallel_loop3A_2929 = arith.subf %parallel_loop3A_2928, %parallel_loop3A_2926 : vector<16xf32>
        %parallel_loop3A_2930 = arith.mulf %parallel_loop3A_2925, %parallel_loop3A_2929 : vector<16xf32>
        %parallel_loop3A_2931 = arith.constant 29 : i32
        %parallel_loop3A_2932 = arith.index_cast %parallel_loop3A_2931 : i32 to index
        %parallel_loop3A_2933 = arith.index_cast %parallel_loop3A_1883 : i32 to index
        %parallel_loop3A_2934 = arith.index_cast %parallel_loop3A_1887 : i32 to index
        %parallel_loop3A_2935 = tpu.vector_load %arg5[%parallel_loop3A_2932, %parallel_loop3A_2933, %parallel_loop3A_2934] {strides = array<i32>} : memref<32x8x128xf32, #tpu.memory_space<vmem>>, vector<16xf32>,
        %parallel_loop3A_2936 = arith.constant 0.000000e+00 : f32
        %parallel_loop3A_2937 = vector.broadcast %parallel_loop3A_2936 : f32 to vector<16xf32>
        %parallel_loop3A_2938 = arith.subf %parallel_loop3A_2937, %parallel_loop3A_2935 : vector<16xf32>
        %parallel_loop3A_2939 = math.exp %parallel_loop3A_2938 : vector<16xf32>
        %parallel_loop3A_2940 = arith.constant 1.000000e+00 : f32
        %parallel_loop3A_2941 = vector.broadcast %parallel_loop3A_2940 : f32 to vector<16xf32>
        %parallel_loop3A_2942 = arith.addf %parallel_loop3A_2941, %parallel_loop3A_2939 : vector<16xf32>
        %parallel_loop3A_2943 = tpu.bitcast %parallel_loop3A_2942 : vector<16xf32> -> vector<16xi32>
        %parallel_loop3A_2944 = arith.constant 2129859011 : i32
        %parallel_loop3A_2945 = vector.broadcast %parallel_loop3A_2944 : i32 to vector<16xi32>
        %parallel_loop3A_2946 = arith.subi %parallel_loop3A_2945, %parallel_loop3A_2943 : vector<16xi32>
        %parallel_loop3A_2947 = tpu.bitcast %parallel_loop3A_2946 : vector<16xi32> -> vector<16xf32>
        %parallel_loop3A_2948 = arith.mulf %parallel_loop3A_2942, %parallel_loop3A_2947 : vector<16xf32>
        %parallel_loop3A_2949 = arith.constant 2.000000e+00 : f32
        %parallel_loop3A_2950 = vector.broadcast %parallel_loop3A_2949 : f32 to vector<16xf32>
        %parallel_loop3A_2951 = arith.subf %parallel_loop3A_2950, %parallel_loop3A_2948 : vector<16xf32>
        %parallel_loop3A_2952 = arith.mulf %parallel_loop3A_2947, %parallel_loop3A_2951 : vector<16xf32>
        %parallel_loop3A_2953 = arith.mulf %parallel_loop3A_2942, %parallel_loop3A_2952 : vector<16xf32>
        %parallel_loop3A_2954 = arith.constant 2.000000e+00 : f32
        %parallel_loop3A_2955 = vector.broadcast %parallel_loop3A_2954 : f32 to vector<16xf32>
        %parallel_loop3A_2956 = arith.subf %parallel_loop3A_2955, %parallel_loop3A_2953 : vector<16xf32>
        %parallel_loop3A_2957 = arith.mulf %parallel_loop3A_2952, %parallel_loop3A_2956 : vector<16xf32>
        %parallel_loop3A_2958 = arith.mulf %parallel_loop3A_2942, %parallel_loop3A_2957 : vector<16xf32>
        %parallel_loop3A_2959 = arith.constant 2.000000e+00 : f32
        %parallel_loop3A_2960 = vector.broadcast %parallel_loop3A_2959 : f32 to vector<16xf32>
        %parallel_loop3A_2961 = arith.subf %parallel_loop3A_2960, %parallel_loop3A_2958 : vector<16xf32>
        %parallel_loop3A_2962 = arith.mulf %parallel_loop3A_2957, %parallel_loop3A_2961 : vector<16xf32>
        %parallel_loop3A_2963 = arith.constant 30 : i32
        %parallel_loop3A_2964 = arith.index_cast %parallel_loop3A_2963 : i32 to index
        %parallel_loop3A_2965 = arith.index_cast %parallel_loop3A_1883 : i32 to index
        %parallel_loop3A_2966 = arith.index_cast %parallel_loop3A_1887 : i32 to index
        %parallel_loop3A_2967 = tpu.vector_load %arg5[%parallel_loop3A_2964, %parallel_loop3A_2965, %parallel_loop3A_2966] {strides = array<i32>} : memref<32x8x128xf32, #tpu.memory_space<vmem>>, vector<16xf32>,
        %parallel_loop3A_2968 = arith.constant 0.000000e+00 : f32
        %parallel_loop3A_2969 = vector.broadcast %parallel_loop3A_2968 : f32 to vector<16xf32>
        %parallel_loop3A_2970 = arith.subf %parallel_loop3A_2969, %parallel_loop3A_2967 : vector<16xf32>
        %parallel_loop3A_2971 = math.exp %parallel_loop3A_2970 : vector<16xf32>
        %parallel_loop3A_2972 = arith.constant 1.000000e+00 : f32
        %parallel_loop3A_2973 = vector.broadcast %parallel_loop3A_2972 : f32 to vector<16xf32>
        %parallel_loop3A_2974 = arith.addf %parallel_loop3A_2973, %parallel_loop3A_2971 : vector<16xf32>
        %parallel_loop3A_2975 = tpu.bitcast %parallel_loop3A_2974 : vector<16xf32> -> vector<16xi32>
        %parallel_loop3A_2976 = arith.constant 2129859011 : i32
        %parallel_loop3A_2977 = vector.broadcast %parallel_loop3A_2976 : i32 to vector<16xi32>
        %parallel_loop3A_2978 = arith.subi %parallel_loop3A_2977, %parallel_loop3A_2975 : vector<16xi32>
        %parallel_loop3A_2979 = tpu.bitcast %parallel_loop3A_2978 : vector<16xi32> -> vector<16xf32>
        %parallel_loop3A_2980 = arith.mulf %parallel_loop3A_2974, %parallel_loop3A_2979 : vector<16xf32>
        %parallel_loop3A_2981 = arith.constant 2.000000e+00 : f32
        %parallel_loop3A_2982 = vector.broadcast %parallel_loop3A_2981 : f32 to vector<16xf32>
        %parallel_loop3A_2983 = arith.subf %parallel_loop3A_2982, %parallel_loop3A_2980 : vector<16xf32>
        %parallel_loop3A_2984 = arith.mulf %parallel_loop3A_2979, %parallel_loop3A_2983 : vector<16xf32>
        %parallel_loop3A_2985 = arith.mulf %parallel_loop3A_2974, %parallel_loop3A_2984 : vector<16xf32>
        %parallel_loop3A_2986 = arith.constant 2.000000e+00 : f32
        %parallel_loop3A_2987 = vector.broadcast %parallel_loop3A_2986 : f32 to vector<16xf32>
        %parallel_loop3A_2988 = arith.subf %parallel_loop3A_2987, %parallel_loop3A_2985 : vector<16xf32>
        %parallel_loop3A_2989 = arith.mulf %parallel_loop3A_2984, %parallel_loop3A_2988 : vector<16xf32>
        %parallel_loop3A_2990 = arith.mulf %parallel_loop3A_2974, %parallel_loop3A_2989 : vector<16xf32>
        %parallel_loop3A_2991 = arith.constant 2.000000e+00 : f32
        %parallel_loop3A_2992 = vector.broadcast %parallel_loop3A_2991 : f32 to vector<16xf32>
        %parallel_loop3A_2993 = arith.subf %parallel_loop3A_2992, %parallel_loop3A_2990 : vector<16xf32>
        %parallel_loop3A_2994 = arith.mulf %parallel_loop3A_2989, %parallel_loop3A_2993 : vector<16xf32>
        %parallel_loop3A_2995 = arith.constant 31 : i32
        %parallel_loop3A_2996 = arith.index_cast %parallel_loop3A_2995 : i32 to index
        %parallel_loop3A_2997 = arith.index_cast %parallel_loop3A_1883 : i32 to index
        %parallel_loop3A_2998 = arith.index_cast %parallel_loop3A_1887 : i32 to index
        %parallel_loop3A_2999 = tpu.vector_load %arg5[%parallel_loop3A_2996, %parallel_loop3A_2997, %parallel_loop3A_2998] {strides = array<i32>} : memref<32x8x128xf32, #tpu.memory_space<vmem>>, vector<16xf32>,
        %parallel_loop3A_3000 = arith.constant 0.000000e+00 : f32
        %parallel_loop3A_3001 = vector.broadcast %parallel_loop3A_3000 : f32 to vector<16xf32>
        %parallel_loop3A_3002 = arith.subf %parallel_loop3A_3001, %parallel_loop3A_2999 : vector<16xf32>
        %parallel_loop3A_3003 = math.exp %parallel_loop3A_3002 : vector<16xf32>
        %parallel_loop3A_3004 = arith.constant 1.000000e+00 : f32
        %parallel_loop3A_3005 = vector.broadcast %parallel_loop3A_3004 : f32 to vector<16xf32>
        %parallel_loop3A_3006 = arith.addf %parallel_loop3A_3005, %parallel_loop3A_3003 : vector<16xf32>
        %parallel_loop3A_3007 = tpu.bitcast %parallel_loop3A_3006 : vector<16xf32> -> vector<16xi32>
        %parallel_loop3A_3008 = arith.constant 2129859011 : i32
        %parallel_loop3A_3009 = vector.broadcast %parallel_loop3A_3008 : i32 to vector<16xi32>
        %parallel_loop3A_3010 = arith.subi %parallel_loop3A_3009, %parallel_loop3A_3007 : vector<16xi32>
        %parallel_loop3A_3011 = tpu.bitcast %parallel_loop3A_3010 : vector<16xi32> -> vector<16xf32>
        %parallel_loop3A_3012 = arith.mulf %parallel_loop3A_3006, %parallel_loop3A_3011 : vector<16xf32>
        %parallel_loop3A_3013 = arith.constant 2.000000e+00 : f32
        %parallel_loop3A_3014 = vector.broadcast %parallel_loop3A_3013 : f32 to vector<16xf32>
        %parallel_loop3A_3015 = arith.subf %parallel_loop3A_3014, %parallel_loop3A_3012 : vector<16xf32>
        %parallel_loop3A_3016 = arith.mulf %parallel_loop3A_3011, %parallel_loop3A_3015 : vector<16xf32>
        %parallel_loop3A_3017 = arith.mulf %parallel_loop3A_3006, %parallel_loop3A_3016 : vector<16xf32>
        %parallel_loop3A_3018 = arith.constant 2.000000e+00 : f32
        %parallel_loop3A_3019 = vector.broadcast %parallel_loop3A_3018 : f32 to vector<16xf32>
        %parallel_loop3A_3020 = arith.subf %parallel_loop3A_3019, %parallel_loop3A_3017 : vector<16xf32>
        %parallel_loop3A_3021 = arith.mulf %parallel_loop3A_3016, %parallel_loop3A_3020 : vector<16xf32>
        %parallel_loop3A_3022 = arith.mulf %parallel_loop3A_3006, %parallel_loop3A_3021 : vector<16xf32>
        %parallel_loop3A_3023 = arith.constant 2.000000e+00 : f32
        %parallel_loop3A_3024 = vector.broadcast %parallel_loop3A_3023 : f32 to vector<16xf32>
        %parallel_loop3A_3025 = arith.subf %parallel_loop3A_3024, %parallel_loop3A_3022 : vector<16xf32>
        %parallel_loop3A_3026 = arith.mulf %parallel_loop3A_3021, %parallel_loop3A_3025 : vector<16xf32>
        %parallel_loop3A_3027 = arith.cmpf ogt, %parallel_loop3A_2807, %parallel_loop3A_2775 : vector<16xf32>
        %parallel_loop3A_3028 = arith.select %parallel_loop3A_3027, %parallel_loop3A_2807, %parallel_loop3A_2775 : vector<16xi1>, vector<16xf32>
        %parallel_loop3A_3029 = arith.constant 25 : i32
        %parallel_loop3A_3030 = arith.constant 24 : i32
        %parallel_loop3A_3031 = vector.broadcast %parallel_loop3A_3029 : i32 to vector<16xi32>
        %parallel_loop3A_3032 = vector.broadcast %parallel_loop3A_3030 : i32 to vector<16xi32>
        %parallel_loop3A_3033 = arith.select %parallel_loop3A_3027, %parallel_loop3A_3031, %parallel_loop3A_3032 : vector<16xi1>, vector<16xi32>
        %parallel_loop3A_3034 = arith.cmpf ogt, %parallel_loop3A_2871, %parallel_loop3A_2839 : vector<16xf32>
        %parallel_loop3A_3035 = arith.select %parallel_loop3A_3034, %parallel_loop3A_2871, %parallel_loop3A_2839 : vector<16xi1>, vector<16xf32>
        %parallel_loop3A_3036 = arith.constant 27 : i32
        %parallel_loop3A_3037 = arith.constant 26 : i32
        %parallel_loop3A_3038 = vector.broadcast %parallel_loop3A_3036 : i32 to vector<16xi32>
        %parallel_loop3A_3039 = vector.broadcast %parallel_loop3A_3037 : i32 to vector<16xi32>
        %parallel_loop3A_3040 = arith.select %parallel_loop3A_3034, %parallel_loop3A_3038, %parallel_loop3A_3039 : vector<16xi1>, vector<16xi32>
        %parallel_loop3A_3041 = arith.cmpf ogt, %parallel_loop3A_2935, %parallel_loop3A_2903 : vector<16xf32>
        %parallel_loop3A_3042 = arith.select %parallel_loop3A_3041, %parallel_loop3A_2935, %parallel_loop3A_2903 : vector<16xi1>, vector<16xf32>
        %parallel_loop3A_3043 = arith.constant 29 : i32
        %parallel_loop3A_3044 = arith.constant 28 : i32
        %parallel_loop3A_3045 = vector.broadcast %parallel_loop3A_3043 : i32 to vector<16xi32>
        %parallel_loop3A_3046 = vector.broadcast %parallel_loop3A_3044 : i32 to vector<16xi32>
        %parallel_loop3A_3047 = arith.select %parallel_loop3A_3041, %parallel_loop3A_3045, %parallel_loop3A_3046 : vector<16xi1>, vector<16xi32>
        %parallel_loop3A_3048 = arith.cmpf ogt, %parallel_loop3A_2999, %parallel_loop3A_2967 : vector<16xf32>
        %parallel_loop3A_3049 = arith.select %parallel_loop3A_3048, %parallel_loop3A_2999, %parallel_loop3A_2967 : vector<16xi1>, vector<16xf32>
        %parallel_loop3A_3050 = arith.constant 31 : i32
        %parallel_loop3A_3051 = arith.constant 30 : i32
        %parallel_loop3A_3052 = vector.broadcast %parallel_loop3A_3050 : i32 to vector<16xi32>
        %parallel_loop3A_3053 = vector.broadcast %parallel_loop3A_3051 : i32 to vector<16xi32>
        %parallel_loop3A_3054 = arith.select %parallel_loop3A_3048, %parallel_loop3A_3052, %parallel_loop3A_3053 : vector<16xi1>, vector<16xi32>
        %parallel_loop3A_3055 = arith.cmpf ogt, %parallel_loop3A_3035, %parallel_loop3A_3028 : vector<16xf32>
        %parallel_loop3A_3056 = arith.select %parallel_loop3A_3055, %parallel_loop3A_3035, %parallel_loop3A_3028 : vector<16xi1>, vector<16xf32>
        %parallel_loop3A_3057 = arith.select %parallel_loop3A_3055, %parallel_loop3A_3040, %parallel_loop3A_3033 : vector<16xi1>, vector<16xi32>
        %parallel_loop3A_3058 = arith.cmpf ogt, %parallel_loop3A_3049, %parallel_loop3A_3042 : vector<16xf32>
        %parallel_loop3A_3059 = arith.select %parallel_loop3A_3058, %parallel_loop3A_3049, %parallel_loop3A_3042 : vector<16xi1>, vector<16xf32>
        %parallel_loop3A_3060 = arith.select %parallel_loop3A_3058, %parallel_loop3A_3054, %parallel_loop3A_3047 : vector<16xi1>, vector<16xi32>
        %parallel_loop3A_3061 = arith.cmpf ogt, %parallel_loop3A_3059, %parallel_loop3A_3056 : vector<16xf32>
        %parallel_loop3A_3062 = arith.select %parallel_loop3A_3061, %parallel_loop3A_3059, %parallel_loop3A_3056 : vector<16xi1>, vector<16xf32>
        %parallel_loop3A_3063 = arith.select %parallel_loop3A_3061, %parallel_loop3A_3060, %parallel_loop3A_3057 : vector<16xi1>, vector<16xi32>
        %parallel_loop3A_3064 = arith.cmpf ogt, %parallel_loop3A_2476, %parallel_loop3A_2183 : vector<16xf32>
        %parallel_loop3A_3065 = arith.select %parallel_loop3A_3064, %parallel_loop3A_2476, %parallel_loop3A_2183 : vector<16xi1>, vector<16xf32>
        %parallel_loop3A_3066 = arith.select %parallel_loop3A_3064, %parallel_loop3A_2477, %parallel_loop3A_2184 : vector<16xi1>, vector<16xi32>
        %parallel_loop3A_3067 = arith.cmpf ogt, %parallel_loop3A_3062, %parallel_loop3A_2769 : vector<16xf32>
        %parallel_loop3A_3068 = arith.select %parallel_loop3A_3067, %parallel_loop3A_3062, %parallel_loop3A_2769 : vector<16xi1>, vector<16xf32>
        %parallel_loop3A_3069 = arith.select %parallel_loop3A_3067, %parallel_loop3A_3063, %parallel_loop3A_2770 : vector<16xi1>, vector<16xi32>
        %parallel_loop3A_3070 = arith.cmpf ogt, %parallel_loop3A_3068, %parallel_loop3A_3065 : vector<16xf32>
        %parallel_loop3A_3071 = arith.select %parallel_loop3A_3070, %parallel_loop3A_3069, %parallel_loop3A_3066 : vector<16xi1>, vector<16xi32>
        %parallel_loop3A_3072 = arith.index_cast %parallel_loop3A_1883 : i32 to index
        %parallel_loop3A_3073 = arith.index_cast %parallel_loop3A_1887 : i32 to index
        %parallel_loop3A_3074 = tpu.vector_load %arg7[%parallel_loop3A_3072, %parallel_loop3A_3073] {strides = array<i32>} : memref<8x128xf32, #tpu.memory_space<vmem>>, vector<16xf32>,
        %parallel_loop3A_3075 = arith.constant 31 : i32
        %parallel_loop3A_3076 = vector.broadcast %parallel_loop3A_3075 : i32 to vector<16xi32>
        %parallel_loop3A_3077 = arith.subi %parallel_loop3A_3076, %parallel_loop3A_3071 : vector<16xi32>
        %parallel_loop3A_3078 = arith.sitofp %parallel_loop3A_3077 : vector<16xi32> to vector<16xf32>
        %parallel_loop3A_3079 = arith.minimumf %parallel_loop3A_3074, %parallel_loop3A_3078 : vector<16xf32>
        %parallel_loop3A_3080 = arith.fptosi %parallel_loop3A_3079 : vector<16xf32> to vector<16xi32>
        %parallel_loop3A_3081 = arith.constant 0 : i32
        %parallel_loop3A_3082 = vector.broadcast %parallel_loop3A_3081 : i32 to vector<16xi32>
        %parallel_loop3A_3083 = arith.addi %parallel_loop3A_3082, %parallel_loop3A_3080 : vector<16xi32>
        %parallel_loop3A_3084 = arith.constant 31 : i32
        %parallel_loop3A_3085 = vector.broadcast %parallel_loop3A_3084 : i32 to vector<16xi32>
        %parallel_loop3A_3086 = arith.andi %parallel_loop3A_3083, %parallel_loop3A_3085 : vector<16xi32>
        tpu.vector_store_idx %arg6[%parallel_loop3A_3086, %parallel_loop3A_1891, %parallel_loop3A_1890], %parallel_loop3A_1923 : memref<32x8x128xf32, #tpu.memory_space<vmem>>[vector<16xi32>, vector<16xi32>, vector<16xi32>], vector<16xf32>,
        %parallel_loop3A_3087 = arith.constant 1 : i32
        %parallel_loop3A_3088 = vector.broadcast %parallel_loop3A_3087 : i32 to vector<16xi32>
        %parallel_loop3A_3089 = arith.addi %parallel_loop3A_3088, %parallel_loop3A_3080 : vector<16xi32>
        %parallel_loop3A_3090 = arith.constant 31 : i32
        %parallel_loop3A_3091 = vector.broadcast %parallel_loop3A_3090 : i32 to vector<16xi32>
        %parallel_loop3A_3092 = arith.andi %parallel_loop3A_3089, %parallel_loop3A_3091 : vector<16xi32>
        tpu.vector_store_idx %arg6[%parallel_loop3A_3092, %parallel_loop3A_1891, %parallel_loop3A_1890], %parallel_loop3A_1955 : memref<32x8x128xf32, #tpu.memory_space<vmem>>[vector<16xi32>, vector<16xi32>, vector<16xi32>], vector<16xf32>,
        %parallel_loop3A_3093 = arith.constant 2 : i32
        %parallel_loop3A_3094 = vector.broadcast %parallel_loop3A_3093 : i32 to vector<16xi32>
        %parallel_loop3A_3095 = arith.addi %parallel_loop3A_3094, %parallel_loop3A_3080 : vector<16xi32>
        %parallel_loop3A_3096 = arith.constant 31 : i32
        %parallel_loop3A_3097 = vector.broadcast %parallel_loop3A_3096 : i32 to vector<16xi32>
        %parallel_loop3A_3098 = arith.andi %parallel_loop3A_3095, %parallel_loop3A_3097 : vector<16xi32>
        tpu.vector_store_idx %arg6[%parallel_loop3A_3098, %parallel_loop3A_1891, %parallel_loop3A_1890], %parallel_loop3A_1987 : memref<32x8x128xf32, #tpu.memory_space<vmem>>[vector<16xi32>, vector<16xi32>, vector<16xi32>], vector<16xf32>,
        %parallel_loop3A_3099 = arith.constant 3 : i32
        %parallel_loop3A_3100 = vector.broadcast %parallel_loop3A_3099 : i32 to vector<16xi32>
        %parallel_loop3A_3101 = arith.addi %parallel_loop3A_3100, %parallel_loop3A_3080 : vector<16xi32>
        %parallel_loop3A_3102 = arith.constant 31 : i32
        %parallel_loop3A_3103 = vector.broadcast %parallel_loop3A_3102 : i32 to vector<16xi32>
        %parallel_loop3A_3104 = arith.andi %parallel_loop3A_3101, %parallel_loop3A_3103 : vector<16xi32>
        tpu.vector_store_idx %arg6[%parallel_loop3A_3104, %parallel_loop3A_1891, %parallel_loop3A_1890], %parallel_loop3A_2019 : memref<32x8x128xf32, #tpu.memory_space<vmem>>[vector<16xi32>, vector<16xi32>, vector<16xi32>], vector<16xf32>,
        %parallel_loop3A_3105 = arith.constant 4 : i32
        %parallel_loop3A_3106 = vector.broadcast %parallel_loop3A_3105 : i32 to vector<16xi32>
        %parallel_loop3A_3107 = arith.addi %parallel_loop3A_3106, %parallel_loop3A_3080 : vector<16xi32>
        %parallel_loop3A_3108 = arith.constant 31 : i32
        %parallel_loop3A_3109 = vector.broadcast %parallel_loop3A_3108 : i32 to vector<16xi32>
        %parallel_loop3A_3110 = arith.andi %parallel_loop3A_3107, %parallel_loop3A_3109 : vector<16xi32>
        tpu.vector_store_idx %arg6[%parallel_loop3A_3110, %parallel_loop3A_1891, %parallel_loop3A_1890], %parallel_loop3A_2051 : memref<32x8x128xf32, #tpu.memory_space<vmem>>[vector<16xi32>, vector<16xi32>, vector<16xi32>], vector<16xf32>,
        %parallel_loop3A_3111 = arith.constant 5 : i32
        %parallel_loop3A_3112 = vector.broadcast %parallel_loop3A_3111 : i32 to vector<16xi32>
        %parallel_loop3A_3113 = arith.addi %parallel_loop3A_3112, %parallel_loop3A_3080 : vector<16xi32>
        %parallel_loop3A_3114 = arith.constant 31 : i32
        %parallel_loop3A_3115 = vector.broadcast %parallel_loop3A_3114 : i32 to vector<16xi32>
        %parallel_loop3A_3116 = arith.andi %parallel_loop3A_3113, %parallel_loop3A_3115 : vector<16xi32>
        tpu.vector_store_idx %arg6[%parallel_loop3A_3116, %parallel_loop3A_1891, %parallel_loop3A_1890], %parallel_loop3A_2083 : memref<32x8x128xf32, #tpu.memory_space<vmem>>[vector<16xi32>, vector<16xi32>, vector<16xi32>], vector<16xf32>,
        %parallel_loop3A_3117 = arith.constant 6 : i32
        %parallel_loop3A_3118 = vector.broadcast %parallel_loop3A_3117 : i32 to vector<16xi32>
        %parallel_loop3A_3119 = arith.addi %parallel_loop3A_3118, %parallel_loop3A_3080 : vector<16xi32>
        %parallel_loop3A_3120 = arith.constant 31 : i32
        %parallel_loop3A_3121 = vector.broadcast %parallel_loop3A_3120 : i32 to vector<16xi32>
        %parallel_loop3A_3122 = arith.andi %parallel_loop3A_3119, %parallel_loop3A_3121 : vector<16xi32>
        tpu.vector_store_idx %arg6[%parallel_loop3A_3122, %parallel_loop3A_1891, %parallel_loop3A_1890], %parallel_loop3A_2115 : memref<32x8x128xf32, #tpu.memory_space<vmem>>[vector<16xi32>, vector<16xi32>, vector<16xi32>], vector<16xf32>,
        %parallel_loop3A_3123 = arith.constant 7 : i32
        %parallel_loop3A_3124 = vector.broadcast %parallel_loop3A_3123 : i32 to vector<16xi32>
        %parallel_loop3A_3125 = arith.addi %parallel_loop3A_3124, %parallel_loop3A_3080 : vector<16xi32>
        %parallel_loop3A_3126 = arith.constant 31 : i32
        %parallel_loop3A_3127 = vector.broadcast %parallel_loop3A_3126 : i32 to vector<16xi32>
        %parallel_loop3A_3128 = arith.andi %parallel_loop3A_3125, %parallel_loop3A_3127 : vector<16xi32>
        tpu.vector_store_idx %arg6[%parallel_loop3A_3128, %parallel_loop3A_1891, %parallel_loop3A_1890], %parallel_loop3A_2147 : memref<32x8x128xf32, #tpu.memory_space<vmem>>[vector<16xi32>, vector<16xi32>, vector<16xi32>], vector<16xf32>,
        %parallel_loop3A_3129 = arith.constant 8 : i32
        %parallel_loop3A_3130 = vector.broadcast %parallel_loop3A_3129 : i32 to vector<16xi32>
        %parallel_loop3A_3131 = arith.addi %parallel_loop3A_3130, %parallel_loop3A_3080 : vector<16xi32>
        %parallel_loop3A_3132 = arith.constant 31 : i32
        %parallel_loop3A_3133 = vector.broadcast %parallel_loop3A_3132 : i32 to vector<16xi32>
        %parallel_loop3A_3134 = arith.andi %parallel_loop3A_3131, %parallel_loop3A_3133 : vector<16xi32>
        tpu.vector_store_idx %arg6[%parallel_loop3A_3134, %parallel_loop3A_1891, %parallel_loop3A_1890], %parallel_loop3A_2216 : memref<32x8x128xf32, #tpu.memory_space<vmem>>[vector<16xi32>, vector<16xi32>, vector<16xi32>], vector<16xf32>,
        %parallel_loop3A_3135 = arith.constant 9 : i32
        %parallel_loop3A_3136 = vector.broadcast %parallel_loop3A_3135 : i32 to vector<16xi32>
        %parallel_loop3A_3137 = arith.addi %parallel_loop3A_3136, %parallel_loop3A_3080 : vector<16xi32>
        %parallel_loop3A_3138 = arith.constant 31 : i32
        %parallel_loop3A_3139 = vector.broadcast %parallel_loop3A_3138 : i32 to vector<16xi32>
        %parallel_loop3A_3140 = arith.andi %parallel_loop3A_3137, %parallel_loop3A_3139 : vector<16xi32>
        tpu.vector_store_idx %arg6[%parallel_loop3A_3140, %parallel_loop3A_1891, %parallel_loop3A_1890], %parallel_loop3A_2248 : memref<32x8x128xf32, #tpu.memory_space<vmem>>[vector<16xi32>, vector<16xi32>, vector<16xi32>], vector<16xf32>,
        %parallel_loop3A_3141 = arith.constant 10 : i32
        %parallel_loop3A_3142 = vector.broadcast %parallel_loop3A_3141 : i32 to vector<16xi32>
        %parallel_loop3A_3143 = arith.addi %parallel_loop3A_3142, %parallel_loop3A_3080 : vector<16xi32>
        %parallel_loop3A_3144 = arith.constant 31 : i32
        %parallel_loop3A_3145 = vector.broadcast %parallel_loop3A_3144 : i32 to vector<16xi32>
        %parallel_loop3A_3146 = arith.andi %parallel_loop3A_3143, %parallel_loop3A_3145 : vector<16xi32>
        tpu.vector_store_idx %arg6[%parallel_loop3A_3146, %parallel_loop3A_1891, %parallel_loop3A_1890], %parallel_loop3A_2280 : memref<32x8x128xf32, #tpu.memory_space<vmem>>[vector<16xi32>, vector<16xi32>, vector<16xi32>], vector<16xf32>,
        %parallel_loop3A_3147 = arith.constant 11 : i32
        %parallel_loop3A_3148 = vector.broadcast %parallel_loop3A_3147 : i32 to vector<16xi32>
        %parallel_loop3A_3149 = arith.addi %parallel_loop3A_3148, %parallel_loop3A_3080 : vector<16xi32>
        %parallel_loop3A_3150 = arith.constant 31 : i32
        %parallel_loop3A_3151 = vector.broadcast %parallel_loop3A_3150 : i32 to vector<16xi32>
        %parallel_loop3A_3152 = arith.andi %parallel_loop3A_3149, %parallel_loop3A_3151 : vector<16xi32>
        tpu.vector_store_idx %arg6[%parallel_loop3A_3152, %parallel_loop3A_1891, %parallel_loop3A_1890], %parallel_loop3A_2312 : memref<32x8x128xf32, #tpu.memory_space<vmem>>[vector<16xi32>, vector<16xi32>, vector<16xi32>], vector<16xf32>,
        %parallel_loop3A_3153 = arith.constant 12 : i32
        %parallel_loop3A_3154 = vector.broadcast %parallel_loop3A_3153 : i32 to vector<16xi32>
        %parallel_loop3A_3155 = arith.addi %parallel_loop3A_3154, %parallel_loop3A_3080 : vector<16xi32>
        %parallel_loop3A_3156 = arith.constant 31 : i32
        %parallel_loop3A_3157 = vector.broadcast %parallel_loop3A_3156 : i32 to vector<16xi32>
        %parallel_loop3A_3158 = arith.andi %parallel_loop3A_3155, %parallel_loop3A_3157 : vector<16xi32>
        tpu.vector_store_idx %arg6[%parallel_loop3A_3158, %parallel_loop3A_1891, %parallel_loop3A_1890], %parallel_loop3A_2344 : memref<32x8x128xf32, #tpu.memory_space<vmem>>[vector<16xi32>, vector<16xi32>, vector<16xi32>], vector<16xf32>,
        %parallel_loop3A_3159 = arith.constant 13 : i32
        %parallel_loop3A_3160 = vector.broadcast %parallel_loop3A_3159 : i32 to vector<16xi32>
        %parallel_loop3A_3161 = arith.addi %parallel_loop3A_3160, %parallel_loop3A_3080 : vector<16xi32>
        %parallel_loop3A_3162 = arith.constant 31 : i32
        %parallel_loop3A_3163 = vector.broadcast %parallel_loop3A_3162 : i32 to vector<16xi32>
        %parallel_loop3A_3164 = arith.andi %parallel_loop3A_3161, %parallel_loop3A_3163 : vector<16xi32>
        tpu.vector_store_idx %arg6[%parallel_loop3A_3164, %parallel_loop3A_1891, %parallel_loop3A_1890], %parallel_loop3A_2376 : memref<32x8x128xf32, #tpu.memory_space<vmem>>[vector<16xi32>, vector<16xi32>, vector<16xi32>], vector<16xf32>,
        %parallel_loop3A_3165 = arith.constant 14 : i32
        %parallel_loop3A_3166 = vector.broadcast %parallel_loop3A_3165 : i32 to vector<16xi32>
        %parallel_loop3A_3167 = arith.addi %parallel_loop3A_3166, %parallel_loop3A_3080 : vector<16xi32>
        %parallel_loop3A_3168 = arith.constant 31 : i32
        %parallel_loop3A_3169 = vector.broadcast %parallel_loop3A_3168 : i32 to vector<16xi32>
        %parallel_loop3A_3170 = arith.andi %parallel_loop3A_3167, %parallel_loop3A_3169 : vector<16xi32>
        tpu.vector_store_idx %arg6[%parallel_loop3A_3170, %parallel_loop3A_1891, %parallel_loop3A_1890], %parallel_loop3A_2408 : memref<32x8x128xf32, #tpu.memory_space<vmem>>[vector<16xi32>, vector<16xi32>, vector<16xi32>], vector<16xf32>,
        %parallel_loop3A_3171 = arith.constant 15 : i32
        %parallel_loop3A_3172 = vector.broadcast %parallel_loop3A_3171 : i32 to vector<16xi32>
        %parallel_loop3A_3173 = arith.addi %parallel_loop3A_3172, %parallel_loop3A_3080 : vector<16xi32>
        %parallel_loop3A_3174 = arith.constant 31 : i32
        %parallel_loop3A_3175 = vector.broadcast %parallel_loop3A_3174 : i32 to vector<16xi32>
        %parallel_loop3A_3176 = arith.andi %parallel_loop3A_3173, %parallel_loop3A_3175 : vector<16xi32>
        tpu.vector_store_idx %arg6[%parallel_loop3A_3176, %parallel_loop3A_1891, %parallel_loop3A_1890], %parallel_loop3A_2440 : memref<32x8x128xf32, #tpu.memory_space<vmem>>[vector<16xi32>, vector<16xi32>, vector<16xi32>], vector<16xf32>,
        %parallel_loop3A_3177 = arith.constant 16 : i32
        %parallel_loop3A_3178 = vector.broadcast %parallel_loop3A_3177 : i32 to vector<16xi32>
        %parallel_loop3A_3179 = arith.addi %parallel_loop3A_3178, %parallel_loop3A_3080 : vector<16xi32>
        %parallel_loop3A_3180 = arith.constant 31 : i32
        %parallel_loop3A_3181 = vector.broadcast %parallel_loop3A_3180 : i32 to vector<16xi32>
        %parallel_loop3A_3182 = arith.andi %parallel_loop3A_3179, %parallel_loop3A_3181 : vector<16xi32>
        tpu.vector_store_idx %arg6[%parallel_loop3A_3182, %parallel_loop3A_1891, %parallel_loop3A_1890], %parallel_loop3A_2509 : memref<32x8x128xf32, #tpu.memory_space<vmem>>[vector<16xi32>, vector<16xi32>, vector<16xi32>], vector<16xf32>,
        %parallel_loop3A_3183 = arith.constant 17 : i32
        %parallel_loop3A_3184 = vector.broadcast %parallel_loop3A_3183 : i32 to vector<16xi32>
        %parallel_loop3A_3185 = arith.addi %parallel_loop3A_3184, %parallel_loop3A_3080 : vector<16xi32>
        %parallel_loop3A_3186 = arith.constant 31 : i32
        %parallel_loop3A_3187 = vector.broadcast %parallel_loop3A_3186 : i32 to vector<16xi32>
        %parallel_loop3A_3188 = arith.andi %parallel_loop3A_3185, %parallel_loop3A_3187 : vector<16xi32>
        tpu.vector_store_idx %arg6[%parallel_loop3A_3188, %parallel_loop3A_1891, %parallel_loop3A_1890], %parallel_loop3A_2541 : memref<32x8x128xf32, #tpu.memory_space<vmem>>[vector<16xi32>, vector<16xi32>, vector<16xi32>], vector<16xf32>,
        %parallel_loop3A_3189 = arith.constant 18 : i32
        %parallel_loop3A_3190 = vector.broadcast %parallel_loop3A_3189 : i32 to vector<16xi32>
        %parallel_loop3A_3191 = arith.addi %parallel_loop3A_3190, %parallel_loop3A_3080 : vector<16xi32>
        %parallel_loop3A_3192 = arith.constant 31 : i32
        %parallel_loop3A_3193 = vector.broadcast %parallel_loop3A_3192 : i32 to vector<16xi32>
        %parallel_loop3A_3194 = arith.andi %parallel_loop3A_3191, %parallel_loop3A_3193 : vector<16xi32>
        tpu.vector_store_idx %arg6[%parallel_loop3A_3194, %parallel_loop3A_1891, %parallel_loop3A_1890], %parallel_loop3A_2573 : memref<32x8x128xf32, #tpu.memory_space<vmem>>[vector<16xi32>, vector<16xi32>, vector<16xi32>], vector<16xf32>,
        %parallel_loop3A_3195 = arith.constant 19 : i32
        %parallel_loop3A_3196 = vector.broadcast %parallel_loop3A_3195 : i32 to vector<16xi32>
        %parallel_loop3A_3197 = arith.addi %parallel_loop3A_3196, %parallel_loop3A_3080 : vector<16xi32>
        %parallel_loop3A_3198 = arith.constant 31 : i32
        %parallel_loop3A_3199 = vector.broadcast %parallel_loop3A_3198 : i32 to vector<16xi32>
        %parallel_loop3A_3200 = arith.andi %parallel_loop3A_3197, %parallel_loop3A_3199 : vector<16xi32>
        tpu.vector_store_idx %arg6[%parallel_loop3A_3200, %parallel_loop3A_1891, %parallel_loop3A_1890], %parallel_loop3A_2605 : memref<32x8x128xf32, #tpu.memory_space<vmem>>[vector<16xi32>, vector<16xi32>, vector<16xi32>], vector<16xf32>,
        %parallel_loop3A_3201 = arith.constant 20 : i32
        %parallel_loop3A_3202 = vector.broadcast %parallel_loop3A_3201 : i32 to vector<16xi32>
        %parallel_loop3A_3203 = arith.addi %parallel_loop3A_3202, %parallel_loop3A_3080 : vector<16xi32>
        %parallel_loop3A_3204 = arith.constant 31 : i32
        %parallel_loop3A_3205 = vector.broadcast %parallel_loop3A_3204 : i32 to vector<16xi32>
        %parallel_loop3A_3206 = arith.andi %parallel_loop3A_3203, %parallel_loop3A_3205 : vector<16xi32>
        tpu.vector_store_idx %arg6[%parallel_loop3A_3206, %parallel_loop3A_1891, %parallel_loop3A_1890], %parallel_loop3A_2637 : memref<32x8x128xf32, #tpu.memory_space<vmem>>[vector<16xi32>, vector<16xi32>, vector<16xi32>], vector<16xf32>,
        %parallel_loop3A_3207 = arith.constant 21 : i32
        %parallel_loop3A_3208 = vector.broadcast %parallel_loop3A_3207 : i32 to vector<16xi32>
        %parallel_loop3A_3209 = arith.addi %parallel_loop3A_3208, %parallel_loop3A_3080 : vector<16xi32>
        %parallel_loop3A_3210 = arith.constant 31 : i32
        %parallel_loop3A_3211 = vector.broadcast %parallel_loop3A_3210 : i32 to vector<16xi32>
        %parallel_loop3A_3212 = arith.andi %parallel_loop3A_3209, %parallel_loop3A_3211 : vector<16xi32>
        tpu.vector_store_idx %arg6[%parallel_loop3A_3212, %parallel_loop3A_1891, %parallel_loop3A_1890], %parallel_loop3A_2669 : memref<32x8x128xf32, #tpu.memory_space<vmem>>[vector<16xi32>, vector<16xi32>, vector<16xi32>], vector<16xf32>,
        %parallel_loop3A_3213 = arith.constant 22 : i32
        %parallel_loop3A_3214 = vector.broadcast %parallel_loop3A_3213 : i32 to vector<16xi32>
        %parallel_loop3A_3215 = arith.addi %parallel_loop3A_3214, %parallel_loop3A_3080 : vector<16xi32>
        %parallel_loop3A_3216 = arith.constant 31 : i32
        %parallel_loop3A_3217 = vector.broadcast %parallel_loop3A_3216 : i32 to vector<16xi32>
        %parallel_loop3A_3218 = arith.andi %parallel_loop3A_3215, %parallel_loop3A_3217 : vector<16xi32>
        tpu.vector_store_idx %arg6[%parallel_loop3A_3218, %parallel_loop3A_1891, %parallel_loop3A_1890], %parallel_loop3A_2701 : memref<32x8x128xf32, #tpu.memory_space<vmem>>[vector<16xi32>, vector<16xi32>, vector<16xi32>], vector<16xf32>,
        %parallel_loop3A_3219 = arith.constant 23 : i32
        %parallel_loop3A_3220 = vector.broadcast %parallel_loop3A_3219 : i32 to vector<16xi32>
        %parallel_loop3A_3221 = arith.addi %parallel_loop3A_3220, %parallel_loop3A_3080 : vector<16xi32>
        %parallel_loop3A_3222 = arith.constant 31 : i32
        %parallel_loop3A_3223 = vector.broadcast %parallel_loop3A_3222 : i32 to vector<16xi32>
        %parallel_loop3A_3224 = arith.andi %parallel_loop3A_3221, %parallel_loop3A_3223 : vector<16xi32>
        tpu.vector_store_idx %arg6[%parallel_loop3A_3224, %parallel_loop3A_1891, %parallel_loop3A_1890], %parallel_loop3A_2733 : memref<32x8x128xf32, #tpu.memory_space<vmem>>[vector<16xi32>, vector<16xi32>, vector<16xi32>], vector<16xf32>,
        %parallel_loop3A_3225 = arith.constant 24 : i32
        %parallel_loop3A_3226 = vector.broadcast %parallel_loop3A_3225 : i32 to vector<16xi32>
        %parallel_loop3A_3227 = arith.addi %parallel_loop3A_3226, %parallel_loop3A_3080 : vector<16xi32>
        %parallel_loop3A_3228 = arith.constant 31 : i32
        %parallel_loop3A_3229 = vector.broadcast %parallel_loop3A_3228 : i32 to vector<16xi32>
        %parallel_loop3A_3230 = arith.andi %parallel_loop3A_3227, %parallel_loop3A_3229 : vector<16xi32>
        tpu.vector_store_idx %arg6[%parallel_loop3A_3230, %parallel_loop3A_1891, %parallel_loop3A_1890], %parallel_loop3A_2802 : memref<32x8x128xf32, #tpu.memory_space<vmem>>[vector<16xi32>, vector<16xi32>, vector<16xi32>], vector<16xf32>,
        %parallel_loop3A_3231 = arith.constant 25 : i32
        %parallel_loop3A_3232 = vector.broadcast %parallel_loop3A_3231 : i32 to vector<16xi32>
        %parallel_loop3A_3233 = arith.addi %parallel_loop3A_3232, %parallel_loop3A_3080 : vector<16xi32>
        %parallel_loop3A_3234 = arith.constant 31 : i32
        %parallel_loop3A_3235 = vector.broadcast %parallel_loop3A_3234 : i32 to vector<16xi32>
        %parallel_loop3A_3236 = arith.andi %parallel_loop3A_3233, %parallel_loop3A_3235 : vector<16xi32>
        tpu.vector_store_idx %arg6[%parallel_loop3A_3236, %parallel_loop3A_1891, %parallel_loop3A_1890], %parallel_loop3A_2834 : memref<32x8x128xf32, #tpu.memory_space<vmem>>[vector<16xi32>, vector<16xi32>, vector<16xi32>], vector<16xf32>,
        %parallel_loop3A_3237 = arith.constant 26 : i32
        %parallel_loop3A_3238 = vector.broadcast %parallel_loop3A_3237 : i32 to vector<16xi32>
        %parallel_loop3A_3239 = arith.addi %parallel_loop3A_3238, %parallel_loop3A_3080 : vector<16xi32>
        %parallel_loop3A_3240 = arith.constant 31 : i32
        %parallel_loop3A_3241 = vector.broadcast %parallel_loop3A_3240 : i32 to vector<16xi32>
        %parallel_loop3A_3242 = arith.andi %parallel_loop3A_3239, %parallel_loop3A_3241 : vector<16xi32>
        tpu.vector_store_idx %arg6[%parallel_loop3A_3242, %parallel_loop3A_1891, %parallel_loop3A_1890], %parallel_loop3A_2866 : memref<32x8x128xf32, #tpu.memory_space<vmem>>[vector<16xi32>, vector<16xi32>, vector<16xi32>], vector<16xf32>,
        %parallel_loop3A_3243 = arith.constant 27 : i32
        %parallel_loop3A_3244 = vector.broadcast %parallel_loop3A_3243 : i32 to vector<16xi32>
        %parallel_loop3A_3245 = arith.addi %parallel_loop3A_3244, %parallel_loop3A_3080 : vector<16xi32>
        %parallel_loop3A_3246 = arith.constant 31 : i32
        %parallel_loop3A_3247 = vector.broadcast %parallel_loop3A_3246 : i32 to vector<16xi32>
        %parallel_loop3A_3248 = arith.andi %parallel_loop3A_3245, %parallel_loop3A_3247 : vector<16xi32>
        tpu.vector_store_idx %arg6[%parallel_loop3A_3248, %parallel_loop3A_1891, %parallel_loop3A_1890], %parallel_loop3A_2898 : memref<32x8x128xf32, #tpu.memory_space<vmem>>[vector<16xi32>, vector<16xi32>, vector<16xi32>], vector<16xf32>,
        %parallel_loop3A_3249 = arith.constant 28 : i32
        %parallel_loop3A_3250 = vector.broadcast %parallel_loop3A_3249 : i32 to vector<16xi32>
        %parallel_loop3A_3251 = arith.addi %parallel_loop3A_3250, %parallel_loop3A_3080 : vector<16xi32>
        %parallel_loop3A_3252 = arith.constant 31 : i32
        %parallel_loop3A_3253 = vector.broadcast %parallel_loop3A_3252 : i32 to vector<16xi32>
        %parallel_loop3A_3254 = arith.andi %parallel_loop3A_3251, %parallel_loop3A_3253 : vector<16xi32>
        tpu.vector_store_idx %arg6[%parallel_loop3A_3254, %parallel_loop3A_1891, %parallel_loop3A_1890], %parallel_loop3A_2930 : memref<32x8x128xf32, #tpu.memory_space<vmem>>[vector<16xi32>, vector<16xi32>, vector<16xi32>], vector<16xf32>,
        %parallel_loop3A_3255 = arith.constant 29 : i32
        %parallel_loop3A_3256 = vector.broadcast %parallel_loop3A_3255 : i32 to vector<16xi32>
        %parallel_loop3A_3257 = arith.addi %parallel_loop3A_3256, %parallel_loop3A_3080 : vector<16xi32>
        %parallel_loop3A_3258 = arith.constant 31 : i32
        %parallel_loop3A_3259 = vector.broadcast %parallel_loop3A_3258 : i32 to vector<16xi32>
        %parallel_loop3A_3260 = arith.andi %parallel_loop3A_3257, %parallel_loop3A_3259 : vector<16xi32>
        tpu.vector_store_idx %arg6[%parallel_loop3A_3260, %parallel_loop3A_1891, %parallel_loop3A_1890], %parallel_loop3A_2962 : memref<32x8x128xf32, #tpu.memory_space<vmem>>[vector<16xi32>, vector<16xi32>, vector<16xi32>], vector<16xf32>,
        %parallel_loop3A_3261 = arith.constant 30 : i32
        %parallel_loop3A_3262 = vector.broadcast %parallel_loop3A_3261 : i32 to vector<16xi32>
        %parallel_loop3A_3263 = arith.addi %parallel_loop3A_3262, %parallel_loop3A_3080 : vector<16xi32>
        %parallel_loop3A_3264 = arith.constant 31 : i32
        %parallel_loop3A_3265 = vector.broadcast %parallel_loop3A_3264 : i32 to vector<16xi32>
        %parallel_loop3A_3266 = arith.andi %parallel_loop3A_3263, %parallel_loop3A_3265 : vector<16xi32>
        tpu.vector_store_idx %arg6[%parallel_loop3A_3266, %parallel_loop3A_1891, %parallel_loop3A_1890], %parallel_loop3A_2994 : memref<32x8x128xf32, #tpu.memory_space<vmem>>[vector<16xi32>, vector<16xi32>, vector<16xi32>], vector<16xf32>,
        %parallel_loop3A_3267 = arith.constant 31 : i32
        %parallel_loop3A_3268 = vector.broadcast %parallel_loop3A_3267 : i32 to vector<16xi32>
        %parallel_loop3A_3269 = arith.addi %parallel_loop3A_3268, %parallel_loop3A_3080 : vector<16xi32>
        %parallel_loop3A_3270 = arith.constant 31 : i32
        %parallel_loop3A_3271 = vector.broadcast %parallel_loop3A_3270 : i32 to vector<16xi32>
        %parallel_loop3A_3272 = arith.andi %parallel_loop3A_3269, %parallel_loop3A_3271 : vector<16xi32>
        tpu.vector_store_idx %arg6[%parallel_loop3A_3272, %parallel_loop3A_1891, %parallel_loop3A_1890], %parallel_loop3A_3026 : memref<32x8x128xf32, #tpu.memory_space<vmem>>[vector<16xi32>, vector<16xi32>, vector<16xi32>], vector<16xf32>,
      } {sc.loop_unroll_factor = 2 : i64, sc.parallel_access}
      %dma_start3A_985 = arith.constant 0 : i32
      %dma_start3A_986 = arith.constant 0 : i32
      %dma_start3A_987 = arith.constant 0 : i32
      %dma_start3A_988 = arith.constant 0 : i32
      %dma_start3A_989 = tpu.memref_slice %arg6[%dma_start3A_985, %dma_start3A_987, %dma_start3A_988] : memref<32x8x128xf32, #tpu.memory_space<vmem>> -> memref<1x8x128xf32, #tpu.memory_space<vmem>>
      %dma_start3A_990 = tpu.memref_squeeze %dma_start3A_989 : memref<1x8x128xf32, #tpu.memory_space<vmem>> -> memref<8x128xf32, #tpu.memory_space<vmem>>
      %dma_start3A_991 = tpu.memref_slice %arg4[%dma_start3A_986, %select_n3A, %select_n3A_30, %mul3A_62, %mul3A_80] : memref<32x16x2x64x512xf32, #tpu.memory_space<hbm>> -> memref<1x1x1x8x128xf32, #tpu.memory_space<hbm>>
      %dma_start3A_992 = tpu.memref_squeeze %dma_start3A_991 : memref<1x1x1x8x128xf32, #tpu.memory_space<hbm>> -> memref<8x128xf32, #tpu.memory_space<hbm>>
      %dma_start3A_993 = tpu.memref_slice %arg4[%dma_start3A_986, %select_n3A, %select_n3A_30, %mul3A_62, %mul3A_80] : memref<32x16x2x64x512xf32, #tpu.memory_space<hbm>> -> memref<1x1x1x8x128xf32, #tpu.memory_space<hbm>>
      %dma_start3A_994 = tpu.memref_squeeze %dma_start3A_993 : memref<1x1x1x8x128xf32, #tpu.memory_space<hbm>> -> memref<8x128xf32, #tpu.memory_space<hbm>>
      %dma_start3A_995 = arith.constant 0 : i32
      %dma_start3A_996 = arith.constant 0 : i32
      %dma_start3A_997 = tpu.memref_slice %arg6[%dma_start3A_985, %dma_start3A_995, %dma_start3A_996] : memref<32x8x128xf32, #tpu.memory_space<vmem>> -> memref<1x8x128xf32, #tpu.memory_space<vmem>>
      %dma_start3A_998 = tpu.memref_squeeze %dma_start3A_997 : memref<1x8x128xf32, #tpu.memory_space<vmem>> -> memref<8x128xf32, #tpu.memory_space<vmem>>
      tpu.enqueue_dma source(%dma_start3A_998 : memref<8x128xf32, #tpu.memory_space<vmem>>) target(%dma_start3A_994 : memref<8x128xf32, #tpu.memory_space<hbm>>) target_semaphore(%arg9 : memref<!tpu.dma_semaphore, #tpu.memory_space<semaphore_mem>>)
      %dma_start3A_999 = arith.constant 1 : i32
      %dma_start3A_1000 = arith.constant 1 : i32
      %dma_start3A_1001 = arith.constant 0 : i32
      %dma_start3A_1002 = arith.constant 0 : i32
      %dma_start3A_1003 = tpu.memref_slice %arg6[%dma_start3A_999, %dma_start3A_1001, %dma_start3A_1002] : memref<32x8x128xf32, #tpu.memory_space<vmem>> -> memref<1x8x128xf32, #tpu.memory_space<vmem>>
      %dma_start3A_1004 = tpu.memref_squeeze %dma_start3A_1003 : memref<1x8x128xf32, #tpu.memory_space<vmem>> -> memref<8x128xf32, #tpu.memory_space<vmem>>
      %dma_start3A_1005 = tpu.memref_slice %arg4[%dma_start3A_1000, %select_n3A, %select_n3A_30, %mul3A_62, %mul3A_80] : memref<32x16x2x64x512xf32, #tpu.memory_space<hbm>> -> memref<1x1x1x8x128xf32, #tpu.memory_space<hbm>>
      %dma_start3A_1006 = tpu.memref_squeeze %dma_start3A_1005 : memref<1x1x1x8x128xf32, #tpu.memory_space<hbm>> -> memref<8x128xf32, #tpu.memory_space<hbm>>
      %dma_start3A_1007 = tpu.memref_slice %arg4[%dma_start3A_1000, %select_n3A, %select_n3A_30, %mul3A_62, %mul3A_80] : memref<32x16x2x64x512xf32, #tpu.memory_space<hbm>> -> memref<1x1x1x8x128xf32, #tpu.memory_space<hbm>>
      %dma_start3A_1008 = tpu.memref_squeeze %dma_start3A_1007 : memref<1x1x1x8x128xf32, #tpu.memory_space<hbm>> -> memref<8x128xf32, #tpu.memory_space<hbm>>
      %dma_start3A_1009 = arith.constant 0 : i32
      %dma_start3A_1010 = arith.constant 0 : i32
      %dma_start3A_1011 = tpu.memref_slice %arg6[%dma_start3A_999, %dma_start3A_1009, %dma_start3A_1010] : memref<32x8x128xf32, #tpu.memory_space<vmem>> -> memref<1x8x128xf32, #tpu.memory_space<vmem>>
      %dma_start3A_1012 = tpu.memref_squeeze %dma_start3A_1011 : memref<1x8x128xf32, #tpu.memory_space<vmem>> -> memref<8x128xf32, #tpu.memory_space<vmem>>
      tpu.enqueue_dma source(%dma_start3A_1012 : memref<8x128xf32, #tpu.memory_space<vmem>>) target(%dma_start3A_1008 : memref<8x128xf32, #tpu.memory_space<hbm>>) target_semaphore(%arg9 : memref<!tpu.dma_semaphore, #tpu.memory_space<semaphore_mem>>)
      %dma_start3A_1013 = arith.constant 2 : i32
      %dma_start3A_1014 = arith.constant 2 : i32
      %dma_start3A_1015 = arith.constant 0 : i32
      %dma_start3A_1016 = arith.constant 0 : i32
      %dma_start3A_1017 = tpu.memref_slice %arg6[%dma_start3A_1013, %dma_start3A_1015, %dma_start3A_1016] : memref<32x8x128xf32, #tpu.memory_space<vmem>> -> memref<1x8x128xf32, #tpu.memory_space<vmem>>
      %dma_start3A_1018 = tpu.memref_squeeze %dma_start3A_1017 : memref<1x8x128xf32, #tpu.memory_space<vmem>> -> memref<8x128xf32, #tpu.memory_space<vmem>>
      %dma_start3A_1019 = tpu.memref_slice %arg4[%dma_start3A_1014, %select_n3A, %select_n3A_30, %mul3A_62, %mul3A_80] : memref<32x16x2x64x512xf32, #tpu.memory_space<hbm>> -> memref<1x1x1x8x128xf32, #tpu.memory_space<hbm>>
      %dma_start3A_1020 = tpu.memref_squeeze %dma_start3A_1019 : memref<1x1x1x8x128xf32, #tpu.memory_space<hbm>> -> memref<8x128xf32, #tpu.memory_space<hbm>>
      %dma_start3A_1021 = tpu.memref_slice %arg4[%dma_start3A_1014, %select_n3A, %select_n3A_30, %mul3A_62, %mul3A_80] : memref<32x16x2x64x512xf32, #tpu.memory_space<hbm>> -> memref<1x1x1x8x128xf32, #tpu.memory_space<hbm>>
      %dma_start3A_1022 = tpu.memref_squeeze %dma_start3A_1021 : memref<1x1x1x8x128xf32, #tpu.memory_space<hbm>> -> memref<8x128xf32, #tpu.memory_space<hbm>>
      %dma_start3A_1023 = arith.constant 0 : i32
      %dma_start3A_1024 = arith.constant 0 : i32
      %dma_start3A_1025 = tpu.memref_slice %arg6[%dma_start3A_1013, %dma_start3A_1023, %dma_start3A_1024] : memref<32x8x128xf32, #tpu.memory_space<vmem>> -> memref<1x8x128xf32, #tpu.memory_space<vmem>>
      %dma_start3A_1026 = tpu.memref_squeeze %dma_start3A_1025 : memref<1x8x128xf32, #tpu.memory_space<vmem>> -> memref<8x128xf32, #tpu.memory_space<vmem>>
      tpu.enqueue_dma source(%dma_start3A_1026 : memref<8x128xf32, #tpu.memory_space<vmem>>) target(%dma_start3A_1022 : memref<8x128xf32, #tpu.memory_space<hbm>>) target_semaphore(%arg9 : memref<!tpu.dma_semaphore, #tpu.memory_space<semaphore_mem>>)
      %dma_start3A_1027 = arith.constant 3 : i32
      %dma_start3A_1028 = arith.constant 3 : i32
      %dma_start3A_1029 = arith.constant 0 : i32
      %dma_start3A_1030 = arith.constant 0 : i32
      %dma_start3A_1031 = tpu.memref_slice %arg6[%dma_start3A_1027, %dma_start3A_1029, %dma_start3A_1030] : memref<32x8x128xf32, #tpu.memory_space<vmem>> -> memref<1x8x128xf32, #tpu.memory_space<vmem>>
      %dma_start3A_1032 = tpu.memref_squeeze %dma_start3A_1031 : memref<1x8x128xf32, #tpu.memory_space<vmem>> -> memref<8x128xf32, #tpu.memory_space<vmem>>
      %dma_start3A_1033 = tpu.memref_slice %arg4[%dma_start3A_1028, %select_n3A, %select_n3A_30, %mul3A_62, %mul3A_80] : memref<32x16x2x64x512xf32, #tpu.memory_space<hbm>> -> memref<1x1x1x8x128xf32, #tpu.memory_space<hbm>>
      %dma_start3A_1034 = tpu.memref_squeeze %dma_start3A_1033 : memref<1x1x1x8x128xf32, #tpu.memory_space<hbm>> -> memref<8x128xf32, #tpu.memory_space<hbm>>
      %dma_start3A_1035 = tpu.memref_slice %arg4[%dma_start3A_1028, %select_n3A, %select_n3A_30, %mul3A_62, %mul3A_80] : memref<32x16x2x64x512xf32, #tpu.memory_space<hbm>> -> memref<1x1x1x8x128xf32, #tpu.memory_space<hbm>>
      %dma_start3A_1036 = tpu.memref_squeeze %dma_start3A_1035 : memref<1x1x1x8x128xf32, #tpu.memory_space<hbm>> -> memref<8x128xf32, #tpu.memory_space<hbm>>
      %dma_start3A_1037 = arith.constant 0 : i32
      %dma_start3A_1038 = arith.constant 0 : i32
      %dma_start3A_1039 = tpu.memref_slice %arg6[%dma_start3A_1027, %dma_start3A_1037, %dma_start3A_1038] : memref<32x8x128xf32, #tpu.memory_space<vmem>> -> memref<1x8x128xf32, #tpu.memory_space<vmem>>
      %dma_start3A_1040 = tpu.memref_squeeze %dma_start3A_1039 : memref<1x8x128xf32, #tpu.memory_space<vmem>> -> memref<8x128xf32, #tpu.memory_space<vmem>>
      tpu.enqueue_dma source(%dma_start3A_1040 : memref<8x128xf32, #tpu.memory_space<vmem>>) target(%dma_start3A_1036 : memref<8x128xf32, #tpu.memory_space<hbm>>) target_semaphore(%arg9 : memref<!tpu.dma_semaphore, #tpu.memory_space<semaphore_mem>>)
      %dma_start3A_1041 = arith.constant 4 : i32
      %dma_start3A_1042 = arith.constant 4 : i32
      %dma_start3A_1043 = arith.constant 0 : i32
      %dma_start3A_1044 = arith.constant 0 : i32
      %dma_start3A_1045 = tpu.memref_slice %arg6[%dma_start3A_1041, %dma_start3A_1043, %dma_start3A_1044] : memref<32x8x128xf32, #tpu.memory_space<vmem>> -> memref<1x8x128xf32, #tpu.memory_space<vmem>>
      %dma_start3A_1046 = tpu.memref_squeeze %dma_start3A_1045 : memref<1x8x128xf32, #tpu.memory_space<vmem>> -> memref<8x128xf32, #tpu.memory_space<vmem>>
      %dma_start3A_1047 = tpu.memref_slice %arg4[%dma_start3A_1042, %select_n3A, %select_n3A_30, %mul3A_62, %mul3A_80] : memref<32x16x2x64x512xf32, #tpu.memory_space<hbm>> -> memref<1x1x1x8x128xf32, #tpu.memory_space<hbm>>
      %dma_start3A_1048 = tpu.memref_squeeze %dma_start3A_1047 : memref<1x1x1x8x128xf32, #tpu.memory_space<hbm>> -> memref<8x128xf32, #tpu.memory_space<hbm>>
      %dma_start3A_1049 = tpu.memref_slice %arg4[%dma_start3A_1042, %select_n3A, %select_n3A_30, %mul3A_62, %mul3A_80] : memref<32x16x2x64x512xf32, #tpu.memory_space<hbm>> -> memref<1x1x1x8x128xf32, #tpu.memory_space<hbm>>
      %dma_start3A_1050 = tpu.memref_squeeze %dma_start3A_1049 : memref<1x1x1x8x128xf32, #tpu.memory_space<hbm>> -> memref<8x128xf32, #tpu.memory_space<hbm>>
      %dma_start3A_1051 = arith.constant 0 : i32
      %dma_start3A_1052 = arith.constant 0 : i32
      %dma_start3A_1053 = tpu.memref_slice %arg6[%dma_start3A_1041, %dma_start3A_1051, %dma_start3A_1052] : memref<32x8x128xf32, #tpu.memory_space<vmem>> -> memref<1x8x128xf32, #tpu.memory_space<vmem>>
      %dma_start3A_1054 = tpu.memref_squeeze %dma_start3A_1053 : memref<1x8x128xf32, #tpu.memory_space<vmem>> -> memref<8x128xf32, #tpu.memory_space<vmem>>
      tpu.enqueue_dma source(%dma_start3A_1054 : memref<8x128xf32, #tpu.memory_space<vmem>>) target(%dma_start3A_1050 : memref<8x128xf32, #tpu.memory_space<hbm>>) target_semaphore(%arg9 : memref<!tpu.dma_semaphore, #tpu.memory_space<semaphore_mem>>)
      %dma_start3A_1055 = arith.constant 5 : i32
      %dma_start3A_1056 = arith.constant 5 : i32
      %dma_start3A_1057 = arith.constant 0 : i32
      %dma_start3A_1058 = arith.constant 0 : i32
      %dma_start3A_1059 = tpu.memref_slice %arg6[%dma_start3A_1055, %dma_start3A_1057, %dma_start3A_1058] : memref<32x8x128xf32, #tpu.memory_space<vmem>> -> memref<1x8x128xf32, #tpu.memory_space<vmem>>
      %dma_start3A_1060 = tpu.memref_squeeze %dma_start3A_1059 : memref<1x8x128xf32, #tpu.memory_space<vmem>> -> memref<8x128xf32, #tpu.memory_space<vmem>>
      %dma_start3A_1061 = tpu.memref_slice %arg4[%dma_start3A_1056, %select_n3A, %select_n3A_30, %mul3A_62, %mul3A_80] : memref<32x16x2x64x512xf32, #tpu.memory_space<hbm>> -> memref<1x1x1x8x128xf32, #tpu.memory_space<hbm>>
      %dma_start3A_1062 = tpu.memref_squeeze %dma_start3A_1061 : memref<1x1x1x8x128xf32, #tpu.memory_space<hbm>> -> memref<8x128xf32, #tpu.memory_space<hbm>>
      %dma_start3A_1063 = tpu.memref_slice %arg4[%dma_start3A_1056, %select_n3A, %select_n3A_30, %mul3A_62, %mul3A_80] : memref<32x16x2x64x512xf32, #tpu.memory_space<hbm>> -> memref<1x1x1x8x128xf32, #tpu.memory_space<hbm>>
      %dma_start3A_1064 = tpu.memref_squeeze %dma_start3A_1063 : memref<1x1x1x8x128xf32, #tpu.memory_space<hbm>> -> memref<8x128xf32, #tpu.memory_space<hbm>>
      %dma_start3A_1065 = arith.constant 0 : i32
      %dma_start3A_1066 = arith.constant 0 : i32
      %dma_start3A_1067 = tpu.memref_slice %arg6[%dma_start3A_1055, %dma_start3A_1065, %dma_start3A_1066] : memref<32x8x128xf32, #tpu.memory_space<vmem>> -> memref<1x8x128xf32, #tpu.memory_space<vmem>>
      %dma_start3A_1068 = tpu.memref_squeeze %dma_start3A_1067 : memref<1x8x128xf32, #tpu.memory_space<vmem>> -> memref<8x128xf32, #tpu.memory_space<vmem>>
      tpu.enqueue_dma source(%dma_start3A_1068 : memref<8x128xf32, #tpu.memory_space<vmem>>) target(%dma_start3A_1064 : memref<8x128xf32, #tpu.memory_space<hbm>>) target_semaphore(%arg9 : memref<!tpu.dma_semaphore, #tpu.memory_space<semaphore_mem>>)
      %dma_start3A_1069 = arith.constant 6 : i32
      %dma_start3A_1070 = arith.constant 6 : i32
      %dma_start3A_1071 = arith.constant 0 : i32
      %dma_start3A_1072 = arith.constant 0 : i32
      %dma_start3A_1073 = tpu.memref_slice %arg6[%dma_start3A_1069, %dma_start3A_1071, %dma_start3A_1072] : memref<32x8x128xf32, #tpu.memory_space<vmem>> -> memref<1x8x128xf32, #tpu.memory_space<vmem>>
      %dma_start3A_1074 = tpu.memref_squeeze %dma_start3A_1073 : memref<1x8x128xf32, #tpu.memory_space<vmem>> -> memref<8x128xf32, #tpu.memory_space<vmem>>
      %dma_start3A_1075 = tpu.memref_slice %arg4[%dma_start3A_1070, %select_n3A, %select_n3A_30, %mul3A_62, %mul3A_80] : memref<32x16x2x64x512xf32, #tpu.memory_space<hbm>> -> memref<1x1x1x8x128xf32, #tpu.memory_space<hbm>>
      %dma_start3A_1076 = tpu.memref_squeeze %dma_start3A_1075 : memref<1x1x1x8x128xf32, #tpu.memory_space<hbm>> -> memref<8x128xf32, #tpu.memory_space<hbm>>
      %dma_start3A_1077 = tpu.memref_slice %arg4[%dma_start3A_1070, %select_n3A, %select_n3A_30, %mul3A_62, %mul3A_80] : memref<32x16x2x64x512xf32, #tpu.memory_space<hbm>> -> memref<1x1x1x8x128xf32, #tpu.memory_space<hbm>>
      %dma_start3A_1078 = tpu.memref_squeeze %dma_start3A_1077 : memref<1x1x1x8x128xf32, #tpu.memory_space<hbm>> -> memref<8x128xf32, #tpu.memory_space<hbm>>
      %dma_start3A_1079 = arith.constant 0 : i32
      %dma_start3A_1080 = arith.constant 0 : i32
      %dma_start3A_1081 = tpu.memref_slice %arg6[%dma_start3A_1069, %dma_start3A_1079, %dma_start3A_1080] : memref<32x8x128xf32, #tpu.memory_space<vmem>> -> memref<1x8x128xf32, #tpu.memory_space<vmem>>
      %dma_start3A_1082 = tpu.memref_squeeze %dma_start3A_1081 : memref<1x8x128xf32, #tpu.memory_space<vmem>> -> memref<8x128xf32, #tpu.memory_space<vmem>>
      tpu.enqueue_dma source(%dma_start3A_1082 : memref<8x128xf32, #tpu.memory_space<vmem>>) target(%dma_start3A_1078 : memref<8x128xf32, #tpu.memory_space<hbm>>) target_semaphore(%arg9 : memref<!tpu.dma_semaphore, #tpu.memory_space<semaphore_mem>>)
      %dma_start3A_1083 = arith.constant 7 : i32
      %dma_start3A_1084 = arith.constant 7 : i32
      %dma_start3A_1085 = arith.constant 0 : i32
      %dma_start3A_1086 = arith.constant 0 : i32
      %dma_start3A_1087 = tpu.memref_slice %arg6[%dma_start3A_1083, %dma_start3A_1085, %dma_start3A_1086] : memref<32x8x128xf32, #tpu.memory_space<vmem>> -> memref<1x8x128xf32, #tpu.memory_space<vmem>>
      %dma_start3A_1088 = tpu.memref_squeeze %dma_start3A_1087 : memref<1x8x128xf32, #tpu.memory_space<vmem>> -> memref<8x128xf32, #tpu.memory_space<vmem>>
      %dma_start3A_1089 = tpu.memref_slice %arg4[%dma_start3A_1084, %select_n3A, %select_n3A_30, %mul3A_62, %mul3A_80] : memref<32x16x2x64x512xf32, #tpu.memory_space<hbm>> -> memref<1x1x1x8x128xf32, #tpu.memory_space<hbm>>
      %dma_start3A_1090 = tpu.memref_squeeze %dma_start3A_1089 : memref<1x1x1x8x128xf32, #tpu.memory_space<hbm>> -> memref<8x128xf32, #tpu.memory_space<hbm>>
      %dma_start3A_1091 = tpu.memref_slice %arg4[%dma_start3A_1084, %select_n3A, %select_n3A_30, %mul3A_62, %mul3A_80] : memref<32x16x2x64x512xf32, #tpu.memory_space<hbm>> -> memref<1x1x1x8x128xf32, #tpu.memory_space<hbm>>
      %dma_start3A_1092 = tpu.memref_squeeze %dma_start3A_1091 : memref<1x1x1x8x128xf32, #tpu.memory_space<hbm>> -> memref<8x128xf32, #tpu.memory_space<hbm>>
      %dma_start3A_1093 = arith.constant 0 : i32
      %dma_start3A_1094 = arith.constant 0 : i32
      %dma_start3A_1095 = tpu.memref_slice %arg6[%dma_start3A_1083, %dma_start3A_1093, %dma_start3A_1094] : memref<32x8x128xf32, #tpu.memory_space<vmem>> -> memref<1x8x128xf32, #tpu.memory_space<vmem>>
      %dma_start3A_1096 = tpu.memref_squeeze %dma_start3A_1095 : memref<1x8x128xf32, #tpu.memory_space<vmem>> -> memref<8x128xf32, #tpu.memory_space<vmem>>
      tpu.enqueue_dma source(%dma_start3A_1096 : memref<8x128xf32, #tpu.memory_space<vmem>>) target(%dma_start3A_1092 : memref<8x128xf32, #tpu.memory_space<hbm>>) target_semaphore(%arg9 : memref<!tpu.dma_semaphore, #tpu.memory_space<semaphore_mem>>)
      %dma_start3A_1097 = arith.constant 8 : i32
      %dma_start3A_1098 = arith.constant 8 : i32
      %dma_start3A_1099 = arith.constant 0 : i32
      %dma_start3A_1100 = arith.constant 0 : i32
      %dma_start3A_1101 = tpu.memref_slice %arg6[%dma_start3A_1097, %dma_start3A_1099, %dma_start3A_1100] : memref<32x8x128xf32, #tpu.memory_space<vmem>> -> memref<1x8x128xf32, #tpu.memory_space<vmem>>
      %dma_start3A_1102 = tpu.memref_squeeze %dma_start3A_1101 : memref<1x8x128xf32, #tpu.memory_space<vmem>> -> memref<8x128xf32, #tpu.memory_space<vmem>>
      %dma_start3A_1103 = tpu.memref_slice %arg4[%dma_start3A_1098, %select_n3A, %select_n3A_30, %mul3A_62, %mul3A_80] : memref<32x16x2x64x512xf32, #tpu.memory_space<hbm>> -> memref<1x1x1x8x128xf32, #tpu.memory_space<hbm>>
      %dma_start3A_1104 = tpu.memref_squeeze %dma_start3A_1103 : memref<1x1x1x8x128xf32, #tpu.memory_space<hbm>> -> memref<8x128xf32, #tpu.memory_space<hbm>>
      %dma_start3A_1105 = tpu.memref_slice %arg4[%dma_start3A_1098, %select_n3A, %select_n3A_30, %mul3A_62, %mul3A_80] : memref<32x16x2x64x512xf32, #tpu.memory_space<hbm>> -> memref<1x1x1x8x128xf32, #tpu.memory_space<hbm>>
      %dma_start3A_1106 = tpu.memref_squeeze %dma_start3A_1105 : memref<1x1x1x8x128xf32, #tpu.memory_space<hbm>> -> memref<8x128xf32, #tpu.memory_space<hbm>>
      %dma_start3A_1107 = arith.constant 0 : i32
      %dma_start3A_1108 = arith.constant 0 : i32
      %dma_start3A_1109 = tpu.memref_slice %arg6[%dma_start3A_1097, %dma_start3A_1107, %dma_start3A_1108] : memref<32x8x128xf32, #tpu.memory_space<vmem>> -> memref<1x8x128xf32, #tpu.memory_space<vmem>>
      %dma_start3A_1110 = tpu.memref_squeeze %dma_start3A_1109 : memref<1x8x128xf32, #tpu.memory_space<vmem>> -> memref<8x128xf32, #tpu.memory_space<vmem>>
      tpu.enqueue_dma source(%dma_start3A_1110 : memref<8x128xf32, #tpu.memory_space<vmem>>) target(%dma_start3A_1106 : memref<8x128xf32, #tpu.memory_space<hbm>>) target_semaphore(%arg9 : memref<!tpu.dma_semaphore, #tpu.memory_space<semaphore_mem>>)
      %dma_start3A_1111 = arith.constant 9 : i32
      %dma_start3A_1112 = arith.constant 9 : i32
      %dma_start3A_1113 = arith.constant 0 : i32
      %dma_start3A_1114 = arith.constant 0 : i32
      %dma_start3A_1115 = tpu.memref_slice %arg6[%dma_start3A_1111, %dma_start3A_1113, %dma_start3A_1114] : memref<32x8x128xf32, #tpu.memory_space<vmem>> -> memref<1x8x128xf32, #tpu.memory_space<vmem>>
      %dma_start3A_1116 = tpu.memref_squeeze %dma_start3A_1115 : memref<1x8x128xf32, #tpu.memory_space<vmem>> -> memref<8x128xf32, #tpu.memory_space<vmem>>
      %dma_start3A_1117 = tpu.memref_slice %arg4[%dma_start3A_1112, %select_n3A, %select_n3A_30, %mul3A_62, %mul3A_80] : memref<32x16x2x64x512xf32, #tpu.memory_space<hbm>> -> memref<1x1x1x8x128xf32, #tpu.memory_space<hbm>>
      %dma_start3A_1118 = tpu.memref_squeeze %dma_start3A_1117 : memref<1x1x1x8x128xf32, #tpu.memory_space<hbm>> -> memref<8x128xf32, #tpu.memory_space<hbm>>
      %dma_start3A_1119 = tpu.memref_slice %arg4[%dma_start3A_1112, %select_n3A, %select_n3A_30, %mul3A_62, %mul3A_80] : memref<32x16x2x64x512xf32, #tpu.memory_space<hbm>> -> memref<1x1x1x8x128xf32, #tpu.memory_space<hbm>>
      %dma_start3A_1120 = tpu.memref_squeeze %dma_start3A_1119 : memref<1x1x1x8x128xf32, #tpu.memory_space<hbm>> -> memref<8x128xf32, #tpu.memory_space<hbm>>
      %dma_start3A_1121 = arith.constant 0 : i32
      %dma_start3A_1122 = arith.constant 0 : i32
      %dma_start3A_1123 = tpu.memref_slice %arg6[%dma_start3A_1111, %dma_start3A_1121, %dma_start3A_1122] : memref<32x8x128xf32, #tpu.memory_space<vmem>> -> memref<1x8x128xf32, #tpu.memory_space<vmem>>
      %dma_start3A_1124 = tpu.memref_squeeze %dma_start3A_1123 : memref<1x8x128xf32, #tpu.memory_space<vmem>> -> memref<8x128xf32, #tpu.memory_space<vmem>>
      tpu.enqueue_dma source(%dma_start3A_1124 : memref<8x128xf32, #tpu.memory_space<vmem>>) target(%dma_start3A_1120 : memref<8x128xf32, #tpu.memory_space<hbm>>) target_semaphore(%arg9 : memref<!tpu.dma_semaphore, #tpu.memory_space<semaphore_mem>>)
      %dma_start3A_1125 = arith.constant 10 : i32
      %dma_start3A_1126 = arith.constant 10 : i32
      %dma_start3A_1127 = arith.constant 0 : i32
      %dma_start3A_1128 = arith.constant 0 : i32
      %dma_start3A_1129 = tpu.memref_slice %arg6[%dma_start3A_1125, %dma_start3A_1127, %dma_start3A_1128] : memref<32x8x128xf32, #tpu.memory_space<vmem>> -> memref<1x8x128xf32, #tpu.memory_space<vmem>>
      %dma_start3A_1130 = tpu.memref_squeeze %dma_start3A_1129 : memref<1x8x128xf32, #tpu.memory_space<vmem>> -> memref<8x128xf32, #tpu.memory_space<vmem>>
      %dma_start3A_1131 = tpu.memref_slice %arg4[%dma_start3A_1126, %select_n3A, %select_n3A_30, %mul3A_62, %mul3A_80] : memref<32x16x2x64x512xf32, #tpu.memory_space<hbm>> -> memref<1x1x1x8x128xf32, #tpu.memory_space<hbm>>
      %dma_start3A_1132 = tpu.memref_squeeze %dma_start3A_1131 : memref<1x1x1x8x128xf32, #tpu.memory_space<hbm>> -> memref<8x128xf32, #tpu.memory_space<hbm>>
      %dma_start3A_1133 = tpu.memref_slice %arg4[%dma_start3A_1126, %select_n3A, %select_n3A_30, %mul3A_62, %mul3A_80] : memref<32x16x2x64x512xf32, #tpu.memory_space<hbm>> -> memref<1x1x1x8x128xf32, #tpu.memory_space<hbm>>
      %dma_start3A_1134 = tpu.memref_squeeze %dma_start3A_1133 : memref<1x1x1x8x128xf32, #tpu.memory_space<hbm>> -> memref<8x128xf32, #tpu.memory_space<hbm>>
      %dma_start3A_1135 = arith.constant 0 : i32
      %dma_start3A_1136 = arith.constant 0 : i32
      %dma_start3A_1137 = tpu.memref_slice %arg6[%dma_start3A_1125, %dma_start3A_1135, %dma_start3A_1136] : memref<32x8x128xf32, #tpu.memory_space<vmem>> -> memref<1x8x128xf32, #tpu.memory_space<vmem>>
      %dma_start3A_1138 = tpu.memref_squeeze %dma_start3A_1137 : memref<1x8x128xf32, #tpu.memory_space<vmem>> -> memref<8x128xf32, #tpu.memory_space<vmem>>
      tpu.enqueue_dma source(%dma_start3A_1138 : memref<8x128xf32, #tpu.memory_space<vmem>>) target(%dma_start3A_1134 : memref<8x128xf32, #tpu.memory_space<hbm>>) target_semaphore(%arg9 : memref<!tpu.dma_semaphore, #tpu.memory_space<semaphore_mem>>)
      %dma_start3A_1139 = arith.constant 11 : i32
      %dma_start3A_1140 = arith.constant 11 : i32
      %dma_start3A_1141 = arith.constant 0 : i32
      %dma_start3A_1142 = arith.constant 0 : i32
      %dma_start3A_1143 = tpu.memref_slice %arg6[%dma_start3A_1139, %dma_start3A_1141, %dma_start3A_1142] : memref<32x8x128xf32, #tpu.memory_space<vmem>> -> memref<1x8x128xf32, #tpu.memory_space<vmem>>
      %dma_start3A_1144 = tpu.memref_squeeze %dma_start3A_1143 : memref<1x8x128xf32, #tpu.memory_space<vmem>> -> memref<8x128xf32, #tpu.memory_space<vmem>>
      %dma_start3A_1145 = tpu.memref_slice %arg4[%dma_start3A_1140, %select_n3A, %select_n3A_30, %mul3A_62, %mul3A_80] : memref<32x16x2x64x512xf32, #tpu.memory_space<hbm>> -> memref<1x1x1x8x128xf32, #tpu.memory_space<hbm>>
      %dma_start3A_1146 = tpu.memref_squeeze %dma_start3A_1145 : memref<1x1x1x8x128xf32, #tpu.memory_space<hbm>> -> memref<8x128xf32, #tpu.memory_space<hbm>>
      %dma_start3A_1147 = tpu.memref_slice %arg4[%dma_start3A_1140, %select_n3A, %select_n3A_30, %mul3A_62, %mul3A_80] : memref<32x16x2x64x512xf32, #tpu.memory_space<hbm>> -> memref<1x1x1x8x128xf32, #tpu.memory_space<hbm>>
      %dma_start3A_1148 = tpu.memref_squeeze %dma_start3A_1147 : memref<1x1x1x8x128xf32, #tpu.memory_space<hbm>> -> memref<8x128xf32, #tpu.memory_space<hbm>>
      %dma_start3A_1149 = arith.constant 0 : i32
      %dma_start3A_1150 = arith.constant 0 : i32
      %dma_start3A_1151 = tpu.memref_slice %arg6[%dma_start3A_1139, %dma_start3A_1149, %dma_start3A_1150] : memref<32x8x128xf32, #tpu.memory_space<vmem>> -> memref<1x8x128xf32, #tpu.memory_space<vmem>>
      %dma_start3A_1152 = tpu.memref_squeeze %dma_start3A_1151 : memref<1x8x128xf32, #tpu.memory_space<vmem>> -> memref<8x128xf32, #tpu.memory_space<vmem>>
      tpu.enqueue_dma source(%dma_start3A_1152 : memref<8x128xf32, #tpu.memory_space<vmem>>) target(%dma_start3A_1148 : memref<8x128xf32, #tpu.memory_space<hbm>>) target_semaphore(%arg9 : memref<!tpu.dma_semaphore, #tpu.memory_space<semaphore_mem>>)
      %dma_start3A_1153 = arith.constant 12 : i32
      %dma_start3A_1154 = arith.constant 12 : i32
      %dma_start3A_1155 = arith.constant 0 : i32
      %dma_start3A_1156 = arith.constant 0 : i32
      %dma_start3A_1157 = tpu.memref_slice %arg6[%dma_start3A_1153, %dma_start3A_1155, %dma_start3A_1156] : memref<32x8x128xf32, #tpu.memory_space<vmem>> -> memref<1x8x128xf32, #tpu.memory_space<vmem>>
      %dma_start3A_1158 = tpu.memref_squeeze %dma_start3A_1157 : memref<1x8x128xf32, #tpu.memory_space<vmem>> -> memref<8x128xf32, #tpu.memory_space<vmem>>
      %dma_start3A_1159 = tpu.memref_slice %arg4[%dma_start3A_1154, %select_n3A, %select_n3A_30, %mul3A_62, %mul3A_80] : memref<32x16x2x64x512xf32, #tpu.memory_space<hbm>> -> memref<1x1x1x8x128xf32, #tpu.memory_space<hbm>>
      %dma_start3A_1160 = tpu.memref_squeeze %dma_start3A_1159 : memref<1x1x1x8x128xf32, #tpu.memory_space<hbm>> -> memref<8x128xf32, #tpu.memory_space<hbm>>
      %dma_start3A_1161 = tpu.memref_slice %arg4[%dma_start3A_1154, %select_n3A, %select_n3A_30, %mul3A_62, %mul3A_80] : memref<32x16x2x64x512xf32, #tpu.memory_space<hbm>> -> memref<1x1x1x8x128xf32, #tpu.memory_space<hbm>>
      %dma_start3A_1162 = tpu.memref_squeeze %dma_start3A_1161 : memref<1x1x1x8x128xf32, #tpu.memory_space<hbm>> -> memref<8x128xf32, #tpu.memory_space<hbm>>
      %dma_start3A_1163 = arith.constant 0 : i32
      %dma_start3A_1164 = arith.constant 0 : i32
      %dma_start3A_1165 = tpu.memref_slice %arg6[%dma_start3A_1153, %dma_start3A_1163, %dma_start3A_1164] : memref<32x8x128xf32, #tpu.memory_space<vmem>> -> memref<1x8x128xf32, #tpu.memory_space<vmem>>
      %dma_start3A_1166 = tpu.memref_squeeze %dma_start3A_1165 : memref<1x8x128xf32, #tpu.memory_space<vmem>> -> memref<8x128xf32, #tpu.memory_space<vmem>>
      tpu.enqueue_dma source(%dma_start3A_1166 : memref<8x128xf32, #tpu.memory_space<vmem>>) target(%dma_start3A_1162 : memref<8x128xf32, #tpu.memory_space<hbm>>) target_semaphore(%arg9 : memref<!tpu.dma_semaphore, #tpu.memory_space<semaphore_mem>>)
      %dma_start3A_1167 = arith.constant 13 : i32
      %dma_start3A_1168 = arith.constant 13 : i32
      %dma_start3A_1169 = arith.constant 0 : i32
      %dma_start3A_1170 = arith.constant 0 : i32
      %dma_start3A_1171 = tpu.memref_slice %arg6[%dma_start3A_1167, %dma_start3A_1169, %dma_start3A_1170] : memref<32x8x128xf32, #tpu.memory_space<vmem>> -> memref<1x8x128xf32, #tpu.memory_space<vmem>>
      %dma_start3A_1172 = tpu.memref_squeeze %dma_start3A_1171 : memref<1x8x128xf32, #tpu.memory_space<vmem>> -> memref<8x128xf32, #tpu.memory_space<vmem>>
      %dma_start3A_1173 = tpu.memref_slice %arg4[%dma_start3A_1168, %select_n3A, %select_n3A_30, %mul3A_62, %mul3A_80] : memref<32x16x2x64x512xf32, #tpu.memory_space<hbm>> -> memref<1x1x1x8x128xf32, #tpu.memory_space<hbm>>
      %dma_start3A_1174 = tpu.memref_squeeze %dma_start3A_1173 : memref<1x1x1x8x128xf32, #tpu.memory_space<hbm>> -> memref<8x128xf32, #tpu.memory_space<hbm>>
      %dma_start3A_1175 = tpu.memref_slice %arg4[%dma_start3A_1168, %select_n3A, %select_n3A_30, %mul3A_62, %mul3A_80] : memref<32x16x2x64x512xf32, #tpu.memory_space<hbm>> -> memref<1x1x1x8x128xf32, #tpu.memory_space<hbm>>
      %dma_start3A_1176 = tpu.memref_squeeze %dma_start3A_1175 : memref<1x1x1x8x128xf32, #tpu.memory_space<hbm>> -> memref<8x128xf32, #tpu.memory_space<hbm>>
      %dma_start3A_1177 = arith.constant 0 : i32
      %dma_start3A_1178 = arith.constant 0 : i32
      %dma_start3A_1179 = tpu.memref_slice %arg6[%dma_start3A_1167, %dma_start3A_1177, %dma_start3A_1178] : memref<32x8x128xf32, #tpu.memory_space<vmem>> -> memref<1x8x128xf32, #tpu.memory_space<vmem>>
      %dma_start3A_1180 = tpu.memref_squeeze %dma_start3A_1179 : memref<1x8x128xf32, #tpu.memory_space<vmem>> -> memref<8x128xf32, #tpu.memory_space<vmem>>
      tpu.enqueue_dma source(%dma_start3A_1180 : memref<8x128xf32, #tpu.memory_space<vmem>>) target(%dma_start3A_1176 : memref<8x128xf32, #tpu.memory_space<hbm>>) target_semaphore(%arg9 : memref<!tpu.dma_semaphore, #tpu.memory_space<semaphore_mem>>)
      %dma_start3A_1181 = arith.constant 14 : i32
      %dma_start3A_1182 = arith.constant 14 : i32
      %dma_start3A_1183 = arith.constant 0 : i32
      %dma_start3A_1184 = arith.constant 0 : i32
      %dma_start3A_1185 = tpu.memref_slice %arg6[%dma_start3A_1181, %dma_start3A_1183, %dma_start3A_1184] : memref<32x8x128xf32, #tpu.memory_space<vmem>> -> memref<1x8x128xf32, #tpu.memory_space<vmem>>
      %dma_start3A_1186 = tpu.memref_squeeze %dma_start3A_1185 : memref<1x8x128xf32, #tpu.memory_space<vmem>> -> memref<8x128xf32, #tpu.memory_space<vmem>>
      %dma_start3A_1187 = tpu.memref_slice %arg4[%dma_start3A_1182, %select_n3A, %select_n3A_30, %mul3A_62, %mul3A_80] : memref<32x16x2x64x512xf32, #tpu.memory_space<hbm>> -> memref<1x1x1x8x128xf32, #tpu.memory_space<hbm>>
      %dma_start3A_1188 = tpu.memref_squeeze %dma_start3A_1187 : memref<1x1x1x8x128xf32, #tpu.memory_space<hbm>> -> memref<8x128xf32, #tpu.memory_space<hbm>>
      %dma_start3A_1189 = tpu.memref_slice %arg4[%dma_start3A_1182, %select_n3A, %select_n3A_30, %mul3A_62, %mul3A_80] : memref<32x16x2x64x512xf32, #tpu.memory_space<hbm>> -> memref<1x1x1x8x128xf32, #tpu.memory_space<hbm>>
      %dma_start3A_1190 = tpu.memref_squeeze %dma_start3A_1189 : memref<1x1x1x8x128xf32, #tpu.memory_space<hbm>> -> memref<8x128xf32, #tpu.memory_space<hbm>>
      %dma_start3A_1191 = arith.constant 0 : i32
      %dma_start3A_1192 = arith.constant 0 : i32
      %dma_start3A_1193 = tpu.memref_slice %arg6[%dma_start3A_1181, %dma_start3A_1191, %dma_start3A_1192] : memref<32x8x128xf32, #tpu.memory_space<vmem>> -> memref<1x8x128xf32, #tpu.memory_space<vmem>>
      %dma_start3A_1194 = tpu.memref_squeeze %dma_start3A_1193 : memref<1x8x128xf32, #tpu.memory_space<vmem>> -> memref<8x128xf32, #tpu.memory_space<vmem>>
      tpu.enqueue_dma source(%dma_start3A_1194 : memref<8x128xf32, #tpu.memory_space<vmem>>) target(%dma_start3A_1190 : memref<8x128xf32, #tpu.memory_space<hbm>>) target_semaphore(%arg9 : memref<!tpu.dma_semaphore, #tpu.memory_space<semaphore_mem>>)
      %dma_start3A_1195 = arith.constant 15 : i32
      %dma_start3A_1196 = arith.constant 15 : i32
      %dma_start3A_1197 = arith.constant 0 : i32
      %dma_start3A_1198 = arith.constant 0 : i32
      %dma_start3A_1199 = tpu.memref_slice %arg6[%dma_start3A_1195, %dma_start3A_1197, %dma_start3A_1198] : memref<32x8x128xf32, #tpu.memory_space<vmem>> -> memref<1x8x128xf32, #tpu.memory_space<vmem>>
      %dma_start3A_1200 = tpu.memref_squeeze %dma_start3A_1199 : memref<1x8x128xf32, #tpu.memory_space<vmem>> -> memref<8x128xf32, #tpu.memory_space<vmem>>
      %dma_start3A_1201 = tpu.memref_slice %arg4[%dma_start3A_1196, %select_n3A, %select_n3A_30, %mul3A_62, %mul3A_80] : memref<32x16x2x64x512xf32, #tpu.memory_space<hbm>> -> memref<1x1x1x8x128xf32, #tpu.memory_space<hbm>>
      %dma_start3A_1202 = tpu.memref_squeeze %dma_start3A_1201 : memref<1x1x1x8x128xf32, #tpu.memory_space<hbm>> -> memref<8x128xf32, #tpu.memory_space<hbm>>
      %dma_start3A_1203 = tpu.memref_slice %arg4[%dma_start3A_1196, %select_n3A, %select_n3A_30, %mul3A_62, %mul3A_80] : memref<32x16x2x64x512xf32, #tpu.memory_space<hbm>> -> memref<1x1x1x8x128xf32, #tpu.memory_space<hbm>>
      %dma_start3A_1204 = tpu.memref_squeeze %dma_start3A_1203 : memref<1x1x1x8x128xf32, #tpu.memory_space<hbm>> -> memref<8x128xf32, #tpu.memory_space<hbm>>
      %dma_start3A_1205 = arith.constant 0 : i32
      %dma_start3A_1206 = arith.constant 0 : i32
      %dma_start3A_1207 = tpu.memref_slice %arg6[%dma_start3A_1195, %dma_start3A_1205, %dma_start3A_1206] : memref<32x8x128xf32, #tpu.memory_space<vmem>> -> memref<1x8x128xf32, #tpu.memory_space<vmem>>
      %dma_start3A_1208 = tpu.memref_squeeze %dma_start3A_1207 : memref<1x8x128xf32, #tpu.memory_space<vmem>> -> memref<8x128xf32, #tpu.memory_space<vmem>>
      tpu.enqueue_dma source(%dma_start3A_1208 : memref<8x128xf32, #tpu.memory_space<vmem>>) target(%dma_start3A_1204 : memref<8x128xf32, #tpu.memory_space<hbm>>) target_semaphore(%arg9 : memref<!tpu.dma_semaphore, #tpu.memory_space<semaphore_mem>>)
      %dma_start3A_1209 = arith.constant 16 : i32
      %dma_start3A_1210 = arith.constant 16 : i32
      %dma_start3A_1211 = arith.constant 0 : i32
      %dma_start3A_1212 = arith.constant 0 : i32
      %dma_start3A_1213 = tpu.memref_slice %arg6[%dma_start3A_1209, %dma_start3A_1211, %dma_start3A_1212] : memref<32x8x128xf32, #tpu.memory_space<vmem>> -> memref<1x8x128xf32, #tpu.memory_space<vmem>>
      %dma_start3A_1214 = tpu.memref_squeeze %dma_start3A_1213 : memref<1x8x128xf32, #tpu.memory_space<vmem>> -> memref<8x128xf32, #tpu.memory_space<vmem>>
      %dma_start3A_1215 = tpu.memref_slice %arg4[%dma_start3A_1210, %select_n3A, %select_n3A_30, %mul3A_62, %mul3A_80] : memref<32x16x2x64x512xf32, #tpu.memory_space<hbm>> -> memref<1x1x1x8x128xf32, #tpu.memory_space<hbm>>
      %dma_start3A_1216 = tpu.memref_squeeze %dma_start3A_1215 : memref<1x1x1x8x128xf32, #tpu.memory_space<hbm>> -> memref<8x128xf32, #tpu.memory_space<hbm>>
      %dma_start3A_1217 = tpu.memref_slice %arg4[%dma_start3A_1210, %select_n3A, %select_n3A_30, %mul3A_62, %mul3A_80] : memref<32x16x2x64x512xf32, #tpu.memory_space<hbm>> -> memref<1x1x1x8x128xf32, #tpu.memory_space<hbm>>
      %dma_start3A_1218 = tpu.memref_squeeze %dma_start3A_1217 : memref<1x1x1x8x128xf32, #tpu.memory_space<hbm>> -> memref<8x128xf32, #tpu.memory_space<hbm>>
      %dma_start3A_1219 = arith.constant 0 : i32
      %dma_start3A_1220 = arith.constant 0 : i32
      %dma_start3A_1221 = tpu.memref_slice %arg6[%dma_start3A_1209, %dma_start3A_1219, %dma_start3A_1220] : memref<32x8x128xf32, #tpu.memory_space<vmem>> -> memref<1x8x128xf32, #tpu.memory_space<vmem>>
      %dma_start3A_1222 = tpu.memref_squeeze %dma_start3A_1221 : memref<1x8x128xf32, #tpu.memory_space<vmem>> -> memref<8x128xf32, #tpu.memory_space<vmem>>
      tpu.enqueue_dma source(%dma_start3A_1222 : memref<8x128xf32, #tpu.memory_space<vmem>>) target(%dma_start3A_1218 : memref<8x128xf32, #tpu.memory_space<hbm>>) target_semaphore(%arg9 : memref<!tpu.dma_semaphore, #tpu.memory_space<semaphore_mem>>)
      %dma_start3A_1223 = arith.constant 17 : i32
      %dma_start3A_1224 = arith.constant 17 : i32
      %dma_start3A_1225 = arith.constant 0 : i32
      %dma_start3A_1226 = arith.constant 0 : i32
      %dma_start3A_1227 = tpu.memref_slice %arg6[%dma_start3A_1223, %dma_start3A_1225, %dma_start3A_1226] : memref<32x8x128xf32, #tpu.memory_space<vmem>> -> memref<1x8x128xf32, #tpu.memory_space<vmem>>
      %dma_start3A_1228 = tpu.memref_squeeze %dma_start3A_1227 : memref<1x8x128xf32, #tpu.memory_space<vmem>> -> memref<8x128xf32, #tpu.memory_space<vmem>>
      %dma_start3A_1229 = tpu.memref_slice %arg4[%dma_start3A_1224, %select_n3A, %select_n3A_30, %mul3A_62, %mul3A_80] : memref<32x16x2x64x512xf32, #tpu.memory_space<hbm>> -> memref<1x1x1x8x128xf32, #tpu.memory_space<hbm>>
      %dma_start3A_1230 = tpu.memref_squeeze %dma_start3A_1229 : memref<1x1x1x8x128xf32, #tpu.memory_space<hbm>> -> memref<8x128xf32, #tpu.memory_space<hbm>>
      %dma_start3A_1231 = tpu.memref_slice %arg4[%dma_start3A_1224, %select_n3A, %select_n3A_30, %mul3A_62, %mul3A_80] : memref<32x16x2x64x512xf32, #tpu.memory_space<hbm>> -> memref<1x1x1x8x128xf32, #tpu.memory_space<hbm>>
      %dma_start3A_1232 = tpu.memref_squeeze %dma_start3A_1231 : memref<1x1x1x8x128xf32, #tpu.memory_space<hbm>> -> memref<8x128xf32, #tpu.memory_space<hbm>>
      %dma_start3A_1233 = arith.constant 0 : i32
      %dma_start3A_1234 = arith.constant 0 : i32
      %dma_start3A_1235 = tpu.memref_slice %arg6[%dma_start3A_1223, %dma_start3A_1233, %dma_start3A_1234] : memref<32x8x128xf32, #tpu.memory_space<vmem>> -> memref<1x8x128xf32, #tpu.memory_space<vmem>>
      %dma_start3A_1236 = tpu.memref_squeeze %dma_start3A_1235 : memref<1x8x128xf32, #tpu.memory_space<vmem>> -> memref<8x128xf32, #tpu.memory_space<vmem>>
      tpu.enqueue_dma source(%dma_start3A_1236 : memref<8x128xf32, #tpu.memory_space<vmem>>) target(%dma_start3A_1232 : memref<8x128xf32, #tpu.memory_space<hbm>>) target_semaphore(%arg9 : memref<!tpu.dma_semaphore, #tpu.memory_space<semaphore_mem>>)
      %dma_start3A_1237 = arith.constant 18 : i32
      %dma_start3A_1238 = arith.constant 18 : i32
      %dma_start3A_1239 = arith.constant 0 : i32
      %dma_start3A_1240 = arith.constant 0 : i32
      %dma_start3A_1241 = tpu.memref_slice %arg6[%dma_start3A_1237, %dma_start3A_1239, %dma_start3A_1240] : memref<32x8x128xf32, #tpu.memory_space<vmem>> -> memref<1x8x128xf32, #tpu.memory_space<vmem>>
      %dma_start3A_1242 = tpu.memref_squeeze %dma_start3A_1241 : memref<1x8x128xf32, #tpu.memory_space<vmem>> -> memref<8x128xf32, #tpu.memory_space<vmem>>
      %dma_start3A_1243 = tpu.memref_slice %arg4[%dma_start3A_1238, %select_n3A, %select_n3A_30, %mul3A_62, %mul3A_80] : memref<32x16x2x64x512xf32, #tpu.memory_space<hbm>> -> memref<1x1x1x8x128xf32, #tpu.memory_space<hbm>>
      %dma_start3A_1244 = tpu.memref_squeeze %dma_start3A_1243 : memref<1x1x1x8x128xf32, #tpu.memory_space<hbm>> -> memref<8x128xf32, #tpu.memory_space<hbm>>
      %dma_start3A_1245 = tpu.memref_slice %arg4[%dma_start3A_1238, %select_n3A, %select_n3A_30, %mul3A_62, %mul3A_80] : memref<32x16x2x64x512xf32, #tpu.memory_space<hbm>> -> memref<1x1x1x8x128xf32, #tpu.memory_space<hbm>>
      %dma_start3A_1246 = tpu.memref_squeeze %dma_start3A_1245 : memref<1x1x1x8x128xf32, #tpu.memory_space<hbm>> -> memref<8x128xf32, #tpu.memory_space<hbm>>
      %dma_start3A_1247 = arith.constant 0 : i32
      %dma_start3A_1248 = arith.constant 0 : i32
      %dma_start3A_1249 = tpu.memref_slice %arg6[%dma_start3A_1237, %dma_start3A_1247, %dma_start3A_1248] : memref<32x8x128xf32, #tpu.memory_space<vmem>> -> memref<1x8x128xf32, #tpu.memory_space<vmem>>
      %dma_start3A_1250 = tpu.memref_squeeze %dma_start3A_1249 : memref<1x8x128xf32, #tpu.memory_space<vmem>> -> memref<8x128xf32, #tpu.memory_space<vmem>>
      tpu.enqueue_dma source(%dma_start3A_1250 : memref<8x128xf32, #tpu.memory_space<vmem>>) target(%dma_start3A_1246 : memref<8x128xf32, #tpu.memory_space<hbm>>) target_semaphore(%arg9 : memref<!tpu.dma_semaphore, #tpu.memory_space<semaphore_mem>>)
      %dma_start3A_1251 = arith.constant 19 : i32
      %dma_start3A_1252 = arith.constant 19 : i32
      %dma_start3A_1253 = arith.constant 0 : i32
      %dma_start3A_1254 = arith.constant 0 : i32
      %dma_start3A_1255 = tpu.memref_slice %arg6[%dma_start3A_1251, %dma_start3A_1253, %dma_start3A_1254] : memref<32x8x128xf32, #tpu.memory_space<vmem>> -> memref<1x8x128xf32, #tpu.memory_space<vmem>>
      %dma_start3A_1256 = tpu.memref_squeeze %dma_start3A_1255 : memref<1x8x128xf32, #tpu.memory_space<vmem>> -> memref<8x128xf32, #tpu.memory_space<vmem>>
      %dma_start3A_1257 = tpu.memref_slice %arg4[%dma_start3A_1252, %select_n3A, %select_n3A_30, %mul3A_62, %mul3A_80] : memref<32x16x2x64x512xf32, #tpu.memory_space<hbm>> -> memref<1x1x1x8x128xf32, #tpu.memory_space<hbm>>
      %dma_start3A_1258 = tpu.memref_squeeze %dma_start3A_1257 : memref<1x1x1x8x128xf32, #tpu.memory_space<hbm>> -> memref<8x128xf32, #tpu.memory_space<hbm>>
      %dma_start3A_1259 = tpu.memref_slice %arg4[%dma_start3A_1252, %select_n3A, %select_n3A_30, %mul3A_62, %mul3A_80] : memref<32x16x2x64x512xf32, #tpu.memory_space<hbm>> -> memref<1x1x1x8x128xf32, #tpu.memory_space<hbm>>
      %dma_start3A_1260 = tpu.memref_squeeze %dma_start3A_1259 : memref<1x1x1x8x128xf32, #tpu.memory_space<hbm>> -> memref<8x128xf32, #tpu.memory_space<hbm>>
      %dma_start3A_1261 = arith.constant 0 : i32
      %dma_start3A_1262 = arith.constant 0 : i32
      %dma_start3A_1263 = tpu.memref_slice %arg6[%dma_start3A_1251, %dma_start3A_1261, %dma_start3A_1262] : memref<32x8x128xf32, #tpu.memory_space<vmem>> -> memref<1x8x128xf32, #tpu.memory_space<vmem>>
      %dma_start3A_1264 = tpu.memref_squeeze %dma_start3A_1263 : memref<1x8x128xf32, #tpu.memory_space<vmem>> -> memref<8x128xf32, #tpu.memory_space<vmem>>
      tpu.enqueue_dma source(%dma_start3A_1264 : memref<8x128xf32, #tpu.memory_space<vmem>>) target(%dma_start3A_1260 : memref<8x128xf32, #tpu.memory_space<hbm>>) target_semaphore(%arg9 : memref<!tpu.dma_semaphore, #tpu.memory_space<semaphore_mem>>)
      %dma_start3A_1265 = arith.constant 20 : i32
      %dma_start3A_1266 = arith.constant 20 : i32
      %dma_start3A_1267 = arith.constant 0 : i32
      %dma_start3A_1268 = arith.constant 0 : i32
      %dma_start3A_1269 = tpu.memref_slice %arg6[%dma_start3A_1265, %dma_start3A_1267, %dma_start3A_1268] : memref<32x8x128xf32, #tpu.memory_space<vmem>> -> memref<1x8x128xf32, #tpu.memory_space<vmem>>
      %dma_start3A_1270 = tpu.memref_squeeze %dma_start3A_1269 : memref<1x8x128xf32, #tpu.memory_space<vmem>> -> memref<8x128xf32, #tpu.memory_space<vmem>>
      %dma_start3A_1271 = tpu.memref_slice %arg4[%dma_start3A_1266, %select_n3A, %select_n3A_30, %mul3A_62, %mul3A_80] : memref<32x16x2x64x512xf32, #tpu.memory_space<hbm>> -> memref<1x1x1x8x128xf32, #tpu.memory_space<hbm>>
      %dma_start3A_1272 = tpu.memref_squeeze %dma_start3A_1271 : memref<1x1x1x8x128xf32, #tpu.memory_space<hbm>> -> memref<8x128xf32, #tpu.memory_space<hbm>>
      %dma_start3A_1273 = tpu.memref_slice %arg4[%dma_start3A_1266, %select_n3A, %select_n3A_30, %mul3A_62, %mul3A_80] : memref<32x16x2x64x512xf32, #tpu.memory_space<hbm>> -> memref<1x1x1x8x128xf32, #tpu.memory_space<hbm>>
      %dma_start3A_1274 = tpu.memref_squeeze %dma_start3A_1273 : memref<1x1x1x8x128xf32, #tpu.memory_space<hbm>> -> memref<8x128xf32, #tpu.memory_space<hbm>>
      %dma_start3A_1275 = arith.constant 0 : i32
      %dma_start3A_1276 = arith.constant 0 : i32
      %dma_start3A_1277 = tpu.memref_slice %arg6[%dma_start3A_1265, %dma_start3A_1275, %dma_start3A_1276] : memref<32x8x128xf32, #tpu.memory_space<vmem>> -> memref<1x8x128xf32, #tpu.memory_space<vmem>>
      %dma_start3A_1278 = tpu.memref_squeeze %dma_start3A_1277 : memref<1x8x128xf32, #tpu.memory_space<vmem>> -> memref<8x128xf32, #tpu.memory_space<vmem>>
      tpu.enqueue_dma source(%dma_start3A_1278 : memref<8x128xf32, #tpu.memory_space<vmem>>) target(%dma_start3A_1274 : memref<8x128xf32, #tpu.memory_space<hbm>>) target_semaphore(%arg9 : memref<!tpu.dma_semaphore, #tpu.memory_space<semaphore_mem>>)
      %dma_start3A_1279 = arith.constant 21 : i32
      %dma_start3A_1280 = arith.constant 21 : i32
      %dma_start3A_1281 = arith.constant 0 : i32
      %dma_start3A_1282 = arith.constant 0 : i32
      %dma_start3A_1283 = tpu.memref_slice %arg6[%dma_start3A_1279, %dma_start3A_1281, %dma_start3A_1282] : memref<32x8x128xf32, #tpu.memory_space<vmem>> -> memref<1x8x128xf32, #tpu.memory_space<vmem>>
      %dma_start3A_1284 = tpu.memref_squeeze %dma_start3A_1283 : memref<1x8x128xf32, #tpu.memory_space<vmem>> -> memref<8x128xf32, #tpu.memory_space<vmem>>
      %dma_start3A_1285 = tpu.memref_slice %arg4[%dma_start3A_1280, %select_n3A, %select_n3A_30, %mul3A_62, %mul3A_80] : memref<32x16x2x64x512xf32, #tpu.memory_space<hbm>> -> memref<1x1x1x8x128xf32, #tpu.memory_space<hbm>>
      %dma_start3A_1286 = tpu.memref_squeeze %dma_start3A_1285 : memref<1x1x1x8x128xf32, #tpu.memory_space<hbm>> -> memref<8x128xf32, #tpu.memory_space<hbm>>
      %dma_start3A_1287 = tpu.memref_slice %arg4[%dma_start3A_1280, %select_n3A, %select_n3A_30, %mul3A_62, %mul3A_80] : memref<32x16x2x64x512xf32, #tpu.memory_space<hbm>> -> memref<1x1x1x8x128xf32, #tpu.memory_space<hbm>>
      %dma_start3A_1288 = tpu.memref_squeeze %dma_start3A_1287 : memref<1x1x1x8x128xf32, #tpu.memory_space<hbm>> -> memref<8x128xf32, #tpu.memory_space<hbm>>
      %dma_start3A_1289 = arith.constant 0 : i32
      %dma_start3A_1290 = arith.constant 0 : i32
      %dma_start3A_1291 = tpu.memref_slice %arg6[%dma_start3A_1279, %dma_start3A_1289, %dma_start3A_1290] : memref<32x8x128xf32, #tpu.memory_space<vmem>> -> memref<1x8x128xf32, #tpu.memory_space<vmem>>
      %dma_start3A_1292 = tpu.memref_squeeze %dma_start3A_1291 : memref<1x8x128xf32, #tpu.memory_space<vmem>> -> memref<8x128xf32, #tpu.memory_space<vmem>>
      tpu.enqueue_dma source(%dma_start3A_1292 : memref<8x128xf32, #tpu.memory_space<vmem>>) target(%dma_start3A_1288 : memref<8x128xf32, #tpu.memory_space<hbm>>) target_semaphore(%arg9 : memref<!tpu.dma_semaphore, #tpu.memory_space<semaphore_mem>>)
      %dma_start3A_1293 = arith.constant 22 : i32
      %dma_start3A_1294 = arith.constant 22 : i32
      %dma_start3A_1295 = arith.constant 0 : i32
      %dma_start3A_1296 = arith.constant 0 : i32
      %dma_start3A_1297 = tpu.memref_slice %arg6[%dma_start3A_1293, %dma_start3A_1295, %dma_start3A_1296] : memref<32x8x128xf32, #tpu.memory_space<vmem>> -> memref<1x8x128xf32, #tpu.memory_space<vmem>>
      %dma_start3A_1298 = tpu.memref_squeeze %dma_start3A_1297 : memref<1x8x128xf32, #tpu.memory_space<vmem>> -> memref<8x128xf32, #tpu.memory_space<vmem>>
      %dma_start3A_1299 = tpu.memref_slice %arg4[%dma_start3A_1294, %select_n3A, %select_n3A_30, %mul3A_62, %mul3A_80] : memref<32x16x2x64x512xf32, #tpu.memory_space<hbm>> -> memref<1x1x1x8x128xf32, #tpu.memory_space<hbm>>
      %dma_start3A_1300 = tpu.memref_squeeze %dma_start3A_1299 : memref<1x1x1x8x128xf32, #tpu.memory_space<hbm>> -> memref<8x128xf32, #tpu.memory_space<hbm>>
      %dma_start3A_1301 = tpu.memref_slice %arg4[%dma_start3A_1294, %select_n3A, %select_n3A_30, %mul3A_62, %mul3A_80] : memref<32x16x2x64x512xf32, #tpu.memory_space<hbm>> -> memref<1x1x1x8x128xf32, #tpu.memory_space<hbm>>
      %dma_start3A_1302 = tpu.memref_squeeze %dma_start3A_1301 : memref<1x1x1x8x128xf32, #tpu.memory_space<hbm>> -> memref<8x128xf32, #tpu.memory_space<hbm>>
      %dma_start3A_1303 = arith.constant 0 : i32
      %dma_start3A_1304 = arith.constant 0 : i32
      %dma_start3A_1305 = tpu.memref_slice %arg6[%dma_start3A_1293, %dma_start3A_1303, %dma_start3A_1304] : memref<32x8x128xf32, #tpu.memory_space<vmem>> -> memref<1x8x128xf32, #tpu.memory_space<vmem>>
      %dma_start3A_1306 = tpu.memref_squeeze %dma_start3A_1305 : memref<1x8x128xf32, #tpu.memory_space<vmem>> -> memref<8x128xf32, #tpu.memory_space<vmem>>
      tpu.enqueue_dma source(%dma_start3A_1306 : memref<8x128xf32, #tpu.memory_space<vmem>>) target(%dma_start3A_1302 : memref<8x128xf32, #tpu.memory_space<hbm>>) target_semaphore(%arg9 : memref<!tpu.dma_semaphore, #tpu.memory_space<semaphore_mem>>)
      %dma_start3A_1307 = arith.constant 23 : i32
      %dma_start3A_1308 = arith.constant 23 : i32
      %dma_start3A_1309 = arith.constant 0 : i32
      %dma_start3A_1310 = arith.constant 0 : i32
      %dma_start3A_1311 = tpu.memref_slice %arg6[%dma_start3A_1307, %dma_start3A_1309, %dma_start3A_1310] : memref<32x8x128xf32, #tpu.memory_space<vmem>> -> memref<1x8x128xf32, #tpu.memory_space<vmem>>
      %dma_start3A_1312 = tpu.memref_squeeze %dma_start3A_1311 : memref<1x8x128xf32, #tpu.memory_space<vmem>> -> memref<8x128xf32, #tpu.memory_space<vmem>>
      %dma_start3A_1313 = tpu.memref_slice %arg4[%dma_start3A_1308, %select_n3A, %select_n3A_30, %mul3A_62, %mul3A_80] : memref<32x16x2x64x512xf32, #tpu.memory_space<hbm>> -> memref<1x1x1x8x128xf32, #tpu.memory_space<hbm>>
      %dma_start3A_1314 = tpu.memref_squeeze %dma_start3A_1313 : memref<1x1x1x8x128xf32, #tpu.memory_space<hbm>> -> memref<8x128xf32, #tpu.memory_space<hbm>>
      %dma_start3A_1315 = tpu.memref_slice %arg4[%dma_start3A_1308, %select_n3A, %select_n3A_30, %mul3A_62, %mul3A_80] : memref<32x16x2x64x512xf32, #tpu.memory_space<hbm>> -> memref<1x1x1x8x128xf32, #tpu.memory_space<hbm>>
      %dma_start3A_1316 = tpu.memref_squeeze %dma_start3A_1315 : memref<1x1x1x8x128xf32, #tpu.memory_space<hbm>> -> memref<8x128xf32, #tpu.memory_space<hbm>>
      %dma_start3A_1317 = arith.constant 0 : i32
      %dma_start3A_1318 = arith.constant 0 : i32
      %dma_start3A_1319 = tpu.memref_slice %arg6[%dma_start3A_1307, %dma_start3A_1317, %dma_start3A_1318] : memref<32x8x128xf32, #tpu.memory_space<vmem>> -> memref<1x8x128xf32, #tpu.memory_space<vmem>>
      %dma_start3A_1320 = tpu.memref_squeeze %dma_start3A_1319 : memref<1x8x128xf32, #tpu.memory_space<vmem>> -> memref<8x128xf32, #tpu.memory_space<vmem>>
      tpu.enqueue_dma source(%dma_start3A_1320 : memref<8x128xf32, #tpu.memory_space<vmem>>) target(%dma_start3A_1316 : memref<8x128xf32, #tpu.memory_space<hbm>>) target_semaphore(%arg9 : memref<!tpu.dma_semaphore, #tpu.memory_space<semaphore_mem>>)
      %dma_start3A_1321 = arith.constant 24 : i32
      %dma_start3A_1322 = arith.constant 24 : i32
      %dma_start3A_1323 = arith.constant 0 : i32
      %dma_start3A_1324 = arith.constant 0 : i32
      %dma_start3A_1325 = tpu.memref_slice %arg6[%dma_start3A_1321, %dma_start3A_1323, %dma_start3A_1324] : memref<32x8x128xf32, #tpu.memory_space<vmem>> -> memref<1x8x128xf32, #tpu.memory_space<vmem>>
      %dma_start3A_1326 = tpu.memref_squeeze %dma_start3A_1325 : memref<1x8x128xf32, #tpu.memory_space<vmem>> -> memref<8x128xf32, #tpu.memory_space<vmem>>
      %dma_start3A_1327 = tpu.memref_slice %arg4[%dma_start3A_1322, %select_n3A, %select_n3A_30, %mul3A_62, %mul3A_80] : memref<32x16x2x64x512xf32, #tpu.memory_space<hbm>> -> memref<1x1x1x8x128xf32, #tpu.memory_space<hbm>>
      %dma_start3A_1328 = tpu.memref_squeeze %dma_start3A_1327 : memref<1x1x1x8x128xf32, #tpu.memory_space<hbm>> -> memref<8x128xf32, #tpu.memory_space<hbm>>
      %dma_start3A_1329 = tpu.memref_slice %arg4[%dma_start3A_1322, %select_n3A, %select_n3A_30, %mul3A_62, %mul3A_80] : memref<32x16x2x64x512xf32, #tpu.memory_space<hbm>> -> memref<1x1x1x8x128xf32, #tpu.memory_space<hbm>>
      %dma_start3A_1330 = tpu.memref_squeeze %dma_start3A_1329 : memref<1x1x1x8x128xf32, #tpu.memory_space<hbm>> -> memref<8x128xf32, #tpu.memory_space<hbm>>
      %dma_start3A_1331 = arith.constant 0 : i32
      %dma_start3A_1332 = arith.constant 0 : i32
      %dma_start3A_1333 = tpu.memref_slice %arg6[%dma_start3A_1321, %dma_start3A_1331, %dma_start3A_1332] : memref<32x8x128xf32, #tpu.memory_space<vmem>> -> memref<1x8x128xf32, #tpu.memory_space<vmem>>
      %dma_start3A_1334 = tpu.memref_squeeze %dma_start3A_1333 : memref<1x8x128xf32, #tpu.memory_space<vmem>> -> memref<8x128xf32, #tpu.memory_space<vmem>>
      tpu.enqueue_dma source(%dma_start3A_1334 : memref<8x128xf32, #tpu.memory_space<vmem>>) target(%dma_start3A_1330 : memref<8x128xf32, #tpu.memory_space<hbm>>) target_semaphore(%arg9 : memref<!tpu.dma_semaphore, #tpu.memory_space<semaphore_mem>>)
      %dma_start3A_1335 = arith.constant 25 : i32
      %dma_start3A_1336 = arith.constant 25 : i32
      %dma_start3A_1337 = arith.constant 0 : i32
      %dma_start3A_1338 = arith.constant 0 : i32
      %dma_start3A_1339 = tpu.memref_slice %arg6[%dma_start3A_1335, %dma_start3A_1337, %dma_start3A_1338] : memref<32x8x128xf32, #tpu.memory_space<vmem>> -> memref<1x8x128xf32, #tpu.memory_space<vmem>>
      %dma_start3A_1340 = tpu.memref_squeeze %dma_start3A_1339 : memref<1x8x128xf32, #tpu.memory_space<vmem>> -> memref<8x128xf32, #tpu.memory_space<vmem>>
      %dma_start3A_1341 = tpu.memref_slice %arg4[%dma_start3A_1336, %select_n3A, %select_n3A_30, %mul3A_62, %mul3A_80] : memref<32x16x2x64x512xf32, #tpu.memory_space<hbm>> -> memref<1x1x1x8x128xf32, #tpu.memory_space<hbm>>
      %dma_start3A_1342 = tpu.memref_squeeze %dma_start3A_1341 : memref<1x1x1x8x128xf32, #tpu.memory_space<hbm>> -> memref<8x128xf32, #tpu.memory_space<hbm>>
      %dma_start3A_1343 = tpu.memref_slice %arg4[%dma_start3A_1336, %select_n3A, %select_n3A_30, %mul3A_62, %mul3A_80] : memref<32x16x2x64x512xf32, #tpu.memory_space<hbm>> -> memref<1x1x1x8x128xf32, #tpu.memory_space<hbm>>
      %dma_start3A_1344 = tpu.memref_squeeze %dma_start3A_1343 : memref<1x1x1x8x128xf32, #tpu.memory_space<hbm>> -> memref<8x128xf32, #tpu.memory_space<hbm>>
      %dma_start3A_1345 = arith.constant 0 : i32
      %dma_start3A_1346 = arith.constant 0 : i32
      %dma_start3A_1347 = tpu.memref_slice %arg6[%dma_start3A_1335, %dma_start3A_1345, %dma_start3A_1346] : memref<32x8x128xf32, #tpu.memory_space<vmem>> -> memref<1x8x128xf32, #tpu.memory_space<vmem>>
      %dma_start3A_1348 = tpu.memref_squeeze %dma_start3A_1347 : memref<1x8x128xf32, #tpu.memory_space<vmem>> -> memref<8x128xf32, #tpu.memory_space<vmem>>
      tpu.enqueue_dma source(%dma_start3A_1348 : memref<8x128xf32, #tpu.memory_space<vmem>>) target(%dma_start3A_1344 : memref<8x128xf32, #tpu.memory_space<hbm>>) target_semaphore(%arg9 : memref<!tpu.dma_semaphore, #tpu.memory_space<semaphore_mem>>)
      %dma_start3A_1349 = arith.constant 26 : i32
      %dma_start3A_1350 = arith.constant 26 : i32
      %dma_start3A_1351 = arith.constant 0 : i32
      %dma_start3A_1352 = arith.constant 0 : i32
      %dma_start3A_1353 = tpu.memref_slice %arg6[%dma_start3A_1349, %dma_start3A_1351, %dma_start3A_1352] : memref<32x8x128xf32, #tpu.memory_space<vmem>> -> memref<1x8x128xf32, #tpu.memory_space<vmem>>
      %dma_start3A_1354 = tpu.memref_squeeze %dma_start3A_1353 : memref<1x8x128xf32, #tpu.memory_space<vmem>> -> memref<8x128xf32, #tpu.memory_space<vmem>>
      %dma_start3A_1355 = tpu.memref_slice %arg4[%dma_start3A_1350, %select_n3A, %select_n3A_30, %mul3A_62, %mul3A_80] : memref<32x16x2x64x512xf32, #tpu.memory_space<hbm>> -> memref<1x1x1x8x128xf32, #tpu.memory_space<hbm>>
      %dma_start3A_1356 = tpu.memref_squeeze %dma_start3A_1355 : memref<1x1x1x8x128xf32, #tpu.memory_space<hbm>> -> memref<8x128xf32, #tpu.memory_space<hbm>>
      %dma_start3A_1357 = tpu.memref_slice %arg4[%dma_start3A_1350, %select_n3A, %select_n3A_30, %mul3A_62, %mul3A_80] : memref<32x16x2x64x512xf32, #tpu.memory_space<hbm>> -> memref<1x1x1x8x128xf32, #tpu.memory_space<hbm>>
      %dma_start3A_1358 = tpu.memref_squeeze %dma_start3A_1357 : memref<1x1x1x8x128xf32, #tpu.memory_space<hbm>> -> memref<8x128xf32, #tpu.memory_space<hbm>>
      %dma_start3A_1359 = arith.constant 0 : i32
      %dma_start3A_1360 = arith.constant 0 : i32
      %dma_start3A_1361 = tpu.memref_slice %arg6[%dma_start3A_1349, %dma_start3A_1359, %dma_start3A_1360] : memref<32x8x128xf32, #tpu.memory_space<vmem>> -> memref<1x8x128xf32, #tpu.memory_space<vmem>>
      %dma_start3A_1362 = tpu.memref_squeeze %dma_start3A_1361 : memref<1x8x128xf32, #tpu.memory_space<vmem>> -> memref<8x128xf32, #tpu.memory_space<vmem>>
      tpu.enqueue_dma source(%dma_start3A_1362 : memref<8x128xf32, #tpu.memory_space<vmem>>) target(%dma_start3A_1358 : memref<8x128xf32, #tpu.memory_space<hbm>>) target_semaphore(%arg9 : memref<!tpu.dma_semaphore, #tpu.memory_space<semaphore_mem>>)
      %dma_start3A_1363 = arith.constant 27 : i32
      %dma_start3A_1364 = arith.constant 27 : i32
      %dma_start3A_1365 = arith.constant 0 : i32
      %dma_start3A_1366 = arith.constant 0 : i32
      %dma_start3A_1367 = tpu.memref_slice %arg6[%dma_start3A_1363, %dma_start3A_1365, %dma_start3A_1366] : memref<32x8x128xf32, #tpu.memory_space<vmem>> -> memref<1x8x128xf32, #tpu.memory_space<vmem>>
      %dma_start3A_1368 = tpu.memref_squeeze %dma_start3A_1367 : memref<1x8x128xf32, #tpu.memory_space<vmem>> -> memref<8x128xf32, #tpu.memory_space<vmem>>
      %dma_start3A_1369 = tpu.memref_slice %arg4[%dma_start3A_1364, %select_n3A, %select_n3A_30, %mul3A_62, %mul3A_80] : memref<32x16x2x64x512xf32, #tpu.memory_space<hbm>> -> memref<1x1x1x8x128xf32, #tpu.memory_space<hbm>>
      %dma_start3A_1370 = tpu.memref_squeeze %dma_start3A_1369 : memref<1x1x1x8x128xf32, #tpu.memory_space<hbm>> -> memref<8x128xf32, #tpu.memory_space<hbm>>
      %dma_start3A_1371 = tpu.memref_slice %arg4[%dma_start3A_1364, %select_n3A, %select_n3A_30, %mul3A_62, %mul3A_80] : memref<32x16x2x64x512xf32, #tpu.memory_space<hbm>> -> memref<1x1x1x8x128xf32, #tpu.memory_space<hbm>>
      %dma_start3A_1372 = tpu.memref_squeeze %dma_start3A_1371 : memref<1x1x1x8x128xf32, #tpu.memory_space<hbm>> -> memref<8x128xf32, #tpu.memory_space<hbm>>
      %dma_start3A_1373 = arith.constant 0 : i32
      %dma_start3A_1374 = arith.constant 0 : i32
      %dma_start3A_1375 = tpu.memref_slice %arg6[%dma_start3A_1363, %dma_start3A_1373, %dma_start3A_1374] : memref<32x8x128xf32, #tpu.memory_space<vmem>> -> memref<1x8x128xf32, #tpu.memory_space<vmem>>
      %dma_start3A_1376 = tpu.memref_squeeze %dma_start3A_1375 : memref<1x8x128xf32, #tpu.memory_space<vmem>> -> memref<8x128xf32, #tpu.memory_space<vmem>>
      tpu.enqueue_dma source(%dma_start3A_1376 : memref<8x128xf32, #tpu.memory_space<vmem>>) target(%dma_start3A_1372 : memref<8x128xf32, #tpu.memory_space<hbm>>) target_semaphore(%arg9 : memref<!tpu.dma_semaphore, #tpu.memory_space<semaphore_mem>>)
      %dma_start3A_1377 = arith.constant 28 : i32
      %dma_start3A_1378 = arith.constant 28 : i32
      %dma_start3A_1379 = arith.constant 0 : i32
      %dma_start3A_1380 = arith.constant 0 : i32
      %dma_start3A_1381 = tpu.memref_slice %arg6[%dma_start3A_1377, %dma_start3A_1379, %dma_start3A_1380] : memref<32x8x128xf32, #tpu.memory_space<vmem>> -> memref<1x8x128xf32, #tpu.memory_space<vmem>>
      %dma_start3A_1382 = tpu.memref_squeeze %dma_start3A_1381 : memref<1x8x128xf32, #tpu.memory_space<vmem>> -> memref<8x128xf32, #tpu.memory_space<vmem>>
      %dma_start3A_1383 = tpu.memref_slice %arg4[%dma_start3A_1378, %select_n3A, %select_n3A_30, %mul3A_62, %mul3A_80] : memref<32x16x2x64x512xf32, #tpu.memory_space<hbm>> -> memref<1x1x1x8x128xf32, #tpu.memory_space<hbm>>
      %dma_start3A_1384 = tpu.memref_squeeze %dma_start3A_1383 : memref<1x1x1x8x128xf32, #tpu.memory_space<hbm>> -> memref<8x128xf32, #tpu.memory_space<hbm>>
      %dma_start3A_1385 = tpu.memref_slice %arg4[%dma_start3A_1378, %select_n3A, %select_n3A_30, %mul3A_62, %mul3A_80] : memref<32x16x2x64x512xf32, #tpu.memory_space<hbm>> -> memref<1x1x1x8x128xf32, #tpu.memory_space<hbm>>
      %dma_start3A_1386 = tpu.memref_squeeze %dma_start3A_1385 : memref<1x1x1x8x128xf32, #tpu.memory_space<hbm>> -> memref<8x128xf32, #tpu.memory_space<hbm>>
      %dma_start3A_1387 = arith.constant 0 : i32
      %dma_start3A_1388 = arith.constant 0 : i32
      %dma_start3A_1389 = tpu.memref_slice %arg6[%dma_start3A_1377, %dma_start3A_1387, %dma_start3A_1388] : memref<32x8x128xf32, #tpu.memory_space<vmem>> -> memref<1x8x128xf32, #tpu.memory_space<vmem>>
      %dma_start3A_1390 = tpu.memref_squeeze %dma_start3A_1389 : memref<1x8x128xf32, #tpu.memory_space<vmem>> -> memref<8x128xf32, #tpu.memory_space<vmem>>
      tpu.enqueue_dma source(%dma_start3A_1390 : memref<8x128xf32, #tpu.memory_space<vmem>>) target(%dma_start3A_1386 : memref<8x128xf32, #tpu.memory_space<hbm>>) target_semaphore(%arg9 : memref<!tpu.dma_semaphore, #tpu.memory_space<semaphore_mem>>)
      %dma_start3A_1391 = arith.constant 29 : i32
      %dma_start3A_1392 = arith.constant 29 : i32
      %dma_start3A_1393 = arith.constant 0 : i32
      %dma_start3A_1394 = arith.constant 0 : i32
      %dma_start3A_1395 = tpu.memref_slice %arg6[%dma_start3A_1391, %dma_start3A_1393, %dma_start3A_1394] : memref<32x8x128xf32, #tpu.memory_space<vmem>> -> memref<1x8x128xf32, #tpu.memory_space<vmem>>
      %dma_start3A_1396 = tpu.memref_squeeze %dma_start3A_1395 : memref<1x8x128xf32, #tpu.memory_space<vmem>> -> memref<8x128xf32, #tpu.memory_space<vmem>>
      %dma_start3A_1397 = tpu.memref_slice %arg4[%dma_start3A_1392, %select_n3A, %select_n3A_30, %mul3A_62, %mul3A_80] : memref<32x16x2x64x512xf32, #tpu.memory_space<hbm>> -> memref<1x1x1x8x128xf32, #tpu.memory_space<hbm>>
      %dma_start3A_1398 = tpu.memref_squeeze %dma_start3A_1397 : memref<1x1x1x8x128xf32, #tpu.memory_space<hbm>> -> memref<8x128xf32, #tpu.memory_space<hbm>>
      %dma_start3A_1399 = tpu.memref_slice %arg4[%dma_start3A_1392, %select_n3A, %select_n3A_30, %mul3A_62, %mul3A_80] : memref<32x16x2x64x512xf32, #tpu.memory_space<hbm>> -> memref<1x1x1x8x128xf32, #tpu.memory_space<hbm>>
      %dma_start3A_1400 = tpu.memref_squeeze %dma_start3A_1399 : memref<1x1x1x8x128xf32, #tpu.memory_space<hbm>> -> memref<8x128xf32, #tpu.memory_space<hbm>>
      %dma_start3A_1401 = arith.constant 0 : i32
      %dma_start3A_1402 = arith.constant 0 : i32
      %dma_start3A_1403 = tpu.memref_slice %arg6[%dma_start3A_1391, %dma_start3A_1401, %dma_start3A_1402] : memref<32x8x128xf32, #tpu.memory_space<vmem>> -> memref<1x8x128xf32, #tpu.memory_space<vmem>>
      %dma_start3A_1404 = tpu.memref_squeeze %dma_start3A_1403 : memref<1x8x128xf32, #tpu.memory_space<vmem>> -> memref<8x128xf32, #tpu.memory_space<vmem>>
      tpu.enqueue_dma source(%dma_start3A_1404 : memref<8x128xf32, #tpu.memory_space<vmem>>) target(%dma_start3A_1400 : memref<8x128xf32, #tpu.memory_space<hbm>>) target_semaphore(%arg9 : memref<!tpu.dma_semaphore, #tpu.memory_space<semaphore_mem>>)
      %dma_start3A_1405 = arith.constant 30 : i32
      %dma_start3A_1406 = arith.constant 30 : i32
      %dma_start3A_1407 = arith.constant 0 : i32
      %dma_start3A_1408 = arith.constant 0 : i32
      %dma_start3A_1409 = tpu.memref_slice %arg6[%dma_start3A_1405, %dma_start3A_1407, %dma_start3A_1408] : memref<32x8x128xf32, #tpu.memory_space<vmem>> -> memref<1x8x128xf32, #tpu.memory_space<vmem>>
      %dma_start3A_1410 = tpu.memref_squeeze %dma_start3A_1409 : memref<1x8x128xf32, #tpu.memory_space<vmem>> -> memref<8x128xf32, #tpu.memory_space<vmem>>
      %dma_start3A_1411 = tpu.memref_slice %arg4[%dma_start3A_1406, %select_n3A, %select_n3A_30, %mul3A_62, %mul3A_80] : memref<32x16x2x64x512xf32, #tpu.memory_space<hbm>> -> memref<1x1x1x8x128xf32, #tpu.memory_space<hbm>>
      %dma_start3A_1412 = tpu.memref_squeeze %dma_start3A_1411 : memref<1x1x1x8x128xf32, #tpu.memory_space<hbm>> -> memref<8x128xf32, #tpu.memory_space<hbm>>
      %dma_start3A_1413 = tpu.memref_slice %arg4[%dma_start3A_1406, %select_n3A, %select_n3A_30, %mul3A_62, %mul3A_80] : memref<32x16x2x64x512xf32, #tpu.memory_space<hbm>> -> memref<1x1x1x8x128xf32, #tpu.memory_space<hbm>>
      %dma_start3A_1414 = tpu.memref_squeeze %dma_start3A_1413 : memref<1x1x1x8x128xf32, #tpu.memory_space<hbm>> -> memref<8x128xf32, #tpu.memory_space<hbm>>
      %dma_start3A_1415 = arith.constant 0 : i32
      %dma_start3A_1416 = arith.constant 0 : i32
      %dma_start3A_1417 = tpu.memref_slice %arg6[%dma_start3A_1405, %dma_start3A_1415, %dma_start3A_1416] : memref<32x8x128xf32, #tpu.memory_space<vmem>> -> memref<1x8x128xf32, #tpu.memory_space<vmem>>
      %dma_start3A_1418 = tpu.memref_squeeze %dma_start3A_1417 : memref<1x8x128xf32, #tpu.memory_space<vmem>> -> memref<8x128xf32, #tpu.memory_space<vmem>>
      tpu.enqueue_dma source(%dma_start3A_1418 : memref<8x128xf32, #tpu.memory_space<vmem>>) target(%dma_start3A_1414 : memref<8x128xf32, #tpu.memory_space<hbm>>) target_semaphore(%arg9 : memref<!tpu.dma_semaphore, #tpu.memory_space<semaphore_mem>>)
      %dma_start3A_1419 = arith.constant 31 : i32
      %dma_start3A_1420 = arith.constant 31 : i32
      %dma_start3A_1421 = arith.constant 0 : i32
      %dma_start3A_1422 = arith.constant 0 : i32
      %dma_start3A_1423 = tpu.memref_slice %arg6[%dma_start3A_1419, %dma_start3A_1421, %dma_start3A_1422] : memref<32x8x128xf32, #tpu.memory_space<vmem>> -> memref<1x8x128xf32, #tpu.memory_space<vmem>>
      %dma_start3A_1424 = tpu.memref_squeeze %dma_start3A_1423 : memref<1x8x128xf32, #tpu.memory_space<vmem>> -> memref<8x128xf32, #tpu.memory_space<vmem>>
      %dma_start3A_1425 = tpu.memref_slice %arg4[%dma_start3A_1420, %select_n3A, %select_n3A_30, %mul3A_62, %mul3A_80] : memref<32x16x2x64x512xf32, #tpu.memory_space<hbm>> -> memref<1x1x1x8x128xf32, #tpu.memory_space<hbm>>
      %dma_start3A_1426 = tpu.memref_squeeze %dma_start3A_1425 : memref<1x1x1x8x128xf32, #tpu.memory_space<hbm>> -> memref<8x128xf32, #tpu.memory_space<hbm>>
      %dma_start3A_1427 = tpu.memref_slice %arg4[%dma_start3A_1420, %select_n3A, %select_n3A_30, %mul3A_62, %mul3A_80] : memref<32x16x2x64x512xf32, #tpu.memory_space<hbm>> -> memref<1x1x1x8x128xf32, #tpu.memory_space<hbm>>
      %dma_start3A_1428 = tpu.memref_squeeze %dma_start3A_1427 : memref<1x1x1x8x128xf32, #tpu.memory_space<hbm>> -> memref<8x128xf32, #tpu.memory_space<hbm>>
      %dma_start3A_1429 = arith.constant 0 : i32
      %dma_start3A_1430 = arith.constant 0 : i32
      %dma_start3A_1431 = tpu.memref_slice %arg6[%dma_start3A_1419, %dma_start3A_1429, %dma_start3A_1430] : memref<32x8x128xf32, #tpu.memory_space<vmem>> -> memref<1x8x128xf32, #tpu.memory_space<vmem>>
      %dma_start3A_1432 = tpu.memref_squeeze %dma_start3A_1431 : memref<1x8x128xf32, #tpu.memory_space<vmem>> -> memref<8x128xf32, #tpu.memory_space<vmem>>
      tpu.enqueue_dma source(%dma_start3A_1432 : memref<8x128xf32, #tpu.memory_space<vmem>>) target(%dma_start3A_1428 : memref<8x128xf32, #tpu.memory_space<hbm>>) target_semaphore(%arg9 : memref<!tpu.dma_semaphore, #tpu.memory_space<semaphore_mem>>)
      %dma_wait3A_1433 = arith.constant 0 : i32
      %dma_wait3A_1434 = arith.constant 0 : i32
      %dma_wait3A_1435 = arith.constant 0 : i32
      %dma_wait3A_1436 = arith.constant 0 : i32
      %dma_wait3A_1437 = tpu.memref_slice %arg6[%dma_wait3A_1433, %dma_wait3A_1435, %dma_wait3A_1436] : memref<32x8x128xf32, #tpu.memory_space<vmem>> -> memref<1x8x128xf32, #tpu.memory_space<vmem>>
      %dma_wait3A_1438 = tpu.memref_squeeze %dma_wait3A_1437 : memref<1x8x128xf32, #tpu.memory_space<vmem>> -> memref<8x128xf32, #tpu.memory_space<vmem>>
      %dma_wait3A_1439 = tpu.memref_slice %arg4[%dma_wait3A_1434, %select_n3A, %select_n3A_30, %mul3A_62, %mul3A_80] : memref<32x16x2x64x512xf32, #tpu.memory_space<hbm>> -> memref<1x1x1x8x128xf32, #tpu.memory_space<hbm>>
      %dma_wait3A_1440 = tpu.memref_squeeze %dma_wait3A_1439 : memref<1x1x1x8x128xf32, #tpu.memory_space<hbm>> -> memref<8x128xf32, #tpu.memory_space<hbm>>
      %dma_wait3A_1441 = tpu.memref_slice %arg4[%dma_wait3A_1434, %select_n3A, %select_n3A_30, %mul3A_62, %mul3A_80] : memref<32x16x2x64x512xf32, #tpu.memory_space<hbm>> -> memref<1x1x1x8x128xf32, #tpu.memory_space<hbm>>
      %dma_wait3A_1442 = tpu.memref_squeeze %dma_wait3A_1441 : memref<1x1x1x8x128xf32, #tpu.memory_space<hbm>> -> memref<8x128xf32, #tpu.memory_space<hbm>>
      %dma_wait3A_1443 = arith.constant 0 : i32
      %dma_wait3A_1444 = arith.constant 0 : i32
      %dma_wait3A_1445 = tpu.memref_slice %arg6[%dma_wait3A_1433, %dma_wait3A_1443, %dma_wait3A_1444] : memref<32x8x128xf32, #tpu.memory_space<vmem>> -> memref<1x8x128xf32, #tpu.memory_space<vmem>>
      %dma_wait3A_1446 = tpu.memref_squeeze %dma_wait3A_1445 : memref<1x8x128xf32, #tpu.memory_space<vmem>> -> memref<8x128xf32, #tpu.memory_space<vmem>>
      tpu.wait_dma2 semaphore(%arg9 : memref<!tpu.dma_semaphore, #tpu.memory_space<semaphore_mem>>) src(%dma_wait3A_1446 : memref<8x128xf32, #tpu.memory_space<vmem>>) dst(%dma_wait3A_1442 : memref<8x128xf32, #tpu.memory_space<hbm>>)
      %dma_wait3A_1447 = arith.constant 1 : i32
      %dma_wait3A_1448 = arith.constant 1 : i32
      %dma_wait3A_1449 = arith.constant 0 : i32
      %dma_wait3A_1450 = arith.constant 0 : i32
      %dma_wait3A_1451 = tpu.memref_slice %arg6[%dma_wait3A_1447, %dma_wait3A_1449, %dma_wait3A_1450] : memref<32x8x128xf32, #tpu.memory_space<vmem>> -> memref<1x8x128xf32, #tpu.memory_space<vmem>>
      %dma_wait3A_1452 = tpu.memref_squeeze %dma_wait3A_1451 : memref<1x8x128xf32, #tpu.memory_space<vmem>> -> memref<8x128xf32, #tpu.memory_space<vmem>>
      %dma_wait3A_1453 = tpu.memref_slice %arg4[%dma_wait3A_1448, %select_n3A, %select_n3A_30, %mul3A_62, %mul3A_80] : memref<32x16x2x64x512xf32, #tpu.memory_space<hbm>> -> memref<1x1x1x8x128xf32, #tpu.memory_space<hbm>>
      %dma_wait3A_1454 = tpu.memref_squeeze %dma_wait3A_1453 : memref<1x1x1x8x128xf32, #tpu.memory_space<hbm>> -> memref<8x128xf32, #tpu.memory_space<hbm>>
      %dma_wait3A_1455 = tpu.memref_slice %arg4[%dma_wait3A_1448, %select_n3A, %select_n3A_30, %mul3A_62, %mul3A_80] : memref<32x16x2x64x512xf32, #tpu.memory_space<hbm>> -> memref<1x1x1x8x128xf32, #tpu.memory_space<hbm>>
      %dma_wait3A_1456 = tpu.memref_squeeze %dma_wait3A_1455 : memref<1x1x1x8x128xf32, #tpu.memory_space<hbm>> -> memref<8x128xf32, #tpu.memory_space<hbm>>
      %dma_wait3A_1457 = arith.constant 0 : i32
      %dma_wait3A_1458 = arith.constant 0 : i32
      %dma_wait3A_1459 = tpu.memref_slice %arg6[%dma_wait3A_1447, %dma_wait3A_1457, %dma_wait3A_1458] : memref<32x8x128xf32, #tpu.memory_space<vmem>> -> memref<1x8x128xf32, #tpu.memory_space<vmem>>
      %dma_wait3A_1460 = tpu.memref_squeeze %dma_wait3A_1459 : memref<1x8x128xf32, #tpu.memory_space<vmem>> -> memref<8x128xf32, #tpu.memory_space<vmem>>
      tpu.wait_dma2 semaphore(%arg9 : memref<!tpu.dma_semaphore, #tpu.memory_space<semaphore_mem>>) src(%dma_wait3A_1460 : memref<8x128xf32, #tpu.memory_space<vmem>>) dst(%dma_wait3A_1456 : memref<8x128xf32, #tpu.memory_space<hbm>>)
      %dma_wait3A_1461 = arith.constant 2 : i32
      %dma_wait3A_1462 = arith.constant 2 : i32
      %dma_wait3A_1463 = arith.constant 0 : i32
      %dma_wait3A_1464 = arith.constant 0 : i32
      %dma_wait3A_1465 = tpu.memref_slice %arg6[%dma_wait3A_1461, %dma_wait3A_1463, %dma_wait3A_1464] : memref<32x8x128xf32, #tpu.memory_space<vmem>> -> memref<1x8x128xf32, #tpu.memory_space<vmem>>
      %dma_wait3A_1466 = tpu.memref_squeeze %dma_wait3A_1465 : memref<1x8x128xf32, #tpu.memory_space<vmem>> -> memref<8x128xf32, #tpu.memory_space<vmem>>
      %dma_wait3A_1467 = tpu.memref_slice %arg4[%dma_wait3A_1462, %select_n3A, %select_n3A_30, %mul3A_62, %mul3A_80] : memref<32x16x2x64x512xf32, #tpu.memory_space<hbm>> -> memref<1x1x1x8x128xf32, #tpu.memory_space<hbm>>
      %dma_wait3A_1468 = tpu.memref_squeeze %dma_wait3A_1467 : memref<1x1x1x8x128xf32, #tpu.memory_space<hbm>> -> memref<8x128xf32, #tpu.memory_space<hbm>>
      %dma_wait3A_1469 = tpu.memref_slice %arg4[%dma_wait3A_1462, %select_n3A, %select_n3A_30, %mul3A_62, %mul3A_80] : memref<32x16x2x64x512xf32, #tpu.memory_space<hbm>> -> memref<1x1x1x8x128xf32, #tpu.memory_space<hbm>>
      %dma_wait3A_1470 = tpu.memref_squeeze %dma_wait3A_1469 : memref<1x1x1x8x128xf32, #tpu.memory_space<hbm>> -> memref<8x128xf32, #tpu.memory_space<hbm>>
      %dma_wait3A_1471 = arith.constant 0 : i32
      %dma_wait3A_1472 = arith.constant 0 : i32
      %dma_wait3A_1473 = tpu.memref_slice %arg6[%dma_wait3A_1461, %dma_wait3A_1471, %dma_wait3A_1472] : memref<32x8x128xf32, #tpu.memory_space<vmem>> -> memref<1x8x128xf32, #tpu.memory_space<vmem>>
      %dma_wait3A_1474 = tpu.memref_squeeze %dma_wait3A_1473 : memref<1x8x128xf32, #tpu.memory_space<vmem>> -> memref<8x128xf32, #tpu.memory_space<vmem>>
      tpu.wait_dma2 semaphore(%arg9 : memref<!tpu.dma_semaphore, #tpu.memory_space<semaphore_mem>>) src(%dma_wait3A_1474 : memref<8x128xf32, #tpu.memory_space<vmem>>) dst(%dma_wait3A_1470 : memref<8x128xf32, #tpu.memory_space<hbm>>)
      %dma_wait3A_1475 = arith.constant 3 : i32
      %dma_wait3A_1476 = arith.constant 3 : i32
      %dma_wait3A_1477 = arith.constant 0 : i32
      %dma_wait3A_1478 = arith.constant 0 : i32
      %dma_wait3A_1479 = tpu.memref_slice %arg6[%dma_wait3A_1475, %dma_wait3A_1477, %dma_wait3A_1478] : memref<32x8x128xf32, #tpu.memory_space<vmem>> -> memref<1x8x128xf32, #tpu.memory_space<vmem>>
      %dma_wait3A_1480 = tpu.memref_squeeze %dma_wait3A_1479 : memref<1x8x128xf32, #tpu.memory_space<vmem>> -> memref<8x128xf32, #tpu.memory_space<vmem>>
      %dma_wait3A_1481 = tpu.memref_slice %arg4[%dma_wait3A_1476, %select_n3A, %select_n3A_30, %mul3A_62, %mul3A_80] : memref<32x16x2x64x512xf32, #tpu.memory_space<hbm>> -> memref<1x1x1x8x128xf32, #tpu.memory_space<hbm>>
      %dma_wait3A_1482 = tpu.memref_squeeze %dma_wait3A_1481 : memref<1x1x1x8x128xf32, #tpu.memory_space<hbm>> -> memref<8x128xf32, #tpu.memory_space<hbm>>
      %dma_wait3A_1483 = tpu.memref_slice %arg4[%dma_wait3A_1476, %select_n3A, %select_n3A_30, %mul3A_62, %mul3A_80] : memref<32x16x2x64x512xf32, #tpu.memory_space<hbm>> -> memref<1x1x1x8x128xf32, #tpu.memory_space<hbm>>
      %dma_wait3A_1484 = tpu.memref_squeeze %dma_wait3A_1483 : memref<1x1x1x8x128xf32, #tpu.memory_space<hbm>> -> memref<8x128xf32, #tpu.memory_space<hbm>>
      %dma_wait3A_1485 = arith.constant 0 : i32
      %dma_wait3A_1486 = arith.constant 0 : i32
      %dma_wait3A_1487 = tpu.memref_slice %arg6[%dma_wait3A_1475, %dma_wait3A_1485, %dma_wait3A_1486] : memref<32x8x128xf32, #tpu.memory_space<vmem>> -> memref<1x8x128xf32, #tpu.memory_space<vmem>>
      %dma_wait3A_1488 = tpu.memref_squeeze %dma_wait3A_1487 : memref<1x8x128xf32, #tpu.memory_space<vmem>> -> memref<8x128xf32, #tpu.memory_space<vmem>>
      tpu.wait_dma2 semaphore(%arg9 : memref<!tpu.dma_semaphore, #tpu.memory_space<semaphore_mem>>) src(%dma_wait3A_1488 : memref<8x128xf32, #tpu.memory_space<vmem>>) dst(%dma_wait3A_1484 : memref<8x128xf32, #tpu.memory_space<hbm>>)
      %dma_wait3A_1489 = arith.constant 4 : i32
      %dma_wait3A_1490 = arith.constant 4 : i32
      %dma_wait3A_1491 = arith.constant 0 : i32
      %dma_wait3A_1492 = arith.constant 0 : i32
      %dma_wait3A_1493 = tpu.memref_slice %arg6[%dma_wait3A_1489, %dma_wait3A_1491, %dma_wait3A_1492] : memref<32x8x128xf32, #tpu.memory_space<vmem>> -> memref<1x8x128xf32, #tpu.memory_space<vmem>>
      %dma_wait3A_1494 = tpu.memref_squeeze %dma_wait3A_1493 : memref<1x8x128xf32, #tpu.memory_space<vmem>> -> memref<8x128xf32, #tpu.memory_space<vmem>>
      %dma_wait3A_1495 = tpu.memref_slice %arg4[%dma_wait3A_1490, %select_n3A, %select_n3A_30, %mul3A_62, %mul3A_80] : memref<32x16x2x64x512xf32, #tpu.memory_space<hbm>> -> memref<1x1x1x8x128xf32, #tpu.memory_space<hbm>>
      %dma_wait3A_1496 = tpu.memref_squeeze %dma_wait3A_1495 : memref<1x1x1x8x128xf32, #tpu.memory_space<hbm>> -> memref<8x128xf32, #tpu.memory_space<hbm>>
      %dma_wait3A_1497 = tpu.memref_slice %arg4[%dma_wait3A_1490, %select_n3A, %select_n3A_30, %mul3A_62, %mul3A_80] : memref<32x16x2x64x512xf32, #tpu.memory_space<hbm>> -> memref<1x1x1x8x128xf32, #tpu.memory_space<hbm>>
      %dma_wait3A_1498 = tpu.memref_squeeze %dma_wait3A_1497 : memref<1x1x1x8x128xf32, #tpu.memory_space<hbm>> -> memref<8x128xf32, #tpu.memory_space<hbm>>
      %dma_wait3A_1499 = arith.constant 0 : i32
      %dma_wait3A_1500 = arith.constant 0 : i32
      %dma_wait3A_1501 = tpu.memref_slice %arg6[%dma_wait3A_1489, %dma_wait3A_1499, %dma_wait3A_1500] : memref<32x8x128xf32, #tpu.memory_space<vmem>> -> memref<1x8x128xf32, #tpu.memory_space<vmem>>
      %dma_wait3A_1502 = tpu.memref_squeeze %dma_wait3A_1501 : memref<1x8x128xf32, #tpu.memory_space<vmem>> -> memref<8x128xf32, #tpu.memory_space<vmem>>
      tpu.wait_dma2 semaphore(%arg9 : memref<!tpu.dma_semaphore, #tpu.memory_space<semaphore_mem>>) src(%dma_wait3A_1502 : memref<8x128xf32, #tpu.memory_space<vmem>>) dst(%dma_wait3A_1498 : memref<8x128xf32, #tpu.memory_space<hbm>>)
      %dma_wait3A_1503 = arith.constant 5 : i32
      %dma_wait3A_1504 = arith.constant 5 : i32
      %dma_wait3A_1505 = arith.constant 0 : i32
      %dma_wait3A_1506 = arith.constant 0 : i32
      %dma_wait3A_1507 = tpu.memref_slice %arg6[%dma_wait3A_1503, %dma_wait3A_1505, %dma_wait3A_1506] : memref<32x8x128xf32, #tpu.memory_space<vmem>> -> memref<1x8x128xf32, #tpu.memory_space<vmem>>
      %dma_wait3A_1508 = tpu.memref_squeeze %dma_wait3A_1507 : memref<1x8x128xf32, #tpu.memory_space<vmem>> -> memref<8x128xf32, #tpu.memory_space<vmem>>
      %dma_wait3A_1509 = tpu.memref_slice %arg4[%dma_wait3A_1504, %select_n3A, %select_n3A_30, %mul3A_62, %mul3A_80] : memref<32x16x2x64x512xf32, #tpu.memory_space<hbm>> -> memref<1x1x1x8x128xf32, #tpu.memory_space<hbm>>
      %dma_wait3A_1510 = tpu.memref_squeeze %dma_wait3A_1509 : memref<1x1x1x8x128xf32, #tpu.memory_space<hbm>> -> memref<8x128xf32, #tpu.memory_space<hbm>>
      %dma_wait3A_1511 = tpu.memref_slice %arg4[%dma_wait3A_1504, %select_n3A, %select_n3A_30, %mul3A_62, %mul3A_80] : memref<32x16x2x64x512xf32, #tpu.memory_space<hbm>> -> memref<1x1x1x8x128xf32, #tpu.memory_space<hbm>>
      %dma_wait3A_1512 = tpu.memref_squeeze %dma_wait3A_1511 : memref<1x1x1x8x128xf32, #tpu.memory_space<hbm>> -> memref<8x128xf32, #tpu.memory_space<hbm>>
      %dma_wait3A_1513 = arith.constant 0 : i32
      %dma_wait3A_1514 = arith.constant 0 : i32
      %dma_wait3A_1515 = tpu.memref_slice %arg6[%dma_wait3A_1503, %dma_wait3A_1513, %dma_wait3A_1514] : memref<32x8x128xf32, #tpu.memory_space<vmem>> -> memref<1x8x128xf32, #tpu.memory_space<vmem>>
      %dma_wait3A_1516 = tpu.memref_squeeze %dma_wait3A_1515 : memref<1x8x128xf32, #tpu.memory_space<vmem>> -> memref<8x128xf32, #tpu.memory_space<vmem>>
      tpu.wait_dma2 semaphore(%arg9 : memref<!tpu.dma_semaphore, #tpu.memory_space<semaphore_mem>>) src(%dma_wait3A_1516 : memref<8x128xf32, #tpu.memory_space<vmem>>) dst(%dma_wait3A_1512 : memref<8x128xf32, #tpu.memory_space<hbm>>)
      %dma_wait3A_1517 = arith.constant 6 : i32
      %dma_wait3A_1518 = arith.constant 6 : i32
      %dma_wait3A_1519 = arith.constant 0 : i32
      %dma_wait3A_1520 = arith.constant 0 : i32
      %dma_wait3A_1521 = tpu.memref_slice %arg6[%dma_wait3A_1517, %dma_wait3A_1519, %dma_wait3A_1520] : memref<32x8x128xf32, #tpu.memory_space<vmem>> -> memref<1x8x128xf32, #tpu.memory_space<vmem>>
      %dma_wait3A_1522 = tpu.memref_squeeze %dma_wait3A_1521 : memref<1x8x128xf32, #tpu.memory_space<vmem>> -> memref<8x128xf32, #tpu.memory_space<vmem>>
      %dma_wait3A_1523 = tpu.memref_slice %arg4[%dma_wait3A_1518, %select_n3A, %select_n3A_30, %mul3A_62, %mul3A_80] : memref<32x16x2x64x512xf32, #tpu.memory_space<hbm>> -> memref<1x1x1x8x128xf32, #tpu.memory_space<hbm>>
      %dma_wait3A_1524 = tpu.memref_squeeze %dma_wait3A_1523 : memref<1x1x1x8x128xf32, #tpu.memory_space<hbm>> -> memref<8x128xf32, #tpu.memory_space<hbm>>
      %dma_wait3A_1525 = tpu.memref_slice %arg4[%dma_wait3A_1518, %select_n3A, %select_n3A_30, %mul3A_62, %mul3A_80] : memref<32x16x2x64x512xf32, #tpu.memory_space<hbm>> -> memref<1x1x1x8x128xf32, #tpu.memory_space<hbm>>
      %dma_wait3A_1526 = tpu.memref_squeeze %dma_wait3A_1525 : memref<1x1x1x8x128xf32, #tpu.memory_space<hbm>> -> memref<8x128xf32, #tpu.memory_space<hbm>>
      %dma_wait3A_1527 = arith.constant 0 : i32
      %dma_wait3A_1528 = arith.constant 0 : i32
      %dma_wait3A_1529 = tpu.memref_slice %arg6[%dma_wait3A_1517, %dma_wait3A_1527, %dma_wait3A_1528] : memref<32x8x128xf32, #tpu.memory_space<vmem>> -> memref<1x8x128xf32, #tpu.memory_space<vmem>>
      %dma_wait3A_1530 = tpu.memref_squeeze %dma_wait3A_1529 : memref<1x8x128xf32, #tpu.memory_space<vmem>> -> memref<8x128xf32, #tpu.memory_space<vmem>>
      tpu.wait_dma2 semaphore(%arg9 : memref<!tpu.dma_semaphore, #tpu.memory_space<semaphore_mem>>) src(%dma_wait3A_1530 : memref<8x128xf32, #tpu.memory_space<vmem>>) dst(%dma_wait3A_1526 : memref<8x128xf32, #tpu.memory_space<hbm>>)
      %dma_wait3A_1531 = arith.constant 7 : i32
      %dma_wait3A_1532 = arith.constant 7 : i32
      %dma_wait3A_1533 = arith.constant 0 : i32
      %dma_wait3A_1534 = arith.constant 0 : i32
      %dma_wait3A_1535 = tpu.memref_slice %arg6[%dma_wait3A_1531, %dma_wait3A_1533, %dma_wait3A_1534] : memref<32x8x128xf32, #tpu.memory_space<vmem>> -> memref<1x8x128xf32, #tpu.memory_space<vmem>>
      %dma_wait3A_1536 = tpu.memref_squeeze %dma_wait3A_1535 : memref<1x8x128xf32, #tpu.memory_space<vmem>> -> memref<8x128xf32, #tpu.memory_space<vmem>>
      %dma_wait3A_1537 = tpu.memref_slice %arg4[%dma_wait3A_1532, %select_n3A, %select_n3A_30, %mul3A_62, %mul3A_80] : memref<32x16x2x64x512xf32, #tpu.memory_space<hbm>> -> memref<1x1x1x8x128xf32, #tpu.memory_space<hbm>>
      %dma_wait3A_1538 = tpu.memref_squeeze %dma_wait3A_1537 : memref<1x1x1x8x128xf32, #tpu.memory_space<hbm>> -> memref<8x128xf32, #tpu.memory_space<hbm>>
      %dma_wait3A_1539 = tpu.memref_slice %arg4[%dma_wait3A_1532, %select_n3A, %select_n3A_30, %mul3A_62, %mul3A_80] : memref<32x16x2x64x512xf32, #tpu.memory_space<hbm>> -> memref<1x1x1x8x128xf32, #tpu.memory_space<hbm>>
      %dma_wait3A_1540 = tpu.memref_squeeze %dma_wait3A_1539 : memref<1x1x1x8x128xf32, #tpu.memory_space<hbm>> -> memref<8x128xf32, #tpu.memory_space<hbm>>
      %dma_wait3A_1541 = arith.constant 0 : i32
      %dma_wait3A_1542 = arith.constant 0 : i32
      %dma_wait3A_1543 = tpu.memref_slice %arg6[%dma_wait3A_1531, %dma_wait3A_1541, %dma_wait3A_1542] : memref<32x8x128xf32, #tpu.memory_space<vmem>> -> memref<1x8x128xf32, #tpu.memory_space<vmem>>
      %dma_wait3A_1544 = tpu.memref_squeeze %dma_wait3A_1543 : memref<1x8x128xf32, #tpu.memory_space<vmem>> -> memref<8x128xf32, #tpu.memory_space<vmem>>
      tpu.wait_dma2 semaphore(%arg9 : memref<!tpu.dma_semaphore, #tpu.memory_space<semaphore_mem>>) src(%dma_wait3A_1544 : memref<8x128xf32, #tpu.memory_space<vmem>>) dst(%dma_wait3A_1540 : memref<8x128xf32, #tpu.memory_space<hbm>>)
      %dma_wait3A_1545 = arith.constant 8 : i32
      %dma_wait3A_1546 = arith.constant 8 : i32
      %dma_wait3A_1547 = arith.constant 0 : i32
      %dma_wait3A_1548 = arith.constant 0 : i32
      %dma_wait3A_1549 = tpu.memref_slice %arg6[%dma_wait3A_1545, %dma_wait3A_1547, %dma_wait3A_1548] : memref<32x8x128xf32, #tpu.memory_space<vmem>> -> memref<1x8x128xf32, #tpu.memory_space<vmem>>
      %dma_wait3A_1550 = tpu.memref_squeeze %dma_wait3A_1549 : memref<1x8x128xf32, #tpu.memory_space<vmem>> -> memref<8x128xf32, #tpu.memory_space<vmem>>
      %dma_wait3A_1551 = tpu.memref_slice %arg4[%dma_wait3A_1546, %select_n3A, %select_n3A_30, %mul3A_62, %mul3A_80] : memref<32x16x2x64x512xf32, #tpu.memory_space<hbm>> -> memref<1x1x1x8x128xf32, #tpu.memory_space<hbm>>
      %dma_wait3A_1552 = tpu.memref_squeeze %dma_wait3A_1551 : memref<1x1x1x8x128xf32, #tpu.memory_space<hbm>> -> memref<8x128xf32, #tpu.memory_space<hbm>>
      %dma_wait3A_1553 = tpu.memref_slice %arg4[%dma_wait3A_1546, %select_n3A, %select_n3A_30, %mul3A_62, %mul3A_80] : memref<32x16x2x64x512xf32, #tpu.memory_space<hbm>> -> memref<1x1x1x8x128xf32, #tpu.memory_space<hbm>>
      %dma_wait3A_1554 = tpu.memref_squeeze %dma_wait3A_1553 : memref<1x1x1x8x128xf32, #tpu.memory_space<hbm>> -> memref<8x128xf32, #tpu.memory_space<hbm>>
      %dma_wait3A_1555 = arith.constant 0 : i32
      %dma_wait3A_1556 = arith.constant 0 : i32
      %dma_wait3A_1557 = tpu.memref_slice %arg6[%dma_wait3A_1545, %dma_wait3A_1555, %dma_wait3A_1556] : memref<32x8x128xf32, #tpu.memory_space<vmem>> -> memref<1x8x128xf32, #tpu.memory_space<vmem>>
      %dma_wait3A_1558 = tpu.memref_squeeze %dma_wait3A_1557 : memref<1x8x128xf32, #tpu.memory_space<vmem>> -> memref<8x128xf32, #tpu.memory_space<vmem>>
      tpu.wait_dma2 semaphore(%arg9 : memref<!tpu.dma_semaphore, #tpu.memory_space<semaphore_mem>>) src(%dma_wait3A_1558 : memref<8x128xf32, #tpu.memory_space<vmem>>) dst(%dma_wait3A_1554 : memref<8x128xf32, #tpu.memory_space<hbm>>)
      %dma_wait3A_1559 = arith.constant 9 : i32
      %dma_wait3A_1560 = arith.constant 9 : i32
      %dma_wait3A_1561 = arith.constant 0 : i32
      %dma_wait3A_1562 = arith.constant 0 : i32
      %dma_wait3A_1563 = tpu.memref_slice %arg6[%dma_wait3A_1559, %dma_wait3A_1561, %dma_wait3A_1562] : memref<32x8x128xf32, #tpu.memory_space<vmem>> -> memref<1x8x128xf32, #tpu.memory_space<vmem>>
      %dma_wait3A_1564 = tpu.memref_squeeze %dma_wait3A_1563 : memref<1x8x128xf32, #tpu.memory_space<vmem>> -> memref<8x128xf32, #tpu.memory_space<vmem>>
      %dma_wait3A_1565 = tpu.memref_slice %arg4[%dma_wait3A_1560, %select_n3A, %select_n3A_30, %mul3A_62, %mul3A_80] : memref<32x16x2x64x512xf32, #tpu.memory_space<hbm>> -> memref<1x1x1x8x128xf32, #tpu.memory_space<hbm>>
      %dma_wait3A_1566 = tpu.memref_squeeze %dma_wait3A_1565 : memref<1x1x1x8x128xf32, #tpu.memory_space<hbm>> -> memref<8x128xf32, #tpu.memory_space<hbm>>
      %dma_wait3A_1567 = tpu.memref_slice %arg4[%dma_wait3A_1560, %select_n3A, %select_n3A_30, %mul3A_62, %mul3A_80] : memref<32x16x2x64x512xf32, #tpu.memory_space<hbm>> -> memref<1x1x1x8x128xf32, #tpu.memory_space<hbm>>
      %dma_wait3A_1568 = tpu.memref_squeeze %dma_wait3A_1567 : memref<1x1x1x8x128xf32, #tpu.memory_space<hbm>> -> memref<8x128xf32, #tpu.memory_space<hbm>>
      %dma_wait3A_1569 = arith.constant 0 : i32
      %dma_wait3A_1570 = arith.constant 0 : i32
      %dma_wait3A_1571 = tpu.memref_slice %arg6[%dma_wait3A_1559, %dma_wait3A_1569, %dma_wait3A_1570] : memref<32x8x128xf32, #tpu.memory_space<vmem>> -> memref<1x8x128xf32, #tpu.memory_space<vmem>>
      %dma_wait3A_1572 = tpu.memref_squeeze %dma_wait3A_1571 : memref<1x8x128xf32, #tpu.memory_space<vmem>> -> memref<8x128xf32, #tpu.memory_space<vmem>>
      tpu.wait_dma2 semaphore(%arg9 : memref<!tpu.dma_semaphore, #tpu.memory_space<semaphore_mem>>) src(%dma_wait3A_1572 : memref<8x128xf32, #tpu.memory_space<vmem>>) dst(%dma_wait3A_1568 : memref<8x128xf32, #tpu.memory_space<hbm>>)
      %dma_wait3A_1573 = arith.constant 10 : i32
      %dma_wait3A_1574 = arith.constant 10 : i32
      %dma_wait3A_1575 = arith.constant 0 : i32
      %dma_wait3A_1576 = arith.constant 0 : i32
      %dma_wait3A_1577 = tpu.memref_slice %arg6[%dma_wait3A_1573, %dma_wait3A_1575, %dma_wait3A_1576] : memref<32x8x128xf32, #tpu.memory_space<vmem>> -> memref<1x8x128xf32, #tpu.memory_space<vmem>>
      %dma_wait3A_1578 = tpu.memref_squeeze %dma_wait3A_1577 : memref<1x8x128xf32, #tpu.memory_space<vmem>> -> memref<8x128xf32, #tpu.memory_space<vmem>>
      %dma_wait3A_1579 = tpu.memref_slice %arg4[%dma_wait3A_1574, %select_n3A, %select_n3A_30, %mul3A_62, %mul3A_80] : memref<32x16x2x64x512xf32, #tpu.memory_space<hbm>> -> memref<1x1x1x8x128xf32, #tpu.memory_space<hbm>>
      %dma_wait3A_1580 = tpu.memref_squeeze %dma_wait3A_1579 : memref<1x1x1x8x128xf32, #tpu.memory_space<hbm>> -> memref<8x128xf32, #tpu.memory_space<hbm>>
      %dma_wait3A_1581 = tpu.memref_slice %arg4[%dma_wait3A_1574, %select_n3A, %select_n3A_30, %mul3A_62, %mul3A_80] : memref<32x16x2x64x512xf32, #tpu.memory_space<hbm>> -> memref<1x1x1x8x128xf32, #tpu.memory_space<hbm>>
      %dma_wait3A_1582 = tpu.memref_squeeze %dma_wait3A_1581 : memref<1x1x1x8x128xf32, #tpu.memory_space<hbm>> -> memref<8x128xf32, #tpu.memory_space<hbm>>
      %dma_wait3A_1583 = arith.constant 0 : i32
      %dma_wait3A_1584 = arith.constant 0 : i32
      %dma_wait3A_1585 = tpu.memref_slice %arg6[%dma_wait3A_1573, %dma_wait3A_1583, %dma_wait3A_1584] : memref<32x8x128xf32, #tpu.memory_space<vmem>> -> memref<1x8x128xf32, #tpu.memory_space<vmem>>
      %dma_wait3A_1586 = tpu.memref_squeeze %dma_wait3A_1585 : memref<1x8x128xf32, #tpu.memory_space<vmem>> -> memref<8x128xf32, #tpu.memory_space<vmem>>
      tpu.wait_dma2 semaphore(%arg9 : memref<!tpu.dma_semaphore, #tpu.memory_space<semaphore_mem>>) src(%dma_wait3A_1586 : memref<8x128xf32, #tpu.memory_space<vmem>>) dst(%dma_wait3A_1582 : memref<8x128xf32, #tpu.memory_space<hbm>>)
      %dma_wait3A_1587 = arith.constant 11 : i32
      %dma_wait3A_1588 = arith.constant 11 : i32
      %dma_wait3A_1589 = arith.constant 0 : i32
      %dma_wait3A_1590 = arith.constant 0 : i32
      %dma_wait3A_1591 = tpu.memref_slice %arg6[%dma_wait3A_1587, %dma_wait3A_1589, %dma_wait3A_1590] : memref<32x8x128xf32, #tpu.memory_space<vmem>> -> memref<1x8x128xf32, #tpu.memory_space<vmem>>
      %dma_wait3A_1592 = tpu.memref_squeeze %dma_wait3A_1591 : memref<1x8x128xf32, #tpu.memory_space<vmem>> -> memref<8x128xf32, #tpu.memory_space<vmem>>
      %dma_wait3A_1593 = tpu.memref_slice %arg4[%dma_wait3A_1588, %select_n3A, %select_n3A_30, %mul3A_62, %mul3A_80] : memref<32x16x2x64x512xf32, #tpu.memory_space<hbm>> -> memref<1x1x1x8x128xf32, #tpu.memory_space<hbm>>
      %dma_wait3A_1594 = tpu.memref_squeeze %dma_wait3A_1593 : memref<1x1x1x8x128xf32, #tpu.memory_space<hbm>> -> memref<8x128xf32, #tpu.memory_space<hbm>>
      %dma_wait3A_1595 = tpu.memref_slice %arg4[%dma_wait3A_1588, %select_n3A, %select_n3A_30, %mul3A_62, %mul3A_80] : memref<32x16x2x64x512xf32, #tpu.memory_space<hbm>> -> memref<1x1x1x8x128xf32, #tpu.memory_space<hbm>>
      %dma_wait3A_1596 = tpu.memref_squeeze %dma_wait3A_1595 : memref<1x1x1x8x128xf32, #tpu.memory_space<hbm>> -> memref<8x128xf32, #tpu.memory_space<hbm>>
      %dma_wait3A_1597 = arith.constant 0 : i32
      %dma_wait3A_1598 = arith.constant 0 : i32
      %dma_wait3A_1599 = tpu.memref_slice %arg6[%dma_wait3A_1587, %dma_wait3A_1597, %dma_wait3A_1598] : memref<32x8x128xf32, #tpu.memory_space<vmem>> -> memref<1x8x128xf32, #tpu.memory_space<vmem>>
      %dma_wait3A_1600 = tpu.memref_squeeze %dma_wait3A_1599 : memref<1x8x128xf32, #tpu.memory_space<vmem>> -> memref<8x128xf32, #tpu.memory_space<vmem>>
      tpu.wait_dma2 semaphore(%arg9 : memref<!tpu.dma_semaphore, #tpu.memory_space<semaphore_mem>>) src(%dma_wait3A_1600 : memref<8x128xf32, #tpu.memory_space<vmem>>) dst(%dma_wait3A_1596 : memref<8x128xf32, #tpu.memory_space<hbm>>)
      %dma_wait3A_1601 = arith.constant 12 : i32
      %dma_wait3A_1602 = arith.constant 12 : i32
      %dma_wait3A_1603 = arith.constant 0 : i32
      %dma_wait3A_1604 = arith.constant 0 : i32
      %dma_wait3A_1605 = tpu.memref_slice %arg6[%dma_wait3A_1601, %dma_wait3A_1603, %dma_wait3A_1604] : memref<32x8x128xf32, #tpu.memory_space<vmem>> -> memref<1x8x128xf32, #tpu.memory_space<vmem>>
      %dma_wait3A_1606 = tpu.memref_squeeze %dma_wait3A_1605 : memref<1x8x128xf32, #tpu.memory_space<vmem>> -> memref<8x128xf32, #tpu.memory_space<vmem>>
      %dma_wait3A_1607 = tpu.memref_slice %arg4[%dma_wait3A_1602, %select_n3A, %select_n3A_30, %mul3A_62, %mul3A_80] : memref<32x16x2x64x512xf32, #tpu.memory_space<hbm>> -> memref<1x1x1x8x128xf32, #tpu.memory_space<hbm>>
      %dma_wait3A_1608 = tpu.memref_squeeze %dma_wait3A_1607 : memref<1x1x1x8x128xf32, #tpu.memory_space<hbm>> -> memref<8x128xf32, #tpu.memory_space<hbm>>
      %dma_wait3A_1609 = tpu.memref_slice %arg4[%dma_wait3A_1602, %select_n3A, %select_n3A_30, %mul3A_62, %mul3A_80] : memref<32x16x2x64x512xf32, #tpu.memory_space<hbm>> -> memref<1x1x1x8x128xf32, #tpu.memory_space<hbm>>
      %dma_wait3A_1610 = tpu.memref_squeeze %dma_wait3A_1609 : memref<1x1x1x8x128xf32, #tpu.memory_space<hbm>> -> memref<8x128xf32, #tpu.memory_space<hbm>>
      %dma_wait3A_1611 = arith.constant 0 : i32
      %dma_wait3A_1612 = arith.constant 0 : i32
      %dma_wait3A_1613 = tpu.memref_slice %arg6[%dma_wait3A_1601, %dma_wait3A_1611, %dma_wait3A_1612] : memref<32x8x128xf32, #tpu.memory_space<vmem>> -> memref<1x8x128xf32, #tpu.memory_space<vmem>>
      %dma_wait3A_1614 = tpu.memref_squeeze %dma_wait3A_1613 : memref<1x8x128xf32, #tpu.memory_space<vmem>> -> memref<8x128xf32, #tpu.memory_space<vmem>>
      tpu.wait_dma2 semaphore(%arg9 : memref<!tpu.dma_semaphore, #tpu.memory_space<semaphore_mem>>) src(%dma_wait3A_1614 : memref<8x128xf32, #tpu.memory_space<vmem>>) dst(%dma_wait3A_1610 : memref<8x128xf32, #tpu.memory_space<hbm>>)
      %dma_wait3A_1615 = arith.constant 13 : i32
      %dma_wait3A_1616 = arith.constant 13 : i32
      %dma_wait3A_1617 = arith.constant 0 : i32
      %dma_wait3A_1618 = arith.constant 0 : i32
      %dma_wait3A_1619 = tpu.memref_slice %arg6[%dma_wait3A_1615, %dma_wait3A_1617, %dma_wait3A_1618] : memref<32x8x128xf32, #tpu.memory_space<vmem>> -> memref<1x8x128xf32, #tpu.memory_space<vmem>>
      %dma_wait3A_1620 = tpu.memref_squeeze %dma_wait3A_1619 : memref<1x8x128xf32, #tpu.memory_space<vmem>> -> memref<8x128xf32, #tpu.memory_space<vmem>>
      %dma_wait3A_1621 = tpu.memref_slice %arg4[%dma_wait3A_1616, %select_n3A, %select_n3A_30, %mul3A_62, %mul3A_80] : memref<32x16x2x64x512xf32, #tpu.memory_space<hbm>> -> memref<1x1x1x8x128xf32, #tpu.memory_space<hbm>>
      %dma_wait3A_1622 = tpu.memref_squeeze %dma_wait3A_1621 : memref<1x1x1x8x128xf32, #tpu.memory_space<hbm>> -> memref<8x128xf32, #tpu.memory_space<hbm>>
      %dma_wait3A_1623 = tpu.memref_slice %arg4[%dma_wait3A_1616, %select_n3A, %select_n3A_30, %mul3A_62, %mul3A_80] : memref<32x16x2x64x512xf32, #tpu.memory_space<hbm>> -> memref<1x1x1x8x128xf32, #tpu.memory_space<hbm>>
      %dma_wait3A_1624 = tpu.memref_squeeze %dma_wait3A_1623 : memref<1x1x1x8x128xf32, #tpu.memory_space<hbm>> -> memref<8x128xf32, #tpu.memory_space<hbm>>
      %dma_wait3A_1625 = arith.constant 0 : i32
      %dma_wait3A_1626 = arith.constant 0 : i32
      %dma_wait3A_1627 = tpu.memref_slice %arg6[%dma_wait3A_1615, %dma_wait3A_1625, %dma_wait3A_1626] : memref<32x8x128xf32, #tpu.memory_space<vmem>> -> memref<1x8x128xf32, #tpu.memory_space<vmem>>
      %dma_wait3A_1628 = tpu.memref_squeeze %dma_wait3A_1627 : memref<1x8x128xf32, #tpu.memory_space<vmem>> -> memref<8x128xf32, #tpu.memory_space<vmem>>
      tpu.wait_dma2 semaphore(%arg9 : memref<!tpu.dma_semaphore, #tpu.memory_space<semaphore_mem>>) src(%dma_wait3A_1628 : memref<8x128xf32, #tpu.memory_space<vmem>>) dst(%dma_wait3A_1624 : memref<8x128xf32, #tpu.memory_space<hbm>>)
      %dma_wait3A_1629 = arith.constant 14 : i32
      %dma_wait3A_1630 = arith.constant 14 : i32
      %dma_wait3A_1631 = arith.constant 0 : i32
      %dma_wait3A_1632 = arith.constant 0 : i32
      %dma_wait3A_1633 = tpu.memref_slice %arg6[%dma_wait3A_1629, %dma_wait3A_1631, %dma_wait3A_1632] : memref<32x8x128xf32, #tpu.memory_space<vmem>> -> memref<1x8x128xf32, #tpu.memory_space<vmem>>
      %dma_wait3A_1634 = tpu.memref_squeeze %dma_wait3A_1633 : memref<1x8x128xf32, #tpu.memory_space<vmem>> -> memref<8x128xf32, #tpu.memory_space<vmem>>
      %dma_wait3A_1635 = tpu.memref_slice %arg4[%dma_wait3A_1630, %select_n3A, %select_n3A_30, %mul3A_62, %mul3A_80] : memref<32x16x2x64x512xf32, #tpu.memory_space<hbm>> -> memref<1x1x1x8x128xf32, #tpu.memory_space<hbm>>
      %dma_wait3A_1636 = tpu.memref_squeeze %dma_wait3A_1635 : memref<1x1x1x8x128xf32, #tpu.memory_space<hbm>> -> memref<8x128xf32, #tpu.memory_space<hbm>>
      %dma_wait3A_1637 = tpu.memref_slice %arg4[%dma_wait3A_1630, %select_n3A, %select_n3A_30, %mul3A_62, %mul3A_80] : memref<32x16x2x64x512xf32, #tpu.memory_space<hbm>> -> memref<1x1x1x8x128xf32, #tpu.memory_space<hbm>>
      %dma_wait3A_1638 = tpu.memref_squeeze %dma_wait3A_1637 : memref<1x1x1x8x128xf32, #tpu.memory_space<hbm>> -> memref<8x128xf32, #tpu.memory_space<hbm>>
      %dma_wait3A_1639 = arith.constant 0 : i32
      %dma_wait3A_1640 = arith.constant 0 : i32
      %dma_wait3A_1641 = tpu.memref_slice %arg6[%dma_wait3A_1629, %dma_wait3A_1639, %dma_wait3A_1640] : memref<32x8x128xf32, #tpu.memory_space<vmem>> -> memref<1x8x128xf32, #tpu.memory_space<vmem>>
      %dma_wait3A_1642 = tpu.memref_squeeze %dma_wait3A_1641 : memref<1x8x128xf32, #tpu.memory_space<vmem>> -> memref<8x128xf32, #tpu.memory_space<vmem>>
      tpu.wait_dma2 semaphore(%arg9 : memref<!tpu.dma_semaphore, #tpu.memory_space<semaphore_mem>>) src(%dma_wait3A_1642 : memref<8x128xf32, #tpu.memory_space<vmem>>) dst(%dma_wait3A_1638 : memref<8x128xf32, #tpu.memory_space<hbm>>)
      %dma_wait3A_1643 = arith.constant 15 : i32
      %dma_wait3A_1644 = arith.constant 15 : i32
      %dma_wait3A_1645 = arith.constant 0 : i32
      %dma_wait3A_1646 = arith.constant 0 : i32
      %dma_wait3A_1647 = tpu.memref_slice %arg6[%dma_wait3A_1643, %dma_wait3A_1645, %dma_wait3A_1646] : memref<32x8x128xf32, #tpu.memory_space<vmem>> -> memref<1x8x128xf32, #tpu.memory_space<vmem>>
      %dma_wait3A_1648 = tpu.memref_squeeze %dma_wait3A_1647 : memref<1x8x128xf32, #tpu.memory_space<vmem>> -> memref<8x128xf32, #tpu.memory_space<vmem>>
      %dma_wait3A_1649 = tpu.memref_slice %arg4[%dma_wait3A_1644, %select_n3A, %select_n3A_30, %mul3A_62, %mul3A_80] : memref<32x16x2x64x512xf32, #tpu.memory_space<hbm>> -> memref<1x1x1x8x128xf32, #tpu.memory_space<hbm>>
      %dma_wait3A_1650 = tpu.memref_squeeze %dma_wait3A_1649 : memref<1x1x1x8x128xf32, #tpu.memory_space<hbm>> -> memref<8x128xf32, #tpu.memory_space<hbm>>
      %dma_wait3A_1651 = tpu.memref_slice %arg4[%dma_wait3A_1644, %select_n3A, %select_n3A_30, %mul3A_62, %mul3A_80] : memref<32x16x2x64x512xf32, #tpu.memory_space<hbm>> -> memref<1x1x1x8x128xf32, #tpu.memory_space<hbm>>
      %dma_wait3A_1652 = tpu.memref_squeeze %dma_wait3A_1651 : memref<1x1x1x8x128xf32, #tpu.memory_space<hbm>> -> memref<8x128xf32, #tpu.memory_space<hbm>>
      %dma_wait3A_1653 = arith.constant 0 : i32
      %dma_wait3A_1654 = arith.constant 0 : i32
      %dma_wait3A_1655 = tpu.memref_slice %arg6[%dma_wait3A_1643, %dma_wait3A_1653, %dma_wait3A_1654] : memref<32x8x128xf32, #tpu.memory_space<vmem>> -> memref<1x8x128xf32, #tpu.memory_space<vmem>>
      %dma_wait3A_1656 = tpu.memref_squeeze %dma_wait3A_1655 : memref<1x8x128xf32, #tpu.memory_space<vmem>> -> memref<8x128xf32, #tpu.memory_space<vmem>>
      tpu.wait_dma2 semaphore(%arg9 : memref<!tpu.dma_semaphore, #tpu.memory_space<semaphore_mem>>) src(%dma_wait3A_1656 : memref<8x128xf32, #tpu.memory_space<vmem>>) dst(%dma_wait3A_1652 : memref<8x128xf32, #tpu.memory_space<hbm>>)
      %dma_wait3A_1657 = arith.constant 16 : i32
      %dma_wait3A_1658 = arith.constant 16 : i32
      %dma_wait3A_1659 = arith.constant 0 : i32
      %dma_wait3A_1660 = arith.constant 0 : i32
      %dma_wait3A_1661 = tpu.memref_slice %arg6[%dma_wait3A_1657, %dma_wait3A_1659, %dma_wait3A_1660] : memref<32x8x128xf32, #tpu.memory_space<vmem>> -> memref<1x8x128xf32, #tpu.memory_space<vmem>>
      %dma_wait3A_1662 = tpu.memref_squeeze %dma_wait3A_1661 : memref<1x8x128xf32, #tpu.memory_space<vmem>> -> memref<8x128xf32, #tpu.memory_space<vmem>>
      %dma_wait3A_1663 = tpu.memref_slice %arg4[%dma_wait3A_1658, %select_n3A, %select_n3A_30, %mul3A_62, %mul3A_80] : memref<32x16x2x64x512xf32, #tpu.memory_space<hbm>> -> memref<1x1x1x8x128xf32, #tpu.memory_space<hbm>>
      %dma_wait3A_1664 = tpu.memref_squeeze %dma_wait3A_1663 : memref<1x1x1x8x128xf32, #tpu.memory_space<hbm>> -> memref<8x128xf32, #tpu.memory_space<hbm>>
      %dma_wait3A_1665 = tpu.memref_slice %arg4[%dma_wait3A_1658, %select_n3A, %select_n3A_30, %mul3A_62, %mul3A_80] : memref<32x16x2x64x512xf32, #tpu.memory_space<hbm>> -> memref<1x1x1x8x128xf32, #tpu.memory_space<hbm>>
      %dma_wait3A_1666 = tpu.memref_squeeze %dma_wait3A_1665 : memref<1x1x1x8x128xf32, #tpu.memory_space<hbm>> -> memref<8x128xf32, #tpu.memory_space<hbm>>
      %dma_wait3A_1667 = arith.constant 0 : i32
      %dma_wait3A_1668 = arith.constant 0 : i32
      %dma_wait3A_1669 = tpu.memref_slice %arg6[%dma_wait3A_1657, %dma_wait3A_1667, %dma_wait3A_1668] : memref<32x8x128xf32, #tpu.memory_space<vmem>> -> memref<1x8x128xf32, #tpu.memory_space<vmem>>
      %dma_wait3A_1670 = tpu.memref_squeeze %dma_wait3A_1669 : memref<1x8x128xf32, #tpu.memory_space<vmem>> -> memref<8x128xf32, #tpu.memory_space<vmem>>
      tpu.wait_dma2 semaphore(%arg9 : memref<!tpu.dma_semaphore, #tpu.memory_space<semaphore_mem>>) src(%dma_wait3A_1670 : memref<8x128xf32, #tpu.memory_space<vmem>>) dst(%dma_wait3A_1666 : memref<8x128xf32, #tpu.memory_space<hbm>>)
      %dma_wait3A_1671 = arith.constant 17 : i32
      %dma_wait3A_1672 = arith.constant 17 : i32
      %dma_wait3A_1673 = arith.constant 0 : i32
      %dma_wait3A_1674 = arith.constant 0 : i32
      %dma_wait3A_1675 = tpu.memref_slice %arg6[%dma_wait3A_1671, %dma_wait3A_1673, %dma_wait3A_1674] : memref<32x8x128xf32, #tpu.memory_space<vmem>> -> memref<1x8x128xf32, #tpu.memory_space<vmem>>
      %dma_wait3A_1676 = tpu.memref_squeeze %dma_wait3A_1675 : memref<1x8x128xf32, #tpu.memory_space<vmem>> -> memref<8x128xf32, #tpu.memory_space<vmem>>
      %dma_wait3A_1677 = tpu.memref_slice %arg4[%dma_wait3A_1672, %select_n3A, %select_n3A_30, %mul3A_62, %mul3A_80] : memref<32x16x2x64x512xf32, #tpu.memory_space<hbm>> -> memref<1x1x1x8x128xf32, #tpu.memory_space<hbm>>
      %dma_wait3A_1678 = tpu.memref_squeeze %dma_wait3A_1677 : memref<1x1x1x8x128xf32, #tpu.memory_space<hbm>> -> memref<8x128xf32, #tpu.memory_space<hbm>>
      %dma_wait3A_1679 = tpu.memref_slice %arg4[%dma_wait3A_1672, %select_n3A, %select_n3A_30, %mul3A_62, %mul3A_80] : memref<32x16x2x64x512xf32, #tpu.memory_space<hbm>> -> memref<1x1x1x8x128xf32, #tpu.memory_space<hbm>>
      %dma_wait3A_1680 = tpu.memref_squeeze %dma_wait3A_1679 : memref<1x1x1x8x128xf32, #tpu.memory_space<hbm>> -> memref<8x128xf32, #tpu.memory_space<hbm>>
      %dma_wait3A_1681 = arith.constant 0 : i32
      %dma_wait3A_1682 = arith.constant 0 : i32
      %dma_wait3A_1683 = tpu.memref_slice %arg6[%dma_wait3A_1671, %dma_wait3A_1681, %dma_wait3A_1682] : memref<32x8x128xf32, #tpu.memory_space<vmem>> -> memref<1x8x128xf32, #tpu.memory_space<vmem>>
      %dma_wait3A_1684 = tpu.memref_squeeze %dma_wait3A_1683 : memref<1x8x128xf32, #tpu.memory_space<vmem>> -> memref<8x128xf32, #tpu.memory_space<vmem>>
      tpu.wait_dma2 semaphore(%arg9 : memref<!tpu.dma_semaphore, #tpu.memory_space<semaphore_mem>>) src(%dma_wait3A_1684 : memref<8x128xf32, #tpu.memory_space<vmem>>) dst(%dma_wait3A_1680 : memref<8x128xf32, #tpu.memory_space<hbm>>)
      %dma_wait3A_1685 = arith.constant 18 : i32
      %dma_wait3A_1686 = arith.constant 18 : i32
      %dma_wait3A_1687 = arith.constant 0 : i32
      %dma_wait3A_1688 = arith.constant 0 : i32
      %dma_wait3A_1689 = tpu.memref_slice %arg6[%dma_wait3A_1685, %dma_wait3A_1687, %dma_wait3A_1688] : memref<32x8x128xf32, #tpu.memory_space<vmem>> -> memref<1x8x128xf32, #tpu.memory_space<vmem>>
      %dma_wait3A_1690 = tpu.memref_squeeze %dma_wait3A_1689 : memref<1x8x128xf32, #tpu.memory_space<vmem>> -> memref<8x128xf32, #tpu.memory_space<vmem>>
      %dma_wait3A_1691 = tpu.memref_slice %arg4[%dma_wait3A_1686, %select_n3A, %select_n3A_30, %mul3A_62, %mul3A_80] : memref<32x16x2x64x512xf32, #tpu.memory_space<hbm>> -> memref<1x1x1x8x128xf32, #tpu.memory_space<hbm>>
      %dma_wait3A_1692 = tpu.memref_squeeze %dma_wait3A_1691 : memref<1x1x1x8x128xf32, #tpu.memory_space<hbm>> -> memref<8x128xf32, #tpu.memory_space<hbm>>
      %dma_wait3A_1693 = tpu.memref_slice %arg4[%dma_wait3A_1686, %select_n3A, %select_n3A_30, %mul3A_62, %mul3A_80] : memref<32x16x2x64x512xf32, #tpu.memory_space<hbm>> -> memref<1x1x1x8x128xf32, #tpu.memory_space<hbm>>
      %dma_wait3A_1694 = tpu.memref_squeeze %dma_wait3A_1693 : memref<1x1x1x8x128xf32, #tpu.memory_space<hbm>> -> memref<8x128xf32, #tpu.memory_space<hbm>>
      %dma_wait3A_1695 = arith.constant 0 : i32
      %dma_wait3A_1696 = arith.constant 0 : i32
      %dma_wait3A_1697 = tpu.memref_slice %arg6[%dma_wait3A_1685, %dma_wait3A_1695, %dma_wait3A_1696] : memref<32x8x128xf32, #tpu.memory_space<vmem>> -> memref<1x8x128xf32, #tpu.memory_space<vmem>>
      %dma_wait3A_1698 = tpu.memref_squeeze %dma_wait3A_1697 : memref<1x8x128xf32, #tpu.memory_space<vmem>> -> memref<8x128xf32, #tpu.memory_space<vmem>>
      tpu.wait_dma2 semaphore(%arg9 : memref<!tpu.dma_semaphore, #tpu.memory_space<semaphore_mem>>) src(%dma_wait3A_1698 : memref<8x128xf32, #tpu.memory_space<vmem>>) dst(%dma_wait3A_1694 : memref<8x128xf32, #tpu.memory_space<hbm>>)
      %dma_wait3A_1699 = arith.constant 19 : i32
      %dma_wait3A_1700 = arith.constant 19 : i32
      %dma_wait3A_1701 = arith.constant 0 : i32
      %dma_wait3A_1702 = arith.constant 0 : i32
      %dma_wait3A_1703 = tpu.memref_slice %arg6[%dma_wait3A_1699, %dma_wait3A_1701, %dma_wait3A_1702] : memref<32x8x128xf32, #tpu.memory_space<vmem>> -> memref<1x8x128xf32, #tpu.memory_space<vmem>>
      %dma_wait3A_1704 = tpu.memref_squeeze %dma_wait3A_1703 : memref<1x8x128xf32, #tpu.memory_space<vmem>> -> memref<8x128xf32, #tpu.memory_space<vmem>>
      %dma_wait3A_1705 = tpu.memref_slice %arg4[%dma_wait3A_1700, %select_n3A, %select_n3A_30, %mul3A_62, %mul3A_80] : memref<32x16x2x64x512xf32, #tpu.memory_space<hbm>> -> memref<1x1x1x8x128xf32, #tpu.memory_space<hbm>>
      %dma_wait3A_1706 = tpu.memref_squeeze %dma_wait3A_1705 : memref<1x1x1x8x128xf32, #tpu.memory_space<hbm>> -> memref<8x128xf32, #tpu.memory_space<hbm>>
      %dma_wait3A_1707 = tpu.memref_slice %arg4[%dma_wait3A_1700, %select_n3A, %select_n3A_30, %mul3A_62, %mul3A_80] : memref<32x16x2x64x512xf32, #tpu.memory_space<hbm>> -> memref<1x1x1x8x128xf32, #tpu.memory_space<hbm>>
      %dma_wait3A_1708 = tpu.memref_squeeze %dma_wait3A_1707 : memref<1x1x1x8x128xf32, #tpu.memory_space<hbm>> -> memref<8x128xf32, #tpu.memory_space<hbm>>
      %dma_wait3A_1709 = arith.constant 0 : i32
      %dma_wait3A_1710 = arith.constant 0 : i32
      %dma_wait3A_1711 = tpu.memref_slice %arg6[%dma_wait3A_1699, %dma_wait3A_1709, %dma_wait3A_1710] : memref<32x8x128xf32, #tpu.memory_space<vmem>> -> memref<1x8x128xf32, #tpu.memory_space<vmem>>
      %dma_wait3A_1712 = tpu.memref_squeeze %dma_wait3A_1711 : memref<1x8x128xf32, #tpu.memory_space<vmem>> -> memref<8x128xf32, #tpu.memory_space<vmem>>
      tpu.wait_dma2 semaphore(%arg9 : memref<!tpu.dma_semaphore, #tpu.memory_space<semaphore_mem>>) src(%dma_wait3A_1712 : memref<8x128xf32, #tpu.memory_space<vmem>>) dst(%dma_wait3A_1708 : memref<8x128xf32, #tpu.memory_space<hbm>>)
      %dma_wait3A_1713 = arith.constant 20 : i32
      %dma_wait3A_1714 = arith.constant 20 : i32
      %dma_wait3A_1715 = arith.constant 0 : i32
      %dma_wait3A_1716 = arith.constant 0 : i32
      %dma_wait3A_1717 = tpu.memref_slice %arg6[%dma_wait3A_1713, %dma_wait3A_1715, %dma_wait3A_1716] : memref<32x8x128xf32, #tpu.memory_space<vmem>> -> memref<1x8x128xf32, #tpu.memory_space<vmem>>
      %dma_wait3A_1718 = tpu.memref_squeeze %dma_wait3A_1717 : memref<1x8x128xf32, #tpu.memory_space<vmem>> -> memref<8x128xf32, #tpu.memory_space<vmem>>
      %dma_wait3A_1719 = tpu.memref_slice %arg4[%dma_wait3A_1714, %select_n3A, %select_n3A_30, %mul3A_62, %mul3A_80] : memref<32x16x2x64x512xf32, #tpu.memory_space<hbm>> -> memref<1x1x1x8x128xf32, #tpu.memory_space<hbm>>
      %dma_wait3A_1720 = tpu.memref_squeeze %dma_wait3A_1719 : memref<1x1x1x8x128xf32, #tpu.memory_space<hbm>> -> memref<8x128xf32, #tpu.memory_space<hbm>>
      %dma_wait3A_1721 = tpu.memref_slice %arg4[%dma_wait3A_1714, %select_n3A, %select_n3A_30, %mul3A_62, %mul3A_80] : memref<32x16x2x64x512xf32, #tpu.memory_space<hbm>> -> memref<1x1x1x8x128xf32, #tpu.memory_space<hbm>>
      %dma_wait3A_1722 = tpu.memref_squeeze %dma_wait3A_1721 : memref<1x1x1x8x128xf32, #tpu.memory_space<hbm>> -> memref<8x128xf32, #tpu.memory_space<hbm>>
      %dma_wait3A_1723 = arith.constant 0 : i32
      %dma_wait3A_1724 = arith.constant 0 : i32
      %dma_wait3A_1725 = tpu.memref_slice %arg6[%dma_wait3A_1713, %dma_wait3A_1723, %dma_wait3A_1724] : memref<32x8x128xf32, #tpu.memory_space<vmem>> -> memref<1x8x128xf32, #tpu.memory_space<vmem>>
      %dma_wait3A_1726 = tpu.memref_squeeze %dma_wait3A_1725 : memref<1x8x128xf32, #tpu.memory_space<vmem>> -> memref<8x128xf32, #tpu.memory_space<vmem>>
      tpu.wait_dma2 semaphore(%arg9 : memref<!tpu.dma_semaphore, #tpu.memory_space<semaphore_mem>>) src(%dma_wait3A_1726 : memref<8x128xf32, #tpu.memory_space<vmem>>) dst(%dma_wait3A_1722 : memref<8x128xf32, #tpu.memory_space<hbm>>)
      %dma_wait3A_1727 = arith.constant 21 : i32
      %dma_wait3A_1728 = arith.constant 21 : i32
      %dma_wait3A_1729 = arith.constant 0 : i32
      %dma_wait3A_1730 = arith.constant 0 : i32
      %dma_wait3A_1731 = tpu.memref_slice %arg6[%dma_wait3A_1727, %dma_wait3A_1729, %dma_wait3A_1730] : memref<32x8x128xf32, #tpu.memory_space<vmem>> -> memref<1x8x128xf32, #tpu.memory_space<vmem>>
      %dma_wait3A_1732 = tpu.memref_squeeze %dma_wait3A_1731 : memref<1x8x128xf32, #tpu.memory_space<vmem>> -> memref<8x128xf32, #tpu.memory_space<vmem>>
      %dma_wait3A_1733 = tpu.memref_slice %arg4[%dma_wait3A_1728, %select_n3A, %select_n3A_30, %mul3A_62, %mul3A_80] : memref<32x16x2x64x512xf32, #tpu.memory_space<hbm>> -> memref<1x1x1x8x128xf32, #tpu.memory_space<hbm>>
      %dma_wait3A_1734 = tpu.memref_squeeze %dma_wait3A_1733 : memref<1x1x1x8x128xf32, #tpu.memory_space<hbm>> -> memref<8x128xf32, #tpu.memory_space<hbm>>
      %dma_wait3A_1735 = tpu.memref_slice %arg4[%dma_wait3A_1728, %select_n3A, %select_n3A_30, %mul3A_62, %mul3A_80] : memref<32x16x2x64x512xf32, #tpu.memory_space<hbm>> -> memref<1x1x1x8x128xf32, #tpu.memory_space<hbm>>
      %dma_wait3A_1736 = tpu.memref_squeeze %dma_wait3A_1735 : memref<1x1x1x8x128xf32, #tpu.memory_space<hbm>> -> memref<8x128xf32, #tpu.memory_space<hbm>>
      %dma_wait3A_1737 = arith.constant 0 : i32
      %dma_wait3A_1738 = arith.constant 0 : i32
      %dma_wait3A_1739 = tpu.memref_slice %arg6[%dma_wait3A_1727, %dma_wait3A_1737, %dma_wait3A_1738] : memref<32x8x128xf32, #tpu.memory_space<vmem>> -> memref<1x8x128xf32, #tpu.memory_space<vmem>>
      %dma_wait3A_1740 = tpu.memref_squeeze %dma_wait3A_1739 : memref<1x8x128xf32, #tpu.memory_space<vmem>> -> memref<8x128xf32, #tpu.memory_space<vmem>>
      tpu.wait_dma2 semaphore(%arg9 : memref<!tpu.dma_semaphore, #tpu.memory_space<semaphore_mem>>) src(%dma_wait3A_1740 : memref<8x128xf32, #tpu.memory_space<vmem>>) dst(%dma_wait3A_1736 : memref<8x128xf32, #tpu.memory_space<hbm>>)
      %dma_wait3A_1741 = arith.constant 22 : i32
      %dma_wait3A_1742 = arith.constant 22 : i32
      %dma_wait3A_1743 = arith.constant 0 : i32
      %dma_wait3A_1744 = arith.constant 0 : i32
      %dma_wait3A_1745 = tpu.memref_slice %arg6[%dma_wait3A_1741, %dma_wait3A_1743, %dma_wait3A_1744] : memref<32x8x128xf32, #tpu.memory_space<vmem>> -> memref<1x8x128xf32, #tpu.memory_space<vmem>>
      %dma_wait3A_1746 = tpu.memref_squeeze %dma_wait3A_1745 : memref<1x8x128xf32, #tpu.memory_space<vmem>> -> memref<8x128xf32, #tpu.memory_space<vmem>>
      %dma_wait3A_1747 = tpu.memref_slice %arg4[%dma_wait3A_1742, %select_n3A, %select_n3A_30, %mul3A_62, %mul3A_80] : memref<32x16x2x64x512xf32, #tpu.memory_space<hbm>> -> memref<1x1x1x8x128xf32, #tpu.memory_space<hbm>>
      %dma_wait3A_1748 = tpu.memref_squeeze %dma_wait3A_1747 : memref<1x1x1x8x128xf32, #tpu.memory_space<hbm>> -> memref<8x128xf32, #tpu.memory_space<hbm>>
      %dma_wait3A_1749 = tpu.memref_slice %arg4[%dma_wait3A_1742, %select_n3A, %select_n3A_30, %mul3A_62, %mul3A_80] : memref<32x16x2x64x512xf32, #tpu.memory_space<hbm>> -> memref<1x1x1x8x128xf32, #tpu.memory_space<hbm>>
      %dma_wait3A_1750 = tpu.memref_squeeze %dma_wait3A_1749 : memref<1x1x1x8x128xf32, #tpu.memory_space<hbm>> -> memref<8x128xf32, #tpu.memory_space<hbm>>
      %dma_wait3A_1751 = arith.constant 0 : i32
      %dma_wait3A_1752 = arith.constant 0 : i32
      %dma_wait3A_1753 = tpu.memref_slice %arg6[%dma_wait3A_1741, %dma_wait3A_1751, %dma_wait3A_1752] : memref<32x8x128xf32, #tpu.memory_space<vmem>> -> memref<1x8x128xf32, #tpu.memory_space<vmem>>
      %dma_wait3A_1754 = tpu.memref_squeeze %dma_wait3A_1753 : memref<1x8x128xf32, #tpu.memory_space<vmem>> -> memref<8x128xf32, #tpu.memory_space<vmem>>
      tpu.wait_dma2 semaphore(%arg9 : memref<!tpu.dma_semaphore, #tpu.memory_space<semaphore_mem>>) src(%dma_wait3A_1754 : memref<8x128xf32, #tpu.memory_space<vmem>>) dst(%dma_wait3A_1750 : memref<8x128xf32, #tpu.memory_space<hbm>>)
      %dma_wait3A_1755 = arith.constant 23 : i32
      %dma_wait3A_1756 = arith.constant 23 : i32
      %dma_wait3A_1757 = arith.constant 0 : i32
      %dma_wait3A_1758 = arith.constant 0 : i32
      %dma_wait3A_1759 = tpu.memref_slice %arg6[%dma_wait3A_1755, %dma_wait3A_1757, %dma_wait3A_1758] : memref<32x8x128xf32, #tpu.memory_space<vmem>> -> memref<1x8x128xf32, #tpu.memory_space<vmem>>
      %dma_wait3A_1760 = tpu.memref_squeeze %dma_wait3A_1759 : memref<1x8x128xf32, #tpu.memory_space<vmem>> -> memref<8x128xf32, #tpu.memory_space<vmem>>
      %dma_wait3A_1761 = tpu.memref_slice %arg4[%dma_wait3A_1756, %select_n3A, %select_n3A_30, %mul3A_62, %mul3A_80] : memref<32x16x2x64x512xf32, #tpu.memory_space<hbm>> -> memref<1x1x1x8x128xf32, #tpu.memory_space<hbm>>
      %dma_wait3A_1762 = tpu.memref_squeeze %dma_wait3A_1761 : memref<1x1x1x8x128xf32, #tpu.memory_space<hbm>> -> memref<8x128xf32, #tpu.memory_space<hbm>>
      %dma_wait3A_1763 = tpu.memref_slice %arg4[%dma_wait3A_1756, %select_n3A, %select_n3A_30, %mul3A_62, %mul3A_80] : memref<32x16x2x64x512xf32, #tpu.memory_space<hbm>> -> memref<1x1x1x8x128xf32, #tpu.memory_space<hbm>>
      %dma_wait3A_1764 = tpu.memref_squeeze %dma_wait3A_1763 : memref<1x1x1x8x128xf32, #tpu.memory_space<hbm>> -> memref<8x128xf32, #tpu.memory_space<hbm>>
      %dma_wait3A_1765 = arith.constant 0 : i32
      %dma_wait3A_1766 = arith.constant 0 : i32
      %dma_wait3A_1767 = tpu.memref_slice %arg6[%dma_wait3A_1755, %dma_wait3A_1765, %dma_wait3A_1766] : memref<32x8x128xf32, #tpu.memory_space<vmem>> -> memref<1x8x128xf32, #tpu.memory_space<vmem>>
      %dma_wait3A_1768 = tpu.memref_squeeze %dma_wait3A_1767 : memref<1x8x128xf32, #tpu.memory_space<vmem>> -> memref<8x128xf32, #tpu.memory_space<vmem>>
      tpu.wait_dma2 semaphore(%arg9 : memref<!tpu.dma_semaphore, #tpu.memory_space<semaphore_mem>>) src(%dma_wait3A_1768 : memref<8x128xf32, #tpu.memory_space<vmem>>) dst(%dma_wait3A_1764 : memref<8x128xf32, #tpu.memory_space<hbm>>)
      %dma_wait3A_1769 = arith.constant 24 : i32
      %dma_wait3A_1770 = arith.constant 24 : i32
      %dma_wait3A_1771 = arith.constant 0 : i32
      %dma_wait3A_1772 = arith.constant 0 : i32
      %dma_wait3A_1773 = tpu.memref_slice %arg6[%dma_wait3A_1769, %dma_wait3A_1771, %dma_wait3A_1772] : memref<32x8x128xf32, #tpu.memory_space<vmem>> -> memref<1x8x128xf32, #tpu.memory_space<vmem>>
      %dma_wait3A_1774 = tpu.memref_squeeze %dma_wait3A_1773 : memref<1x8x128xf32, #tpu.memory_space<vmem>> -> memref<8x128xf32, #tpu.memory_space<vmem>>
      %dma_wait3A_1775 = tpu.memref_slice %arg4[%dma_wait3A_1770, %select_n3A, %select_n3A_30, %mul3A_62, %mul3A_80] : memref<32x16x2x64x512xf32, #tpu.memory_space<hbm>> -> memref<1x1x1x8x128xf32, #tpu.memory_space<hbm>>
      %dma_wait3A_1776 = tpu.memref_squeeze %dma_wait3A_1775 : memref<1x1x1x8x128xf32, #tpu.memory_space<hbm>> -> memref<8x128xf32, #tpu.memory_space<hbm>>
      %dma_wait3A_1777 = tpu.memref_slice %arg4[%dma_wait3A_1770, %select_n3A, %select_n3A_30, %mul3A_62, %mul3A_80] : memref<32x16x2x64x512xf32, #tpu.memory_space<hbm>> -> memref<1x1x1x8x128xf32, #tpu.memory_space<hbm>>
      %dma_wait3A_1778 = tpu.memref_squeeze %dma_wait3A_1777 : memref<1x1x1x8x128xf32, #tpu.memory_space<hbm>> -> memref<8x128xf32, #tpu.memory_space<hbm>>
      %dma_wait3A_1779 = arith.constant 0 : i32
      %dma_wait3A_1780 = arith.constant 0 : i32
      %dma_wait3A_1781 = tpu.memref_slice %arg6[%dma_wait3A_1769, %dma_wait3A_1779, %dma_wait3A_1780] : memref<32x8x128xf32, #tpu.memory_space<vmem>> -> memref<1x8x128xf32, #tpu.memory_space<vmem>>
      %dma_wait3A_1782 = tpu.memref_squeeze %dma_wait3A_1781 : memref<1x8x128xf32, #tpu.memory_space<vmem>> -> memref<8x128xf32, #tpu.memory_space<vmem>>
      tpu.wait_dma2 semaphore(%arg9 : memref<!tpu.dma_semaphore, #tpu.memory_space<semaphore_mem>>) src(%dma_wait3A_1782 : memref<8x128xf32, #tpu.memory_space<vmem>>) dst(%dma_wait3A_1778 : memref<8x128xf32, #tpu.memory_space<hbm>>)
      %dma_wait3A_1783 = arith.constant 25 : i32
      %dma_wait3A_1784 = arith.constant 25 : i32
      %dma_wait3A_1785 = arith.constant 0 : i32
      %dma_wait3A_1786 = arith.constant 0 : i32
      %dma_wait3A_1787 = tpu.memref_slice %arg6[%dma_wait3A_1783, %dma_wait3A_1785, %dma_wait3A_1786] : memref<32x8x128xf32, #tpu.memory_space<vmem>> -> memref<1x8x128xf32, #tpu.memory_space<vmem>>
      %dma_wait3A_1788 = tpu.memref_squeeze %dma_wait3A_1787 : memref<1x8x128xf32, #tpu.memory_space<vmem>> -> memref<8x128xf32, #tpu.memory_space<vmem>>
      %dma_wait3A_1789 = tpu.memref_slice %arg4[%dma_wait3A_1784, %select_n3A, %select_n3A_30, %mul3A_62, %mul3A_80] : memref<32x16x2x64x512xf32, #tpu.memory_space<hbm>> -> memref<1x1x1x8x128xf32, #tpu.memory_space<hbm>>
      %dma_wait3A_1790 = tpu.memref_squeeze %dma_wait3A_1789 : memref<1x1x1x8x128xf32, #tpu.memory_space<hbm>> -> memref<8x128xf32, #tpu.memory_space<hbm>>
      %dma_wait3A_1791 = tpu.memref_slice %arg4[%dma_wait3A_1784, %select_n3A, %select_n3A_30, %mul3A_62, %mul3A_80] : memref<32x16x2x64x512xf32, #tpu.memory_space<hbm>> -> memref<1x1x1x8x128xf32, #tpu.memory_space<hbm>>
      %dma_wait3A_1792 = tpu.memref_squeeze %dma_wait3A_1791 : memref<1x1x1x8x128xf32, #tpu.memory_space<hbm>> -> memref<8x128xf32, #tpu.memory_space<hbm>>
      %dma_wait3A_1793 = arith.constant 0 : i32
      %dma_wait3A_1794 = arith.constant 0 : i32
      %dma_wait3A_1795 = tpu.memref_slice %arg6[%dma_wait3A_1783, %dma_wait3A_1793, %dma_wait3A_1794] : memref<32x8x128xf32, #tpu.memory_space<vmem>> -> memref<1x8x128xf32, #tpu.memory_space<vmem>>
      %dma_wait3A_1796 = tpu.memref_squeeze %dma_wait3A_1795 : memref<1x8x128xf32, #tpu.memory_space<vmem>> -> memref<8x128xf32, #tpu.memory_space<vmem>>
      tpu.wait_dma2 semaphore(%arg9 : memref<!tpu.dma_semaphore, #tpu.memory_space<semaphore_mem>>) src(%dma_wait3A_1796 : memref<8x128xf32, #tpu.memory_space<vmem>>) dst(%dma_wait3A_1792 : memref<8x128xf32, #tpu.memory_space<hbm>>)
      %dma_wait3A_1797 = arith.constant 26 : i32
      %dma_wait3A_1798 = arith.constant 26 : i32
      %dma_wait3A_1799 = arith.constant 0 : i32
      %dma_wait3A_1800 = arith.constant 0 : i32
      %dma_wait3A_1801 = tpu.memref_slice %arg6[%dma_wait3A_1797, %dma_wait3A_1799, %dma_wait3A_1800] : memref<32x8x128xf32, #tpu.memory_space<vmem>> -> memref<1x8x128xf32, #tpu.memory_space<vmem>>
      %dma_wait3A_1802 = tpu.memref_squeeze %dma_wait3A_1801 : memref<1x8x128xf32, #tpu.memory_space<vmem>> -> memref<8x128xf32, #tpu.memory_space<vmem>>
      %dma_wait3A_1803 = tpu.memref_slice %arg4[%dma_wait3A_1798, %select_n3A, %select_n3A_30, %mul3A_62, %mul3A_80] : memref<32x16x2x64x512xf32, #tpu.memory_space<hbm>> -> memref<1x1x1x8x128xf32, #tpu.memory_space<hbm>>
      %dma_wait3A_1804 = tpu.memref_squeeze %dma_wait3A_1803 : memref<1x1x1x8x128xf32, #tpu.memory_space<hbm>> -> memref<8x128xf32, #tpu.memory_space<hbm>>
      %dma_wait3A_1805 = tpu.memref_slice %arg4[%dma_wait3A_1798, %select_n3A, %select_n3A_30, %mul3A_62, %mul3A_80] : memref<32x16x2x64x512xf32, #tpu.memory_space<hbm>> -> memref<1x1x1x8x128xf32, #tpu.memory_space<hbm>>
      %dma_wait3A_1806 = tpu.memref_squeeze %dma_wait3A_1805 : memref<1x1x1x8x128xf32, #tpu.memory_space<hbm>> -> memref<8x128xf32, #tpu.memory_space<hbm>>
      %dma_wait3A_1807 = arith.constant 0 : i32
      %dma_wait3A_1808 = arith.constant 0 : i32
      %dma_wait3A_1809 = tpu.memref_slice %arg6[%dma_wait3A_1797, %dma_wait3A_1807, %dma_wait3A_1808] : memref<32x8x128xf32, #tpu.memory_space<vmem>> -> memref<1x8x128xf32, #tpu.memory_space<vmem>>
      %dma_wait3A_1810 = tpu.memref_squeeze %dma_wait3A_1809 : memref<1x8x128xf32, #tpu.memory_space<vmem>> -> memref<8x128xf32, #tpu.memory_space<vmem>>
      tpu.wait_dma2 semaphore(%arg9 : memref<!tpu.dma_semaphore, #tpu.memory_space<semaphore_mem>>) src(%dma_wait3A_1810 : memref<8x128xf32, #tpu.memory_space<vmem>>) dst(%dma_wait3A_1806 : memref<8x128xf32, #tpu.memory_space<hbm>>)
      %dma_wait3A_1811 = arith.constant 27 : i32
      %dma_wait3A_1812 = arith.constant 27 : i32
      %dma_wait3A_1813 = arith.constant 0 : i32
      %dma_wait3A_1814 = arith.constant 0 : i32
      %dma_wait3A_1815 = tpu.memref_slice %arg6[%dma_wait3A_1811, %dma_wait3A_1813, %dma_wait3A_1814] : memref<32x8x128xf32, #tpu.memory_space<vmem>> -> memref<1x8x128xf32, #tpu.memory_space<vmem>>
      %dma_wait3A_1816 = tpu.memref_squeeze %dma_wait3A_1815 : memref<1x8x128xf32, #tpu.memory_space<vmem>> -> memref<8x128xf32, #tpu.memory_space<vmem>>
      %dma_wait3A_1817 = tpu.memref_slice %arg4[%dma_wait3A_1812, %select_n3A, %select_n3A_30, %mul3A_62, %mul3A_80] : memref<32x16x2x64x512xf32, #tpu.memory_space<hbm>> -> memref<1x1x1x8x128xf32, #tpu.memory_space<hbm>>
      %dma_wait3A_1818 = tpu.memref_squeeze %dma_wait3A_1817 : memref<1x1x1x8x128xf32, #tpu.memory_space<hbm>> -> memref<8x128xf32, #tpu.memory_space<hbm>>
      %dma_wait3A_1819 = tpu.memref_slice %arg4[%dma_wait3A_1812, %select_n3A, %select_n3A_30, %mul3A_62, %mul3A_80] : memref<32x16x2x64x512xf32, #tpu.memory_space<hbm>> -> memref<1x1x1x8x128xf32, #tpu.memory_space<hbm>>
      %dma_wait3A_1820 = tpu.memref_squeeze %dma_wait3A_1819 : memref<1x1x1x8x128xf32, #tpu.memory_space<hbm>> -> memref<8x128xf32, #tpu.memory_space<hbm>>
      %dma_wait3A_1821 = arith.constant 0 : i32
      %dma_wait3A_1822 = arith.constant 0 : i32
      %dma_wait3A_1823 = tpu.memref_slice %arg6[%dma_wait3A_1811, %dma_wait3A_1821, %dma_wait3A_1822] : memref<32x8x128xf32, #tpu.memory_space<vmem>> -> memref<1x8x128xf32, #tpu.memory_space<vmem>>
      %dma_wait3A_1824 = tpu.memref_squeeze %dma_wait3A_1823 : memref<1x8x128xf32, #tpu.memory_space<vmem>> -> memref<8x128xf32, #tpu.memory_space<vmem>>
      tpu.wait_dma2 semaphore(%arg9 : memref<!tpu.dma_semaphore, #tpu.memory_space<semaphore_mem>>) src(%dma_wait3A_1824 : memref<8x128xf32, #tpu.memory_space<vmem>>) dst(%dma_wait3A_1820 : memref<8x128xf32, #tpu.memory_space<hbm>>)
      %dma_wait3A_1825 = arith.constant 28 : i32
      %dma_wait3A_1826 = arith.constant 28 : i32
      %dma_wait3A_1827 = arith.constant 0 : i32
      %dma_wait3A_1828 = arith.constant 0 : i32
      %dma_wait3A_1829 = tpu.memref_slice %arg6[%dma_wait3A_1825, %dma_wait3A_1827, %dma_wait3A_1828] : memref<32x8x128xf32, #tpu.memory_space<vmem>> -> memref<1x8x128xf32, #tpu.memory_space<vmem>>
      %dma_wait3A_1830 = tpu.memref_squeeze %dma_wait3A_1829 : memref<1x8x128xf32, #tpu.memory_space<vmem>> -> memref<8x128xf32, #tpu.memory_space<vmem>>
      %dma_wait3A_1831 = tpu.memref_slice %arg4[%dma_wait3A_1826, %select_n3A, %select_n3A_30, %mul3A_62, %mul3A_80] : memref<32x16x2x64x512xf32, #tpu.memory_space<hbm>> -> memref<1x1x1x8x128xf32, #tpu.memory_space<hbm>>
      %dma_wait3A_1832 = tpu.memref_squeeze %dma_wait3A_1831 : memref<1x1x1x8x128xf32, #tpu.memory_space<hbm>> -> memref<8x128xf32, #tpu.memory_space<hbm>>
      %dma_wait3A_1833 = tpu.memref_slice %arg4[%dma_wait3A_1826, %select_n3A, %select_n3A_30, %mul3A_62, %mul3A_80] : memref<32x16x2x64x512xf32, #tpu.memory_space<hbm>> -> memref<1x1x1x8x128xf32, #tpu.memory_space<hbm>>
      %dma_wait3A_1834 = tpu.memref_squeeze %dma_wait3A_1833 : memref<1x1x1x8x128xf32, #tpu.memory_space<hbm>> -> memref<8x128xf32, #tpu.memory_space<hbm>>
      %dma_wait3A_1835 = arith.constant 0 : i32
      %dma_wait3A_1836 = arith.constant 0 : i32
      %dma_wait3A_1837 = tpu.memref_slice %arg6[%dma_wait3A_1825, %dma_wait3A_1835, %dma_wait3A_1836] : memref<32x8x128xf32, #tpu.memory_space<vmem>> -> memref<1x8x128xf32, #tpu.memory_space<vmem>>
      %dma_wait3A_1838 = tpu.memref_squeeze %dma_wait3A_1837 : memref<1x8x128xf32, #tpu.memory_space<vmem>> -> memref<8x128xf32, #tpu.memory_space<vmem>>
      tpu.wait_dma2 semaphore(%arg9 : memref<!tpu.dma_semaphore, #tpu.memory_space<semaphore_mem>>) src(%dma_wait3A_1838 : memref<8x128xf32, #tpu.memory_space<vmem>>) dst(%dma_wait3A_1834 : memref<8x128xf32, #tpu.memory_space<hbm>>)
      %dma_wait3A_1839 = arith.constant 29 : i32
      %dma_wait3A_1840 = arith.constant 29 : i32
      %dma_wait3A_1841 = arith.constant 0 : i32
      %dma_wait3A_1842 = arith.constant 0 : i32
      %dma_wait3A_1843 = tpu.memref_slice %arg6[%dma_wait3A_1839, %dma_wait3A_1841, %dma_wait3A_1842] : memref<32x8x128xf32, #tpu.memory_space<vmem>> -> memref<1x8x128xf32, #tpu.memory_space<vmem>>
      %dma_wait3A_1844 = tpu.memref_squeeze %dma_wait3A_1843 : memref<1x8x128xf32, #tpu.memory_space<vmem>> -> memref<8x128xf32, #tpu.memory_space<vmem>>
      %dma_wait3A_1845 = tpu.memref_slice %arg4[%dma_wait3A_1840, %select_n3A, %select_n3A_30, %mul3A_62, %mul3A_80] : memref<32x16x2x64x512xf32, #tpu.memory_space<hbm>> -> memref<1x1x1x8x128xf32, #tpu.memory_space<hbm>>
      %dma_wait3A_1846 = tpu.memref_squeeze %dma_wait3A_1845 : memref<1x1x1x8x128xf32, #tpu.memory_space<hbm>> -> memref<8x128xf32, #tpu.memory_space<hbm>>
      %dma_wait3A_1847 = tpu.memref_slice %arg4[%dma_wait3A_1840, %select_n3A, %select_n3A_30, %mul3A_62, %mul3A_80] : memref<32x16x2x64x512xf32, #tpu.memory_space<hbm>> -> memref<1x1x1x8x128xf32, #tpu.memory_space<hbm>>
      %dma_wait3A_1848 = tpu.memref_squeeze %dma_wait3A_1847 : memref<1x1x1x8x128xf32, #tpu.memory_space<hbm>> -> memref<8x128xf32, #tpu.memory_space<hbm>>
      %dma_wait3A_1849 = arith.constant 0 : i32
      %dma_wait3A_1850 = arith.constant 0 : i32
      %dma_wait3A_1851 = tpu.memref_slice %arg6[%dma_wait3A_1839, %dma_wait3A_1849, %dma_wait3A_1850] : memref<32x8x128xf32, #tpu.memory_space<vmem>> -> memref<1x8x128xf32, #tpu.memory_space<vmem>>
      %dma_wait3A_1852 = tpu.memref_squeeze %dma_wait3A_1851 : memref<1x8x128xf32, #tpu.memory_space<vmem>> -> memref<8x128xf32, #tpu.memory_space<vmem>>
      tpu.wait_dma2 semaphore(%arg9 : memref<!tpu.dma_semaphore, #tpu.memory_space<semaphore_mem>>) src(%dma_wait3A_1852 : memref<8x128xf32, #tpu.memory_space<vmem>>) dst(%dma_wait3A_1848 : memref<8x128xf32, #tpu.memory_space<hbm>>)
      %dma_wait3A_1853 = arith.constant 30 : i32
      %dma_wait3A_1854 = arith.constant 30 : i32
      %dma_wait3A_1855 = arith.constant 0 : i32
      %dma_wait3A_1856 = arith.constant 0 : i32
      %dma_wait3A_1857 = tpu.memref_slice %arg6[%dma_wait3A_1853, %dma_wait3A_1855, %dma_wait3A_1856] : memref<32x8x128xf32, #tpu.memory_space<vmem>> -> memref<1x8x128xf32, #tpu.memory_space<vmem>>
      %dma_wait3A_1858 = tpu.memref_squeeze %dma_wait3A_1857 : memref<1x8x128xf32, #tpu.memory_space<vmem>> -> memref<8x128xf32, #tpu.memory_space<vmem>>
      %dma_wait3A_1859 = tpu.memref_slice %arg4[%dma_wait3A_1854, %select_n3A, %select_n3A_30, %mul3A_62, %mul3A_80] : memref<32x16x2x64x512xf32, #tpu.memory_space<hbm>> -> memref<1x1x1x8x128xf32, #tpu.memory_space<hbm>>
      %dma_wait3A_1860 = tpu.memref_squeeze %dma_wait3A_1859 : memref<1x1x1x8x128xf32, #tpu.memory_space<hbm>> -> memref<8x128xf32, #tpu.memory_space<hbm>>
      %dma_wait3A_1861 = tpu.memref_slice %arg4[%dma_wait3A_1854, %select_n3A, %select_n3A_30, %mul3A_62, %mul3A_80] : memref<32x16x2x64x512xf32, #tpu.memory_space<hbm>> -> memref<1x1x1x8x128xf32, #tpu.memory_space<hbm>>
      %dma_wait3A_1862 = tpu.memref_squeeze %dma_wait3A_1861 : memref<1x1x1x8x128xf32, #tpu.memory_space<hbm>> -> memref<8x128xf32, #tpu.memory_space<hbm>>
      %dma_wait3A_1863 = arith.constant 0 : i32
      %dma_wait3A_1864 = arith.constant 0 : i32
      %dma_wait3A_1865 = tpu.memref_slice %arg6[%dma_wait3A_1853, %dma_wait3A_1863, %dma_wait3A_1864] : memref<32x8x128xf32, #tpu.memory_space<vmem>> -> memref<1x8x128xf32, #tpu.memory_space<vmem>>
      %dma_wait3A_1866 = tpu.memref_squeeze %dma_wait3A_1865 : memref<1x8x128xf32, #tpu.memory_space<vmem>> -> memref<8x128xf32, #tpu.memory_space<vmem>>
      tpu.wait_dma2 semaphore(%arg9 : memref<!tpu.dma_semaphore, #tpu.memory_space<semaphore_mem>>) src(%dma_wait3A_1866 : memref<8x128xf32, #tpu.memory_space<vmem>>) dst(%dma_wait3A_1862 : memref<8x128xf32, #tpu.memory_space<hbm>>)
      %dma_wait3A_1867 = arith.constant 31 : i32
      %dma_wait3A_1868 = arith.constant 31 : i32
      %dma_wait3A_1869 = arith.constant 0 : i32
      %dma_wait3A_1870 = arith.constant 0 : i32
      %dma_wait3A_1871 = tpu.memref_slice %arg6[%dma_wait3A_1867, %dma_wait3A_1869, %dma_wait3A_1870] : memref<32x8x128xf32, #tpu.memory_space<vmem>> -> memref<1x8x128xf32, #tpu.memory_space<vmem>>
      %dma_wait3A_1872 = tpu.memref_squeeze %dma_wait3A_1871 : memref<1x8x128xf32, #tpu.memory_space<vmem>> -> memref<8x128xf32, #tpu.memory_space<vmem>>
      %dma_wait3A_1873 = tpu.memref_slice %arg4[%dma_wait3A_1868, %select_n3A, %select_n3A_30, %mul3A_62, %mul3A_80] : memref<32x16x2x64x512xf32, #tpu.memory_space<hbm>> -> memref<1x1x1x8x128xf32, #tpu.memory_space<hbm>>
      %dma_wait3A_1874 = tpu.memref_squeeze %dma_wait3A_1873 : memref<1x1x1x8x128xf32, #tpu.memory_space<hbm>> -> memref<8x128xf32, #tpu.memory_space<hbm>>
      %dma_wait3A_1875 = tpu.memref_slice %arg4[%dma_wait3A_1868, %select_n3A, %select_n3A_30, %mul3A_62, %mul3A_80] : memref<32x16x2x64x512xf32, #tpu.memory_space<hbm>> -> memref<1x1x1x8x128xf32, #tpu.memory_space<hbm>>
      %dma_wait3A_1876 = tpu.memref_squeeze %dma_wait3A_1875 : memref<1x1x1x8x128xf32, #tpu.memory_space<hbm>> -> memref<8x128xf32, #tpu.memory_space<hbm>>
      %dma_wait3A_1877 = arith.constant 0 : i32
      %dma_wait3A_1878 = arith.constant 0 : i32
      %dma_wait3A_1879 = tpu.memref_slice %arg6[%dma_wait3A_1867, %dma_wait3A_1877, %dma_wait3A_1878] : memref<32x8x128xf32, #tpu.memory_space<vmem>> -> memref<1x8x128xf32, #tpu.memory_space<vmem>>
      %dma_wait3A_1880 = tpu.memref_squeeze %dma_wait3A_1879 : memref<1x8x128xf32, #tpu.memory_space<vmem>> -> memref<8x128xf32, #tpu.memory_space<vmem>>
      tpu.wait_dma2 semaphore(%arg9 : memref<!tpu.dma_semaphore, #tpu.memory_space<semaphore_mem>>) src(%dma_wait3A_1880 : memref<8x128xf32, #tpu.memory_space<vmem>>) dst(%dma_wait3A_1876 : memref<8x128xf32, #tpu.memory_space<hbm>>)
    }
    %scan3A_35 = arith.constant 32 : i32
    return
  }
}

</mosaic_0001>

<sc_bundles>
// kernel: kernel.3.cloned.1.call-start
scs
__scs_entry_jumppad:
0x0: {  	(pc) =	sbr.rel $0x88, $3  }
0x1: {  	(tag) =	ssettag $0x0;
	lr =	simm.s32 $0x1  }
0x2: {  	[smem:$0x3F9F] =	sst lr;
	_ =	strace $0xD0000000  }
0x3: {  	_ = 	snop  }
0x4: {  	_ = 	snop  }
0x5: {  	_ = 	snop  }
0x6: {  	_ = 	snop  }
0x7: {  	_ = 	snop  }
__scs_overlays_trampoline_lowered:
0x8: {  	[smem:$0x3FAE] =	sst s0  }
0x9: {  	[smem:$0x3FAF] =	sst s1  }
0xa: {  	[smem:$0x3FB0] =	sst s2  }
0xb: {  	[smem:$0x3FB1] =	sst s3  }
0xc: {  	[smem:$0x3FB2] =	sst s4  }
0xd: {  	[smem:$0x3FB3] =	sst s5  }
0xe: {  	[smem:$0x3FB4] =	sst s6  }
0xf: {  	[smem:$0x3FB5] =	sst s7  }
0x10: {  	[smem:$0x3FB6] =	sst s8  }
0x11: {  	[smem:$0x3FB7] =	sst s9;
	s0 =	simm.s32 @!p0 $0x0  }
0x12: {  	s1 =	sld [smem:$0x3F9D];
	s0 =	simm.s32 @p0 $0x1  }
0x13: {  	[smem:$0x3FB8] =	sst s0;
	s0 =	simm.s32 @!p1 $0x0  }
0x14: {  	s2 =	sld [smem:$0x3F9C];
	s0 =	simm.s32 @p1 $0x1  }
0x15: {  	[smem:$0x3FB9] =	sst s0;
	s0 =	simm.s32 @!p2 $0x0  }
0x16: {  	s3 =	sld [smem:$0x3FDB];
	s0 =	simm.s32 @p2 $0x1  }
0x17: {  	s4 =	simm.s32 $0x1BF5;
	[smem:$0x3FBB] =	sst s0  }
0x18: {  	s0 =	sld [smem:$0x3F9E];
	_ =	swait.ge [sflag:s4], $0x0  }
0x19: {  	s7 =	sld [smem:$0x3F9F]  }
0x1a: {  	s8 =	sadd.s32 $0xFFFFE003, lr  }
0x1b: {  	s9 =	sadd.s32 $0xFFFFFEF7, lr;
	s5 =	simm.s32 $0xFFFFFFFF;
	p2 =	slt.u32 s8, $0xFFFFF086  }
0x1c: {  	p1 =	slt.u32 s9, $0xF7A;
	s5 =	simm.s32 @!p2 $0x0  }
0x1d: {  	s5 =	simm.s32 @p1 $0x1;
	p0 =	seq.s32 s7, s2  }
0x1e: {  	s7 =	smul.u32 @!p0 $0xF7A, s2;
	p2 =	seq.s32 @!p0 s5, $0x0  }
0x1f: {  	s9 =	smul.u32 $0xF7A, s1;
	s8 =	simm.s32 @!p0 $0x1BF5;
	p2 =	por !p2, p0  }
0x20: {  	[sflag:s8] =	ssyncset.s32 @!p0 $0xFFFFF086;
	s6 =	sadd.s32 @!p0 s3, s7;
	s7 =	simm.s32 @!p0 $0x108  }
0x21: {  	s3 =	sadd.s32 s3, s9;
	s6 =	sadd.s32 @!p0 $0x88, s6;
	s7 =	simm.s32 @p2 $0x1082  }
0x22: {  	[simem:s7], [sflag:s8] =	dma.local @!p0 [hbm:s6], $0xF7A  }
0x23: {  	s9 =	sor.u32 $0xD0000000, s2;
	s6 =	simm.s32 $0x108;
	_ =	swait.ge @!p0 [sflag:s8], $0x0  }
0x24: {  	s3 =	sadd.s32 $0x88, s3;
	s6 =	simm.s32 @!p1 $0x1082;
	[sflag:s4] =	ssyncset.s32 $0xFFFFF086  }
0x25: {  	[simem:s6], [sflag:s4] =	dma.local [hbm:s3], $0xF7A  }
0x26: {  	[smem:$0x3F9F] =	sst s1;
	(tag) =	ssettag s2;
	_ =	strace s9  }
0x27: {  	s1 =	sld [smem:$0x3FAF]  }
0x28: {  	s2 =	sld [smem:$0x3FB0]  }
0x29: {  	s4 =	sld [smem:$0x3FB2]  }
0x2a: {  	p0 =	seq.s32 s5, $0x0;
	s5 =	sld [smem:$0x3FB3]  }
0x2b: {  	s6 =	sld [smem:$0x3FB4]  }
0x2c: {  	s7 =	sld [smem:$0x3FB5]  }
0x2d: {  	s3 =	simm.s32 $0x108;
	s8 =	sld [smem:$0x3FB6]  }
0x2e: {  	s3 =	simm.s32 @!p0 $0x1082;
	s9 =	sld [smem:$0x3FB7]  }
0x2f: {  	lr =	sadd.s32 s0, s3;
	s0 =	sld [smem:$0x3FAE]  }
0x30: {  	s3 =	sld [smem:$0x3FB1]  }
0x31: {  	[smem:$0x3FBA] =	sst s10  }
0x32: {  	s10 =	sld [smem:$0x3FB8];
	_ =	sdelay $0x3  }
0x33: {  	p0 =	seq.s32 s10, $0x1;
	s10 =	sld [smem:$0x3FBA];
	_ =	sdelay $0x3  }
0x34: {  	[smem:$0x3FBA] =	sst s10  }
0x35: {  	s10 =	sld [smem:$0x3FB9];
	_ =	sdelay $0x3  }
0x36: {  	p1 =	seq.s32 s10, $0x1;
	s10 =	sld [smem:$0x3FBA];
	_ =	sdelay $0x3  }
0x37: {  	[smem:$0x3FBA] =	sst s10  }
0x38: {  	s10 =	sld [smem:$0x3FBB]  }
0x39: {  	_ = 	snop;
	(pc) =	sbr.ind lr, $3  }
0x3a: {  	_ = 	snop  }
0x3b: {  	_ = 	snop  }
0x3c: {  	p2 =	seq.s32 s10, $0x1;
	s10 =	sld [smem:$0x3FBA]  }
0x3d: {  	_ =	shalt  }
0x3e: {  	_ =	shalt  }
0x3f: {  	_ =	shalt  }
0x40: {  	_ =	shalt  }
0x41: {  	_ =	shalt  }
0x42: {  	_ =	shalt  }
0x43: {  	_ =	shalt  }
0x44: {  	_ =	shalt  }
0x45: {  	_ =	shalt  }
0x46: {  	_ =	shalt  }
0x47: {  	_ =	shalt  }
0x48: {  	_ =	shalt  }
0x49: {  	_ =	shalt  }
0x4a: {  	_ =	shalt  }
0x4b: {  	_ =	shalt  }
0x4c: {  	_ =	shalt  }
0x4d: {  	_ =	shalt  }
0x4e: {  	_ =	shalt  }
0x4f: {  	_ =	shalt  }
0x50: {  	_ =	shalt  }
0x51: {  	_ =	shalt  }
0x52: {  	_ =	shalt  }
0x53: {  	_ =	shalt  }
0x54: {  	_ =	shalt  }
0x55: {  	_ =	shalt  }
0x56: {  	_ =	shalt  }
0x57: {  	_ =	shalt  }
0x58: {  	_ =	shalt  }
0x59: {  	_ =	shalt  }
0x5a: {  	_ =	shalt  }
0x5b: {  	_ =	shalt  }
0x5c: {  	_ =	shalt  }
0x5d: {  	_ =	shalt  }
0x5e: {  	_ =	shalt  }
0x5f: {  	_ =	shalt  }
0x60: {  	_ =	shalt  }
0x61: {  	_ =	shalt  }
0x62: {  	_ =	shalt  }
0x63: {  	_ =	shalt  }
0x64: {  	_ =	shalt  }
0x65: {  	_ =	shalt  }
0x66: {  	_ =	shalt  }
0x67: {  	_ =	shalt  }
0x68: {  	_ =	shalt  }
0x69: {  	_ =	shalt  }
0x6a: {  	_ =	shalt  }
0x6b: {  	_ =	shalt  }
0x6c: {  	_ =	shalt  }
0x6d: {  	_ =	shalt  }
0x6e: {  	_ =	shalt  }
0x6f: {  	_ =	shalt  }
0x70: {  	_ =	shalt  }
0x71: {  	_ =	shalt  }
0x72: {  	_ =	shalt  }
0x73: {  	_ =	shalt  }
0x74: {  	_ =	shalt  }
0x75: {  	_ =	shalt  }
0x76: {  	_ =	shalt  }
0x77: {  	_ =	shalt  }
0x78: {  	_ =	shalt  }
0x79: {  	_ =	shalt  }
0x7a: {  	_ =	shalt  }
0x7b: {  	_ =	shalt  }
0x7c: {  	_ =	shalt  }
0x7d: {  	_ =	shalt  }
0x7e: {  	_ =	shalt  }
0x7f: {  	_ =	shalt  }
0x80: {  	_ =	shalt  }
0x81: {  	_ =	shalt  }
0x82: {  	_ =	shalt  }
0x83: {  	_ =	shalt  }
0x84: {  	_ =	shalt  }
0x85: {  	_ =	shalt  }
0x86: {  	_ =	shalt  }
0x87: {  	_ =	shalt  }
.Lfunc_end0:
.L_simem_size_0:
called_computation_lowered:
.L_overlay_start_0:
0x88: {  	s2 =	sld [smem:$0x3FD9]  }
0x89: {  	s3 =	sld [smem:$0x3FFE];
	_ =	sdelay $0x1  }
0x8a: {  	s1 =	srdreg.scid  }
0x8b: {  	s0 =	sand.u32 $0x1, s1  }
0x8c: {  	s17 =	sshll.u32 s0, $0xA;
	s2 =	sadd.s32 s3, s2  }
0x8d: {  	s2 =	sadd.s32 s2, s17  }
0x8e: {  	[smem:$0x3FC6] =	sst s2  }
0x8f: {  	_ = 	snop  }
0x90: {  	s2 =	sld [smem:$0x3FC9]  }
0x91: {  	s18 =	sld [smem:$0x3FD0];
	(tm) =	ssettm $0x1  }
0x92: {  	s4 =	sld [smem:$0x3FFB];
	_ =	sdelay $0x3  }
0x93: {  	_ =	strace s4  }
0x94: {  	s4 =	sld [smem:$0x3FFC];
	_ =	sdelay $0x3  }
0x95: {  	_ =	strace s4  }
0x96: {  	s4 =	sld [smem:$0x3FFD];
	_ =	sdelay $0x3  }
0x97: {  	_ =	strace s4  }
0x98: {  	_ =	strace $0x8FFFFFFF  }
0x99: {  	s19 =	sld [smem:$0x3FDB];
	_ =	sdelay $0x1  }
0x9a: {  	s5 =	simm.s32 $_scs_section_size  }
0x9b: {  	s6 =	simm.s32 $_size__tile_overlayer_lowered;
	s7 =	simm.s32 $_tile_overlayer_lowered  }
0x9c: {  	s22 =	simm.s32 $0x1BFF;
	s21 =	sshll.u32 s7, $0x1;
	s4 =	sadd.s32 s5, s19  }
0x9d: {  	s8 =	simm.s32 $0x0;
	s20 =	sshll.u32 s6, $0x1;
	s6 =	sadd.s32 s21, s4  }
0x9e: {  	[timem:s8], [sflag:s22] =	dma.local [hbm:s6], s20  }
0x9f: {  	_ =	swait.ge [sflag:s22], s20  }
0xa0: {  	s5 =	ssub.s32 $0x0, s20;
	[sflag:s22] =	ssyncset.done $0x0  }
0xa1: {  	[sflag:s22] =	ssyncadd.s32 s5;
	_ =	sdelay $0x1  }
0xa2: {  	s23 =	simm.s32 $0x1B8B  }
0xa3: {  	_ =	swait.ge [sflag:s23], $0x1  }
0xa4: {  	[sflag:s23] =	ssyncset.done $0x0  }
0xa5: {  	s25 =	simm.s32 $0x1B8E;
	s24 =	sld [smem:$0x3FFE];
	[sflag:s23] =	ssyncadd.s32 $0xFFFFFFFF  }
0xa6: {  	s26 =	simm.s32 $execute0_lowered;
	[smem:$0x3FD2] =	sst s25  }
0xa7: {  	s6 =	sshll.u32 s26, $0x1;
	_ =	strace $0x80000046;
	[dreg:$0x1] =	wrdreg $0xFFFFFFFF  }
0xa8: {  	s28 =	simm.s32 $_size_execute0_lowered;
	s4 =	sadd.s32 s4, s6;
	[dreg:$0x0] =	wrdreg $0x0  }
0xa9: {  	s6 =	sshll.u32 s28, $0x1;
	[dreg:$0x2] =	wrdreg s4  }
0xaa: {  	[dreg:$0x3] =	wrdreg s6  }
0xab: {  	[dreg:$0x4] =	wrdreg $0xC0  }
0xac: {  	_ =	task [dreg:s8], $0x5FFFF  }
0xad: {  	[dreg:$0x1] =	wrdreg $0xFFFFFFFF  }
0xae: {  	[dreg:$0x0] =	wrdreg $0x60  }
0xaf: {  	[dreg:$0x2] =	wrdreg s2  }
0xb0: {  	[dreg:$0x3] =	wrdreg s24  }
0xb1: {  	[dreg:$0x4] =	wrdreg s18  }
0xb2: {  	[dreg:$0x5] =	wrdreg $0x9  }
0xb3: {  	_ =	task.clear_ibuf [dreg:s8], $0x6FFFF;
	_ =	strace $0x90000046  }
0xb4: {  	s29 =	simm.s32 $0x9;
	_ =	strace $0x80000048  }
0xb5: {  	_ =	swait.ge [sflag:s29], $0x1  }
0xb6: {  	[sflag:s29] =	ssyncadd.s32 $0xFFFFFFFF  }
0xb7: {  	_ =	strace $0x90000048  }
0xb8: {  	_ =	sfence  }
0xb9: {  	s30 =	sld [smem:$0x0];
	_ =	sdelay $0x2  }
0xba: {  	s31 =	sshll.u32 s1, $0xD;
	s1 =	sshrl.u32 s1, $0x2  }
0xbb: {  	s3 =	sand.u32 $0x4000, s31;
	s1 =	sadd.s32 s1, s30  }
0xbc: {  	s0 =	sor.u32 s3, s0;
	s1 =	sshll.u32 s1, $0x11  }
0xbd: {  	s0 =	sor.u32 s1, s0  }
0xbe: {  	s0 =	sadd.s32 $0x8F2B, s0  }
0xbf: {  	[sflag:s0] =	ssyncadd.remote.s32 $0x1  }
0xc0: {  	_ =	sfence.sel $0xFFFF  }
0xc1: {  	[dreg:$0x0] =	wrdreg $0xFFFFFFFF;
	(pc) =	sbr.abs _section_cstart, $3  }
0xc2: {  	[dreg:$0x1] =	wrdreg $0xFFFFFFFF  }
0xc3: {  	_ =	task.clear_ibuf [dreg:s8], $0x2FFFF;
	_ =	strace $0x9FFFFFFF  }
0xc4: {  	(tm) =	ssettm $0x7FFFFFFF  }
0xc5: {  	_ =	shalt  }
tec
execute0_lowered:
.L_overlay_start_1:
0x0: {  	(tag) =	ssettag $0x1  }
0x1: {  	s1 =	srdreg.scid;
	s6 =	stileid.u32  }
0x2: {  	s0 =	rddreg [dreg:$0x1];
	s1 =	sand.u32 $0x1, s1;
	s2 =	sshll.u32 s6, $0x1  }
0x3: {  	s3 =	simm.s32 $0x0;
	s4 =	simm.s32 $0x1;
	s2 =	sor.u32 s1, s2  }
0x4: {  	[smem:$0x7FF] =	sst s3;
	p1 =	seq.s32 s1, $0x1;
	p0 =	seq.s32 s2, $0x0  }
0x5: {  	s0 =	sadd.s32 $0xA00, s0;
	s28 =	ssub.s32 $0x2, s1;
	p0 =	por !p0, !p1  }
0x6: {  	_ =	strace $0x80000047;
	[dreg:$0x4] =	wrdreg s0;
	p0 =	por !p0, !p0  }
0x7: {  	v61 =	vimm.s32 $0x0;
	v62 =	vimm.s32 $0xFFFFFFFE;
	v63 =	vimm.s32 $0xFFFFFFFC;
	s1 =	sshll.u32 s1, $0xF;
	s5 =	sshrl.u32 s28, $0x1;
	s4 =	simm.s32 @!p0 $0x0  }
0x8: {  	v30 =	vimm.s32 $0xFFFFFFFA;
	v35 =	vimm.s32 $0xFFFFFFF8;
	v36 =	vimm.s32 $0xFFFFFFF6;
	s31 =	sshll.u32 s2, $0xF;
	s29 =	ssub.s32 s28, s5;
	s30 =	ssub.s32 s6, s4  }
0x9: {  	v37 =	vimm.s32 $0xFFFFFFF4;
	v40 =	vimm.s32 $0xFFFFFFF2;
	v47 =	vimm.s32 $0xFFFFFFF0;
	[dreg:$0x6] =	wrdreg s31;
	s0 =	smax.u32 s29, $0x1;
	s3 =	sshll.u32 s30, $0x10  }
0xa: {  	v48 =	vimm.s32 $0xFFFFFFEE;
	v49 =	vimm.s32 $0xFFFFFFEC;
	v51 =	vimm.s32 $0xFFFFFFEA;
	[dreg:$0x7] =	wrdreg s0;
	s1 =	sor.u32 s1, s3  }
0xb: {  	s18 =	simm.s32 $0x8000;
	v58 =	vimm.s32 $0xFFFFFFE8;
	v59 =	vimm.s32 $0xFFFFFFE6;
	v60 =	vimm.s32 $0xFFFFFFE4;
	[dreg:$0x5] =	wrdreg s1;
	s1 =	simm.s32 $0x0  }
.LBB2_1:
0xc: {  	[dreg:$0x8] =	wrdreg s1;
	s1 =	simm.s32 $0x0  }
.LBB2_2:
0xd: {  	s12 =	sshll.u32 s1, $0xA  }
0xe: {  	s2 =	rddreg [dreg:$0x5];
	s0 =	sand.u32 $0x7000, s12  }
0xf: {  	[dreg:$0x9] =	wrdreg s1;
	s1 =	sand.u32 $0xC00, s12;
	s2 =	sor.u32 s2, s0  }
0x10: {  	s2 =	sor.u32 s1, s2  }
0x11: {  	s4 =	rddreg [dreg:$0x0];
	s6 =	simm.s32 $0x0;
	s3 =	sshrl.u32 s2, $0x3  }
0x12: {  	s13 =	sadd.s32 $0x100000, s2;
	[dreg:$0xa] =	wrdreg s3;
	s3 =	sadd.s32 s4, s3  }
0x13: {  	[tilespmem:s6], [sflag:$0x1] =	stream.linear.gather [hbm4b:s3+s6], $0x400, $0x38;
	[tilespmem:$0x10400] =	vst v63  }
0x14: {  	s5 =	simm.s32 $0x400;
	s3 =	sshrl.u32 s13, $0x3  }
0x15: {  	s14 =	sadd.s32 $0x200000, s2;
	[dreg:$0xb] =	wrdreg s3;
	s3 =	sadd.s32 s4, s3  }
0x16: {  	[tilespmem:s5], [sflag:$0x1] =	stream.linear.gather [hbm4b:s3+s6], $0x400, $0x38;
	[tilespmem:$0x10400] =	vst v63  }
0x17: {  	s15 =	simm.s32 $0x800;
	s3 =	sshrl.u32 s14, $0x3  }
0x18: {  	s16 =	sadd.s32 $0x300000, s2;
	[dreg:$0xd] =	wrdreg s3;
	s3 =	sadd.s32 s4, s3  }
0x19: {  	[tilespmem:s15], [sflag:$0x1] =	stream.linear.gather [hbm4b:s3+s6], $0x400, $0x38;
	[tilespmem:$0x10400] =	vst v63  }
0x1a: {  	s17 =	simm.s32 $0xC00;
	s3 =	sshrl.u32 s16, $0x3  }
0x1b: {  	s19 =	sadd.s32 $0x400000, s2;
	[dreg:$0xe] =	wrdreg s3;
	s3 =	sadd.s32 s4, s3  }
0x1c: {  	[tilespmem:s17], [sflag:$0x1] =	stream.linear.gather [hbm4b:s3+s6], $0x400, $0x38;
	[tilespmem:$0x10400] =	vst v63  }
0x1d: {  	s20 =	simm.s32 $0x1000;
	s3 =	sshrl.u32 s19, $0x3  }
0x1e: {  	s21 =	sadd.s32 $0x500000, s2;
	[dreg:$0xf] =	wrdreg s3;
	s3 =	sadd.s32 s4, s3  }
0x1f: {  	[tilespmem:s20], [sflag:$0x1] =	stream.linear.gather [hbm4b:s3+s6], $0x400, $0x38;
	[tilespmem:$0x10400] =	vst v63  }
0x20: {  	s22 =	simm.s32 $0x1400;
	s3 =	sshrl.u32 s21, $0x3  }
0x21: {  	s23 =	sadd.s32 $0x600000, s2;
	[dreg:$0x10] =	wrdreg s3;
	s3 =	sadd.s32 s4, s3  }
0x22: {  	[tilespmem:s22], [sflag:$0x1] =	stream.linear.gather [hbm4b:s3+s6], $0x400, $0x38;
	[tilespmem:$0x10400] =	vst v63  }
0x23: {  	s24 =	simm.s32 $0x1800;
	s3 =	sshrl.u32 s23, $0x3  }
0x24: {  	s25 =	sadd.s32 $0x700000, s2;
	[dreg:$0x11] =	wrdreg s3;
	s3 =	sadd.s32 s4, s3  }
0x25: {  	[tilespmem:s24], [sflag:$0x1] =	stream.linear.gather [hbm4b:s3+s6], $0x400, $0x38;
	[tilespmem:$0x10400] =	vst v63  }
0x26: {  	s26 =	simm.s32 $0x1C00;
	s3 =	sshrl.u32 s25, $0x3  }
0x27: {  	s28 =	sadd.s32 $0x800000, s2;
	[dreg:$0x12] =	wrdreg s3;
	s3 =	sadd.s32 s4, s3  }
0x28: {  	[tilespmem:s26], [sflag:$0x1] =	stream.linear.gather [hbm4b:s3+s6], $0x400, $0x38;
	[tilespmem:$0x10400] =	vst v63  }
0x29: {  	s29 =	simm.s32 $0x2000;
	s3 =	sshrl.u32 s28, $0x3  }
0x2a: {  	s30 =	sadd.s32 $0x900000, s2;
	[dreg:$0x13] =	wrdreg s3;
	s3 =	sadd.s32 s4, s3  }
0x2b: {  	[tilespmem:s29], [sflag:$0x1] =	stream.linear.gather [hbm4b:s3+s6], $0x400, $0x38;
	[tilespmem:$0x10400] =	vst v63  }
0x2c: {  	s31 =	simm.s32 $0x2400;
	s3 =	sshrl.u32 s30, $0x3  }
0x2d: {  	s5 =	sadd.s32 $0xA00000, s2;
	[dreg:$0x14] =	wrdreg s3;
	s3 =	sadd.s32 s4, s3  }
0x2e: {  	[tilespmem:s31], [sflag:$0x1] =	stream.linear.gather [hbm4b:s3+s6], $0x400, $0x38;
	[tilespmem:$0x10400] =	vst v63  }
0x2f: {  	s7 =	simm.s32 $0x2800;
	s3 =	sshrl.u32 s5, $0x3  }
0x30: {  	s8 =	sadd.s32 $0xB00000, s2;
	[dreg:$0x15] =	wrdreg s3;
	s3 =	sadd.s32 s4, s3  }
0x31: {  	[tilespmem:s7], [sflag:$0x1] =	stream.linear.gather [hbm4b:s3+s6], $0x400, $0x38;
	[tilespmem:$0x10400] =	vst v63  }
0x32: {  	s9 =	simm.s32 $0x2C00;
	s3 =	sshrl.u32 s8, $0x3  }
0x33: {  	s10 =	sadd.s32 $0xC00000, s2;
	[dreg:$0x16] =	wrdreg s3;
	s3 =	sadd.s32 s4, s3  }
0x34: {  	[tilespmem:s9], [sflag:$0x1] =	stream.linear.gather [hbm4b:s3+s6], $0x400, $0x38;
	[tilespmem:$0x10400] =	vst v63  }
0x35: {  	s11 =	simm.s32 $0x3000;
	s3 =	sshrl.u32 s10, $0x3  }
0x36: {  	s12 =	sadd.s32 $0xD00000, s2;
	[dreg:$0x17] =	wrdreg s3;
	s3 =	sadd.s32 s4, s3  }
0x37: {  	[tilespmem:s11], [sflag:$0x1] =	stream.linear.gather [hbm4b:s3+s6], $0x400, $0x38;
	[tilespmem:$0x10400] =	vst v63  }
0x38: {  	s13 =	simm.s32 $0x3400;
	s3 =	sshrl.u32 s12, $0x3  }
0x39: {  	s14 =	sadd.s32 $0xE00000, s2;
	[dreg:$0x18] =	wrdreg s3;
	s3 =	sadd.s32 s4, s3  }
0x3a: {  	[tilespmem:s13], [sflag:$0x1] =	stream.linear.gather [hbm4b:s3+s6], $0x400, $0x38;
	[tilespmem:$0x10400] =	vst v63  }
0x3b: {  	s15 =	simm.s32 $0x3800;
	s3 =	sshrl.u32 s14, $0x3  }
0x3c: {  	s16 =	sadd.s32 $0xF00000, s2;
	[dreg:$0x19] =	wrdreg s3;
	s3 =	sadd.s32 s4, s3  }
0x3d: {  	[tilespmem:s15], [sflag:$0x1] =	stream.linear.gather [hbm4b:s3+s6], $0x400, $0x38;
	[tilespmem:$0x10400] =	vst v63  }
0x3e: {  	s17 =	simm.s32 $0x3C00;
	s3 =	sshrl.u32 s16, $0x3  }
0x3f: {  	s19 =	sadd.s32 $0x1000000, s2;
	[dreg:$0x1a] =	wrdreg s3;
	s3 =	sadd.s32 s4, s3  }
0x40: {  	[tilespmem:s17], [sflag:$0x1] =	stream.linear.gather [hbm4b:s3+s6], $0x400, $0x38;
	[tilespmem:$0x10400] =	vst v63  }
0x41: {  	s20 =	simm.s32 $0x4000;
	s3 =	sshrl.u32 s19, $0x3  }
0x42: {  	s21 =	sadd.s32 $0x1100000, s2;
	[dreg:$0x1b] =	wrdreg s3;
	s3 =	sadd.s32 s4, s3  }
0x43: {  	[tilespmem:s20], [sflag:$0x1] =	stream.linear.gather [hbm4b:s3+s6], $0x400, $0x38;
	[tilespmem:$0x10400] =	vst v63  }
0x44: {  	s22 =	simm.s32 $0x4400;
	s3 =	sshrl.u32 s21, $0x3  }
0x45: {  	s23 =	sadd.s32 $0x1200000, s2;
	[dreg:$0x1c] =	wrdreg s3;
	s3 =	sadd.s32 s4, s3  }
0x46: {  	[tilespmem:s22], [sflag:$0x1] =	stream.linear.gather [hbm4b:s3+s6], $0x400, $0x38;
	[tilespmem:$0x10400] =	vst v63  }
0x47: {  	s24 =	simm.s32 $0x4800;
	s3 =	sshrl.u32 s23, $0x3  }
0x48: {  	s25 =	sadd.s32 $0x1300000, s2;
	[dreg:$0x1d] =	wrdreg s3;
	s3 =	sadd.s32 s4, s3  }
0x49: {  	[tilespmem:s24], [sflag:$0x1] =	stream.linear.gather [hbm4b:s3+s6], $0x400, $0x38;
	[tilespmem:$0x10400] =	vst v63  }
0x4a: {  	s26 =	simm.s32 $0x4C00;
	s3 =	sshrl.u32 s25, $0x3  }
0x4b: {  	s28 =	sadd.s32 $0x1400000, s2;
	[dreg:$0x1e] =	wrdreg s3;
	s3 =	sadd.s32 s4, s3  }
0x4c: {  	[tilespmem:s26], [sflag:$0x1] =	stream.linear.gather [hbm4b:s3+s6], $0x400, $0x38;
	[tilespmem:$0x10400] =	vst v63  }
0x4d: {  	s29 =	simm.s32 $0x5000;
	s3 =	sshrl.u32 s28, $0x3  }
0x4e: {  	s30 =	sadd.s32 $0x1500000, s2;
	[dreg:$0x1f] =	wrdreg s3;
	s3 =	sadd.s32 s4, s3  }
0x4f: {  	[tilespmem:s29], [sflag:$0x1] =	stream.linear.gather [hbm4b:s3+s6], $0x400, $0x38;
	[tilespmem:$0x10400] =	vst v63  }
0x50: {  	s31 =	simm.s32 $0x5400;
	s3 =	sshrl.u32 s30, $0x3  }
0x51: {  	s7 =	sadd.s32 $0x1600000, s2;
	[smem:$0x7F3] =	sst s3;
	s3 =	sadd.s32 s4, s3  }
0x52: {  	[tilespmem:s31], [sflag:$0x1] =	stream.linear.gather [hbm4b:s3+s6], $0x400, $0x38;
	[tilespmem:$0x10400] =	vst v63  }
0x53: {  	s8 =	simm.s32 $0x5800;
	s3 =	sshrl.u32 s7, $0x3  }
0x54: {  	s9 =	sadd.s32 $0x1700000, s2;
	[smem:$0x7F4] =	sst s3;
	s3 =	sadd.s32 s4, s3  }
0x55: {  	[tilespmem:s8], [sflag:$0x1] =	stream.linear.gather [hbm4b:s3+s6], $0x400, $0x38;
	[tilespmem:$0x10400] =	vst v63  }
0x56: {  	s10 =	simm.s32 $0x5C00;
	s3 =	sshrl.u32 s9, $0x3  }
0x57: {  	s11 =	sadd.s32 $0x1800000, s2;
	[smem:$0x7F5] =	sst s3;
	s3 =	sadd.s32 s4, s3  }
0x58: {  	[tilespmem:s10], [sflag:$0x1] =	stream.linear.gather [hbm4b:s3+s6], $0x400, $0x38;
	[tilespmem:$0x10400] =	vst v63  }
0x59: {  	s12 =	simm.s32 $0x6000;
	s13 =	sadd.s32 $0x1900000, s2;
	s3 =	sshrl.u32 s11, $0x3  }
0x5a: {  	s14 =	simm.s32 $0x6400;
	[smem:$0x7F6] =	sst s3;
	s3 =	sadd.s32 s4, s3  }
0x5b: {  	[tilespmem:s12], [sflag:$0x1] =	stream.linear.gather [hbm4b:s3+s6], $0x400, $0x38;
	[tilespmem:$0x10400] =	vst v63  }
0x5c: {  	s15 =	sadd.s32 $0x1A00000, s2;
	s16 =	simm.s32 $0x6800;
	s3 =	sshrl.u32 s13, $0x3  }
0x5d: {  	s17 =	sadd.s32 $0x1B00000, s2;
	[smem:$0x7F7] =	sst s3;
	s3 =	sadd.s32 s4, s3  }
0x5e: {  	[tilespmem:s14], [sflag:$0x1] =	stream.linear.gather [hbm4b:s3+s6], $0x400, $0x38;
	[tilespmem:$0x10400] =	vst v63  }
0x5f: {  	s19 =	simm.s32 $0x6C00;
	s20 =	sadd.s32 $0x1C00000, s2;
	s3 =	sshrl.u32 s15, $0x3  }
0x60: {  	s22 =	sadd.s32 $0x1D00000, s2;
	[smem:$0x7F8] =	sst s3;
	s3 =	sadd.s32 s4, s3  }
0x61: {  	[tilespmem:s16], [sflag:$0x1] =	stream.linear.gather [hbm4b:s3+s6], $0x400, $0x38;
	[tilespmem:$0x10400] =	vst v63  }
0x62: {  	s24 =	sadd.s32 $0x1E00000, s2;
	s2 =	sadd.s32 $0x1F00000, s2;
	s3 =	sshrl.u32 s17, $0x3  }
0x63: {  	s2 =	sshrl.u32 s2, $0x3;
	[smem:$0x7F9] =	sst s3;
	s3 =	sadd.s32 s4, s3  }
0x64: {  	[tilespmem:s19], [sflag:$0x1] =	stream.linear.gather [hbm4b:s3+s6], $0x400, $0x38;
	[tilespmem:$0x10400] =	vst v63  }
0x65: {  	[smem:$0x7FD] =	sst s2;
	s3 =	sshrl.u32 s20, $0x3  }
0x66: {  	s21 =	simm.s32 $0x7000;
	[smem:$0x7FA] =	sst s3;
	s3 =	sadd.s32 s4, s3  }
0x67: {  	[tilespmem:s21], [sflag:$0x1] =	stream.linear.gather [hbm4b:s3+s6], $0x400, $0x38;
	[tilespmem:$0x10400] =	vst v63  }
0x68: {  	s23 =	simm.s32 $0x7400;
	s28 =	rddreg [dreg:$0x6];
	s3 =	sshrl.u32 s22, $0x3  }
0x69: {  	s25 =	simm.s32 $0x7800;
	[smem:$0x7FB] =	sst s3;
	s3 =	sadd.s32 s4, s3  }
0x6a: {  	[tilespmem:s23], [sflag:$0x1] =	stream.linear.gather [hbm4b:s3+s6], $0x400, $0x38;
	[tilespmem:$0x10400] =	vst v63  }
0x6b: {  	s2 =	sadd.s32 s4, s2;
	s0 =	sor.u32 s28, s0;
	s3 =	sshrl.u32 s24, $0x3  }
0x6c: {  	s0 =	sor.u32 s1, s0;
	[smem:$0x7FC] =	sst s3;
	s3 =	sadd.s32 s4, s3  }
0x6d: {  	[tilespmem:s25], [sflag:$0x1] =	stream.linear.gather [hbm4b:s3+s6], $0x400, $0x38;
	[tilespmem:$0x10400] =	vst v63  }
0x6e: {  	s26 =	simm.s32 $0x7C00;
	s29 =	rddreg [dreg:$0x4];
	s0 =	sshrl.u32 s0, $0x3  }
0x6f: {  	[tilespmem:s26], [sflag:$0x1] =	stream.linear.gather [hbm4b:s2+s6], $0x400, $0x38;
	[tilespmem:$0x10400] =	vst v63  }
0x70: {  	s30 =	simm.s32 $0x10000;
	s0 =	sadd.s32 s29, s0;
	s31 =	simm.s32 $0x1  }
0x71: {  	[tilespmem:s30], [sflag:$0x1] =	stream.linear.gather [hbm4b:s0+s6], $0x400, $0x38;
	[tilespmem:$0x10400] =	vst v63  }
0x72: {  	_ =	swait.ge [sflag:s31], $0x400  }
0x73: {  	[sflag:s31] =	ssyncset.done $0x0  }
0x74: {  	[sflag:s31] =	ssyncadd.s32 $0xFFFFFC00  }
0x75: {  	_ =	swait.ge [sflag:s31], $0x400  }
0x76: {  	[sflag:s31] =	ssyncset.done $0x0  }
0x77: {  	[sflag:s31] =	ssyncadd.s32 $0xFFFFFC00  }
0x78: {  	_ =	swait.ge [sflag:s31], $0x400  }
0x79: {  	[sflag:s31] =	ssyncset.done $0x0  }
0x7a: {  	[sflag:s31] =	ssyncadd.s32 $0xFFFFFC00  }
0x7b: {  	_ =	swait.ge [sflag:s31], $0x400  }
0x7c: {  	[sflag:s31] =	ssyncset.done $0x0  }
0x7d: {  	[sflag:s31] =	ssyncadd.s32 $0xFFFFFC00  }
0x7e: {  	_ =	swait.ge [sflag:s31], $0x400  }
0x7f: {  	[sflag:s31] =	ssyncset.done $0x0  }
0x80: {  	[sflag:s31] =	ssyncadd.s32 $0xFFFFFC00  }
0x81: {  	_ =	swait.ge [sflag:s31], $0x400  }
0x82: {  	[sflag:s31] =	ssyncset.done $0x0  }
0x83: {  	[sflag:s31] =	ssyncadd.s32 $0xFFFFFC00  }
0x84: {  	_ =	swait.ge [sflag:s31], $0x400  }
0x85: {  	[sflag:s31] =	ssyncset.done $0x0  }
0x86: {  	[sflag:s31] =	ssyncadd.s32 $0xFFFFFC00  }
0x87: {  	_ =	swait.ge [sflag:s31], $0x400  }
0x88: {  	[sflag:s31] =	ssyncset.done $0x0  }
0x89: {  	[sflag:s31] =	ssyncadd.s32 $0xFFFFFC00  }
0x8a: {  	_ =	swait.ge [sflag:s31], $0x400  }
0x8b: {  	[sflag:s31] =	ssyncset.done $0x0  }
0x8c: {  	[sflag:s31] =	ssyncadd.s32 $0xFFFFFC00  }
0x8d: {  	_ =	swait.ge [sflag:s31], $0x400  }
0x8e: {  	[sflag:s31] =	ssyncset.done $0x0  }
0x8f: {  	[sflag:s31] =	ssyncadd.s32 $0xFFFFFC00  }
0x90: {  	_ =	swait.ge [sflag:s31], $0x400  }
0x91: {  	[sflag:s31] =	ssyncset.done $0x0  }
0x92: {  	[sflag:s31] =	ssyncadd.s32 $0xFFFFFC00  }
0x93: {  	_ =	swait.ge [sflag:s31], $0x400  }
0x94: {  	[sflag:s31] =	ssyncset.done $0x0  }
0x95: {  	[sflag:s31] =	ssyncadd.s32 $0xFFFFFC00  }
0x96: {  	_ =	swait.ge [sflag:s31], $0x400  }
0x97: {  	[sflag:s31] =	ssyncset.done $0x0  }
0x98: {  	[sflag:s31] =	ssyncadd.s32 $0xFFFFFC00  }
0x99: {  	_ =	swait.ge [sflag:s31], $0x400  }
0x9a: {  	[sflag:s31] =	ssyncset.done $0x0  }
0x9b: {  	[sflag:s31] =	ssyncadd.s32 $0xFFFFFC00  }
0x9c: {  	_ =	swait.ge [sflag:s31], $0x400  }
0x9d: {  	[sflag:s31] =	ssyncset.done $0x0  }
0x9e: {  	[sflag:s31] =	ssyncadd.s32 $0xFFFFFC00  }
0x9f: {  	_ =	swait.ge [sflag:s31], $0x400  }
0xa0: {  	[sflag:s31] =	ssyncset.done $0x0  }
0xa1: {  	[sflag:s31] =	ssyncadd.s32 $0xFFFFFC00  }
0xa2: {  	_ =	swait.ge [sflag:s31], $0x400  }
0xa3: {  	[sflag:s31] =	ssyncset.done $0x0  }
0xa4: {  	[sflag:s31] =	ssyncadd.s32 $0xFFFFFC00  }
0xa5: {  	_ =	swait.ge [sflag:s31], $0x400  }
0xa6: {  	[sflag:s31] =	ssyncset.done $0x0  }
0xa7: {  	[sflag:s31] =	ssyncadd.s32 $0xFFFFFC00  }
0xa8: {  	_ =	swait.ge [sflag:s31], $0x400  }
0xa9: {  	[sflag:s31] =	ssyncset.done $0x0  }
0xaa: {  	[sflag:s31] =	ssyncadd.s32 $0xFFFFFC00  }
0xab: {  	_ =	swait.ge [sflag:s31], $0x400  }
0xac: {  	[sflag:s31] =	ssyncset.done $0x0  }
0xad: {  	[sflag:s31] =	ssyncadd.s32 $0xFFFFFC00  }
0xae: {  	_ =	swait.ge [sflag:s31], $0x400  }
0xaf: {  	[sflag:s31] =	ssyncset.done $0x0  }
0xb0: {  	[sflag:s31] =	ssyncadd.s32 $0xFFFFFC00  }
0xb1: {  	_ =	swait.ge [sflag:s31], $0x400  }
0xb2: {  	[sflag:s31] =	ssyncset.done $0x0  }
0xb3: {  	[sflag:s31] =	ssyncadd.s32 $0xFFFFFC00  }
0xb4: {  	_ =	swait.ge [sflag:s31], $0x400  }
0xb5: {  	[sflag:s31] =	ssyncset.done $0x0  }
0xb6: {  	[sflag:s31] =	ssyncadd.s32 $0xFFFFFC00  }
0xb7: {  	_ =	swait.ge [sflag:s31], $0x400  }
0xb8: {  	[sflag:s31] =	ssyncset.done $0x0  }
0xb9: {  	[sflag:s31] =	ssyncadd.s32 $0xFFFFFC00  }
0xba: {  	_ =	swait.ge [sflag:s31], $0x400  }
0xbb: {  	[sflag:s31] =	ssyncset.done $0x0  }
0xbc: {  	[sflag:s31] =	ssyncadd.s32 $0xFFFFFC00  }
0xbd: {  	_ =	swait.ge [sflag:s31], $0x400  }
0xbe: {  	[sflag:s31] =	ssyncset.done $0x0  }
0xbf: {  	[sflag:s31] =	ssyncadd.s32 $0xFFFFFC00  }
0xc0: {  	_ =	swait.ge [sflag:s31], $0x400  }
0xc1: {  	[sflag:s31] =	ssyncset.done $0x0  }
0xc2: {  	[sflag:s31] =	ssyncadd.s32 $0xFFFFFC00  }
0xc3: {  	_ =	swait.ge [sflag:s31], $0x400  }
0xc4: {  	[sflag:s31] =	ssyncset.done $0x0  }
0xc5: {  	[sflag:s31] =	ssyncadd.s32 $0xFFFFFC00  }
0xc6: {  	_ =	swait.ge [sflag:s31], $0x400  }
0xc7: {  	[sflag:s31] =	ssyncset.done $0x0  }
0xc8: {  	[sflag:s31] =	ssyncadd.s32 $0xFFFFFC00  }
0xc9: {  	_ =	swait.ge [sflag:s31], $0x400  }
0xca: {  	[sflag:s31] =	ssyncset.done $0x0  }
0xcb: {  	[sflag:s31] =	ssyncadd.s32 $0xFFFFFC00  }
0xcc: {  	_ =	swait.ge [sflag:s31], $0x400  }
0xcd: {  	[sflag:s31] =	ssyncset.done $0x0  }
0xce: {  	[sflag:s31] =	ssyncadd.s32 $0xFFFFFC00  }
0xcf: {  	_ =	swait.ge [sflag:s31], $0x400  }
0xd0: {  	[sflag:s31] =	ssyncset.done $0x0  }
0xd1: {  	[sflag:s31] =	ssyncadd.s32 $0xFFFFFC00  }
0xd2: {  	_ =	swait.ge [sflag:s31], $0x400  }
0xd3: {  	[sflag:s31] =	ssyncset.done $0x0  }
0xd4: {  	s22 =	simm.s32 $0xFFFFFFFE;
	[sflag:s31] =	ssyncadd.s32 $0xFFFFFC00  }
.LBB2_3:
0xd5: {  	s22 =	sadd.s32 $0x2, s22  }
0xd6: {  	s0 =	sshll.u32 s22, $0x4  }
0xd7: {  	s17 =	sand.u32 $0x60, s6;
	s16 =	sand.u32 $0xFFFFFF80, s0  }
0xd8: {  	s0 =	sor.u32 s17, s16  }
0xd9: {  	v1 =	vld [tilespmem:s0+$0x0]  }
0xda: {  	s28 =	sadd.s32 $0x400, s16  }
0xdb: {  	s7 =	sor.u32 s17, s28  }
0xdc: {  	v6 =	vld [tilespmem:s7+$0x0];
	_ =	sdelay $0x1  }
0xdd: {  	[dreg:$0xc] =	wrdreg s6;
	s6 =	sadd.s32 $0x800, s16;
	v0 =	vsub.f32 $0.0e+00, v1  }
0xde: {  	s8 =	sor.u32 s17, s6  }
0xdf: {  	s12 =	sadd.s32 $0xC00, s16;
	v2 =	vmul.f32 $1.442695020e+00, v0;
	v0 =	vld [tilespmem:s8+$0x0]  }
0xe0: {  	s9 =	sor.u32 s17, s12;
	v26 =	vsub.f32 $0.0e+00, v6  }
0xe1: {  	v7 =	vld [tilespmem:s9+$0x0];
	(erf) = vpow2.f32 v2  }
0xe2: {  	v2 =	vmul.f32 $1.442695020e+00, v26;
	_ =	sdelay $0x1  }
0xe3: {  	s31 =	sadd.s32 $0x1000, s16;
	(erf) = vpow2.f32 v2;
	v3 =	vsub.f32 $0.0e+00, v0  }
0xe4: {  	s10 =	sor.u32 s17, s31  }
0xe5: {  	s5 =	sadd.s32 $0x1800, s16;
	v4 =	vld [tilespmem:s10+$0x0];
	v33 =	vsub.f32 $0.0e+00, v7;
	v27 =	vmul.f32 $1.442695020e+00, v3  }
0xe6: {  	s13 =	sor.u32 s17, s5  }
0xe7: {  	s9 =	sadd.s32 $0x1400, s16;
	v11 =	vld [tilespmem:s13+$0x0];
	v3 =	vmul.f32 $1.442695020e+00, v33;
	(erf) = vpow2.f32 v27  }
0xe8: {  	s11 =	sor.u32 s17, s9  }
0xe9: {  	v10 =	vld [tilespmem:s11+$0x0];
	(erf) = vpow2.f32 v3;
	v32 =	vpop (erf)  }
0xea: {  	v34 =	vsub.f32 $0.0e+00, v4;
	v2 =	vadd.f32 $1.000000000e+00, v32;
	_ =	sdelay $0x1  }
0xeb: {  	v43 =	vsub.f32 $0.0e+00, v11;
	v3 =	vmul.f32 $1.442695020e+00, v34;
	v9 =	vpop (erf);
	v5 =	vsub.s32 $0x7EF311C3, v2  }
0xec: {  	vm0 =	vgt.f32 v6, v1;
	v9 =	vadd.f32 $1.000000000e+00, v9;
	v8 =	vmul.f32 v5, v2  }
0xed: {  	v1 =	vsel vm0, v6, v1;
	v16 =	vsub.f32 $0.0e+00, v10;
	(erf) = vpow2.f32 v3  }
0xee: {  	vm14 =	vgt.f32 v10, v4;
	v12 =	vsub.s32 $0x7EF311C3, v9;
	v8 =	vsub.f32 $2.000000000e+00, v8  }
0xef: {  	s30 =	sadd.s32 $0x1C00, s16;
	v4 =	vsel vm14, v10, v4;
	v41 =	vmul.f32 $1.442695020e+00, v16;
	v14 =	vmul.f32 v12, v9;
	v13 =	vpop (erf)  }
0xf0: {  	s14 =	sor.u32 s17, s30;
	vm13 =	vgt.f32 v7, v0;
	v15 =	vadd.f32 $1.000000000e+00, v13;
	v5 =	vmul.f32 v5, v8  }
0xf1: {  	v0 =	vsel vm13, v7, v0;
	(erf) = vpow2.f32 v41;
	v13 =	vld [tilespmem:s14+$0x0];
	v38 =	vsub.f32 $2.000000000e+00, v14;
	v19 =	vpop (erf)  }
0xf2: {  	v46 =	vadd.f32 $1.000000000e+00, v19;
	v39 =	vsub.s32 $0x7EF311C3, v15;
	v42 =	vmul.f32 v5, v2  }
0xf3: {  	vm4 =	vgt.f32 v0, v1;
	v3 =	vmul.f32 v12, v38;
	v17 =	vmul.f32 v39, v15  }
0xf4: {  	v0 =	vsel vm4, v0, v1;
	v12 =	vmul.f32 $1.442695020e+00, v43;
	v53 =	vsub.s32 $0x7EF311C3, v46  }
0xf5: {  	v16 =	vsub.f32 $2.000000000e+00, v42;
	v18 =	vmul.f32 v3, v9;
	v44 =	vsub.f32 $2.000000000e+00, v17  }
0xf6: {  	v55 =	vpop (erf);
	(erf) = vpow2.f32 v12;
	v54 =	vmul.f32 v53, v46;
	v45 =	vsub.f32 $0.0e+00, v13  }
0xf7: {  	v56 =	vadd.f32 $1.000000000e+00, v55;
	v5 =	vmul.f32 v16, v5;
	v8 =	vmul.f32 v39, v44  }
0xf8: {  	vm15 =	vgt.f32 v13, v11;
	v50 =	vsub.f32 $2.000000000e+00, v18;
	v17 =	vmul.f32 $1.442695020e+00, v45  }
0xf9: {  	v57 =	vsub.s32 $0x7EF311C3, v56;
	v2 =	vmul.f32 v5, v2;
	v52 =	vmul.f32 v8, v15  }
0xfa: {  	v3 =	vmul.f32 v50, v3;
	v24 =	vpop (erf);
	(erf) = vpow2.f32 v17;
	v17 =	vsub.f32 $2.000000000e+00, v54  }
0xfb: {  	v11 =	vsel vm15, v13, v11;
	v19 =	vadd.f32 $1.000000000e+00, v24;
	v12 =	vsub.f32 $2.000000000e+00, v52  }
0xfc: {  	v25 =	vmul.f32 v57, v56;
	v2 =	vsub.f32 $2.000000000e+00, v2;
	v9 =	vmul.f32 v3, v9  }
0xfd: {  	v17 =	vmul.f32 v53, v17;
	v20 =	vsub.s32 $0x7EF311C3, v19;
	v8 =	vmul.f32 v12, v8  }
0xfe: {  	s10 =	sadd.s32 $0x2000, s16;
	vm1 =	vgt.f32 v11, v4;
	v2 =	vmul.f32 v2, v5;
	v34 =	vmul.f32 v20, v19  }
0xff: {  	s15 =	sor.u32 s17, s10;
	v18 =	vsub.f32 $2.000000000e+00, v25;
	v26 =	vsub.f32 $2.000000000e+00, v9;
	v38 =	vpop (erf);
	v27 =	vmul.f32 v8, v15  }
0x100: {  	v32 =	vmul.f32 v17, v46;
	[tilespmem:$0x1FE00] =	vst v2;
	v2 =	vld [tilespmem:s15+$0x0];
	v9 =	vadd.f32 $1.000000000e+00, v38;
	v5 =	vsub.f32 $2.000000000e+00, v34  }
0x101: {  	v12 =	vmul.f32 v57, v18;
	v3 =	vmul.f32 v26, v3;
	v33 =	vsub.f32 $2.000000000e+00, v27  }
0x102: {  	v15 =	vsub.f32 $2.000000000e+00, v32;
	v21 =	vsub.s32 $0x7EF311C3, v9;
	v20 =	vmul.f32 v20, v5  }
0x103: {  	s19 =	sadd.s32 $0x2400, s16;
	v11 =	vsel vm1, v11, v4;
	[tilespmem:$0x1FE10] =	vst v3;
	v42 =	vmul.f32 v21, v9;
	v39 =	vpop (erf);
	v3 =	vmul.f32 v33, v8  }
0x104: {  	[smem:$0x7F2] =	sst s0;
	s0 =	sor.u32 s17, s19;
	v41 =	vmul.f32 v12, v56;
	v15 =	vmul.f32 v15, v17;
	v18 =	vadd.f32 $1.000000000e+00, v39  }
0x105: {  	s26 =	sadd.s32 $0x2800, s16;
	v25 =	vmul.f32 v20, v19;
	v22 =	vsub.f32 $0.0e+00, v2;
	v43 =	vsub.f32 $2.000000000e+00, v42;
	[tilespmem:$0x1FE20] =	vst v3;
	v3 =	vld [tilespmem:s0+$0x0]  }
0x106: {  	s20 =	sor.u32 s17, s26;
	v8 =	vsub.f32 $2.000000000e+00, v41;
	v14 =	vmul.f32 v15, v46;
	v23 =	vsub.s32 $0x7EF311C3, v18  }
0x107: {  	vm5 =	vgt.f32 v11, v0;
	v5 =	vld [tilespmem:s20+$0x0];
	v17 =	vmul.f32 v21, v43;
	v24 =	vmul.f32 v23, v18  }
0x108: {  	s21 =	sadd.s32 $0x2C00, s16;
	v45 =	vsub.f32 $2.000000000e+00, v25;
	v22 =	vmul.f32 $1.442695020e+00, v22;
	v12 =	vmul.f32 v8, v12  }
0x109: {  	s0 =	sor.u32 s17, s21;
	v14 =	vsub.f32 $2.000000000e+00, v14;
	v50 =	vmul.f32 v17, v9;
	v24 =	vsub.f32 $2.000000000e+00, v24  }
0x10a: {  	v20 =	vmul.f32 v45, v20;
	v8 =	vld [tilespmem:s0+$0x0];
	(erf) = vpow2.f32 v22;
	v44 =	vsub.f32 $0.0e+00, v3  }
0x10b: {  	v16 =	vmul.f32 v12, v56;
	v46 =	vmul.f32 v23, v24;
	v23 =	vsub.f32 $2.000000000e+00, v50  }
0x10c: {  	v53 =	vsub.f32 $0.0e+00, v5;
	v14 =	vmul.f32 v14, v15;
	v21 =	vmul.f32 $1.442695020e+00, v44  }
0x10d: {  	v0 =	vsel vm5, v11, v0;
	v52 =	vmul.f32 v46, v18;
	v17 =	vmul.f32 v23, v17  }
0x10e: {  	v38 =	vsel vm13, $0xFFFFFFFD, v62;
	(erf) = vpow2.f32 v21;
	v21 =	vmul.f32 $1.442695020e+00, v53  }
0x10f: {  	v19 =	vmul.f32 v20, v19;
	v24 =	vsub.f32 $0.0e+00, v8;
	v54 =	vsub.f32 $2.000000000e+00, v52  }
0x110: {  	v16 =	vsub.f32 $2.000000000e+00, v16;
	v9 =	vmul.f32 v17, v9;
	(erf) = vpow2.f32 v21  }
0x111: {  	s13 =	sadd.s32 $0x3400, s16;
	v33 =	vsel vm0, $0xFFFFFFFF, v61;
	v15 =	vmul.f32 $1.442695020e+00, v24;
	v55 =	vmul.f32 v54, v46  }
0x112: {  	s1 =	sadd.s32 $0x3C00, s16;
	s24 =	sor.u32 s17, s13;
	v19 =	vsub.f32 $2.000000000e+00, v19;
	v12 =	vmul.f32 v16, v12;
	v9 =	vsub.f32 $2.000000000e+00, v9  }
0x113: {  	s29 =	sor.u32 s17, s1;
	vm6 =	vgt.f32 v3, v2;
	v56 =	vpop (erf);
	(erf) = vpow2.f32 v15;
	v15 =	vld [tilespmem:s24+$0x0];
	v57 =	vmul.f32 v55, v18  }
0x114: {  	s11 =	sadd.s32 $0x3000, s16;
	v16 =	vld [tilespmem:s29+$0x0];
	v2 =	vsel vm6, v3, v2;
	v18 =	vadd.f32 $1.000000000e+00, v56;
	v9 =	vmul.f32 v9, v17  }
0x115: {  	s23 =	sor.u32 s17, s11;
	vm7 =	vgt.f32 v8, v5;
	v44 =	vsel vm14, $0xFFFFFFFB, v63;
	v22 =	vsub.f32 $2.000000000e+00, v57  }
0x116: {  	v5 =	vsel vm7, v8, v5;
	v8 =	vsel vm7, $0xFFFFFFF5, v36;
	v23 =	vsub.s32 $0x7EF311C3, v18;
	[tilespmem:$0x1FE60] =	vst v9;
	v9 =	vld [tilespmem:s23+$0x0]  }
0x117: {  	s8 =	sadd.s32 $0x3800, s16;
	[tilespmem:$0x1FE40] =	vst v12;
	vm10 =	vgt.f32 v5, v2;
	v26 =	vmul.f32 v23, v18;
	v12 =	vmul.f32 v22, v55;
	v27 =	vpop (erf)  }
0x118: {  	s25 =	sor.u32 s17, s8;
	v2 =	vsel vm10, v5, v2;
	v52 =	vsub.f32 $0.0e+00, v15;
	v17 =	vadd.f32 $1.000000000e+00, v27  }
0x119: {  	v21 =	vmul.f32 v19, v20;
	v55 =	vsub.f32 $0.0e+00, v16;
	v32 =	vsub.f32 $2.000000000e+00, v26;
	[tilespmem:$0x1FE70] =	vst v12;
	v12 =	vld [tilespmem:s25+$0x0];
	v41 =	vpop (erf)  }
0x11a: {  	v54 =	vmul.f32 $1.442695020e+00, v52;
	v34 =	vsub.s32 $0x7EF311C3, v17;
	v43 =	vadd.f32 $1.000000000e+00, v41  }
0x11b: {  	v56 =	vmul.f32 $1.442695020e+00, v55;
	v27 =	vsub.f32 $0.0e+00, v9;
	v39 =	vmul.f32 v34, v17  }
0x11c: {  	v6 =	vmul.f32 v23, v32;
	vm8 =	vgt.f32 v15, v9;
	v26 =	vsub.s32 $0x7EF311C3, v43  }
0x11d: {  	v50 =	vmul.f32 $1.442695020e+00, v27;
	v45 =	vsub.f32 $2.000000000e+00, v39;
	v46 =	vmul.f32 v26, v43  }
0x11e: {  	v9 =	vsel vm8, v15, v9;
	v42 =	vmul.f32 v6, v18;
	v28 =	vsub.f32 $0.0e+00, v12  }
0x11f: {  	(erf) = vpow2.f32 v50;
	v7 =	vmul.f32 v34, v45;
	v13 =	vsub.f32 $2.000000000e+00, v46  }
0x120: {  	v10 =	vsub.f32 $2.000000000e+00, v42;
	(erf) = vpow2.f32 v54;
	v28 =	vmul.f32 $1.442695020e+00, v28  }
0x121: {  	v29 =	vpop (erf);
	vm9 =	vgt.f32 v16, v12;
	v53 =	vmul.f32 v7, v17;
	v13 =	vmul.f32 v26, v13  }
0x122: {  	v12 =	vsel vm9, v16, v12;
	v6 =	vmul.f32 v10, v6;
	v26 =	vadd.f32 $1.000000000e+00, v29  }
0x123: {  	(erf) = vpow2.f32 v28;
	v27 =	vsub.f32 $2.000000000e+00, v53;
	v57 =	vmul.f32 v13, v43  }
0x124: {  	v28 =	vsel vm15, $0xFFFFFFF9, v30;
	(erf) = vpow2.f32 v56;
	v29 =	vsub.s32 $0x7EF311C3, v26  }
0x125: {  	v30 =	vmul.f32 v29, v26;
	v7 =	vmul.f32 v27, v7;
	v25 =	vsub.f32 $2.000000000e+00, v57  }
0x126: {  	v22 =	vimm.s32 $0xFFFFFFFA;
	vm11 =	vgt.f32 v12, v9;
	v27 =	vmul.f32 v6, v18  }
0x127: {  	v32 =	vsub.f32 $2.000000000e+00, v30;
	v17 =	vmul.f32 v7, v17;
	v10 =	vmul.f32 v25, v13  }
0x128: {  	v39 =	vpop (erf);
	v13 =	vsel vm4, v38, v33;
	v1 =	vsub.f32 $2.000000000e+00, v27;
	v25 =	vsel vm1, v28, v44  }
0x129: {  	[smem:$0x7EE] =	sst s1;
	s1 =	sadd.s32 $0x4000, s16;
	v18 =	vadd.f32 $1.000000000e+00, v39;
	v44 =	vpop (erf);
	v27 =	vsel vm8, $0xFFFFFFF3, v37;
	v33 =	vmul.f32 v29, v32  }
0x12a: {  	s0 =	sor.u32 s17, s1;
	v50 =	vadd.f32 $1.000000000e+00, v44;
	v34 =	vsub.f32 $2.000000000e+00, v17;
	v38 =	vmul.f32 v10, v43  }
0x12b: {  	v4 =	vld [tilespmem:s0+$0x0];
	v1 =	vmul.f32 v1, v6;
	v46 =	vsub.s32 $0x7EF311C3, v18;
	v41 =	vmul.f32 v33, v26  }
0x12c: {  	s2 =	sadd.s32 $0x4400, s16;
	v52 =	vpop (erf);
	v53 =	vmul.f32 v46, v18;
	v56 =	vsub.s32 $0x7EF311C3, v50;
	v43 =	vsub.f32 $2.000000000e+00, v38  }
0x12d: {  	s0 =	sor.u32 s17, s2;
	v54 =	vadd.f32 $1.000000000e+00, v52;
	v55 =	vpop (erf);
	v29 =	vmul.f32 v56, v50;
	v45 =	vsub.f32 $2.000000000e+00, v41  }
0x12e: {  	v6 =	vld [tilespmem:s0+$0x0];
	[tilespmem:$0x1FE80] =	vst v1;
	v42 =	vmul.f32 v34, v7;
	v28 =	vadd.f32 $1.000000000e+00, v55;
	v1 =	vmul.f32 v43, v10  }
0x12f: {  	[tilespmem:$0x1FE30] =	vst v14;
	v30 =	vsub.s32 $0x7EF311C3, v54;
	v57 =	vsub.f32 $2.000000000e+00, v29;
	v14 =	vmul.f32 v45, v33  }
0x130: {  	v31 =	vmul.f32 v30, v54;
	v32 =	vsub.s32 $0x7EF311C3, v28;
	v33 =	vsub.f32 $0.0e+00, v4  }
0x131: {  	[tilespmem:$0x1FEA0] =	vst v1;
	v1 =	vsub.f32 $2.000000000e+00, v53;
	v29 =	vmul.f32 v32, v28;
	v17 =	vmul.f32 v56, v57  }
0x132: {  	s3 =	sadd.s32 $0x4800, s16;
	v26 =	vmul.f32 v14, v26;
	v31 =	vsub.f32 $2.000000000e+00, v31;
	v33 =	vmul.f32 $1.442695020e+00, v33  }
0x133: {  	[tilespmem:$0x1FE50] =	vst v21;
	s0 =	sor.u32 s17, s3;
	vm13 =	vgt.f32 v6, v4;
	v1 =	vmul.f32 v46, v1;
	v21 =	vmul.f32 v17, v50  }
0x134: {  	[smem:$0x7EF] =	sst s1;
	s1 =	sadd.s32 $0x5400, s16;
	v7 =	vld [tilespmem:s0+$0x0];
	v29 =	vsub.f32 $2.000000000e+00, v29;
	v30 =	vmul.f32 v30, v31;
	(erf) = vpow2.f32 v33  }
0x135: {  	s15 =	sor.u32 s17, s1;
	v31 =	vsub.f32 $0.0e+00, v6;
	v26 =	vsub.f32 $2.000000000e+00, v26;
	v34 =	vmul.f32 v1, v18  }
0x136: {  	v15 =	vld [tilespmem:s15+$0x0];
	v29 =	vmul.f32 v32, v29;
	v24 =	vsub.f32 $2.000000000e+00, v21;
	v23 =	vmul.f32 v30, v54  }
0x137: {  	v4 =	vsel vm13, v6, v4;
	v31 =	vmul.f32 $1.442695020e+00, v31;
	v14 =	vmul.f32 v26, v14  }
0x138: {  	v20 =	vsub.f32 $2.000000000e+00, v34;
	v38 =	vmul.f32 v29, v28;
	v17 =	vmul.f32 v24, v17  }
0x139: {  	s14 =	sadd.s32 $0x4C00, s16;
	v32 =	vsub.f32 $2.000000000e+00, v23;
	(erf) = vpow2.f32 v31;
	v31 =	vsub.f32 $0.0e+00, v7  }
0x13a: {  	s4 =	sor.u32 s17, s14;
	v23 =	vimm.s32 $0xFFFFFFF8;
	v33 =	vmul.f32 v20, v1;
	v34 =	vsub.f32 $2.000000000e+00, v38  }
0x13b: {  	[tilespmem:$0x1FEB0] =	vst v14;
	v14 =	vld [tilespmem:s4+$0x0];
	v41 =	vmul.f32 v17, v50;
	v38 =	vsub.f32 $0.0e+00, v15;
	v39 =	vmul.f32 v32, v30  }
0x13c: {  	v1 =	vsel vm5, v25, v13;
	v30 =	vmul.f32 $1.442695020e+00, v31;
	v18 =	vmul.f32 v33, v18  }
0x13d: {  	[tilespmem:$0x1FE90] =	vst v42;
	v31 =	vimm.s32 $0xFFFFFFF2;
	v42 =	vmul.f32 v34, v29;
	v38 =	vmul.f32 $1.442695020e+00, v38  }
0x13e: {  	v13 =	vsub.f32 $2.000000000e+00, v41;
	v10 =	vmul.f32 v39, v54;
	(erf) = vpow2.f32 v30  }
0x13f: {  	s4 =	sadd.s32 $0x5C00, s16;
	v30 =	vimm.s32 $0xFFFFFFF4;
	v18 =	vsub.f32 $2.000000000e+00, v18;
	v43 =	vmul.f32 v42, v28  }
0x140: {  	s29 =	sadd.s32 $0x5000, s16;
	s20 =	sor.u32 s17, s4;
	v28 =	vpop (erf);
	v13 =	vmul.f32 v13, v17;
	v17 =	vsel vm6, $0xFFFFFFF7, v35;
	v57 =	vsub.f32 $0.0e+00, v14  }
0x141: {  	s7 =	sor.u32 s17, s29;
	v11 =	vld [tilespmem:s20+$0x0];
	vm14 =	vgt.f32 v14, v7;
	v10 =	vsub.f32 $2.000000000e+00, v10;
	v26 =	vadd.f32 $1.000000000e+00, v28  }
0x142: {  	v28 =	vimm.s32 $0xFFFFFFF6;
	v7 =	vsel vm14, v14, v7;
	v44 =	vmul.f32 v18, v33;
	[tilespmem:$0x1FED0] =	vst v13;
	v13 =	vld [tilespmem:s7+$0x0]  }
0x143: {  	[smem:$0x7F1] =	sst s3;
	s3 =	sadd.s32 $0x5800, s16;
	v45 =	vsub.f32 $2.000000000e+00, v43;
	v10 =	vmul.f32 v10, v39;
	v46 =	vsub.s32 $0x7EF311C3, v26;
	v53 =	vpop (erf)  }
0x144: {  	[smem:$0x7EC] =	sst s19;
	s19 =	sor.u32 s17, s3;
	v35 =	vmul.f32 $1.442695020e+00, v57;
	v52 =	vmul.f32 v46, v26;
	v18 =	vadd.f32 $1.000000000e+00, v53  }
0x145: {  	v17 =	vsel vm10, v8, v17;
	vm5 =	vgt.f32 v7, v4;
	v50 =	vmul.f32 v45, v42;
	[tilespmem:$0x1FEE0] =	vst v10;
	v10 =	vld [tilespmem:s19+$0x0]  }
0x146: {  	(erf) = vpow2.f32 v35;
	v3 =	vsub.f32 $2.000000000e+00, v52;
	v54 =	vsub.s32 $0x7EF311C3, v18  }
0x147: {  	[tilespmem:$0x1FEF0] =	vst v50;
	v50 =	vsub.f32 $0.0e+00, v11;
	v42 =	vsub.f32 $0.0e+00, v13;
	v55 =	vmul.f32 v54, v18;
	v56 =	vpop (erf)  }
0x148: {  	v52 =	vsel vm9, $0xFFFFFFF1, v40;
	v3 =	vmul.f32 v46, v3;
	v34 =	vadd.f32 $1.000000000e+00, v56  }
0x149: {  	[tilespmem:$0x1FEC0] =	vst v44;
	v53 =	vmul.f32 $1.442695020e+00, v50;
	v44 =	vmul.f32 $1.442695020e+00, v42;
	v33 =	vsub.f32 $2.000000000e+00, v55  }
0x14a: {  	v20 =	vmul.f32 v3, v26;
	v45 =	vsub.f32 $0.0e+00, v10;
	v21 =	vsub.s32 $0x7EF311C3, v34  }
0x14b: {  	vm15 =	vgt.f32 v15, v13;
	v25 =	vmul.f32 v54, v33;
	v43 =	vmul.f32 v21, v34  }
0x14c: {  	(erf) = vpow2.f32 v44;
	v46 =	vmul.f32 $1.442695020e+00, v45;
	v16 =	vsub.f32 $2.000000000e+00, v20  }
0x14d: {  	(erf) = vpow2.f32 v38;
	v39 =	vmul.f32 v25, v18;
	v33 =	vsub.f32 $2.000000000e+00, v43  }
0x14e: {  	v13 =	vsel vm15, v15, v13;
	(erf) = vpow2.f32 v46;
	v3 =	vmul.f32 v16, v3  }
0x14f: {  	v56 =	vsel vm11, v12, v9;
	v33 =	vmul.f32 v21, v33;
	v54 =	vsub.f32 $2.000000000e+00, v39  }
0x150: {  	v12 =	vsel vm11, v52, v27;
	(erf) = vpow2.f32 v53;
	v26 =	vmul.f32 v3, v26  }
0x151: {  	s19 =	sadd.s32 $0x6400, s16;
	vm4 =	vgt.f32 v11, v10;
	v55 =	vmul.f32 v33, v34;
	v16 =	vmul.f32 v54, v25  }
0x152: {  	s23 =	sor.u32 s17, s19;
	vm12 =	vgt.f32 v56, v2;
	v10 =	vsel vm4, v11, v10;
	v20 =	vpop (erf);
	v57 =	vsub.f32 $2.000000000e+00, v26  }
0x153: {  	v8 =	vld [tilespmem:s23+$0x0];
	v25 =	vadd.f32 $1.000000000e+00, v20;
	v5 =	vsub.f32 $2.000000000e+00, v55;
	v18 =	vmul.f32 v16, v18  }
0x154: {  	[smem:$0x7F0] =	sst s2;
	s2 =	sadd.s32 $0x6000, s16;
	v2 =	vsel vm12, v56, v2;
	vm6 =	vgt.f32 v10, v13;
	v3 =	vmul.f32 v57, v3  }
0x155: {  	[smem:$0x7ED] =	sst s21;
	s21 =	sor.u32 s17, s2;
	v35 =	vsub.s32 $0x7EF311C3, v25;
	v21 =	vmul.f32 v5, v33;
	v32 =	vsub.f32 $2.000000000e+00, v18;
	v33 =	vpop (erf)  }
0x156: {  	v10 =	vsel vm6, v10, v13;
	v44 =	vmul.f32 v35, v25;
	v5 =	vld [tilespmem:s21+$0x0];
	v18 =	vadd.f32 $1.000000000e+00, v33;
	v43 =	vpop (erf)  }
0x157: {  	[tilespmem:$0x1FF00] =	vst v3;
	v34 =	vmul.f32 v21, v34;
	v3 =	vmul.f32 v32, v16;
	v16 =	vadd.f32 $1.000000000e+00, v43;
	v45 =	vpop (erf)  }
0x158: {  	s21 =	sadd.s32 $0x6800, s16;
	v50 =	vsub.s32 $0x7EF311C3, v18;
	v37 =	vadd.f32 $1.000000000e+00, v45;
	v45 =	vsub.f32 $0.0e+00, v8  }
0x159: {  	s24 =	sor.u32 s17, s21;
	v54 =	vpop (erf);
	[tilespmem:$0x1FF10] =	vst v3;
	v46 =	vsub.f32 $2.000000000e+00, v34;
	v3 =	vsub.f32 $2.000000000e+00, v44;
	v53 =	vsub.s32 $0x7EF311C3, v16  }
0x15a: {  	v9 =	vld [tilespmem:s24+$0x0];
	s24 =	sadd.s32 $0x7800, s16;
	v52 =	vmul.f32 v50, v18;
	v42 =	vadd.f32 $1.000000000e+00, v54;
	v55 =	vmul.f32 v53, v16  }
0x15b: {  	s7 =	sor.u32 s17, s24;
	v41 =	vsub.s32 $0x7EF311C3, v37;
	v34 =	vsub.f32 $0.0e+00, v5;
	vm8 =	vgt.f32 v8, v5  }
0x15c: {  	v14 =	vld [tilespmem:s7+$0x0];
	v56 =	vmul.f32 v46, v21;
	v57 =	vsub.f32 $2.000000000e+00, v52;
	v19 =	vmul.f32 v41, v37  }
0x15d: {  	v3 =	vmul.f32 v35, v3;
	v21 =	vsub.s32 $0x7EF311C3, v42;
	v52 =	vmul.f32 $1.442695020e+00, v45  }
0x15e: {  	v5 =	vsel vm8, v8, v5;
	v20 =	vsub.f32 $2.000000000e+00, v55;
	v32 =	vmul.f32 v21, v42  }
0x15f: {  	v44 =	vmul.f32 $1.442695020e+00, v34;
	v26 =	vmul.f32 v50, v57;
	v27 =	vsub.f32 $2.000000000e+00, v19  }
0x160: {  	v33 =	vmul.f32 v3, v25;
	v39 =	vmul.f32 v53, v20;
	v36 =	vsub.f32 $2.000000000e+00, v32  }
0x161: {  	(erf) = vpow2.f32 v44;
	v38 =	vsub.f32 $0.0e+00, v14;
	v43 =	vmul.f32 v26, v18  }
0x162: {  	v27 =	vmul.f32 v41, v27;
	v40 =	vsub.f32 $2.000000000e+00, v33;
	(erf) = vpow2.f32 v52  }
0x163: {  	s0 =	sadd.s32 $0x6C00, s16;
	v35 =	vmul.f32 v39, v16;
	v36 =	vmul.f32 v21, v36;
	v21 =	vsub.f32 $0.0e+00, v9  }
0x164: {  	s15 =	sor.u32 s17, s0;
	v46 =	vmul.f32 v27, v37;
	v50 =	vsub.f32 $2.000000000e+00, v43;
	v40 =	vmul.f32 v40, v3  }
0x165: {  	v3 =	vsel vm12, v12, v17;
	v12 =	vld [tilespmem:s15+$0x0];
	v53 =	vsub.f32 $2.000000000e+00, v35;
	v54 =	vmul.f32 v36, v42  }
0x166: {  	v34 =	vmul.f32 $1.442695020e+00, v21;
	v26 =	vmul.f32 v50, v26;
	v55 =	vsub.f32 $2.000000000e+00, v46  }
0x167: {  	[tilespmem:$0x1FF20] =	vst v56;
	v25 =	vmul.f32 v40, v25;
	v56 =	vmul.f32 v53, v39;
	v57 =	vsub.f32 $2.000000000e+00, v54  }
0x168: {  	(erf) = vpow2.f32 v34;
	v34 =	vimm.s32 $0xFFFFFFEC;
	v18 =	vmul.f32 v26, v18  }
0x169: {  	v27 =	vmul.f32 v55, v27;
	v25 =	vsub.f32 $2.000000000e+00, v25;
	v16 =	vmul.f32 v56, v16  }
0x16a: {  	v32 =	vmul.f32 v57, v36;
	v50 =	vsub.f32 $0.0e+00, v12;
	vm9 =	vgt.f32 v12, v9  }
0x16b: {  	v33 =	vmul.f32 v27, v37;
	v18 =	vsub.f32 $2.000000000e+00, v18;
	v41 =	vmul.f32 v25, v40  }
0x16c: {  	v44 =	vpop (erf);
	v12 =	vsel vm9, v12, v9;
	v16 =	vsub.f32 $2.000000000e+00, v16;
	v35 =	vmul.f32 v32, v42  }
0x16d: {  	v25 =	vadd.f32 $1.000000000e+00, v44;
	v54 =	vmul.f32 $1.442695020e+00, v50;
	vm12 =	vgt.f32 v12, v5  }
0x16e: {  	v46 =	vpop (erf);
	v42 =	vsub.f32 $2.000000000e+00, v33;
	v18 =	vmul.f32 v18, v26;
	v26 =	vsel vm13, $0xFFFFFFEF, v47  }
0x16f: {  	s15 =	sadd.s32 $0x7000, s16;
	v6 =	vadd.f32 $1.000000000e+00, v46;
	v16 =	vmul.f32 v16, v56;
	v43 =	vsub.f32 $2.000000000e+00, v35  }
0x170: {  	s20 =	sor.u32 s17, s15;
	[tilespmem:$0x1FF30] =	vst v41;
	v41 =	vsel vm14, $0xFFFFFFED, v48;
	v52 =	vsub.s32 $0x7EF311C3, v25;
	(erf) = vpow2.f32 v54  }
0x171: {  	s23 =	sadd.s32 $0x7400, s16;
	v53 =	vmul.f32 v52, v25;
	v55 =	vsub.s32 $0x7EF311C3, v6;
	[tilespmem:$0x1FF50] =	vst v16;
	v16 =	vld [tilespmem:s20+$0x0];
	v17 =	vmul.f32 v43, v32  }
0x172: {  	s25 =	sor.u32 s17, s23;
	v33 =	vimm.s32 $0xFFFFFFEE;
	v5 =	vsel vm12, v12, v5;
	v57 =	vmul.f32 v55, v6  }
0x173: {  	v26 =	vsel vm5, v41, v26;
	v45 =	vmul.f32 v42, v27;
	v56 =	vsub.f32 $2.000000000e+00, v53;
	v21 =	vpop (erf);
	[tilespmem:$0x1FF70] =	vst v17;
	v17 =	vld [tilespmem:s25+$0x0];
	s25 =	sadd.s32 $0x7C00, s16  }
0x174: {  	[tilespmem:$0x1FF40] =	vst v18;
	v32 =	vimm.s32 $0xFFFFFFF0;
	v20 =	vsub.f32 $2.000000000e+00, v57;
	v44 =	vadd.f32 $1.000000000e+00, v21;
	s7 =	sor.u32 s17, s25  }
0x175: {  	[tilespmem:$0x1FF60] =	vst v45;
	v45 =	vsel vm15, $0xFFFFFFEB, v49;
	vm15 =	vgt.f32 v2, v0;
	v27 =	vmul.f32 v52, v56;
	v18 =	vld [tilespmem:s7+$0x0]  }
0x176: {  	v42 =	vmul.f32 v55, v20;
	v37 =	vsub.s32 $0x7EF311C3, v44;
	v19 =	vsub.f32 $0.0e+00, v16  }
0x177: {  	v3 =	vsel vm15, v3, v1;
	v24 =	vmul.f32 v27, v25;
	v39 =	vmul.f32 v37, v44  }
0x178: {  	v50 =	vmul.f32 v42, v6;
	v15 =	vmul.f32 $1.442695020e+00, v19;
	v36 =	vsub.f32 $0.0e+00, v17  }
0x179: {  	v46 =	vsub.f32 $2.000000000e+00, v24;
	v48 =	vsub.f32 $2.000000000e+00, v39;
	vm10 =	vgt.f32 v17, v16  }
0x17a: {  	v54 =	vpop (erf);
	(erf) = vpow2.f32 v15;
	v43 =	vmul.f32 $1.442695020e+00, v36;
	v40 =	vsub.f32 $0.0e+00, v18  }
0x17b: {  	v47 =	vadd.f32 $1.000000000e+00, v54;
	v15 =	vmul.f32 $1.442695020e+00, v38;
	v27 =	vmul.f32 v46, v27  }
0x17c: {  	v53 =	vsub.f32 $2.000000000e+00, v50;
	(erf) = vpow2.f32 v43;
	v52 =	vmul.f32 $1.442695020e+00, v40  }
0x17d: {  	v55 =	vmul.f32 v37, v48;
	v20 =	vsub.s32 $0x7EF311C3, v47;
	(erf) = vpow2.f32 v15  }
0x17e: {  	v46 =	vsel vm4, $0xFFFFFFE9, v51;
	v21 =	vmul.f32 v20, v47;
	(erf) = vpow2.f32 v52  }
0x17f: {  	v48 =	vsel vm5, v7, v4;
	v57 =	vmul.f32 v53, v42;
	v19 =	vmul.f32 v55, v44  }
0x180: {  	vm11 =	vgt.f32 v18, v14;
	v56 =	vmul.f32 v27, v25;
	v4 =	vsub.f32 $2.000000000e+00, v21  }
0x181: {  	v45 =	vsel vm6, v46, v45;
	v6 =	vmul.f32 v57, v6;
	v36 =	vsub.f32 $2.000000000e+00, v19  }
0x182: {  	vm7 =	vgt.f32 v10, v48;
	v35 =	vsub.f32 $2.000000000e+00, v56;
	v4 =	vmul.f32 v20, v4  }
0x183: {  	v14 =	vsel vm11, v18, v14;
	v6 =	vsub.f32 $2.000000000e+00, v6;
	v38 =	vmul.f32 v36, v55;
	v37 =	vpop (erf)  }
0x184: {  	v7 =	vmul.f32 v35, v27;
	v43 =	vmul.f32 v4, v47;
	v49 =	vadd.f32 $1.000000000e+00, v37  }
0x185: {  	v26 =	vsel vm7, v45, v26;
	v6 =	vmul.f32 v6, v57;
	v56 =	vmul.f32 v38, v44;
	v53 =	vpop (erf)  }
0x186: {  	v43 =	vsub.f32 $2.000000000e+00, v43;
	v39 =	vsub.s32 $0x7EF311C3, v49;
	v15 =	vadd.f32 $1.000000000e+00, v53;
	v55 =	vpop (erf)  }
0x187: {  	s20 =	sor.u32 $0x10, s17;
	v27 =	vsub.f32 $2.000000000e+00, v56;
	v54 =	vmul.f32 v39, v49;
	v25 =	vadd.f32 $1.000000000e+00, v55;
	v57 =	vpop (erf)  }
0x188: {  	s7 =	sor.u32 s16, s20;
	v55 =	vmul.f32 v43, v4;
	v19 =	vsub.s32 $0x7EF311C3, v15;
	v44 =	vadd.f32 $1.000000000e+00, v57  }
0x189: {  	[tilespmem:$0x1FF90] =	vst v6;
	v4 =	vld [tilespmem:s7+$0x0];
	v6 =	vsub.f32 $2.000000000e+00, v54;
	v20 =	vmul.f32 v19, v15;
	v52 =	vsub.s32 $0x7EF311C3, v25  }
0x18a: {  	s28 =	sor.u32 s20, s28;
	[tilespmem:$0x1FF80] =	vst v7;
	v7 =	vmul.f32 v27, v38;
	v21 =	vmul.f32 v52, v25;
	v53 =	vsub.s32 $0x7EF311C3, v44  }
0x18b: {  	v11 =	vmul.f32 v39, v6;
	v51 =	vsub.f32 $2.000000000e+00, v20;
	v54 =	vmul.f32 v53, v44;
	v6 =	vld [tilespmem:s28+$0x0]  }
0x18c: {  	s6 =	sor.u32 s20, s6;
	v35 =	vimm.s32 $0xFFFFFFEA;
	v47 =	vmul.f32 v55, v47;
	v57 =	vsub.f32 $2.000000000e+00, v21  }
0x18d: {  	[tilespmem:$0x1FFA0] =	vst v7;
	v7 =	vld [tilespmem:s6+$0x0];
	v56 =	vmul.f32 v11, v49;
	v36 =	vmul.f32 v19, v51;
	v37 =	vsub.f32 $2.000000000e+00, v54  }
0x18e: {  	v54 =	vsel vm9, $0xFFFFFFE5, v59;
	v39 =	vmul.f32 v52, v57;
	v57 =	vsub.f32 $0.0e+00, v4  }
0x18f: {  	v38 =	vsub.f32 $2.000000000e+00, v56;
	v40 =	vmul.f32 v36, v15;
	v41 =	vmul.f32 v53, v37  }
0x190: {  	v52 =	vsel vm8, $0xFFFFFFE7, v58;
	v42 =	vmul.f32 v39, v25;
	v20 =	vsub.f32 $0.0e+00, v6  }
0x191: {  	v11 =	vmul.f32 v38, v11;
	v13 =	vsub.f32 $2.000000000e+00, v40;
	v43 =	vmul.f32 v41, v44  }
0x192: {  	v40 =	vsub.f32 $2.000000000e+00, v47;
	v47 =	vsub.f32 $0.0e+00, v7;
	v38 =	vmul.f32 $1.442695020e+00, v20  }
0x193: {  	v19 =	vsub.f32 $2.000000000e+00, v42;
	v49 =	vmul.f32 v11, v49;
	v13 =	vmul.f32 v13, v36  }
0x194: {  	v21 =	vsub.f32 $2.000000000e+00, v43;
	v36 =	vmul.f32 $1.442695020e+00, v57;
	v43 =	vmul.f32 v40, v55  }
0x195: {  	v53 =	vsel vm7, v10, v48;
	v51 =	vmul.f32 $1.442695020e+00, v47;
	v37 =	vmul.f32 v19, v39  }
0x196: {  	vm6 =	vgt.f32 v6, v4;
	v39 =	vmul.f32 v21, v41;
	(erf) = vpow2.f32 v36  }
0x197: {  	s28 =	sor.u32 s20, s12;
	s12 =	sor.u32 s20, s31;
	v41 =	vsub.f32 $2.000000000e+00, v49;
	(erf) = vpow2.f32 v38;
	v25 =	vmul.f32 v37, v25  }
0x198: {  	v8 =	vld [tilespmem:s12+$0x0];
	v6 =	vsel vm6, v6, v4;
	v44 =	vmul.f32 v39, v44;
	(erf) = vpow2.f32 v51  }
0x199: {  	s30 =	sor.u32 s20, s30;
	v55 =	vsel vm10, v17, v16;
	v11 =	vmul.f32 v41, v11;
	v48 =	vsub.f32 $2.000000000e+00, v25  }
0x19a: {  	v12 =	vld [tilespmem:s30+$0x0];
	vm13 =	vgt.f32 v14, v55;
	v15 =	vmul.f32 v13, v15;
	v49 =	vsub.f32 $2.000000000e+00, v44  }
0x19b: {  	v57 =	vsel vm10, $0xFFFFFFE3, v60;
	v14 =	vsel vm13, v14, v55;
	[tilespmem:$0x1FFC0] =	vst v11;
	v11 =	vmul.f32 v48, v37  }
0x19c: {  	s5 =	sor.u32 s20, s5;
	vm14 =	vgt.f32 v14, v5;
	v15 =	vsub.f32 $2.000000000e+00, v15;
	v10 =	vmul.f32 v49, v39  }
0x19d: {  	v41 =	vsub.f32 $0.0e+00, v8;
	v5 =	vsel vm14, v14, v5;
	v39 =	vimm.s32 $0xFFFFFFE2;
	[tilespmem:$0x1FFE0] =	vst v11;
	v11 =	vld [tilespmem:s5+$0x0]  }
0x19e: {  	vm4 =	vgt.f32 v5, v53;
	v13 =	vmul.f32 v15, v13;
	v59 =	vsel vm11, $0xFFFFFFE1, v39;
	[tilespmem:$0x1FFF0] =	vst v10;
	v10 =	vld [tilespmem:s28+$0x0];
	s28 =	sor.u32 s20, s9  }
0x19f: {  	v44 =	vmul.f32 $1.442695020e+00, v41;
	v16 =	vsel vm13, v59, v57;
	v59 =	vsub.f32 $0.0e+00, v12;
	v56 =	vpop (erf);
	v9 =	vld [tilespmem:s28+$0x0]  }
0x1a0: {  	v5 =	vsel vm4, v5, v53;
	[tilespmem:$0x1FFD0] =	vst v13;
	v13 =	vsel vm12, v54, v52;
	v17 =	vadd.f32 $1.000000000e+00, v56;
	v58 =	vpop (erf)  }
0x1a1: {  	v13 =	vsel vm14, v16, v13;
	v49 =	vmul.f32 $1.442695020e+00, v59;
	v25 =	vadd.f32 $1.000000000e+00, v58;
	v40 =	vpop (erf)  }
0x1a2: {  	s6 =	sld [smem:$0x7EC];
	v13 =	vsel vm4, v13, v26;
	v60 =	vsub.s32 $0x7EF311C3, v17;
	v51 =	vadd.f32 $1.000000000e+00, v40  }
0x1a3: {  	v21 =	vmul.f32 v60, v17;
	v24 =	vsub.s32 $0x7EF311C3, v25;
	v36 =	vsub.f32 $0.0e+00, v10  }
0x1a4: {  	s31 =	sor.u32 s20, s10;
	v57 =	vsub.f32 $0.0e+00, v11;
	v37 =	vmul.f32 v24, v25;
	v42 =	vsub.f32 $0.0e+00, v9  }
0x1a5: {  	v20 =	vld [tilespmem:s31+$0x0];
	s5 =	sor.u32 s20, s6;
	v45 =	vsub.s32 $0x7EF311C3, v51;
	v38 =	vsub.f32 $2.000000000e+00, v21;
	v50 =	vmul.f32 $1.442695020e+00, v36  }
0x1a6: {  	v19 =	vld [tilespmem:s5+$0x0];
	v18 =	vmul.f32 $1.442695020e+00, v57;
	v47 =	vmul.f32 v45, v51;
	v15 =	vsub.f32 $2.000000000e+00, v37  }
0x1a7: {  	[tilespmem:$0x1FFB0] =	vst v43;
	vm9 =	vgt.f32 v12, v11;
	(erf) = vpow2.f32 v50;
	v43 =	vmul.f32 v60, v38  }
0x1a8: {  	vm7 =	vgt.f32 v10, v7;
	v46 =	vmul.f32 $1.442695020e+00, v42;
	v15 =	vmul.f32 v24, v15  }
0x1a9: {  	v11 =	vsel vm9, v12, v11;
	(erf) = vpow2.f32 v44;
	v58 =	vmul.f32 v43, v17  }
0x1aa: {  	v50 =	vsub.f32 $2.000000000e+00, v47;
	(erf) = vpow2.f32 v46;
	v60 =	vmul.f32 v15, v25  }
0x1ab: {  	vm12 =	vgt.f32 v19, v20;
	(erf) = vpow2.f32 v18;
	v21 =	vsub.f32 $2.000000000e+00, v58  }
0x1ac: {  	v27 =	vmul.f32 v45, v50;
	(erf) = vpow2.f32 v49;
	v36 =	vsub.f32 $2.000000000e+00, v60  }
0x1ad: {  	v7 =	vsel vm7, v10, v7;
	vm8 =	vgt.f32 v9, v8;
	v14 =	vmul.f32 v21, v43  }
0x1ae: {  	vm2 =	vgt.f32 v7, v6;
	v40 =	vmul.f32 v27, v51;
	v38 =	vmul.f32 v36, v15  }
0x1af: {  	v8 =	vsel vm8, v9, v8;
	v6 =	vsel vm2, v7, v6;
	v41 =	vmul.f32 v14, v17  }
0x1b0: {  	vm10 =	vgt.f32 v11, v8;
	v15 =	vsub.f32 $2.000000000e+00, v40;
	v37 =	vpop (erf);
	v42 =	vmul.f32 v38, v25  }
0x1b1: {  	v8 =	vsel vm10, v11, v8;
	v16 =	vadd.f32 $1.000000000e+00, v37;
	v1 =	vsub.f32 $2.000000000e+00, v41  }
0x1b2: {  	v15 =	vmul.f32 v15, v27;
	v44 =	vpop (erf);
	v37 =	vsub.f32 $0.0e+00, v20;
	v17 =	vsub.f32 $2.000000000e+00, v42  }
0x1b3: {  	v46 =	vpop (erf);
	v43 =	vsub.s32 $0x7EF311C3, v16;
	v50 =	vmul.f32 v1, v14;
	v14 =	vadd.f32 $1.000000000e+00, v44  }
0x1b4: {  	v52 =	vadd.f32 $1.000000000e+00, v46;
	v1 =	vmul.f32 v15, v51;
	v36 =	vpop (erf);
	v42 =	vmul.f32 $1.442695020e+00, v37  }
0x1b5: {  	v45 =	vmul.f32 v43, v16;
	v49 =	vmul.f32 v17, v38;
	v56 =	vadd.f32 $1.000000000e+00, v36;
	v41 =	vpop (erf)  }
0x1b6: {  	v21 =	vsub.s32 $0x7EF311C3, v14;
	v60 =	vsub.s32 $0x7EF311C3, v52;
	v57 =	vadd.f32 $1.000000000e+00, v41  }
0x1b7: {  	(erf) = vpow2.f32 v42;
	v47 =	vsub.f32 $2.000000000e+00, v45;
	v38 =	vmul.f32 v21, v14  }
0x1b8: {  	v42 =	vsub.f32 $2.000000000e+00, v1;
	v40 =	vmul.f32 v60, v52;
	v45 =	vsub.s32 $0x7EF311C3, v56  }
0x1b9: {  	v46 =	vmul.f32 v45, v56;
	v25 =	vmul.f32 v43, v47;
	v43 =	vsub.f32 $2.000000000e+00, v38  }
0x1ba: {  	v18 =	vsel vm15, v2, v0;
	v51 =	vmul.f32 v42, v15;
	v44 =	vsub.f32 $2.000000000e+00, v40  }
0x1bb: {  	v47 =	vsub.s32 $0x7EF311C3, v57;
	v41 =	vsub.f32 $2.000000000e+00, v46;
	v17 =	vmul.f32 v21, v43  }
0x1bc: {  	vm5 =	vgt.f32 v5, v18;
	v21 =	vmul.f32 v47, v57;
	v40 =	vmul.f32 v25, v16  }
0x1bd: {  	s10 =	sld [smem:$0x7ED];
	s9 =	sor.u32 s20, s26;
	v29 =	vsel vm5, v13, v3;
	v27 =	vmul.f32 v60, v44;
	v54 =	vmul.f32 v45, v41  }
0x1be: {  	v2 =	vld [tilespmem:s9+$0x0];
	v43 =	vmul.f32 v17, v14;
	v44 =	vsub.f32 $2.000000000e+00, v21;
	v26 =	vsub.f32 $2.000000000e+00, v40  }
0x1bf: {  	v42 =	vsub.f32 $0.0e+00, v19;
	v45 =	vmul.f32 v27, v52;
	v58 =	vmul.f32 v54, v56  }
0x1c0: {  	s5 =	sor.u32 s20, s10;
	v46 =	vsub.f32 $2.000000000e+00, v43;
	v47 =	vmul.f32 v47, v44;
	v25 =	vmul.f32 v26, v25  }
0x1c1: {  	v13 =	vld [tilespmem:s5+$0x0];
	v48 =	vsub.f32 $2.000000000e+00, v45;
	v41 =	vpop (erf);
	v45 =	vmul.f32 $1.442695020e+00, v42;
	v21 =	vsub.f32 $2.000000000e+00, v58  }
0x1c2: {  	s26 =	sor.u32 s20, s13;
	v58 =	vadd.f32 $1.000000000e+00, v41;
	v17 =	vmul.f32 v46, v17;
	v59 =	vmul.f32 v47, v57  }
0x1c3: {  	v15 =	vld [tilespmem:s26+$0x0];
	v43 =	vsub.f32 $0.0e+00, v2;
	v60 =	vmul.f32 v25, v16;
	(erf) = vpow2.f32 v45  }
0x1c4: {  	v16 =	vmul.f32 v48, v27;
	v46 =	vsub.s32 $0x7EF311C3, v58;
	v40 =	vsub.f32 $2.000000000e+00, v59  }
0x1c5: {  	v14 =	vmul.f32 v17, v14;
	v48 =	vsub.f32 $2.000000000e+00, v60;
	v60 =	vmul.f32 v46, v58  }
0x1c6: {  	s12 =	sor.u32 s20, s11;
	v41 =	vsub.f32 $0.0e+00, v13;
	v44 =	vmul.f32 v21, v54;
	v26 =	vmul.f32 v40, v47  }
0x1c7: {  	v47 =	vmul.f32 $1.442695020e+00, v43;
	v0 =	vsub.f32 $2.000000000e+00, v14;
	v14 =	vld [tilespmem:s12+$0x0];
	v21 =	vsub.f32 $2.000000000e+00, v60  }
0x1c8: {  	v45 =	vsub.f32 $0.0e+00, v15;
	v3 =	vmul.f32 $1.442695020e+00, v41;
	v1 =	vmul.f32 v44, v56  }
0x1c9: {  	vm11 =	vgt.f32 v8, v6;
	(erf) = vpow2.f32 v47;
	v40 =	vmul.f32 v46, v21  }
0x1ca: {  	s28 =	sor.u32 s20, s8;
	vm3 =	vgt.f32 v13, v2;
	v52 =	vmul.f32 v16, v52;
	v59 =	vmul.f32 $1.442695020e+00, v45  }
0x1cb: {  	v4 =	vld [tilespmem:s28+$0x0];
	v24 =	vsub.f32 $2.000000000e+00, v1;
	(erf) = vpow2.f32 v3;
	v42 =	vmul.f32 v40, v58  }
0x1cc: {  	v52 =	vsub.f32 $2.000000000e+00, v52;
	v5 =	vmul.f32 v26, v57;
	v43 =	vsub.f32 $0.0e+00, v14;
	v46 =	vpop (erf)  }
0x1cd: {  	v53 =	vmul.f32 v24, v44;
	v44 =	vsub.f32 $2.000000000e+00, v42;
	v10 =	vadd.f32 $1.000000000e+00, v46  }
0x1ce: {  	s30 =	sld [smem:$0x7EE];
	v56 =	vmul.f32 v48, v25;
	v54 =	vmul.f32 v52, v16;
	v25 =	vsub.f32 $2.000000000e+00, v5  }
0x1cf: {  	v47 =	vmul.f32 $1.442695020e+00, v43;
	v48 =	vmul.f32 v44, v40;
	v40 =	vsub.s32 $0x7EF311C3, v10  }
0x1d0: {  	v52 =	vmul.f32 v25, v26;
	v44 =	vsub.f32 $0.0e+00, v4;
	v42 =	vmul.f32 v40, v10  }
0x1d1: {  	s5 =	sor.u32 s20, s30;
	v37 =	vimm.s32 $0xFFFFFFE6;
	(erf) = vpow2.f32 v47;
	v21 =	vmul.f32 v48, v58  }
0x1d2: {  	v26 =	vld [tilespmem:s5+$0x0];
	v46 =	vmul.f32 $1.442695020e+00, v44;
	v57 =	vpop (erf);
	(erf) = vpow2.f32 v59;
	v45 =	vsub.f32 $2.000000000e+00, v42  }
0x1d3: {  	v36 =	vimm.s32 $0xFFFFFFE8;
	v18 =	vadd.f32 $1.000000000e+00, v57;
	v9 =	vsub.f32 $2.000000000e+00, v21  }
0x1d4: {  	v38 =	vimm.s32 $0xFFFFFFE4;
	v16 =	vsel vm6, $0xFFFFFFFF, v61;
	v61 =	vpop (erf);
	(erf) = vpow2.f32 v46  }
0x1d5: {  	v41 =	vsub.s32 $0x7EF311C3, v18;
	v57 =	vmul.f32 v9, v48;
	v48 =	vmul.f32 v40, v45  }
0x1d6: {  	v60 =	vsel vm7, $0xFFFFFFFD, v62;
	v55 =	vmul.f32 v0, v17;
	v43 =	vmul.f32 v41, v18  }
0x1d7: {  	v47 =	vsub.f32 $0.0e+00, v26;
	v25 =	vadd.f32 $1.000000000e+00, v61;
	v21 =	vmul.f32 v48, v10  }
0x1d8: {  	v12 =	vsel vm2, v60, v16;
	v24 =	vsel vm8, $0xFFFFFFFB, v63;
	v58 =	vsub.f32 $2.000000000e+00, v43  }
0x1d9: {  	v62 =	vmul.f32 $1.442695020e+00, v47;
	v42 =	vsub.s32 $0x7EF311C3, v25;
	v3 =	vsub.f32 $2.000000000e+00, v21  }
0x1da: {  	s31 =	sld [smem:$0x7EF];
	vm13 =	vgt.f32 v15, v14;
	v44 =	vmul.f32 v42, v25;
	v17 =	vmul.f32 v41, v58;
	v41 =	vpop (erf)  }
0x1db: {  	(erf) = vpow2.f32 v62;
	v27 =	vadd.f32 $1.000000000e+00, v41;
	v43 =	vpop (erf);
	v7 =	vmul.f32 v3, v48  }
0x1dc: {  	vm14 =	vgt.f32 v26, v4;
	v40 =	vmul.f32 v17, v18;
	v9 =	vadd.f32 $1.000000000e+00, v43  }
0x1dd: {  	s5 =	sor.u32 s20, s31;
	v59 =	vsub.f32 $2.000000000e+00, v44;
	v41 =	vpop (erf);
	v45 =	vsub.s32 $0x7EF311C3, v27;
	v10 =	vmul.f32 v7, v10  }
0x1de: {  	v63 =	vld [tilespmem:s5+$0x0];
	v5 =	vadd.f32 $1.000000000e+00, v41;
	v16 =	vsub.f32 $2.000000000e+00, v40;
	v47 =	vsub.s32 $0x7EF311C3, v9  }
0x1df: {  	v46 =	vmul.f32 v45, v27;
	v40 =	vsel vm9, $0xFFFFFFF9, v22;
	v48 =	vmul.f32 v47, v9  }
0x1e0: {  	v61 =	vsel vm10, v40, v24;
	v10 =	vsub.f32 $2.000000000e+00, v10;
	v11 =	vmul.f32 v16, v17  }
0x1e1: {  	v16 =	vmul.f32 v42, v59;
	v21 =	vsub.f32 $2.000000000e+00, v46;
	v46 =	vsub.s32 $0x7EF311C3, v5  }
0x1e2: {  	v3 =	vsub.f32 $2.000000000e+00, v48;
	v59 =	vmul.f32 v10, v7;
	v48 =	vmul.f32 v46, v5  }
0x1e3: {  	v24 =	vsub.f32 $0.0e+00, v63;
	v18 =	vmul.f32 v11, v18;
	v17 =	vmul.f32 v45, v21  }
0x1e4: {  	v43 =	vmul.f32 v16, v25;
	v42 =	vmul.f32 v47, v3;
	v22 =	vpop (erf);
	v10 =	vsub.f32 $2.000000000e+00, v48  }
0x1e5: {  	v18 =	vsub.f32 $2.000000000e+00, v18;
	v44 =	vmul.f32 v17, v27;
	v7 =	vadd.f32 $1.000000000e+00, v22  }
0x1e6: {  	v47 =	vsub.f32 $2.000000000e+00, v43;
	v45 =	vmul.f32 v42, v9;
	v0 =	vmul.f32 v46, v10  }
0x1e7: {  	s12 =	sor.u32 s20, s3;
	v58 =	vmul.f32 v18, v11;
	v21 =	vsub.f32 $2.000000000e+00, v44;
	v18 =	vsub.s32 $0x7EF311C3, v7  }
0x1e8: {  	s13 =	sor.u32 s20, s4;
	v22 =	vsel vm12, v19, v20;
	v19 =	vld [tilespmem:s12+$0x0];
	v16 =	vmul.f32 v47, v16;
	v41 =	vmul.f32 v18, v7  }
0x1e9: {  	v4 =	vsel vm14, v26, v4;
	v20 =	vld [tilespmem:s13+$0x0];
	v47 =	vmul.f32 v0, v5;
	v11 =	vmul.f32 v21, v17  }
0x1ea: {  	s6 =	sld [smem:$0x7F0];
	v1 =	vsub.f32 $2.000000000e+00, v45;
	v40 =	vmul.f32 v16, v25;
	v17 =	vmul.f32 $1.442695020e+00, v24  }
0x1eb: {  	v21 =	vsel vm11, v8, v6;
	v24 =	vsel vm11, v61, v12;
	v25 =	vsel vm3, v13, v2  }
0x1ec: {  	v1 =	vmul.f32 v1, v42;
	v45 =	vsub.f32 $2.000000000e+00, v41;
	v10 =	vsub.f32 $2.000000000e+00, v47  }
0x1ed: {  	s5 =	sor.u32 s20, s6;
	vm4 =	vgt.f32 v25, v22;
	v41 =	vsel vm12, $0xFFFFFFF7, v23;
	v47 =	vsel vm14, $0xFFFFFFF1, v31  }
0x1ee: {  	s8 =	sld [smem:$0x7F1];
	v12 =	vld [tilespmem:s5+$0x0];
	vm11 =	vgt.f32 v20, v19;
	v42 =	vmul.f32 v11, v27;
	(erf) = vpow2.f32 v17  }
0x1ef: {  	s1 =	sor.u32 s20, s1;
	v44 =	vsub.f32 $2.000000000e+00, v40;
	v40 =	vsel vm13, v15, v14;
	v43 =	vmul.f32 v1, v9  }
0x1f0: {  	s11 =	sor.u32 s20, s29;
	v14 =	vld [tilespmem:s1+$0x0];
	v48 =	vmul.f32 v18, v45;
	v17 =	vmul.f32 v10, v0;
	v0 =	vsel vm4, v25, v22  }
0x1f1: {  	s5 =	sor.u32 s20, s8;
	v18 =	vld [tilespmem:s11+$0x0];
	vm5 =	vgt.f32 v4, v40;
	v6 =	vsub.f32 $2.000000000e+00, v42;
	v62 =	vmul.f32 v44, v16  }
0x1f2: {  	s9 =	sor.u32 s20, s14;
	v16 =	vld [tilespmem:s5+$0x0];
	v42 =	vsel vm3, $0xFFFFFFF5, v28;
	v28 =	vsel vm11, v20, v19;
	v46 =	vsub.f32 $2.000000000e+00, v43  }
0x1f3: {  	v13 =	vld [tilespmem:s9+$0x0];
	v43 =	vsub.f32 $0.0e+00, v12;
	vm0 =	vgt.f32 v12, v63;
	v61 =	vmul.f32 v6, v11  }
0x1f4: {  	v11 =	vmul.f32 v48, v7;
	v6 =	vsel vm5, v4, v40;
	v12 =	vsel vm0, v12, v63  }
0x1f5: {  	v60 =	vmul.f32 v46, v1;
	v1 =	vsel vm4, v42, v41;
	vm15 =	vgt.f32 v6, v0  }
0x1f6: {  	v9 =	vmul.f32 $1.442695020e+00, v43;
	v46 =	vsel vm13, $0xFFFFFFF3, v30;
	v27 =	vsub.f32 $2.000000000e+00, v11  }
0x1f7: {  	v26 =	vsel vm5, v47, v46;
	vm10 =	vgt.f32 v14, v18;
	v45 =	vsub.f32 $0.0e+00, v16  }
0x1f8: {  	s14 =	sor.u32 s20, s2;
	(erf) = vpow2.f32 v9;
	v23 =	vsel vm15, v26, v1;
	vm12 =	vgt.f32 v13, v16  }
0x1f9: {  	s21 =	sor.u32 s20, s21;
	v8 =	vld [tilespmem:s14+$0x0];
	v42 =	vsel vm10, v14, v18;
	v14 =	vsub.f32 $0.0e+00, v14;
	v15 =	vmul.f32 v27, v48  }
0x1fa: {  	s19 =	sor.u32 s20, s19;
	v4 =	vld [tilespmem:s21+$0x0];
	v27 =	vsel vm15, v6, v0;
	v40 =	vsel vm12, v13, v16;
	v13 =	vsub.f32 $0.0e+00, v13;
	v44 =	vpop (erf)  }
0x1fb: {  	s0 =	sor.u32 s20, s0;
	v11 =	vld [tilespmem:s19+$0x0];
	vm13 =	vgt.f32 v28, v42;
	v26 =	vsel vm12, $0xFFFFFFED, v33;
	v25 =	vadd.f32 $1.000000000e+00, v44  }
0x1fc: {  	s28 =	sor.u32 s20, s23;
	v6 =	vld [tilespmem:s0+$0x0];
	v10 =	vmul.f32 $1.442695020e+00, v45;
	vm15 =	vgt.f32 v40, v12;
	v43 =	vsel vm13, v28, v42  }
0x1fd: {  	s29 =	sor.u32 s20, s24;
	v9 =	vld [tilespmem:s28+$0x0];
	vm2 =	vgt.f32 v27, v21;
	v14 =	vmul.f32 $1.442695020e+00, v14;
	v48 =	vsub.s32 $0x7EF311C3, v25  }
0x1fe: {  	s26 =	sor.u32 s20, s15;
	v16 =	vld [tilespmem:s29+$0x0];
	v13 =	vmul.f32 $1.442695020e+00, v13;
	v12 =	vsel vm15, v40, v12;
	v22 =	vmul.f32 v48, v25  }
0x1ff: {  	s30 =	sor.u32 s20, s25;
	v44 =	vsub.f32 $0.0e+00, v18;
	v21 =	vsel vm2, v27, v21;
	(erf) = vpow2.f32 v10;
	v10 =	vld [tilespmem:s26+$0x0]  }
0x200: {  	vm8 =	vgt.f32 v11, v8;
	vm14 =	vgt.f32 v43, v12;
	v41 =	vsub.f32 $2.000000000e+00, v22;
	v22 =	vld [tilespmem:s30+$0x0]  }
0x201: {  	(erf) = vpow2.f32 v13;
	v13 =	vmul.f32 $1.442695020e+00, v44;
	vm7 =	vgt.f32 v6, v4  }
0x202: {  	v45 =	vsel vm8, v11, v8;
	v1 =	vsel vm14, v43, v12;
	v46 =	vsel vm7, v6, v4  }
0x203: {  	(erf) = vpow2.f32 v13;
	v4 =	vsub.f32 $0.0e+00, v4;
	v3 =	vmul.f32 v48, v41;
	v48 =	vpop (erf)  }
0x204: {  	v6 =	vsub.f32 $0.0e+00, v6;
	vm9 =	vgt.f32 v46, v45;
	v0 =	vadd.f32 $1.000000000e+00, v48  }
0x205: {  	vm3 =	vgt.f32 v9, v10;
	v18 =	vsel vm9, v46, v45;
	vm4 =	vgt.f32 v22, v16  }
0x206: {  	v28 =	vsel vm3, v9, v10;
	v40 =	vsub.s32 $0x7EF311C3, v0;
	v47 =	vsel vm4, v22, v16  }
0x207: {  	v46 =	vmul.f32 v17, v5;
	v42 =	vmul.f32 v40, v0;
	vm5 =	vgt.f32 v47, v28  }
0x208: {  	v4 =	vmul.f32 $1.442695020e+00, v4;
	v6 =	vmul.f32 $1.442695020e+00, v6;
	v63 =	vsel vm5, v47, v28  }
0x209: {  	v27 =	vmul.f32 v3, v25;
	v43 =	vsub.f32 $2.000000000e+00, v42;
	vm6 =	vgt.f32 v63, v18  }
0x20a: {  	v41 =	vpop (erf);
	(erf) = vpow2.f32 v14;
	v47 =	vmul.f32 v15, v7;
	v2 =	vsel vm6, v63, v18  }
0x20b: {  	v18 =	vadd.f32 $1.000000000e+00, v41;
	v48 =	vmul.f32 v40, v43;
	vm1 =	vgt.f32 v2, v1  }
0x20c: {  	v5 =	vsub.f32 $2.000000000e+00, v47;
	v41 =	vsub.f32 $2.000000000e+00, v27;
	v1 =	vsel vm1, v2, v1  }
0x20d: {  	v44 =	vsub.s32 $0x7EF311C3, v18;
	v2 =	vsel vm0, $0xFFFFFFEF, v32;
	v40 =	vmul.f32 v48, v0  }
0x20e: {  	v32 =	vpop (erf);
	v63 =	vmul.f32 v5, v15;
	v45 =	vmul.f32 v44, v18;
	vm0 =	vgt.f32 v1, v21  }
0x20f: {  	v1 =	vsub.f32 $2.000000000e+00, v46;
	v14 =	vadd.f32 $1.000000000e+00, v32;
	v2 =	vsel vm15, v26, v2  }
0x210: {  	v42 =	vsub.f32 $2.000000000e+00, v40;
	v40 =	vsel vm10, $0xFFFFFFEB, v34;
	v21 =	vsub.f32 $2.000000000e+00, v45  }
0x211: {  	v47 =	vmul.f32 v1, v17;
	v1 =	vmul.f32 v41, v3;
	v45 =	vsub.f32 $0.0e+00, v19  }
0x212: {  	v5 =	vmul.f32 v42, v48;
	v12 =	vmul.f32 v44, v21;
	v44 =	vsub.s32 $0x7EF311C3, v14  }
0x213: {  	v21 =	vsub.f32 $0.0e+00, v20;
	v3 =	vmul.f32 $1.442695020e+00, v45;
	v46 =	vmul.f32 v44, v14  }
0x214: {  	v32 =	vpop (erf);
	v41 =	vsel vm11, $0xFFFFFFE9, v35;
	v0 =	vmul.f32 v5, v0;
	v43 =	vmul.f32 v12, v18  }
0x215: {  	v27 =	vmul.f32 $1.442695020e+00, v21;
	(erf) = vpow2.f32 v3;
	v3 =	vadd.f32 $1.000000000e+00, v32  }
0x216: {  	v13 =	vsel vm13, v41, v40;
	v17 =	vsub.f32 $2.000000000e+00, v46;
	v0 =	vsub.f32 $2.000000000e+00, v0  }
0x217: {  	v33 =	vpop (erf);
	v48 =	vsub.f32 $2.000000000e+00, v43;
	(erf) = vpow2.f32 v27;
	v43 =	vsub.s32 $0x7EF311C3, v3  }
0x218: {  	v13 =	vsel vm14, v13, v2;
	v15 =	vmul.f32 v44, v17;
	v32 =	vmul.f32 v43, v3  }
0x219: {  	v46 =	vmul.f32 v0, v5;
	v7 =	vmul.f32 v48, v12;
	v12 =	vadd.f32 $1.000000000e+00, v33  }
0x21a: {  	v27 =	vsub.f32 $0.0e+00, v11;
	v48 =	vmul.f32 v1, v25;
	v42 =	vmul.f32 v15, v14  }
0x21b: {  	v21 =	vsub.f32 $2.000000000e+00, v32;
	v33 =	vsub.s32 $0x7EF311C3, v12;
	v18 =	vmul.f32 v7, v18  }
0x21c: {  	v17 =	vsub.f32 $2.000000000e+00, v48;
	v19 =	vsub.f32 $2.000000000e+00, v42;
	v34 =	vmul.f32 v33, v12  }
0x21d: {  	v25 =	vsub.f32 $0.0e+00, v8;
	v35 =	vmul.f32 v43, v21;
	v48 =	vsub.f32 $2.000000000e+00, v18  }
0x21e: {  	v45 =	vmul.f32 v17, v1;
	v15 =	vmul.f32 v19, v15;
	v43 =	vsub.f32 $2.000000000e+00, v34  }
0x21f: {  	v42 =	vsel vm8, $0xFFFFFFE7, v36;
	v20 =	vmul.f32 v35, v3;
	v40 =	vpop (erf);
	v44 =	vmul.f32 v48, v7  }
0x220: {  	v0 =	vadd.f32 $1.000000000e+00, v40;
	v18 =	vmul.f32 v15, v14;
	v19 =	vmul.f32 v33, v43  }
0x221: {  	v26 =	vsub.f32 $2.000000000e+00, v20;
	v33 =	vmul.f32 $1.442695020e+00, v25;
	v41 =	vpop (erf);
	v25 =	vsel vm3, $0xFFFFFFE3, v38  }
0x222: {  	v5 =	vadd.f32 $1.000000000e+00, v41;
	v48 =	vsub.s32 $0x7EF311C3, v0;
	v32 =	vmul.f32 v19, v12  }
0x223: {  	v21 =	vsub.f32 $2.000000000e+00, v18;
	v1 =	vmul.f32 v26, v35;
	v35 =	vmul.f32 $1.442695020e+00, v27  }
0x224: {  	(erf) = vpow2.f32 v33;
	v18 =	vsel vm7, $0xFFFFFFE5, v37;
	v26 =	vsel vm4, $0xFFFFFFE1, v39  }
0x225: {  	v37 =	vsub.f32 $0.0e+00, v10;
	v20 =	vsub.s32 $0x7EF311C3, v5;
	v43 =	vmul.f32 v21, v15  }
0x226: {  	v34 =	vsub.f32 $2.000000000e+00, v32;
	(erf) = vpow2.f32 v35;
	v3 =	vmul.f32 v1, v3  }
0x227: {  	v21 =	vmul.f32 v20, v5;
	v15 =	vsel vm5, v26, v25;
	(erf) = vpow2.f32 v4  }
0x228: {  	v25 =	vsub.f32 $0.0e+00, v9;
	v2 =	vmul.f32 v34, v19;
	v19 =	vmul.f32 v48, v0  }
0x229: {  	v4 =	vsel vm9, v18, v42;
	v8 =	vsub.f32 $2.000000000e+00, v21;
	v3 =	vsub.f32 $2.000000000e+00, v3  }
0x22a: {  	v4 =	vsel vm6, v15, v4;
	(erf) = vpow2.f32 v6;
	v11 =	vsub.f32 $2.000000000e+00, v19  }
0x22b: {  	v6 =	vmul.f32 $1.442695020e+00, v37;
	v4 =	vsel vm1, v4, v13;
	v12 =	vmul.f32 v2, v12  }
0x22c: {  	v8 =	vmul.f32 v20, v8;
	v20 =	vsel vm2, v23, v24;
	v11 =	vmul.f32 v48, v11  }
0x22d: {  	v41 =	vmul.f32 v3, v1;
	v23 =	vsub.f32 $0.0e+00, v16;
	v4 =	vsel vm0, v4, v20  }
0x22e: {  	v12 =	vsub.f32 $2.000000000e+00, v12;
	v35 =	vmul.f32 v8, v5;
	v27 =	vpop (erf);
	v32 =	vmul.f32 v11, v0  }
0x22f: {  	v4 =	vadd.s32 $0x1F, v4;
	(erf) = vpow2.f32 v6;
	v1 =	vadd.f32 $1.000000000e+00, v27  }
0x230: {  	v42 =	vmul.f32 v12, v2;
	v2 =	vsub.f32 $2.000000000e+00, v35;
	v33 =	vpop (erf);
	v34 =	vsub.f32 $2.000000000e+00, v32  }
0x231: {  	v12 =	vadd.f32 $1.000000000e+00, v33;
	v36 =	vpop (erf);
	v38 =	vsub.s32 $0x7EF311C3, v1;
	v32 =	vmul.f32 $1.442695020e+00, v25  }
0x232: {  	v8 =	vmul.f32 v2, v8;
	v14 =	vadd.f32 $1.000000000e+00, v36;
	v39 =	vmul.f32 v38, v1  }
0x233: {  	v3 =	vmul.f32 v34, v11;
	v40 =	vsub.s32 $0x7EF311C3, v12;
	(erf) = vpow2.f32 v32  }
0x234: {  	v33 =	vpop (erf);
	v48 =	vsub.s32 $0x7EF311C3, v14;
	v11 =	vsub.f32 $2.000000000e+00, v39;
	v17 =	vmul.f32 v40, v12  }
0x235: {  	v7 =	vadd.f32 $1.000000000e+00, v33;
	v5 =	vmul.f32 v8, v5;
	v18 =	vmul.f32 v48, v14  }
0x236: {  	v0 =	vmul.f32 v3, v0;
	v10 =	vmul.f32 v38, v11;
	v26 =	vsub.f32 $2.000000000e+00, v17  }
0x237: {  	v4 =	vcvt.s32.f32 v4;
	v5 =	vsub.f32 $2.000000000e+00, v5;
	v27 =	vsub.f32 $2.000000000e+00, v18  }
0x238: {  	v0 =	vsub.f32 $2.000000000e+00, v0;
	v15 =	vmul.f32 v40, v26;
	v34 =	vmul.f32 v10, v1  }
0x239: {  	v33 =	vpop (erf);
	v40 =	vmul.f32 v5, v8;
	v19 =	vmul.f32 v48, v27;
	v48 =	vsub.s32 $0x7EF311C3, v7  }
0x23a: {  	v31 =	vadd.f32 $1.000000000e+00, v33;
	v35 =	vmul.f32 v15, v12;
	v18 =	vmul.f32 v48, v7  }
0x23b: {  	v24 =	vld [tilespmem:s7+$0x10000];
	v39 =	vmul.f32 v0, v3;
	v25 =	vsub.f32 $2.000000000e+00, v34;
	v17 =	vmul.f32 v19, v14  }
0x23c: {  	s31 =	sld [smem:$0x7F2];
	v34 =	vadd.s32 $0x1F, v29;
	v26 =	vsub.f32 $2.000000000e+00, v35;
	v32 =	vsub.f32 $2.000000000e+00, v18  }
0x23d: {  	v9 =	vcvt.s32.f32 v34;
	v0 =	vmul.f32 v25, v10;
	v11 =	vpop (erf);
	v27 =	vsub.f32 $2.000000000e+00, v17  }
0x23e: {  	v30 =	vadd.f32 $1.000000000e+00, v11;
	v3 =	vmul.f32 v26, v15;
	v8 =	vmul.f32 v48, v32  }
0x23f: {  	v35 =	vld [tilespmem:s31+$0x10000];
	v1 =	vmul.f32 v0, v1;
	v48 =	vsub.s32 $0x7EF311C3, v31;
	v26 =	vsub.f32 $0.0e+00, v22  }
0x240: {  	v32 =	vmin.f32 v24, v4;
	v5 =	vmul.f32 v27, v19;
	v6 =	vmul.f32 v48, v31  }
0x241: {  	v21 =	vsub.s32 $0x7EF311C3, v30;
	v12 =	vmul.f32 v3, v12;
	v38 =	vmul.f32 v8, v7  }
0x242: {  	v1 =	vsub.f32 $2.000000000e+00, v1;
	v25 =	vmul.f32 v21, v30;
	v37 =	vmul.f32 v5, v14  }
0x243: {  	v19 =	vmul.f32 $1.442695020e+00, v26;
	v17 =	vsub.f32 $2.000000000e+00, v6;
	v12 =	vsub.f32 $2.000000000e+00, v12  }
0x244: {  	v18 =	vmin.f32 v35, v9;
	v10 =	vsub.f32 $2.000000000e+00, v37;
	v37 =	vmul.f32 v1, v0  }
0x245: {  	v14 =	vsub.f32 $2.000000000e+00, v38;
	v1 =	vtrunc.f32 v18;
	v36 =	vmul.f32 v12, v3  }
0x246: {  	v16 =	vsub.f32 $2.000000000e+00, v25;
	v1 =	vcvt.f32.s32 v1;
	v3 =	vmul.f32 $1.442695020e+00, v23  }
0x247: {  	v35 =	vmul.f32 v48, v17;
	v48 =	vlaneseq.u32;
	v34 =	vmul.f32 v14, v8  }
0x248: {  	v33 =	vmul.f32 v21, v16;
	(erf) = vpow2.f32 v3;
	v0 =	vshll.u32 v1, $0xA  }
0x249: {  	(erf) = vpow2.f32 v19;
	v1 =	vand.u32 $0x7C00, v0;
	v3 =	vadd.s32 $0x800, v0  }
0x24a: {  	v13 =	vadd.s32 $0x1800, v0;
	v29 =	vadd.s32 $0x2000, v0;
	v27 =	vor.u32 s16, v1  }
0x24b: {  	v1 =	vor.u32 s17, v48;
	v29 =	vand.u32 $0x7C00, v29;
	v48 =	vadd.s32 $0x3000, v0  }
0x24c: {  	v19 =	vand.u32 $0x7C00, v3;
	v16 =	vor.u32 s16, v29;
	v3 =	vand.u32 $0x7C00, v48  }
0x24d: {  	v29 =	vor.u32 v1, v16;
	v3 =	vor.u32 s16, v3;
	v16 =	vadd.s32 $0x3C00, v0  }
0x24e: {  	v23 =	vand.u32 $0x7C00, v13;
	v13 =	vor.u32 v1, v3;
	v3 =	vand.u32 $0x7C00, v16  }
0x24f: {  	v14 =	vadd.s32 $0x1C00, v0;
	v48 =	vadd.s32 $0x4C00, v0;
	v3 =	vor.u32 s16, v3  }
0x250: {  	v24 =	vand.u32 $0x7C00, v14;
	v14 =	vor.u32 v1, v3;
	v3 =	vand.u32 $0x7C00, v48  }
0x251: {  	v48 =	vadd.s32 $0x5800, v0;
	v3 =	vor.u32 s16, v3  }
0x252: {  	v4 =	vor.u32 v1, v27;
	v27 =	vor.u32 v1, v3;
	v3 =	vand.u32 $0x7C00, v48;
	v48 =	vld [tilespmem:$0x1FE00];
	_ =	sdelay $0x1  }
0x253: {  	v2 =	vadd.s32 $0x400, v0  }
0x254: {  	v8 =	vand.u32 $0x7C00, v2  }
0x255: {  	v8 =	vor.u32 s16, v8  }
0x256: {  	v8 =	vor.u32 v1, v8;
	[tilespmem:v4+s18+$0x0] =	vst.idx.msk $0xffff, v48;
	v48 =	vld [tilespmem:$0x1FE10];
	_ =	sdelay $0x3  }
0x257: {  	v19 =	vor.u32 s16, v19  }
0x258: {  	v19 =	vor.u32 v1, v19;
	[tilespmem:v8+s18+$0x0] =	vst.idx.msk $0xffff, v48;
	v48 =	vld [tilespmem:$0x1FE20];
	_ =	sdelay $0x1  }
0x259: {  	v38 =	vmul.f32 v10, v5;
	v5 =	vadd.s32 $0xC00, v0  }
0x25a: {  	v20 =	vand.u32 $0x7C00, v5  }
0x25b: {  	v20 =	vor.u32 s16, v20  }
0x25c: {  	v20 =	vor.u32 v1, v20;
	[tilespmem:v19+s18+$0x0] =	vst.idx.msk $0xffff, v48;
	v48 =	vld [tilespmem:$0x1FE30];
	_ =	sdelay $0x1  }
0x25d: {  	v11 =	vadd.s32 $0x1000, v0  }
0x25e: {  	v21 =	vand.u32 $0x7C00, v11  }
0x25f: {  	v21 =	vor.u32 s16, v21  }
0x260: {  	v21 =	vor.u32 v1, v21;
	[tilespmem:v20+s18+$0x0] =	vst.idx.msk $0xffff, v48;
	v48 =	vld [tilespmem:$0x1FE40];
	_ =	sdelay $0x1  }
0x261: {  	v12 =	vadd.s32 $0x1400, v0  }
0x262: {  	v22 =	vand.u32 $0x7C00, v12  }
0x263: {  	v22 =	vor.u32 s16, v22  }
0x264: {  	v22 =	vor.u32 v1, v22;
	[tilespmem:v21+s18+$0x0] =	vst.idx.msk $0xffff, v48;
	v48 =	vld [tilespmem:$0x1FE50];
	_ =	sdelay $0x3  }
0x265: {  	v23 =	vor.u32 s16, v23  }
0x266: {  	v23 =	vor.u32 v1, v23;
	[tilespmem:v22+s18+$0x0] =	vst.idx.msk $0xffff, v48;
	v48 =	vld [tilespmem:$0x1FE60];
	_ =	sdelay $0x3  }
0x267: {  	v24 =	vor.u32 s16, v24  }
0x268: {  	v5 =	vor.u32 v1, v24;
	[tilespmem:v23+s18+$0x0] =	vst.idx.msk $0xffff, v48;
	v48 =	vld [tilespmem:$0x1FE70]  }
0x269: {  	v15 =	vadd.s32 $0x2400, v0  }
0x26a: {  	v17 =	vadd.s32 $0x2800, v0;
	v2 =	vand.u32 $0x7C00, v15  }
0x26b: {  	v18 =	vadd.s32 $0x2C00, v0;
	v10 =	vadd.s32 $0x3400, v0;
	v2 =	vor.u32 s16, v2  }
0x26c: {  	v15 =	vadd.s32 $0x3800, v0;
	v6 =	vor.u32 v1, v2;
	v24 =	vand.u32 $0x7C00, v17  }
0x26d: {  	v2 =	vand.u32 $0x7C00, v18;
	v17 =	vadd.s32 $0x4400, v0;
	v24 =	vor.u32 s16, v24;
	[tilespmem:v5+s18+$0x0] =	vst.idx.msk $0xffff, v48;
	v48 =	vld [tilespmem:$0x1FE80]  }
0x26e: {  	v2 =	vor.u32 s16, v2;
	v9 =	vor.u32 v1, v24;
	v24 =	vand.u32 $0x7C00, v10  }
0x26f: {  	v11 =	vor.u32 v1, v2;
	v2 =	vand.u32 $0x7C00, v15;
	v24 =	vor.u32 s16, v24  }
0x270: {  	v18 =	vadd.s32 $0x4800, v0;
	v2 =	vor.u32 s16, v2;
	v10 =	vor.u32 v1, v24  }
0x271: {  	v12 =	vor.u32 v1, v2;
	v24 =	vand.u32 $0x7C00, v17;
	v2 =	vand.u32 $0x7C00, v18  }
0x272: {  	v17 =	vadd.s32 $0x5000, v0;
	v18 =	vadd.s32 $0x5400, v0;
	v2 =	vor.u32 s16, v2;
	[tilespmem:v29+s18+$0x0] =	vst.idx.msk $0xffff, v48;
	v48 =	vld [tilespmem:$0x1FE90]  }
0x273: {  	v24 =	vor.u32 s16, v24;
	v25 =	vor.u32 v1, v2;
	v2 =	vand.u32 $0x7C00, v18  }
0x274: {  	v15 =	vor.u32 v1, v24;
	v24 =	vand.u32 $0x7C00, v17;
	v2 =	vor.u32 s16, v2  }
0x275: {  	v24 =	vor.u32 s16, v24;
	v18 =	vor.u32 v1, v2;
	v2 =	vadd.s32 $0x5C00, v0  }
0x276: {  	v16 =	vor.u32 v1, v24;
	v24 =	vand.u32 $0x7C00, v2  }
0x277: {  	v17 =	vadd.s32 $0x6000, v0;
	v24 =	vor.u32 s16, v24;
	[tilespmem:v6+s18+$0x0] =	vst.idx.msk $0xffff, v48;
	v48 =	vmul.f32 v34, v7;
	v7 =	vld [tilespmem:$0x1FEA0]  }
0x278: {  	v2 =	vand.u32 $0x7C00, v17;
	v17 =	vor.u32 v1, v24;
	v24 =	vadd.s32 $0x6800, v0  }
0x279: {  	v24 =	vand.u32 $0x7C00, v24  }
0x27a: {  	v8 =	vor.u32 s16, v24;
	v24 =	vadd.s32 $0x7000, v0;
	_ =	sdelay $0x1  }
0x27b: {  	[tilespmem:v9+s18+$0x0] =	vst.idx.msk $0xffff, v7;
	v9 =	vld [tilespmem:$0x1FEB0]  }
0x27c: {  	v19 =	vand.u32 $0x7C00, v24;
	v24 =	vpop (erf);
	v7 =	vxor.u32 $0x4000, v4;
	v4 =	vsub.f32 $2.000000000e+00, v48;
	v48 =	vld [tilespmem:$0x1FEC0]  }
0x27d: {  	v24 =	vadd.f32 $1.000000000e+00, v24;
	_ =	sdelay $0x1  }
0x27e: {  	v22 =	vsub.s32 $0x7EF311C3, v24  }
0x27f: {  	v23 =	vmul.f32 v22, v24;
	[tilespmem:v11+s18+$0x0] =	vst.idx.msk $0xffff, v9  }
0x280: {  	v29 =	vtrunc.f32 v32;
	[tilespmem:v13+s18+$0x0] =	vst.idx.msk $0xffff, v48;
	v48 =	vld [tilespmem:$0x1FED0]  }
0x281: {  	v23 =	vsub.f32 $2.000000000e+00, v23;
	v29 =	vcvt.f32.s32 v29;
	_ =	sdelay $0x1  }
0x282: {  	v6 =	vmul.f32 v22, v23;
	v23 =	vshll.u32 v29, $0xA  }
0x283: {  	v11 =	vadd.s32 $0x400, v23  }
0x284: {  	v13 =	vld [tilespmem:$0x1FEE0];
	[tilespmem:v10+s18+$0x0] =	vst.idx.msk $0xffff, v48;
	v48 =	vand.u32 $0x7C00, v11  }
0x285: {  	v10 =	vor.u32 s16, v48;
	v48 =	vld [tilespmem:$0x1FEF0];
	_ =	sdelay $0x3  }
0x286: {  	[tilespmem:v12+s18+$0x0] =	vst.idx.msk $0xffff, v13  }
0x287: {  	[tilespmem:v14+s18+$0x0] =	vst.idx.msk $0xffff, v48;
	v48 =	vld [tilespmem:$0x1FF00];
	_ =	sdelay $0x4  }
0x288: {  	[tilespmem:v7+s18+$0x0] =	vst.idx.msk $0xffff, v48;
	v48 =	vld [tilespmem:$0x1FF10];
	_ =	sdelay $0x4  }
0x289: {  	[tilespmem:v15+s18+$0x0] =	vst.idx.msk $0xffff, v48;
	v48 =	vld [tilespmem:$0x1FF20];
	_ =	sdelay $0x4  }
0x28a: {  	[tilespmem:v25+s18+$0x0] =	vst.idx.msk $0xffff, v48;
	v25 =	vld [tilespmem:$0x1FF30];
	_ =	sdelay $0x1  }
0x28b: {  	v26 =	vadd.s32 $0x6400, v0;
	v3 =	vor.u32 s16, v3  }
0x28c: {  	v28 =	vor.u32 v1, v3;
	v3 =	vand.u32 $0x7C00, v26  }
0x28d: {  	v3 =	vor.u32 s16, v3;
	v2 =	vor.u32 s16, v2  }
0x28e: {  	v3 =	vor.u32 v1, v3;
	v26 =	vor.u32 v1, v2;
	v2 =	vadd.s32 $0x6C00, v0;
	[tilespmem:v27+s18+$0x0] =	vst.idx.msk $0xffff, v25;
	v27 =	vld [tilespmem:$0x1FF40]  }
0x28f: {  	v2 =	vand.u32 $0x7C00, v2;
	v19 =	vor.u32 s16, v19;
	v20 =	vadd.s32 $0x7800, v0  }
0x290: {  	v21 =	vor.u32 v1, v19;
	v19 =	vadd.s32 $0x7400, v0;
	v0 =	vadd.s32 $0x7C00, v0  }
0x291: {  	v2 =	vor.u32 s16, v2;
	v19 =	vand.u32 $0x7C00, v19;
	v0 =	vand.u32 $0x7C00, v0  }
0x292: {  	v19 =	vor.u32 s16, v19;
	v0 =	vor.u32 s16, v0;
	v48 =	vadd.s32 $0x1800, v23;
	v25 =	vld [tilespmem:$0x1FF50]  }
0x293: {  	v32 =	vor.u32 v1, v0;
	v14 =	vand.u32 $0x7C00, v48;
	v48 =	vadd.s32 $0x1C00, v23;
	[tilespmem:v16+s18+$0x0] =	vst.idx.msk $0xffff, v27;
	v27 =	vld [tilespmem:$0x1FF60]  }
0x294: {  	v29 =	vlaneseq.u32;
	v0 =	vand.u32 $0x7C00, v23;
	v15 =	vand.u32 $0x7C00, v48;
	v48 =	vld [tilespmem:$0x1FF70]  }
0x295: {  	v2 =	vor.u32 v1, v2;
	v9 =	vor.u32 s16, v0;
	v0 =	vor.u32 s20, v29  }
0x296: {  	v8 =	vor.u32 v1, v8;
	v5 =	vor.u32 v1, v19;
	v9 =	vor.u32 v0, v9  }
0x297: {  	v19 =	vpop (erf);
	v11 =	vadd.s32 $0x800, v23;
	v12 =	vadd.s32 $0xC00, v23;
	v10 =	vor.u32 v0, v10;
	[tilespmem:v18+s18+$0x0] =	vst.idx.msk $0xffff, v25  }
0x298: {  	v19 =	vadd.f32 $1.000000000e+00, v19;
	v11 =	vand.u32 $0x7C00, v11;
	v12 =	vand.u32 $0x7C00, v12;
	[tilespmem:v28+s18+$0x0] =	vst.idx.msk $0xffff, v27;
	v27 =	vld [tilespmem:$0x1FF80]  }
0x299: {  	v7 =	vor.u32 s16, v11;
	v11 =	vor.u32 s16, v12;
	v12 =	vadd.s32 $0x1000, v23;
	[tilespmem:v17+s18+$0x0] =	vst.idx.msk $0xffff, v48;
	v48 =	vld [tilespmem:$0x1FF90]  }
0x29a: {  	v13 =	vadd.s32 $0x1400, v23;
	v7 =	vor.u32 v0, v7;
	v12 =	vand.u32 $0x7C00, v12  }
0x29b: {  	[tilespmem:v9+s18+$0x0] =	vst.idx.msk $0xffff, v50;
	v13 =	vand.u32 $0x7C00, v13;
	v11 =	vor.u32 v0, v11;
	v12 =	vor.u32 s16, v12  }
0x29c: {  	v20 =	vand.u32 $0x7C00, v20;
	v13 =	vor.u32 s16, v13;
	[tilespmem:v10+s18+$0x0] =	vst.idx.msk $0xffff, v49;
	v12 =	vor.u32 v0, v12  }
0x29d: {  	v20 =	vor.u32 s16, v20;
	v22 =	vsub.s32 $0x7EF311C3, v19;
	v13 =	vor.u32 v0, v13;
	[tilespmem:v26+s18+$0x0] =	vst.idx.msk $0xffff, v27  }
0x29e: {  	v20 =	vor.u32 v1, v20;
	v1 =	vmul.f32 v22, v19;
	v14 =	vor.u32 s16, v14;
	[tilespmem:v3+s18+$0x0] =	vst.idx.msk $0xffff, v48;
	v48 =	vld [tilespmem:$0x1FFA0]  }
0x29f: {  	[tilespmem:v7+s18+$0x0] =	vst.idx.msk $0xffff, v51;
	v14 =	vor.u32 v0, v14;
	v15 =	vor.u32 s16, v15  }
0x2a0: {  	v1 =	vsub.f32 $2.000000000e+00, v1;
	[tilespmem:v11+s18+$0x0] =	vst.idx.msk $0xffff, v56;
	v15 =	vor.u32 v0, v15  }
0x2a1: {  	[tilespmem:v12+s18+$0x0] =	vst.idx.msk $0xffff, v55  }
0x2a2: {  	v1 =	vmul.f32 v22, v1;
	v22 =	vmul.f32 v4, v34;
	[tilespmem:v13+s18+$0x0] =	vst.idx.msk $0xffff, v54  }
0x2a3: {  	v49 =	vimm.s32 $0xFFFFFFEC;
	v16 =	vadd.s32 $0x2000, v23;
	v18 =	vadd.s32 $0x2400, v23;
	[tilespmem:v8+s18+$0x0] =	vst.idx.msk $0xffff, v48;
	v48 =	vld [tilespmem:$0x1FFB0]  }
0x2a4: {  	v51 =	vimm.s32 $0xFFFFFFEA;
	[tilespmem:v14+s18+$0x0] =	vst.idx.msk $0xffff, v53;
	v16 =	vand.u32 $0x7C00, v16;
	v25 =	vand.u32 $0x7C00, v18  }
0x2a5: {  	[tilespmem:v15+s18+$0x0] =	vst.idx.msk $0xffff, v52;
	v52 =	vadd.s32 $0x5C00, v23;
	v16 =	vor.u32 s16, v16;
	v17 =	vor.u32 s16, v25  }
0x2a6: {  	v3 =	vor.u32 v0, v16;
	v16 =	vor.u32 v0, v17;
	v17 =	vadd.s32 $0x2800, v23  }
0x2a7: {  	v25 =	vadd.s32 $0x3000, v23;
	v8 =	vand.u32 $0x7C00, v17;
	v17 =	vadd.s32 $0x2C00, v23  }
0x2a8: {  	[tilespmem:v2+s18+$0x0] =	vst.idx.msk $0xffff, v48;
	v2 =	vor.u32 s16, v8;
	v8 =	vand.u32 $0x7C00, v17;
	v17 =	vand.u32 $0x7C00, v25;
	v25 =	vld [tilespmem:$0x1FFC0]  }
0x2a9: {  	v7 =	vxor.u32 $0x4000, v9;
	v56 =	vadd.s32 $0x4C00, v23;
	v53 =	vand.u32 $0x7C00, v52;
	v26 =	vld [tilespmem:$0x1FFD0]  }
0x2aa: {  	v54 =	vadd.s32 $0x6000, v23;
	v52 =	vadd.s32 $0x7400, v23;
	v55 =	vor.u32 s16, v53  }
0x2ab: {  	v53 =	vadd.s32 $0x7800, v23;
	v18 =	vmul.f32 v35, v31;
	v27 =	vadd.s32 $0x3400, v23;
	[tilespmem:v3+s18+$0x0] =	vst.idx.msk $0xffff, v57  }
0x2ac: {  	v57 =	vadd.s32 $0x6400, v23;
	[tilespmem:v16+s18+$0x0] =	vst.idx.msk $0xffff, v59;
	v59 =	vimm.s32 $0xFFFFFFE6;
	v48 =	vimm.s32 $0xFFFFFFEE  }
0x2ad: {  	v2 =	vor.u32 v0, v2;
	v8 =	vor.u32 s16, v8;
	v17 =	vor.u32 s16, v17;
	[tilespmem:v21+s18+$0x0] =	vst.idx.msk $0xffff, v25;
	v25 =	vld [tilespmem:$0x1FFE0]  }
0x2ae: {  	v21 =	vadd.s32 $0x3C00, v23;
	[tilespmem:v5+s18+$0x0] =	vst.idx.msk $0xffff, v26;
	v5 =	vor.u32 v0, v8;
	v8 =	vor.u32 v0, v17  }
0x2af: {  	v17 =	vand.u32 $0x7C00, v27;
	v21 =	vand.u32 $0x7C00, v21;
	v26 =	vadd.s32 $0x4400, v23  }
0x2b0: {  	v17 =	vor.u32 s16, v17;
	v21 =	vor.u32 s16, v21;
	v27 =	vand.u32 $0x7C00, v26  }
0x2b1: {  	v26 =	vadd.s32 $0x5400, v23;
	v17 =	vor.u32 v0, v17;
	v9 =	vor.u32 s16, v27  }
0x2b2: {  	v14 =	vand.u32 $0x7C00, v26;
	v27 =	vadd.s32 $0x5800, v23;
	[tilespmem:v20+s18+$0x0] =	vst.idx.msk $0xffff, v25;
	v20 =	vadd.s32 $0x3800, v23  }
0x2b3: {  	[tilespmem:v2+s18+$0x0] =	vst.idx.msk $0xffff, v58;
	v26 =	vadd.s32 $0x6C00, v23;
	v9 =	vor.u32 v0, v9;
	v25 =	vld [tilespmem:$0x1FFF0];
	v20 =	vand.u32 $0x7C00, v20  }
0x2b4: {  	[tilespmem:v5+s18+$0x0] =	vst.idx.msk $0xffff, v62;
	v5 =	vor.u32 v0, v55;
	v55 =	vand.u32 $0x7C00, v53;
	v20 =	vor.u32 s16, v20  }
0x2b5: {  	v10 =	vor.u32 v0, v20;
	v20 =	vor.u32 v0, v21;
	v21 =	vand.u32 $0x7C00, v56  }
0x2b6: {  	v56 =	vand.u32 $0x7C00, v54;
	v54 =	vand.u32 $0x7C00, v52;
	v12 =	vor.u32 s16, v21  }
0x2b7: {  	[tilespmem:v8+s18+$0x0] =	vst.idx.msk $0xffff, v61;
	v8 =	vor.u32 s16, v56;
	v21 =	vand.u32 $0x7C00, v57;
	v56 =	vadd.s32 $0x7C00, v23  }
0x2b8: {  	v57 =	vor.u32 s16, v55;
	[tilespmem:v32+s18+$0x0] =	vst.idx.msk $0xffff, v25;
	v32 =	vadd.s32 $0x4800, v23;
	v25 =	vadd.s32 $0x5000, v23  }
0x2b9: {  	v12 =	vor.u32 v0, v12;
	v8 =	vor.u32 v0, v8;
	v50 =	vand.u32 $0x7C00, v32  }
0x2ba: {  	v13 =	vand.u32 $0x7C00, v25;
	v32 =	vor.u32 s16, v14;
	v25 =	vadd.s32 $0x6800, v23  }
0x2bb: {  	v11 =	vor.u32 s16, v50;
	v13 =	vor.u32 s16, v13;
	v50 =	vand.u32 $0x7C00, v27  }
0x2bc: {  	[tilespmem:v17+s18+$0x0] =	vst.idx.msk $0xffff, v60;
	v27 =	vand.u32 $0x7C00, v25;
	v25 =	vmul.f32 v6, v24;
	v11 =	vor.u32 v0, v11  }
0x2bd: {  	v3 =	vor.u32 v0, v13;
	v13 =	vor.u32 v0, v32;
	v14 =	vor.u32 s16, v50;
	[tilespmem:v10+s18+$0x0] =	vst.idx.msk $0xffff, v47  }
0x2be: {  	v32 =	vand.u32 $0x7C00, v26;
	v50 =	vadd.s32 $0x7000, v23;
	v10 =	vor.u32 s16, v27;
	[tilespmem:v20+s18+$0x0] =	vst.idx.msk $0xffff, v63  }
0x2bf: {  	v23 =	vsub.f32 $2.000000000e+00, v18;
	v26 =	vmul.f32 v1, v19;
	v2 =	vor.u32 v0, v14;
	[tilespmem:v7+s18+$0x0] =	vst.idx.msk $0xffff, v45  }
0x2c0: {  	v14 =	vor.u32 s16, v21;
	v15 =	vor.u32 s16, v32;
	v21 =	vmul.f32 v33, v30;
	[tilespmem:v9+s18+$0x0] =	vst.idx.msk $0xffff, v46  }
0x2c1: {  	v16 =	vand.u32 $0x7C00, v50;
	v20 =	vand.u32 $0x7C00, v56;
	v34 =	vsub.f32 $2.000000000e+00, v25;
	[tilespmem:v11+s18+$0x0] =	vst.idx.msk $0xffff, v44  }
0x2c2: {  	v10 =	vor.u32 v0, v10;
	v27 =	vmul.f32 v23, v35;
	[tilespmem:v12+s18+$0x0] =	vst.idx.msk $0xffff, v43;
	v12 =	vsub.f32 $2.000000000e+00, v21  }
0x2c3: {  	v7 =	vor.u32 s16, v16;
	v14 =	vor.u32 v0, v14;
	v4 =	vmul.f32 v34, v6;
	[tilespmem:v3+s18+$0x0] =	vst.idx.msk $0xffff, v41  }
0x2c4: {  	v46 =	vor.u32 v0, v15;
	v44 =	vsub.f32 $2.000000000e+00, v26;
	[tilespmem:v13+s18+$0x0] =	vst.idx.msk $0xffff, v42;
	v43 =	vmul.f32 v12, v33  }
0x2c5: {  	v16 =	vor.u32 s16, v20;
	v7 =	vor.u32 v0, v7;
	v45 =	vmul.f32 v27, v31;
	[tilespmem:v2+s18+$0x0] =	vst.idx.msk $0xffff, v39  }
0x2c6: {  	v9 =	vor.u32 s16, v54;
	v1 =	vmul.f32 v44, v1;
	[tilespmem:v5+s18+$0x0] =	vst.idx.msk $0xffff, v40;
	v50 =	vmul.f32 v43, v30  }
0x2c7: {  	v9 =	vor.u32 v0, v9;
	v52 =	vmul.f32 v4, v24;
	v6 =	vsub.f32 $2.000000000e+00, v45;
	[tilespmem:v8+s18+$0x0] =	vst.idx.msk $0xffff, v37  }
0x2c8: {  	v11 =	vor.u32 v0, v57;
	v53 =	vmul.f32 v1, v19;
	[tilespmem:v14+s18+$0x0] =	vst.idx.msk $0xffff, v36;
	v12 =	vsub.f32 $2.000000000e+00, v50  }
0x2c9: {  	p0 =	slt.u32 s22, $0x3E;
	v0 =	vor.u32 v0, v16;
	v54 =	vsub.f32 $2.000000000e+00, v52;
	v2 =	vmul.f32 v6, v27;
	[tilespmem:v10+s18+$0x0] =	vst.idx.msk $0xffff, v38  }
.Ltmp0:
0x2ca: {  	v58 =	vimm.s32 $0xFFFFFFE8;
	v56 =	vsub.f32 $2.000000000e+00, v53;
	[tilespmem:v46+s18+$0x0] =	vst.idx.msk $0xffff, v22;
	v55 =	vmul.f32 v12, v43;
	(pc) =	sbr.rel @p0 .LBB2_3-.Ltmp0, $4  }
0x2cb: {  	v62 =	vimm.s32 $0xFFFFFFFE;
	v61 =	vimm.s32 $0x0;
	v57 =	vmul.f32 v54, v4;
	[tilespmem:v7+s18+$0x0] =	vst.idx.msk $0xffff, v2  }
0x2cc: {  	v60 =	vimm.s32 $0xFFFFFFE4;
	v47 =	vimm.s32 $0xFFFFFFF0;
	v1 =	vmul.f32 v56, v1;
	[tilespmem:v9+s18+$0x0] =	vst.idx.msk $0xffff, v55  }
0x2cd: {  	s10 =	rddreg [dreg:$0xc];
	v63 =	vimm.s32 $0xFFFFFFFC;
	v35 =	vimm.s32 $0xFFFFFFF8;
	v40 =	vimm.s32 $0xFFFFFFF2;
	[tilespmem:v11+s18+$0x0] =	vst.idx.msk $0xffff, v57  }
0x2ce: {  	s6 =	sadd.s32 $0x20, s10;
	v30 =	vimm.s32 $0xFFFFFFFA;
	v37 =	vimm.s32 $0xFFFFFFF4;
	v36 =	vimm.s32 $0xFFFFFFF6;
	[tilespmem:v0+s18+$0x0] =	vst.idx.msk $0xffff, v1  }
0x2cf: {  	s1 =	rddreg [dreg:$0x2]  }
0x2d0: {  	s0 =	rddreg [dreg:$0xa]  }
0x2d1: {  	s20 =	rddreg [dreg:$0xb]  }
0x2d2: {  	s2 =	simm.s32 $0x0;
	s21 =	rddreg [dreg:$0xd];
	s0 =	sadd.s32 s1, s0  }
0x2d3: {  	[hbm4b:s0+s2] =	stream.linear.scatter [tilespmem:s18], [sflag:$0x2], $0x400, $0x38;
	[tilespmem:$0x10400] =	vst v63  }
0x2d4: {  	s3 =	simm.s32 $0x8400;
	s23 =	rddreg [dreg:$0xe];
	s0 =	sadd.s32 s1, s20  }
0x2d5: {  	[hbm4b:s0+s2] =	stream.linear.scatter [tilespmem:s3], [sflag:$0x2], $0x400, $0x38;
	[tilespmem:$0x10400] =	vst v63  }
0x2d6: {  	s22 =	simm.s32 $0x8800;
	s25 =	rddreg [dreg:$0xf];
	s0 =	sadd.s32 s1, s21  }
0x2d7: {  	[hbm4b:s0+s2] =	stream.linear.scatter [tilespmem:s22], [sflag:$0x2], $0x400, $0x38;
	[tilespmem:$0x10400] =	vst v63  }
0x2d8: {  	s24 =	simm.s32 $0x8C00;
	s28 =	rddreg [dreg:$0x10];
	s0 =	sadd.s32 s1, s23  }
0x2d9: {  	[hbm4b:s0+s2] =	stream.linear.scatter [tilespmem:s24], [sflag:$0x2], $0x400, $0x38;
	[tilespmem:$0x10400] =	vst v63  }
0x2da: {  	s26 =	simm.s32 $0x9000;
	s30 =	rddreg [dreg:$0x11];
	s0 =	sadd.s32 s1, s25  }
0x2db: {  	[hbm4b:s0+s2] =	stream.linear.scatter [tilespmem:s26], [sflag:$0x2], $0x400, $0x38;
	[tilespmem:$0x10400] =	vst v63  }
0x2dc: {  	s29 =	simm.s32 $0x9400;
	s4 =	rddreg [dreg:$0x12];
	s0 =	sadd.s32 s1, s28  }
0x2dd: {  	[hbm4b:s0+s2] =	stream.linear.scatter [tilespmem:s29], [sflag:$0x2], $0x400, $0x38;
	[tilespmem:$0x10400] =	vst v63  }
0x2de: {  	s31 =	simm.s32 $0x9800;
	s6 =	rddreg [dreg:$0x13];
	s0 =	sadd.s32 s1, s30  }
0x2df: {  	[hbm4b:s0+s2] =	stream.linear.scatter [tilespmem:s31], [sflag:$0x2], $0x400, $0x38;
	[tilespmem:$0x10400] =	vst v63  }
0x2e0: {  	s5 =	simm.s32 $0x9C00;
	s8 =	rddreg [dreg:$0x14];
	s0 =	sadd.s32 s1, s4  }
0x2e1: {  	[hbm4b:s0+s2] =	stream.linear.scatter [tilespmem:s5], [sflag:$0x2], $0x400, $0x38;
	[tilespmem:$0x10400] =	vst v63  }
0x2e2: {  	s7 =	simm.s32 $0xA000;
	s10 =	rddreg [dreg:$0x15];
	s0 =	sadd.s32 s1, s6  }
0x2e3: {  	[hbm4b:s0+s2] =	stream.linear.scatter [tilespmem:s7], [sflag:$0x2], $0x400, $0x38;
	[tilespmem:$0x10400] =	vst v63  }
0x2e4: {  	s9 =	simm.s32 $0xA400;
	s12 =	rddreg [dreg:$0x16];
	s0 =	sadd.s32 s1, s8  }
0x2e5: {  	[hbm4b:s0+s2] =	stream.linear.scatter [tilespmem:s9], [sflag:$0x2], $0x400, $0x38;
	[tilespmem:$0x10400] =	vst v63  }
0x2e6: {  	s11 =	simm.s32 $0xA800;
	s14 =	rddreg [dreg:$0x17];
	s0 =	sadd.s32 s1, s10  }
0x2e7: {  	[hbm4b:s0+s2] =	stream.linear.scatter [tilespmem:s11], [sflag:$0x2], $0x400, $0x38;
	[tilespmem:$0x10400] =	vst v63  }
0x2e8: {  	s13 =	simm.s32 $0xAC00;
	s16 =	rddreg [dreg:$0x18];
	s0 =	sadd.s32 s1, s12  }
0x2e9: {  	[hbm4b:s0+s2] =	stream.linear.scatter [tilespmem:s13], [sflag:$0x2], $0x400, $0x38;
	[tilespmem:$0x10400] =	vst v63  }
0x2ea: {  	s15 =	simm.s32 $0xB000;
	s19 =	rddreg [dreg:$0x19];
	s0 =	sadd.s32 s1, s14  }
0x2eb: {  	[hbm4b:s0+s2] =	stream.linear.scatter [tilespmem:s15], [sflag:$0x2], $0x400, $0x38;
	[tilespmem:$0x10400] =	vst v63  }
0x2ec: {  	s17 =	simm.s32 $0xB400;
	s21 =	rddreg [dreg:$0x1a];
	s0 =	sadd.s32 s1, s16  }
0x2ed: {  	[hbm4b:s0+s2] =	stream.linear.scatter [tilespmem:s17], [sflag:$0x2], $0x400, $0x38;
	[tilespmem:$0x10400] =	vst v63  }
0x2ee: {  	s20 =	simm.s32 $0xB800;
	s23 =	rddreg [dreg:$0x1b];
	s0 =	sadd.s32 s1, s19  }
0x2ef: {  	[hbm4b:s0+s2] =	stream.linear.scatter [tilespmem:s20], [sflag:$0x2], $0x400, $0x38;
	[tilespmem:$0x10400] =	vst v63  }
0x2f0: {  	s22 =	simm.s32 $0xBC00;
	s25 =	rddreg [dreg:$0x1c];
	s0 =	sadd.s32 s1, s21  }
0x2f1: {  	[hbm4b:s0+s2] =	stream.linear.scatter [tilespmem:s22], [sflag:$0x2], $0x400, $0x38;
	[tilespmem:$0x10400] =	vst v63  }
0x2f2: {  	s24 =	simm.s32 $0xC000;
	s28 =	rddreg [dreg:$0x1d];
	s0 =	sadd.s32 s1, s23  }
0x2f3: {  	[hbm4b:s0+s2] =	stream.linear.scatter [tilespmem:s24], [sflag:$0x2], $0x400, $0x38;
	[tilespmem:$0x10400] =	vst v63  }
0x2f4: {  	s26 =	simm.s32 $0xC400;
	s30 =	rddreg [dreg:$0x1e];
	s0 =	sadd.s32 s1, s25  }
0x2f5: {  	[hbm4b:s0+s2] =	stream.linear.scatter [tilespmem:s26], [sflag:$0x2], $0x400, $0x38;
	[tilespmem:$0x10400] =	vst v63  }
0x2f6: {  	s29 =	simm.s32 $0xC800;
	s4 =	rddreg [dreg:$0x1f];
	s0 =	sadd.s32 s1, s28  }
0x2f7: {  	[hbm4b:s0+s2] =	stream.linear.scatter [tilespmem:s29], [sflag:$0x2], $0x400, $0x38;
	[tilespmem:$0x10400] =	vst v63  }
0x2f8: {  	s31 =	simm.s32 $0xCC00;
	s6 =	sld [smem:$0x7F3];
	s0 =	sadd.s32 s1, s30  }
0x2f9: {  	[hbm4b:s0+s2] =	stream.linear.scatter [tilespmem:s31], [sflag:$0x2], $0x400, $0x38;
	[tilespmem:$0x10400] =	vst v63  }
0x2fa: {  	s5 =	simm.s32 $0xD000;
	s8 =	sld [smem:$0x7F4];
	s0 =	sadd.s32 s1, s4  }
0x2fb: {  	[hbm4b:s0+s2] =	stream.linear.scatter [tilespmem:s5], [sflag:$0x2], $0x400, $0x38;
	[tilespmem:$0x10400] =	vst v63  }
0x2fc: {  	s7 =	simm.s32 $0xD400;
	s10 =	sld [smem:$0x7F5];
	s0 =	sadd.s32 s1, s6  }
0x2fd: {  	[hbm4b:s0+s2] =	stream.linear.scatter [tilespmem:s7], [sflag:$0x2], $0x400, $0x38;
	[tilespmem:$0x10400] =	vst v63  }
0x2fe: {  	s9 =	simm.s32 $0xD800;
	s12 =	sld [smem:$0x7F6];
	s0 =	sadd.s32 s1, s8  }
0x2ff: {  	[hbm4b:s0+s2] =	stream.linear.scatter [tilespmem:s9], [sflag:$0x2], $0x400, $0x38;
	[tilespmem:$0x10400] =	vst v63  }
0x300: {  	s11 =	simm.s32 $0xDC00;
	s14 =	sld [smem:$0x7F7];
	s0 =	sadd.s32 s1, s10  }
0x301: {  	[hbm4b:s0+s2] =	stream.linear.scatter [tilespmem:s11], [sflag:$0x2], $0x400, $0x38;
	[tilespmem:$0x10400] =	vst v63  }
0x302: {  	s13 =	simm.s32 $0xE000;
	s16 =	sld [smem:$0x7F8];
	s0 =	sadd.s32 s1, s12  }
0x303: {  	[hbm4b:s0+s2] =	stream.linear.scatter [tilespmem:s13], [sflag:$0x2], $0x400, $0x38;
	[tilespmem:$0x10400] =	vst v63  }
0x304: {  	s15 =	simm.s32 $0xE400;
	s19 =	sld [smem:$0x7F9];
	s0 =	sadd.s32 s1, s14  }
0x305: {  	[hbm4b:s0+s2] =	stream.linear.scatter [tilespmem:s15], [sflag:$0x2], $0x400, $0x38;
	[tilespmem:$0x10400] =	vst v63  }
0x306: {  	s17 =	simm.s32 $0xE800;
	s21 =	sld [smem:$0x7FA];
	s0 =	sadd.s32 s1, s16  }
0x307: {  	[hbm4b:s0+s2] =	stream.linear.scatter [tilespmem:s17], [sflag:$0x2], $0x400, $0x38;
	[tilespmem:$0x10400] =	vst v63  }
0x308: {  	s20 =	simm.s32 $0xEC00;
	s23 =	sld [smem:$0x7FB];
	s0 =	sadd.s32 s1, s19  }
0x309: {  	[hbm4b:s0+s2] =	stream.linear.scatter [tilespmem:s20], [sflag:$0x2], $0x400, $0x38;
	[tilespmem:$0x10400] =	vst v63  }
0x30a: {  	s22 =	simm.s32 $0xF000;
	s25 =	sld [smem:$0x7FC];
	s0 =	sadd.s32 s1, s21  }
0x30b: {  	[hbm4b:s0+s2] =	stream.linear.scatter [tilespmem:s22], [sflag:$0x2], $0x400, $0x38;
	[tilespmem:$0x10400] =	vst v63  }
0x30c: {  	s24 =	simm.s32 $0xF400;
	s28 =	sld [smem:$0x7FD];
	s0 =	sadd.s32 s1, s23  }
0x30d: {  	[hbm4b:s0+s2] =	stream.linear.scatter [tilespmem:s24], [sflag:$0x2], $0x400, $0x38;
	[tilespmem:$0x10400] =	vst v63  }
0x30e: {  	s26 =	simm.s32 $0xF800;
	s0 =	sadd.s32 s1, s25  }
0x30f: {  	[hbm4b:s0+s2] =	stream.linear.scatter [tilespmem:s26], [sflag:$0x2], $0x400, $0x38;
	[tilespmem:$0x10400] =	vst v63  }
0x310: {  	s29 =	simm.s32 $0xFC00;
	s30 =	simm.s32 $0x2;
	s0 =	sadd.s32 s1, s28  }
0x311: {  	[hbm4b:s0+s2] =	stream.linear.scatter [tilespmem:s29], [sflag:$0x2], $0x400, $0x38;
	[tilespmem:$0x10400] =	vst v63  }
0x312: {  	_ =	swait.ge [sflag:s30], $0x400  }
0x313: {  	[sflag:s30] =	ssyncset.done $0x0  }
0x314: {  	[sflag:s30] =	ssyncadd.s32 $0xFFFFFC00  }
0x315: {  	_ =	swait.ge [sflag:s30], $0x400  }
0x316: {  	[sflag:s30] =	ssyncset.done $0x0  }
0x317: {  	[sflag:s30] =	ssyncadd.s32 $0xFFFFFC00  }
0x318: {  	_ =	swait.ge [sflag:s30], $0x400  }
0x319: {  	[sflag:s30] =	ssyncset.done $0x0  }
0x31a: {  	[sflag:s30] =	ssyncadd.s32 $0xFFFFFC00  }
0x31b: {  	_ =	swait.ge [sflag:s30], $0x400  }
0x31c: {  	[sflag:s30] =	ssyncset.done $0x0  }
0x31d: {  	[sflag:s30] =	ssyncadd.s32 $0xFFFFFC00  }
0x31e: {  	_ =	swait.ge [sflag:s30], $0x400  }
0x31f: {  	[sflag:s30] =	ssyncset.done $0x0  }
0x320: {  	[sflag:s30] =	ssyncadd.s32 $0xFFFFFC00  }
0x321: {  	_ =	swait.ge [sflag:s30], $0x400  }
0x322: {  	[sflag:s30] =	ssyncset.done $0x0  }
0x323: {  	[sflag:s30] =	ssyncadd.s32 $0xFFFFFC00  }
0x324: {  	_ =	swait.ge [sflag:s30], $0x400  }
0x325: {  	[sflag:s30] =	ssyncset.done $0x0  }
0x326: {  	[sflag:s30] =	ssyncadd.s32 $0xFFFFFC00  }
0x327: {  	_ =	swait.ge [sflag:s30], $0x400  }
0x328: {  	[sflag:s30] =	ssyncset.done $0x0  }
0x329: {  	[sflag:s30] =	ssyncadd.s32 $0xFFFFFC00  }
0x32a: {  	_ =	swait.ge [sflag:s30], $0x400  }
0x32b: {  	[sflag:s30] =	ssyncset.done $0x0  }
0x32c: {  	[sflag:s30] =	ssyncadd.s32 $0xFFFFFC00  }
0x32d: {  	_ =	swait.ge [sflag:s30], $0x400  }
0x32e: {  	[sflag:s30] =	ssyncset.done $0x0  }
0x32f: {  	[sflag:s30] =	ssyncadd.s32 $0xFFFFFC00  }
0x330: {  	_ =	swait.ge [sflag:s30], $0x400  }
0x331: {  	[sflag:s30] =	ssyncset.done $0x0  }
0x332: {  	[sflag:s30] =	ssyncadd.s32 $0xFFFFFC00  }
0x333: {  	_ =	swait.ge [sflag:s30], $0x400  }
0x334: {  	[sflag:s30] =	ssyncset.done $0x0  }
0x335: {  	[sflag:s30] =	ssyncadd.s32 $0xFFFFFC00  }
0x336: {  	_ =	swait.ge [sflag:s30], $0x400  }
0x337: {  	[sflag:s30] =	ssyncset.done $0x0  }
0x338: {  	[sflag:s30] =	ssyncadd.s32 $0xFFFFFC00  }
0x339: {  	_ =	swait.ge [sflag:s30], $0x400  }
0x33a: {  	[sflag:s30] =	ssyncset.done $0x0  }
0x33b: {  	[sflag:s30] =	ssyncadd.s32 $0xFFFFFC00  }
0x33c: {  	_ =	swait.ge [sflag:s30], $0x400  }
0x33d: {  	[sflag:s30] =	ssyncset.done $0x0  }
0x33e: {  	[sflag:s30] =	ssyncadd.s32 $0xFFFFFC00  }
0x33f: {  	_ =	swait.ge [sflag:s30], $0x400  }
0x340: {  	[sflag:s30] =	ssyncset.done $0x0  }
0x341: {  	[sflag:s30] =	ssyncadd.s32 $0xFFFFFC00  }
0x342: {  	_ =	swait.ge [sflag:s30], $0x400  }
0x343: {  	[sflag:s30] =	ssyncset.done $0x0  }
0x344: {  	[sflag:s30] =	ssyncadd.s32 $0xFFFFFC00  }
0x345: {  	_ =	swait.ge [sflag:s30], $0x400  }
0x346: {  	[sflag:s30] =	ssyncset.done $0x0  }
0x347: {  	[sflag:s30] =	ssyncadd.s32 $0xFFFFFC00  }
0x348: {  	_ =	swait.ge [sflag:s30], $0x400  }
0x349: {  	[sflag:s30] =	ssyncset.done $0x0  }
0x34a: {  	[sflag:s30] =	ssyncadd.s32 $0xFFFFFC00  }
0x34b: {  	_ =	swait.ge [sflag:s30], $0x400  }
0x34c: {  	[sflag:s30] =	ssyncset.done $0x0  }
0x34d: {  	[sflag:s30] =	ssyncadd.s32 $0xFFFFFC00  }
0x34e: {  	_ =	swait.ge [sflag:s30], $0x400  }
0x34f: {  	[sflag:s30] =	ssyncset.done $0x0  }
0x350: {  	[sflag:s30] =	ssyncadd.s32 $0xFFFFFC00  }
0x351: {  	_ =	swait.ge [sflag:s30], $0x400  }
0x352: {  	[sflag:s30] =	ssyncset.done $0x0  }
0x353: {  	[sflag:s30] =	ssyncadd.s32 $0xFFFFFC00  }
0x354: {  	_ =	swait.ge [sflag:s30], $0x400  }
0x355: {  	[sflag:s30] =	ssyncset.done $0x0  }
0x356: {  	[sflag:s30] =	ssyncadd.s32 $0xFFFFFC00  }
0x357: {  	_ =	swait.ge [sflag:s30], $0x400  }
0x358: {  	[sflag:s30] =	ssyncset.done $0x0  }
0x359: {  	[sflag:s30] =	ssyncadd.s32 $0xFFFFFC00  }
0x35a: {  	_ =	swait.ge [sflag:s30], $0x400  }
0x35b: {  	[sflag:s30] =	ssyncset.done $0x0  }
0x35c: {  	[sflag:s30] =	ssyncadd.s32 $0xFFFFFC00  }
0x35d: {  	_ =	swait.ge [sflag:s30], $0x400  }
0x35e: {  	[sflag:s30] =	ssyncset.done $0x0  }
0x35f: {  	[sflag:s30] =	ssyncadd.s32 $0xFFFFFC00  }
0x360: {  	_ =	swait.ge [sflag:s30], $0x400  }
0x361: {  	[sflag:s30] =	ssyncset.done $0x0  }
0x362: {  	[sflag:s30] =	ssyncadd.s32 $0xFFFFFC00  }
0x363: {  	_ =	swait.ge [sflag:s30], $0x400  }
0x364: {  	[sflag:s30] =	ssyncset.done $0x0  }
0x365: {  	[sflag:s30] =	ssyncadd.s32 $0xFFFFFC00  }
0x366: {  	_ =	swait.ge [sflag:s30], $0x400  }
0x367: {  	[sflag:s30] =	ssyncset.done $0x0  }
0x368: {  	[sflag:s30] =	ssyncadd.s32 $0xFFFFFC00  }
0x369: {  	_ =	swait.ge [sflag:s30], $0x400  }
0x36a: {  	[sflag:s30] =	ssyncset.done $0x0  }
0x36b: {  	[sflag:s30] =	ssyncadd.s32 $0xFFFFFC00  }
0x36c: {  	_ =	swait.ge [sflag:s30], $0x400  }
0x36d: {  	[sflag:s30] =	ssyncset.done $0x0  }
0x36e: {  	[sflag:s30] =	ssyncadd.s32 $0xFFFFFC00  }
0x36f: {  	_ =	swait.ge [sflag:s30], $0x400  }
0x370: {  	s31 =	rddreg [dreg:$0x9]  }
0x371: {  	s1 =	sadd.s32 $0x1, s31  }
0x372: {  	p0 =	sne.s32 s1, $0x20  }
.Ltmp1:
0x373: {  	_ = 	snop;
	(pc) =	sbr.rel @p0 .LBB2_2-.Ltmp1, $3  }
0x374: {  	_ =	sdelay $0x1  }
0x375: {  	[sflag:s30] =	ssyncset.done $0x0  }
0x376: {  	[sflag:s30] =	ssyncadd.s32 $0xFFFFFC00  }
0x377: {  	s1 =	rddreg [dreg:$0x8]  }
0x378: {  	s0 =	rddreg [dreg:$0x7];
	s1 =	sadd.s32 $0x1, s1  }
0x379: {  	p0 =	sne.s32 s1, s0  }
.Ltmp2:
0x37a: {  	_ = 	snop;
	(pc) =	sbr.rel @p0 .LBB2_1-.Ltmp2, $1  }
0x37b: {  	_ =	sdelay $0x3  }
0x37c: {  	_ =	sfence.sel $0x180000  }
0x37d: {  	[bflag:$0x0] =	sbarrier.arrive $0xFFFF  }
0x37e: {  	_ =	strace $0x90000047  }
0x37f: {  	s0 =	stileid.u32;
	[bflag:$0x2] =	sbarrier.arrive $0xFFFF  }
0x380: {  	p0 =	sne.s32 s0, $0x0;
	s0 =	rddreg [dreg:$0x3]  }
0x381: {  	s0 =	sadd.s32 @!p0 $0x100000, s0  }
0x382: {  	[sflag:s0] =	ssyncadd.tile.s32 @!p0 $0x1;
	_ =	shalt  }
.Lfunc_end2:
_tile_overlayer_lowered:
.L_overlay_start_2:
0x383: {  	(tag) =	ssettag $0x2  }
0x384: {  	s0 =	rddreg [dreg:$0x0];
	s2 =	stileid.u32  }
0x385: {  	s1 =	rddreg [dreg:$0x1];
	p0 =	sne.s32 s2, $0x0  }
0x386: {  	s3 =	rddreg [dreg:$0x2];
	[bflag:$0x3] =	sbarrier.arrive $0xFFFF;
	s2 =	simm.s32 @!p0 $0x1C03  }
0x387: {  	[timem:s3], [sflag:s2] =	dma.local @!p0 [hbm:s0], s1  }
0x388: {  	s0 =	simm.s32 @!p0 $0x3  }
0x389: {  	_ =	swait.ge @!p0 [sflag:s0], s1  }
0x38a: {  	s1 =	ssub.s32 @!p0 $0x0, s1;
	[sflag:s0] =	ssyncset.done @!p0 $0x0  }
0x38b: {  	[sflag:s0] =	ssyncadd.s32 @!p0 s1  }
0x38c: {  	[bflag:$0x3] =	sbarrier.arrive $0xFFFF  }
0x38d: {  	_ =	shalt  }

</sc_bundles>
